<compile_context>
chip_gen: v7x
topology: tpu7x:2x2x1
jax: 0.10.2.dev20260603
libtpu: 0.0.44.dev20260713+nightly
codegen_flags: <defaults>
</compile_context>

<pallas_src>
import functools

import numpy as np
import jax
import jax.numpy as jnp
from jax import lax
from jax.experimental import pallas as pl
from jax.experimental.pallas import tpu as pltpu
from jax.experimental.pallas import tpu_sc as plsc

N = 10000
E = 320000
EP = 327680
F_IN = 128
H1 = 64
H2 = 128
C = 10
CP = 16
G = 64

NC = 2
NS = 16
NW = NC * NS
K = 128
EROWS = EP // K
NBUF = 5
DIST = 3
NPAD = 10240
ROWS_PT = NPAD // NS
BN_S = float(1.0 / np.sqrt(1.0 + 1e-5))

_MESH = plsc.VectorSubcoreMesh(core_axis_name="c", subcore_axis_name="s")
_SC_PARAMS = pltpu.CompilerParams(use_tc_tiling_on_sc=False)


def _make_prop(f_band, feat_split):
    steps = (EP // NC if not feat_split else EP) // (NS * K)

    out_type = jax.ShapeDtypeStruct((NC, NPAD, f_band), jnp.float32)

    @functools.partial(
        pl.kernel,
        out_type=out_type,
        mesh=_MESH,
        scratch_types=[
            pltpu.VMEM((steps, K), jnp.int32),
            pltpu.VMEM((steps, K), jnp.int32),
            pltpu.VMEM((NBUF, K, f_band), jnp.float32),
            pltpu.VMEM((64, f_band), jnp.float32),
            pltpu.VMEM_SHARED((NPAD, f_band), jnp.float32),
        ] + [pltpu.SemaphoreType.DMA] * (2 * NBUF),
        compiler_params=_SC_PARAMS,
    )
    def prop(u_hbm, edge_hbm, out_hbm, sidx, didx, ring, zbuf, acc, *sems):
        gsems = sems[:NBUF]
        ssems = sems[NBUF:]
        c = lax.axis_index("c")
        t = lax.axis_index("s")
        if feat_split:
            wrow = t * steps
            table = u_hbm.at[c]
        else:
            wrow = (c * NS + t) * steps
            table = u_hbm

        pltpu.sync_copy(edge_hbm.at[0, pl.ds(wrow, steps)], sidx)
        pltpu.sync_copy(edge_hbm.at[1, pl.ds(wrow, steps)], didx)

        zv = jnp.zeros((16,), jnp.float32)

        def zb(i, carry):
            for j in range(f_band // 16):
                zbuf[i, pl.ds(j * 16, 16)] = zv
            return carry

        lax.fori_loop(0, 64, zb, 0)
        for kk in range(ROWS_PT // 64):
            pltpu.sync_copy(zbuf, acc.at[pl.ds(t * ROWS_PT + kk * 64, 64)])
        plsc.subcore_barrier()

        def gather_start(step, b):
            pltpu.async_copy(table.at[sidx.at[step]], ring.at[b], gsems[b])

        def gather_wait(b):
            pltpu.make_async_copy(table.at[sidx.at[0]], ring.at[b],
                                  gsems[b]).wait()

        def scat_start(step, b):
            pltpu.async_copy(ring.at[b], acc.at[didx.at[step]], ssems[b],
                             add=True)

        def scat_wait(b):
            pltpu.make_async_copy(ring.at[b], acc.at[didx.at[0]],
                                  ssems[b]).wait()

        def outer(g, carry):
            for b in range(NBUF):
                i = g * NBUF + b

                @pl.when(g > 0)
                def _():
                    scat_wait(b)

                gather_start(i, b)
                sb = (b - DIST) % NBUF
                if b >= DIST:
                    gather_wait(sb)
                    scat_start(i - DIST, sb)
                else:
                    @pl.when(g > 0)
                    def _():
                        gather_wait(sb)
                        scat_start(i - DIST, sb)
            return carry

        lax.fori_loop(0, steps // NBUF, outer, 0)
        for j in range(steps - DIST, steps):
            b = j % NBUF
            gather_wait(b)
            scat_start(j, b)
        for b in range(NBUF):
            scat_wait(b)
        plsc.subcore_barrier()
        pltpu.sync_copy(acc.at[pl.ds(t * ROWS_PT, ROWS_PT)],
                        out_hbm.at[c, pl.ds(t * ROWS_PT, ROWS_PT)])

    return prop


_PROP1 = _make_prop(H1 // 2, True)
_PROP2 = _make_prop(H2 // 2, True)
_PROP3 = _make_prop(CP, False)

_DEG_STEPS = EP // (NC * NS * K)


@functools.partial(
    pl.kernel,
    out_type=jax.ShapeDtypeStruct((NC, NPAD, CP), jnp.float32),
    mesh=_MESH,
    scratch_types=[
        pltpu.VMEM((_DEG_STEPS, K), jnp.int32),
        pltpu.VMEM((K, CP), jnp.float32),
        pltpu.VMEM((64, CP), jnp.float32),
        pltpu.VMEM_SHARED((NPAD, CP), jnp.float32),
    ] + [pltpu.SemaphoreType.DMA] * NBUF,
    compiler_params=_SC_PARAMS,
)
def _deg(edge_hbm, out_hbm, didx, ones_b, zbuf, acc, *ssems):
    c = lax.axis_index("c")
    t = lax.axis_index("s")
    wrow = (c * NS + t) * _DEG_STEPS
    pltpu.sync_copy(edge_hbm.at[1, pl.ds(wrow, _DEG_STEPS)], didx)

    ones16 = jnp.ones((16,), jnp.float32)
    zv = jnp.zeros((16,), jnp.float32)

    def fill(i, carry):
        ones_b[i, pl.ds(0, 16)] = ones16
        return carry

    lax.fori_loop(0, K, fill, 0)

    def zb(i, carry):
        zbuf[i, pl.ds(0, 16)] = zv
        return carry

    lax.fori_loop(0, 64, zb, 0)
    for kk in range(ROWS_PT // 64):
        pltpu.sync_copy(zbuf, acc.at[pl.ds(t * ROWS_PT + kk * 64, 64)])
    plsc.subcore_barrier()

    def scat_wait(b):
        pltpu.make_async_copy(ones_b, acc.at[didx.at[0]], ssems[b]).wait()

    def outer(g, carry):
        for b in range(NBUF):
            @pl.when(g > 0)
            def _():
                scat_wait(b)

            pltpu.async_copy(ones_b, acc.at[didx.at[g * NBUF + b]], ssems[b],
                             add=True)
        return carry

    lax.fori_loop(0, _DEG_STEPS // NBUF, outer, 0)
    for b in range(NBUF):
        scat_wait(b)
    plsc.subcore_barrier()
    pltpu.sync_copy(acc.at[pl.ds(t * ROWS_PT, ROWS_PT)],
                    out_hbm.at[c, pl.ds(t * ROWS_PT, ROWS_PT)])


def _tc0(xp, W1, g1r, degp):
    def body(x_ref, w_ref, g_ref, d_ref, u1_ref, dinv_ref):
        deg = d_ref[0, :, 0:1] + d_ref[1, :, 0:1] + 1.0
        dinv = lax.rsqrt(deg)
        dinv_ref[...] = dinv
        ws = w_ref[...] * (BN_S * g_ref[...])
        u1 = dinv * jnp.dot(x_ref[...], ws,
                            preferred_element_type=jnp.float32)
        u1_ref[0] = u1[:, :H1 // 2]
        u1_ref[1] = u1[:, H1 // 2:]

    return pl.pallas_call(
        body,
        out_shape=(jax.ShapeDtypeStruct((NC, NPAD, H1 // 2), jnp.float32),
                   jax.ShapeDtypeStruct((NPAD, 1), jnp.float32)),
    )(xp, W1, g1r, degp)


def _tc1(p1, u1, dinv, b1r, g1r, be1r, W2, g2r):
    def body(p_ref, u_ref, d_ref, b_ref, g_ref, be_ref, w_ref, gn_ref,
             out_ref):
        dinv = d_ref[...]
        bia = b_ref[...] * (BN_S * g_ref[...]) + be_ref[...]
        full = jnp.concatenate([p_ref[0] + u_ref[0], p_ref[1] + u_ref[1]],
                               axis=1)
        z = jnp.maximum(dinv * full + bia, 0.0)
        ws = w_ref[...] * (BN_S * gn_ref[...])
        u2 = dinv * jnp.dot(z, ws, preferred_element_type=jnp.float32)
        out_ref[0] = u2[:, :H2 // 2]
        out_ref[1] = u2[:, H2 // 2:]

    return pl.pallas_call(
        body,
        out_shape=jax.ShapeDtypeStruct((NC, NPAD, H2 // 2), jnp.float32),
    )(p1, u1, dinv, b1r, g1r, be1r, W2, g2r)


def _tc2(p2, u2, dinv, b2r, g2r, be2r, W3p):
    def body(p_ref, u_ref, d_ref, b_ref, g_ref, be_ref, w_ref, out_ref):
        dinv = d_ref[...]
        bia = b_ref[...] * (BN_S * g_ref[...]) + be_ref[...]
        full = jnp.concatenate([p_ref[0] + u_ref[0], p_ref[1] + u_ref[1]],
                               axis=1)
        z = jnp.maximum(dinv * full + bia, 0.0)
        out_ref[...] = dinv * jnp.dot(z, w_ref[...],
                                      preferred_element_type=jnp.float32)

    return pl.pallas_call(
        body,
        out_shape=jax.ShapeDtypeStruct((NPAD, CP), jnp.float32),
    )(p2, u2, dinv, b2r, g2r, be2r, W3p)


def _tc3(p3, u3, dinv, b3r, batch2d):
    def body(p_ref, u_ref, d_ref, b_ref, bt_ref, out_ref):
        dinv = d_ref[pl.ds(0, N)]
        h3 = (dinv * (p_ref[0, pl.ds(0, N)] + p_ref[1, pl.ds(0, N)]
                      + u_ref[pl.ds(0, N)]) + b_ref[...])
        oh = (bt_ref[...] == lax.broadcasted_iota(jnp.int32, (N, G), 1)
              ).astype(jnp.float32)
        psum = lax.dot_general(oh, h3, (((0,), (0,)), ((), ())),
                               preferred_element_type=jnp.float32)
        cnt8 = lax.dot_general(oh, jnp.ones((N, 8), jnp.float32),
                               (((0,), (0,)), ((), ())),
                               preferred_element_type=jnp.float32)
        pooled = psum / jnp.maximum(cnt8[:, 0:1], 1.0)
        valid = lax.broadcasted_iota(jnp.int32, (G, CP), 1) < C
        m = jnp.max(jnp.where(valid, pooled, -1e30), axis=1, keepdims=True)
        ex = jnp.where(valid, jnp.exp(pooled - m), 0.0)
        lse = jnp.log(jnp.sum(ex, axis=1, keepdims=True))
        out_ref[...] = pooled - m - lse

    return pl.pallas_call(
        body,
        out_shape=jax.ShapeDtypeStruct((G, CP), jnp.float32),
    )(p3, u3, dinv, b3r, batch2d)


def kernel(x, edge_index, batch, W1, b1, g1, be1, W2, b2, g2, be2, W3, b3):
    xpad = jnp.pad(x, ((0, NPAD - N), (0, 0)))
    dummy = jnp.asarray(
        np.broadcast_to(N + np.arange(EP - E, dtype=np.int32) % (NPAD - N),
                        (2, EP - E)))
    edge3d = jnp.concatenate([edge_index, dummy], axis=1).reshape(
        2, EROWS, K)
    batch2d = batch.reshape(N, 1)
    W3pad = jnp.pad(W3, ((0, 0), (0, CP - C)))
    b3r = jnp.pad(b3, (0, CP - C)).reshape(1, CP)
    b1r, g1r, be1r = b1.reshape(1, H1), g1.reshape(1, H1), be1.reshape(1, H1)
    b2r, g2r, be2r = b2.reshape(1, H2), g2.reshape(1, H2), be2.reshape(1, H2)

    degp = _deg(edge3d)
    u1, dinv = _tc0(xpad, W1, g1r, degp)
    p1 = _PROP1(u1, edge3d)
    u2 = _tc1(p1, u1, dinv, b1r, g1r, be1r, W2, g2r)
    p2 = _PROP2(u2, edge3d)
    u3 = _tc2(p2, u2, dinv, b2r, g2r, be2r, W3pad)
    p3 = _PROP3(u3, edge3d)
    out16 = _tc3(p3, u3, dinv, b3r, batch2d)
    return out16[:, :C]

# --- scband reference (transcript-rebuilt; emitter-appended) ---
"""Pipeline reference for scband-gcn-3435973837349 (READ-ONLY COPY).

The authoritative reference and input builder live on the scoring server;
editing this copy changes nothing except your own understanding.
"""

import jax, jax.numpy as jnp
import numpy as np

N = 10000
E = 320000
F_IN = 128
H1 = 64
H2 = 128
C = 10
G = 64


def setup_inputs(seed: int = 0) -> dict:
    key = jax.random.key(seed)
    ks = jax.random.split(key, 14)
    x = jax.random.normal(ks[0], (N, F_IN), dtype=jnp.float32)
    edge_index = jax.random.randint(ks[1], (2, E), 0, N, dtype=jnp.int32)
    batch = jnp.sort(jax.random.randint(ks[2], (N,), 0, G, dtype=jnp.int32))
    W1 = jax.random.normal(ks[3], (F_IN, H1), dtype=jnp.float32) * (1.0 / np.sqrt(F_IN))
    b1 = jnp.zeros((H1,), dtype=jnp.float32)
    g1 = jnp.ones((H1,), dtype=jnp.float32)
    be1 = jnp.zeros((H1,), dtype=jnp.float32)
    W2 = jax.random.normal(ks[4], (H1, H2), dtype=jnp.float32) * (1.0 / np.sqrt(H1))
    b2 = jnp.zeros((H2,), dtype=jnp.float32)
    g2 = jnp.ones((H2,), dtype=jnp.float32)
    be2 = jnp.zeros((H2,), dtype=jnp.float32)
    W3 = jax.random.normal(ks[5], (H2, C), dtype=jnp.float32) * (1.0 / np.sqrt(H2))
    b3 = jnp.zeros((C,), dtype=jnp.float32)
    return {"x": x, "edge_index": edge_index, "batch": batch,
            "W1": W1, "b1": b1, "g1": g1, "be1": be1,
            "W2": W2, "b2": b2, "g2": g2, "be2": be2,
            "W3": W3, "b3": b3}


def _gcn_conv(x, edge_index, W, b):
    # PyG GCNConv: linear -> add self loops -> sym-normalized sum aggregation -> + bias
    h = x @ W
    loop = jnp.arange(N, dtype=edge_index.dtype)
    src = jnp.concatenate([edge_index[0], loop])
    dst = jnp.concatenate([edge_index[1], loop])
    deg = jax.ops.segment_sum(jnp.ones(src.shape, dtype=h.dtype), dst, num_segments=N)
    dinv = jnp.where(deg > 0, deg ** -0.5, 0.0)
    norm = dinv[src] * dinv[dst]
    msg = h[src] * norm[:, None]
    out = jax.ops.segment_sum(msg, dst, num_segments=N)
    return out + b


def _bn_eval(x, gamma, beta):
    # BatchNorm1d in eval mode with running_mean=0, running_var=1
    return (x - 0.0) / jnp.sqrt(1.0 + 1e-5) * gamma + beta


def reference(x, edge_index, batch, W1, b1, g1, be1, W2, b2, g2, be2, W3, b3):
    h = jax.nn.relu(_bn_eval(_gcn_conv(x, edge_index, W1, b1), g1, be1))
    h = jax.nn.relu(_bn_eval(_gcn_conv(h, edge_index, W2, b2), g2, be2))
    h = _gcn_conv(h, edge_index, W3, b3)
    cnt = jax.ops.segment_sum(jnp.ones((N,), dtype=jnp.float32), batch, num_segments=G)
    summ = jax.ops.segment_sum(h, batch, num_segments=G)
    pooled = summ / jnp.clip(cnt, 1.0, None)[:, None]
    return jax.nn.log_softmax(pooled, axis=1)

if __name__ == "__main__":
    import jax
    _d = setup_inputs()
    print(jax.jit(kernel)(*tuple(_d.values())))

</pallas_src>

<mosaic_0001>
#map = affine_map<(d0, d1) -> (0, 0, 0)>
module attributes {stable_mosaic.version = 14 : i64} {
  func.func @_deg(%arg0: i32, %arg1: i32, %arg2: memref<2x2560x128xi32, #tpu.memory_space<hbm>>, %arg3: memref<2x10240x16xf32, #tpu.memory_space<hbm>>, %arg4: memref<80x128xi32, #tpu.memory_space<vmem>>, %arg5: memref<128x16xf32, #tpu.memory_space<vmem>>, %arg6: memref<64x16xf32, #tpu.memory_space<vmem>>, %arg7: memref<10240x16xf32, #tpu.memory_space<vmem_shared>>, %arg8: memref<!tpu.dma_semaphore, #tpu.memory_space<semaphore_mem>>, %arg9: memref<!tpu.dma_semaphore, #tpu.memory_space<semaphore_mem>>, %arg10: memref<!tpu.dma_semaphore, #tpu.memory_space<semaphore_mem>>, %arg11: memref<!tpu.dma_semaphore, #tpu.memory_space<semaphore_mem>>, %arg12: memref<!tpu.dma_semaphore, #tpu.memory_space<semaphore_mem>>) attributes {dimension_semantics = [#tpu.dimension_semantics<core_parallel>, #tpu.dimension_semantics<subcore_parallel>], iteration_bounds = array<i64: 2, 16>, scalar_prefetch = 0 : i64, scratch_operands = 9 : i64, tpu.core_type = #tpu.core_type<sc_vector_subcore>, window_params = [{transform_indices = #map}, {transform_indices = #map}]} {
    %mul3A = arith.constant 16 : i32
    %mul3A_0 = arith.muli %arg0, %mul3A : i32
    %add3A = arith.addi %mul3A_0, %arg1 : i32
    %mul3A_1 = arith.constant 80 : i32
    %mul3A_2 = arith.muli %add3A, %mul3A_1 : i32
    %run_scoped3A = arith.constant 1 : i32
    "tpu.region"() ({
      %run_scoped3A_102 = tpu.sem_alloc : memref<!tpu.dma_semaphore, #tpu.memory_space<semaphore_mem>>
      %dma_start3A = arith.constant 0 : i32
      %dma_start3A_103 = tpu.memref_slice %arg2[%run_scoped3A, %mul3A_2, %dma_start3A] : memref<2x2560x128xi32, #tpu.memory_space<hbm>> -> memref<1x80x128xi32, #tpu.memory_space<hbm>>
      %dma_start3A_104 = tpu.memref_squeeze %dma_start3A_103 : memref<1x80x128xi32, #tpu.memory_space<hbm>> -> memref<80x128xi32, #tpu.memory_space<hbm>>
      %dma_start3A_105 = arith.constant 0 : i32
      %dma_start3A_106 = tpu.memref_slice %arg2[%run_scoped3A, %mul3A_2, %dma_start3A_105] : memref<2x2560x128xi32, #tpu.memory_space<hbm>> -> memref<1x80x128xi32, #tpu.memory_space<hbm>>
      %dma_start3A_107 = tpu.memref_squeeze %dma_start3A_106 : memref<1x80x128xi32, #tpu.memory_space<hbm>> -> memref<80x128xi32, #tpu.memory_space<hbm>>
      tpu.enqueue_dma source(%dma_start3A_107 : memref<80x128xi32, #tpu.memory_space<hbm>>) target(%arg4 : memref<80x128xi32, #tpu.memory_space<vmem>>) target_semaphore(%run_scoped3A_102 : memref<!tpu.dma_semaphore, #tpu.memory_space<semaphore_mem>>)
      %dma_wait3A_108 = arith.constant 0 : i32
      %dma_wait3A_109 = tpu.memref_slice %arg2[%run_scoped3A, %mul3A_2, %dma_wait3A_108] : memref<2x2560x128xi32, #tpu.memory_space<hbm>> -> memref<1x80x128xi32, #tpu.memory_space<hbm>>
      %dma_wait3A_110 = tpu.memref_squeeze %dma_wait3A_109 : memref<1x80x128xi32, #tpu.memory_space<hbm>> -> memref<80x128xi32, #tpu.memory_space<hbm>>
      %dma_wait3A_111 = arith.constant 0 : i32
      %dma_wait3A_112 = tpu.memref_slice %arg2[%run_scoped3A, %mul3A_2, %dma_wait3A_111] : memref<2x2560x128xi32, #tpu.memory_space<hbm>> -> memref<1x80x128xi32, #tpu.memory_space<hbm>>
      %dma_wait3A_113 = tpu.memref_squeeze %dma_wait3A_112 : memref<1x80x128xi32, #tpu.memory_space<hbm>> -> memref<80x128xi32, #tpu.memory_space<hbm>>
      tpu.wait_dma2 semaphore(%run_scoped3A_102 : memref<!tpu.dma_semaphore, #tpu.memory_space<semaphore_mem>>) src(%dma_wait3A_113 : memref<80x128xi32, #tpu.memory_space<hbm>>) dst(%arg4 : memref<80x128xi32, #tpu.memory_space<vmem>>)
      tpu.yield
    }) : () -> ()
    %broadcast_in_dim3A = arith.constant 1.000000e+00 : f32
    %broadcast_in_dim3A_3 = vector.broadcast %broadcast_in_dim3A : f32 to vector<16xf32>
    %broadcast_in_dim3A_4 = arith.constant 0.000000e+00 : f32
    %broadcast_in_dim3A_5 = vector.broadcast %broadcast_in_dim3A_4 : f32 to vector<16xf32>
    %scan3A = arith.constant 0 : i32
    %scan3A_6 = arith.constant 0 : i32
    %scan3A_7 = arith.constant 128 : i32
    %scan3A_8 = arith.addi %scan3A_6, %scan3A_7 : i32
    %scan3A_9 = arith.constant 1 : i32
    scf.for %scan3A_102 = %scan3A_6 to %scan3A_8 step %scan3A_9  : i32 {
      %swap3A = arith.index_cast %scan3A_102 : i32 to index
      %swap3A_103 = arith.constant 0 : index
      %swap3A_104 = tpu.vector_load %arg5[%swap3A, %swap3A_103] {strides = array<i32>} : memref<128x16xf32, #tpu.memory_space<vmem>>, vector<1x16xf32>,
      %swap3A_105 = vector.shape_cast %swap3A_104 : vector<1x16xf32> to vector<16xf32>
      %swap3A_106 = vector.shape_cast %broadcast_in_dim3A_3 : vector<16xf32> to vector<1x16xf32>
      tpu.vector_store %arg5[%swap3A, %swap3A_103], %swap3A_106 {strides = array<i32>} : memref<128x16xf32, #tpu.memory_space<vmem>>, vector<1x16xf32>,
    }
    %scan3A_10 = arith.constant 128 : i32
    %scan3A_11 = arith.constant 0 : i32
    %scan3A_12 = arith.constant 0 : i32
    %scan3A_13 = arith.constant 64 : i32
    %scan3A_14 = arith.addi %scan3A_12, %scan3A_13 : i32
    %scan3A_15 = arith.constant 1 : i32
    scf.for %scan3A_102 = %scan3A_12 to %scan3A_14 step %scan3A_15  : i32 {
      %swap3A = arith.index_cast %scan3A_102 : i32 to index
      %swap3A_103 = arith.constant 0 : index
      %swap3A_104 = tpu.vector_load %arg6[%swap3A, %swap3A_103] {strides = array<i32>} : memref<64x16xf32, #tpu.memory_space<vmem>>, vector<1x16xf32>,
      %swap3A_105 = vector.shape_cast %swap3A_104 : vector<1x16xf32> to vector<16xf32>
      %swap3A_106 = vector.shape_cast %broadcast_in_dim3A_5 : vector<16xf32> to vector<1x16xf32>
      tpu.vector_store %arg6[%swap3A, %swap3A_103], %swap3A_106 {strides = array<i32>} : memref<64x16xf32, #tpu.memory_space<vmem>>, vector<1x16xf32>,
    }
    %scan3A_16 = arith.constant 64 : i32
    %mul3A_17 = arith.constant 640 : i32
    %mul3A_18 = arith.muli %arg1, %mul3A_17 : i32
    %add3A_19 = arith.constant 0 : i32
    %add3A_20 = arith.addi %mul3A_18, %add3A_19 : i32
    "tpu.region"() ({
      %run_scoped3A_102 = tpu.sem_alloc : memref<!tpu.dma_semaphore, #tpu.memory_space<semaphore_mem>>
      %dma_start3A = arith.constant 0 : i32
      %dma_start3A_103 = tpu.memref_slice %arg7[%add3A_20, %dma_start3A] : memref<10240x16xf32, #tpu.memory_space<vmem_shared>> -> memref<64x16xf32, #tpu.memory_space<vmem_shared>>
      %dma_start3A_104 = arith.constant 0 : i32
      %dma_start3A_105 = tpu.memref_slice %arg7[%add3A_20, %dma_start3A_104] : memref<10240x16xf32, #tpu.memory_space<vmem_shared>> -> memref<64x16xf32, #tpu.memory_space<vmem_shared>>
      tpu.enqueue_dma source(%arg6 : memref<64x16xf32, #tpu.memory_space<vmem>>) target(%dma_start3A_105 : memref<64x16xf32, #tpu.memory_space<vmem_shared>>) target_semaphore(%run_scoped3A_102 : memref<!tpu.dma_semaphore, #tpu.memory_space<semaphore_mem>>)
      %dma_wait3A_106 = arith.constant 0 : i32
      %dma_wait3A_107 = tpu.memref_slice %arg7[%add3A_20, %dma_wait3A_106] : memref<10240x16xf32, #tpu.memory_space<vmem_shared>> -> memref<64x16xf32, #tpu.memory_space<vmem_shared>>
      %dma_wait3A_108 = arith.constant 0 : i32
      %dma_wait3A_109 = tpu.memref_slice %arg7[%add3A_20, %dma_wait3A_108] : memref<10240x16xf32, #tpu.memory_space<vmem_shared>> -> memref<64x16xf32, #tpu.memory_space<vmem_shared>>
      tpu.wait_dma2 semaphore(%run_scoped3A_102 : memref<!tpu.dma_semaphore, #tpu.memory_space<semaphore_mem>>) src(%arg6 : memref<64x16xf32, #tpu.memory_space<vmem>>) dst(%dma_wait3A_109 : memref<64x16xf32, #tpu.memory_space<vmem_shared>>)
      tpu.yield
    }) : () -> ()
    %mul3A_21 = arith.constant 640 : i32
    %mul3A_22 = arith.muli %arg1, %mul3A_21 : i32
    %add3A_23 = arith.constant 64 : i32
    %add3A_24 = arith.addi %mul3A_22, %add3A_23 : i32
    "tpu.region"() ({
      %run_scoped3A_102 = tpu.sem_alloc : memref<!tpu.dma_semaphore, #tpu.memory_space<semaphore_mem>>
      %dma_start3A = arith.constant 0 : i32
      %dma_start3A_103 = tpu.memref_slice %arg7[%add3A_24, %dma_start3A] : memref<10240x16xf32, #tpu.memory_space<vmem_shared>> -> memref<64x16xf32, #tpu.memory_space<vmem_shared>>
      %dma_start3A_104 = arith.constant 0 : i32
      %dma_start3A_105 = tpu.memref_slice %arg7[%add3A_24, %dma_start3A_104] : memref<10240x16xf32, #tpu.memory_space<vmem_shared>> -> memref<64x16xf32, #tpu.memory_space<vmem_shared>>
      tpu.enqueue_dma source(%arg6 : memref<64x16xf32, #tpu.memory_space<vmem>>) target(%dma_start3A_105 : memref<64x16xf32, #tpu.memory_space<vmem_shared>>) target_semaphore(%run_scoped3A_102 : memref<!tpu.dma_semaphore, #tpu.memory_space<semaphore_mem>>)
      %dma_wait3A_106 = arith.constant 0 : i32
      %dma_wait3A_107 = tpu.memref_slice %arg7[%add3A_24, %dma_wait3A_106] : memref<10240x16xf32, #tpu.memory_space<vmem_shared>> -> memref<64x16xf32, #tpu.memory_space<vmem_shared>>
      %dma_wait3A_108 = arith.constant 0 : i32
      %dma_wait3A_109 = tpu.memref_slice %arg7[%add3A_24, %dma_wait3A_108] : memref<10240x16xf32, #tpu.memory_space<vmem_shared>> -> memref<64x16xf32, #tpu.memory_space<vmem_shared>>
      tpu.wait_dma2 semaphore(%run_scoped3A_102 : memref<!tpu.dma_semaphore, #tpu.memory_space<semaphore_mem>>) src(%arg6 : memref<64x16xf32, #tpu.memory_space<vmem>>) dst(%dma_wait3A_109 : memref<64x16xf32, #tpu.memory_space<vmem_shared>>)
      tpu.yield
    }) : () -> ()
    %mul3A_25 = arith.constant 640 : i32
    %mul3A_26 = arith.muli %arg1, %mul3A_25 : i32
    %add3A_27 = arith.constant 128 : i32
    %add3A_28 = arith.addi %mul3A_26, %add3A_27 : i32
    "tpu.region"() ({
      %run_scoped3A_102 = tpu.sem_alloc : memref<!tpu.dma_semaphore, #tpu.memory_space<semaphore_mem>>
      %dma_start3A = arith.constant 0 : i32
      %dma_start3A_103 = tpu.memref_slice %arg7[%add3A_28, %dma_start3A] : memref<10240x16xf32, #tpu.memory_space<vmem_shared>> -> memref<64x16xf32, #tpu.memory_space<vmem_shared>>
      %dma_start3A_104 = arith.constant 0 : i32
      %dma_start3A_105 = tpu.memref_slice %arg7[%add3A_28, %dma_start3A_104] : memref<10240x16xf32, #tpu.memory_space<vmem_shared>> -> memref<64x16xf32, #tpu.memory_space<vmem_shared>>
      tpu.enqueue_dma source(%arg6 : memref<64x16xf32, #tpu.memory_space<vmem>>) target(%dma_start3A_105 : memref<64x16xf32, #tpu.memory_space<vmem_shared>>) target_semaphore(%run_scoped3A_102 : memref<!tpu.dma_semaphore, #tpu.memory_space<semaphore_mem>>)
      %dma_wait3A_106 = arith.constant 0 : i32
      %dma_wait3A_107 = tpu.memref_slice %arg7[%add3A_28, %dma_wait3A_106] : memref<10240x16xf32, #tpu.memory_space<vmem_shared>> -> memref<64x16xf32, #tpu.memory_space<vmem_shared>>
      %dma_wait3A_108 = arith.constant 0 : i32
      %dma_wait3A_109 = tpu.memref_slice %arg7[%add3A_28, %dma_wait3A_108] : memref<10240x16xf32, #tpu.memory_space<vmem_shared>> -> memref<64x16xf32, #tpu.memory_space<vmem_shared>>
      tpu.wait_dma2 semaphore(%run_scoped3A_102 : memref<!tpu.dma_semaphore, #tpu.memory_space<semaphore_mem>>) src(%arg6 : memref<64x16xf32, #tpu.memory_space<vmem>>) dst(%dma_wait3A_109 : memref<64x16xf32, #tpu.memory_space<vmem_shared>>)
      tpu.yield
    }) : () -> ()
    %mul3A_29 = arith.constant 640 : i32
    %mul3A_30 = arith.muli %arg1, %mul3A_29 : i32
    %add3A_31 = arith.constant 192 : i32
    %add3A_32 = arith.addi %mul3A_30, %add3A_31 : i32
    "tpu.region"() ({
      %run_scoped3A_102 = tpu.sem_alloc : memref<!tpu.dma_semaphore, #tpu.memory_space<semaphore_mem>>
      %dma_start3A = arith.constant 0 : i32
      %dma_start3A_103 = tpu.memref_slice %arg7[%add3A_32, %dma_start3A] : memref<10240x16xf32, #tpu.memory_space<vmem_shared>> -> memref<64x16xf32, #tpu.memory_space<vmem_shared>>
      %dma_start3A_104 = arith.constant 0 : i32
      %dma_start3A_105 = tpu.memref_slice %arg7[%add3A_32, %dma_start3A_104] : memref<10240x16xf32, #tpu.memory_space<vmem_shared>> -> memref<64x16xf32, #tpu.memory_space<vmem_shared>>
      tpu.enqueue_dma source(%arg6 : memref<64x16xf32, #tpu.memory_space<vmem>>) target(%dma_start3A_105 : memref<64x16xf32, #tpu.memory_space<vmem_shared>>) target_semaphore(%run_scoped3A_102 : memref<!tpu.dma_semaphore, #tpu.memory_space<semaphore_mem>>)
      %dma_wait3A_106 = arith.constant 0 : i32
      %dma_wait3A_107 = tpu.memref_slice %arg7[%add3A_32, %dma_wait3A_106] : memref<10240x16xf32, #tpu.memory_space<vmem_shared>> -> memref<64x16xf32, #tpu.memory_space<vmem_shared>>
      %dma_wait3A_108 = arith.constant 0 : i32
      %dma_wait3A_109 = tpu.memref_slice %arg7[%add3A_32, %dma_wait3A_108] : memref<10240x16xf32, #tpu.memory_space<vmem_shared>> -> memref<64x16xf32, #tpu.memory_space<vmem_shared>>
      tpu.wait_dma2 semaphore(%run_scoped3A_102 : memref<!tpu.dma_semaphore, #tpu.memory_space<semaphore_mem>>) src(%arg6 : memref<64x16xf32, #tpu.memory_space<vmem>>) dst(%dma_wait3A_109 : memref<64x16xf32, #tpu.memory_space<vmem_shared>>)
      tpu.yield
    }) : () -> ()
    %mul3A_33 = arith.constant 640 : i32
    %mul3A_34 = arith.muli %arg1, %mul3A_33 : i32
    %add3A_35 = arith.constant 256 : i32
    %add3A_36 = arith.addi %mul3A_34, %add3A_35 : i32
    "tpu.region"() ({
      %run_scoped3A_102 = tpu.sem_alloc : memref<!tpu.dma_semaphore, #tpu.memory_space<semaphore_mem>>
      %dma_start3A = arith.constant 0 : i32
      %dma_start3A_103 = tpu.memref_slice %arg7[%add3A_36, %dma_start3A] : memref<10240x16xf32, #tpu.memory_space<vmem_shared>> -> memref<64x16xf32, #tpu.memory_space<vmem_shared>>
      %dma_start3A_104 = arith.constant 0 : i32
      %dma_start3A_105 = tpu.memref_slice %arg7[%add3A_36, %dma_start3A_104] : memref<10240x16xf32, #tpu.memory_space<vmem_shared>> -> memref<64x16xf32, #tpu.memory_space<vmem_shared>>
      tpu.enqueue_dma source(%arg6 : memref<64x16xf32, #tpu.memory_space<vmem>>) target(%dma_start3A_105 : memref<64x16xf32, #tpu.memory_space<vmem_shared>>) target_semaphore(%run_scoped3A_102 : memref<!tpu.dma_semaphore, #tpu.memory_space<semaphore_mem>>)
      %dma_wait3A_106 = arith.constant 0 : i32
      %dma_wait3A_107 = tpu.memref_slice %arg7[%add3A_36, %dma_wait3A_106] : memref<10240x16xf32, #tpu.memory_space<vmem_shared>> -> memref<64x16xf32, #tpu.memory_space<vmem_shared>>
      %dma_wait3A_108 = arith.constant 0 : i32
      %dma_wait3A_109 = tpu.memref_slice %arg7[%add3A_36, %dma_wait3A_108] : memref<10240x16xf32, #tpu.memory_space<vmem_shared>> -> memref<64x16xf32, #tpu.memory_space<vmem_shared>>
      tpu.wait_dma2 semaphore(%run_scoped3A_102 : memref<!tpu.dma_semaphore, #tpu.memory_space<semaphore_mem>>) src(%arg6 : memref<64x16xf32, #tpu.memory_space<vmem>>) dst(%dma_wait3A_109 : memref<64x16xf32, #tpu.memory_space<vmem_shared>>)
      tpu.yield
    }) : () -> ()
    %mul3A_37 = arith.constant 640 : i32
    %mul3A_38 = arith.muli %arg1, %mul3A_37 : i32
    %add3A_39 = arith.constant 320 : i32
    %add3A_40 = arith.addi %mul3A_38, %add3A_39 : i32
    "tpu.region"() ({
      %run_scoped3A_102 = tpu.sem_alloc : memref<!tpu.dma_semaphore, #tpu.memory_space<semaphore_mem>>
      %dma_start3A = arith.constant 0 : i32
      %dma_start3A_103 = tpu.memref_slice %arg7[%add3A_40, %dma_start3A] : memref<10240x16xf32, #tpu.memory_space<vmem_shared>> -> memref<64x16xf32, #tpu.memory_space<vmem_shared>>
      %dma_start3A_104 = arith.constant 0 : i32
      %dma_start3A_105 = tpu.memref_slice %arg7[%add3A_40, %dma_start3A_104] : memref<10240x16xf32, #tpu.memory_space<vmem_shared>> -> memref<64x16xf32, #tpu.memory_space<vmem_shared>>
      tpu.enqueue_dma source(%arg6 : memref<64x16xf32, #tpu.memory_space<vmem>>) target(%dma_start3A_105 : memref<64x16xf32, #tpu.memory_space<vmem_shared>>) target_semaphore(%run_scoped3A_102 : memref<!tpu.dma_semaphore, #tpu.memory_space<semaphore_mem>>)
      %dma_wait3A_106 = arith.constant 0 : i32
      %dma_wait3A_107 = tpu.memref_slice %arg7[%add3A_40, %dma_wait3A_106] : memref<10240x16xf32, #tpu.memory_space<vmem_shared>> -> memref<64x16xf32, #tpu.memory_space<vmem_shared>>
      %dma_wait3A_108 = arith.constant 0 : i32
      %dma_wait3A_109 = tpu.memref_slice %arg7[%add3A_40, %dma_wait3A_108] : memref<10240x16xf32, #tpu.memory_space<vmem_shared>> -> memref<64x16xf32, #tpu.memory_space<vmem_shared>>
      tpu.wait_dma2 semaphore(%run_scoped3A_102 : memref<!tpu.dma_semaphore, #tpu.memory_space<semaphore_mem>>) src(%arg6 : memref<64x16xf32, #tpu.memory_space<vmem>>) dst(%dma_wait3A_109 : memref<64x16xf32, #tpu.memory_space<vmem_shared>>)
      tpu.yield
    }) : () -> ()
    %mul3A_41 = arith.constant 640 : i32
    %mul3A_42 = arith.muli %arg1, %mul3A_41 : i32
    %add3A_43 = arith.constant 384 : i32
    %add3A_44 = arith.addi %mul3A_42, %add3A_43 : i32
    "tpu.region"() ({
      %run_scoped3A_102 = tpu.sem_alloc : memref<!tpu.dma_semaphore, #tpu.memory_space<semaphore_mem>>
      %dma_start3A = arith.constant 0 : i32
      %dma_start3A_103 = tpu.memref_slice %arg7[%add3A_44, %dma_start3A] : memref<10240x16xf32, #tpu.memory_space<vmem_shared>> -> memref<64x16xf32, #tpu.memory_space<vmem_shared>>
      %dma_start3A_104 = arith.constant 0 : i32
      %dma_start3A_105 = tpu.memref_slice %arg7[%add3A_44, %dma_start3A_104] : memref<10240x16xf32, #tpu.memory_space<vmem_shared>> -> memref<64x16xf32, #tpu.memory_space<vmem_shared>>
      tpu.enqueue_dma source(%arg6 : memref<64x16xf32, #tpu.memory_space<vmem>>) target(%dma_start3A_105 : memref<64x16xf32, #tpu.memory_space<vmem_shared>>) target_semaphore(%run_scoped3A_102 : memref<!tpu.dma_semaphore, #tpu.memory_space<semaphore_mem>>)
      %dma_wait3A_106 = arith.constant 0 : i32
      %dma_wait3A_107 = tpu.memref_slice %arg7[%add3A_44, %dma_wait3A_106] : memref<10240x16xf32, #tpu.memory_space<vmem_shared>> -> memref<64x16xf32, #tpu.memory_space<vmem_shared>>
      %dma_wait3A_108 = arith.constant 0 : i32
      %dma_wait3A_109 = tpu.memref_slice %arg7[%add3A_44, %dma_wait3A_108] : memref<10240x16xf32, #tpu.memory_space<vmem_shared>> -> memref<64x16xf32, #tpu.memory_space<vmem_shared>>
      tpu.wait_dma2 semaphore(%run_scoped3A_102 : memref<!tpu.dma_semaphore, #tpu.memory_space<semaphore_mem>>) src(%arg6 : memref<64x16xf32, #tpu.memory_space<vmem>>) dst(%dma_wait3A_109 : memref<64x16xf32, #tpu.memory_space<vmem_shared>>)
      tpu.yield
    }) : () -> ()
    %mul3A_45 = arith.constant 640 : i32
    %mul3A_46 = arith.muli %arg1, %mul3A_45 : i32
    %add3A_47 = arith.constant 448 : i32
    %add3A_48 = arith.addi %mul3A_46, %add3A_47 : i32
    "tpu.region"() ({
      %run_scoped3A_102 = tpu.sem_alloc : memref<!tpu.dma_semaphore, #tpu.memory_space<semaphore_mem>>
      %dma_start3A = arith.constant 0 : i32
      %dma_start3A_103 = tpu.memref_slice %arg7[%add3A_48, %dma_start3A] : memref<10240x16xf32, #tpu.memory_space<vmem_shared>> -> memref<64x16xf32, #tpu.memory_space<vmem_shared>>
      %dma_start3A_104 = arith.constant 0 : i32
      %dma_start3A_105 = tpu.memref_slice %arg7[%add3A_48, %dma_start3A_104] : memref<10240x16xf32, #tpu.memory_space<vmem_shared>> -> memref<64x16xf32, #tpu.memory_space<vmem_shared>>
      tpu.enqueue_dma source(%arg6 : memref<64x16xf32, #tpu.memory_space<vmem>>) target(%dma_start3A_105 : memref<64x16xf32, #tpu.memory_space<vmem_shared>>) target_semaphore(%run_scoped3A_102 : memref<!tpu.dma_semaphore, #tpu.memory_space<semaphore_mem>>)
      %dma_wait3A_106 = arith.constant 0 : i32
      %dma_wait3A_107 = tpu.memref_slice %arg7[%add3A_48, %dma_wait3A_106] : memref<10240x16xf32, #tpu.memory_space<vmem_shared>> -> memref<64x16xf32, #tpu.memory_space<vmem_shared>>
      %dma_wait3A_108 = arith.constant 0 : i32
      %dma_wait3A_109 = tpu.memref_slice %arg7[%add3A_48, %dma_wait3A_108] : memref<10240x16xf32, #tpu.memory_space<vmem_shared>> -> memref<64x16xf32, #tpu.memory_space<vmem_shared>>
      tpu.wait_dma2 semaphore(%run_scoped3A_102 : memref<!tpu.dma_semaphore, #tpu.memory_space<semaphore_mem>>) src(%arg6 : memref<64x16xf32, #tpu.memory_space<vmem>>) dst(%dma_wait3A_109 : memref<64x16xf32, #tpu.memory_space<vmem_shared>>)
      tpu.yield
    }) : () -> ()
    %mul3A_49 = arith.constant 640 : i32
    %mul3A_50 = arith.muli %arg1, %mul3A_49 : i32
    %add3A_51 = arith.constant 512 : i32
    %add3A_52 = arith.addi %mul3A_50, %add3A_51 : i32
    "tpu.region"() ({
      %run_scoped3A_102 = tpu.sem_alloc : memref<!tpu.dma_semaphore, #tpu.memory_space<semaphore_mem>>
      %dma_start3A = arith.constant 0 : i32
      %dma_start3A_103 = tpu.memref_slice %arg7[%add3A_52, %dma_start3A] : memref<10240x16xf32, #tpu.memory_space<vmem_shared>> -> memref<64x16xf32, #tpu.memory_space<vmem_shared>>
      %dma_start3A_104 = arith.constant 0 : i32
      %dma_start3A_105 = tpu.memref_slice %arg7[%add3A_52, %dma_start3A_104] : memref<10240x16xf32, #tpu.memory_space<vmem_shared>> -> memref<64x16xf32, #tpu.memory_space<vmem_shared>>
      tpu.enqueue_dma source(%arg6 : memref<64x16xf32, #tpu.memory_space<vmem>>) target(%dma_start3A_105 : memref<64x16xf32, #tpu.memory_space<vmem_shared>>) target_semaphore(%run_scoped3A_102 : memref<!tpu.dma_semaphore, #tpu.memory_space<semaphore_mem>>)
      %dma_wait3A_106 = arith.constant 0 : i32
      %dma_wait3A_107 = tpu.memref_slice %arg7[%add3A_52, %dma_wait3A_106] : memref<10240x16xf32, #tpu.memory_space<vmem_shared>> -> memref<64x16xf32, #tpu.memory_space<vmem_shared>>
      %dma_wait3A_108 = arith.constant 0 : i32
      %dma_wait3A_109 = tpu.memref_slice %arg7[%add3A_52, %dma_wait3A_108] : memref<10240x16xf32, #tpu.memory_space<vmem_shared>> -> memref<64x16xf32, #tpu.memory_space<vmem_shared>>
      tpu.wait_dma2 semaphore(%run_scoped3A_102 : memref<!tpu.dma_semaphore, #tpu.memory_space<semaphore_mem>>) src(%arg6 : memref<64x16xf32, #tpu.memory_space<vmem>>) dst(%dma_wait3A_109 : memref<64x16xf32, #tpu.memory_space<vmem_shared>>)
      tpu.yield
    }) : () -> ()
    %mul3A_53 = arith.constant 640 : i32
    %mul3A_54 = arith.muli %arg1, %mul3A_53 : i32
    %add3A_55 = arith.constant 576 : i32
    %add3A_56 = arith.addi %mul3A_54, %add3A_55 : i32
    "tpu.region"() ({
      %run_scoped3A_102 = tpu.sem_alloc : memref<!tpu.dma_semaphore, #tpu.memory_space<semaphore_mem>>
      %dma_start3A = arith.constant 0 : i32
      %dma_start3A_103 = tpu.memref_slice %arg7[%add3A_56, %dma_start3A] : memref<10240x16xf32, #tpu.memory_space<vmem_shared>> -> memref<64x16xf32, #tpu.memory_space<vmem_shared>>
      %dma_start3A_104 = arith.constant 0 : i32
      %dma_start3A_105 = tpu.memref_slice %arg7[%add3A_56, %dma_start3A_104] : memref<10240x16xf32, #tpu.memory_space<vmem_shared>> -> memref<64x16xf32, #tpu.memory_space<vmem_shared>>
      tpu.enqueue_dma source(%arg6 : memref<64x16xf32, #tpu.memory_space<vmem>>) target(%dma_start3A_105 : memref<64x16xf32, #tpu.memory_space<vmem_shared>>) target_semaphore(%run_scoped3A_102 : memref<!tpu.dma_semaphore, #tpu.memory_space<semaphore_mem>>)
      %dma_wait3A_106 = arith.constant 0 : i32
      %dma_wait3A_107 = tpu.memref_slice %arg7[%add3A_56, %dma_wait3A_106] : memref<10240x16xf32, #tpu.memory_space<vmem_shared>> -> memref<64x16xf32, #tpu.memory_space<vmem_shared>>
      %dma_wait3A_108 = arith.constant 0 : i32
      %dma_wait3A_109 = tpu.memref_slice %arg7[%add3A_56, %dma_wait3A_108] : memref<10240x16xf32, #tpu.memory_space<vmem_shared>> -> memref<64x16xf32, #tpu.memory_space<vmem_shared>>
      tpu.wait_dma2 semaphore(%run_scoped3A_102 : memref<!tpu.dma_semaphore, #tpu.memory_space<semaphore_mem>>) src(%arg6 : memref<64x16xf32, #tpu.memory_space<vmem>>) dst(%dma_wait3A_109 : memref<64x16xf32, #tpu.memory_space<vmem_shared>>)
      tpu.yield
    }) : () -> ()
    %barrier3A = arith.constant 0 : index
    tpu.barrier barrier_id(%barrier3A)
    %scan3A_57 = arith.constant 0 : i32
    %scan3A_58 = arith.constant 0 : i32
    %scan3A_59 = arith.constant 16 : i32
    %scan3A_60 = arith.addi %scan3A_58, %scan3A_59 : i32
    %scan3A_61 = arith.constant 1 : i32
    scf.for %scan3A_102 = %scan3A_58 to %scan3A_60 step %scan3A_61  : i32 {
      %gt3A = arith.constant 0 : i32
      %gt3A_103 = arith.cmpi sgt, %scan3A_102, %gt3A : i32
      %convert_element_type3A = arith.extui %gt3A_103 : i1 to i32
      %cond3A = arith.constant 0 : i32
      %cond3A_104 = arith.cmpi ne, %convert_element_type3A, %cond3A : i32
      scf.if %cond3A_104 {
        %dma_wait3A_174 = arith.constant 0 : i32
        %dma_wait3A_175 = arith.constant 0 : i32
        %dma_wait3A_176 = tpu.memref_slice %arg4[%dma_wait3A_174, %dma_wait3A_175] : memref<80x128xi32, #tpu.memory_space<vmem>> -> memref<1x128xi32, #tpu.memory_space<vmem>>
        %dma_wait3A_177 = tpu.memref_squeeze %dma_wait3A_176 : memref<1x128xi32, #tpu.memory_space<vmem>> -> memref<128xi32, #tpu.memory_space<vmem>>
        %dma_wait3A_178 = arith.constant 0 : i32
        %dma_wait3A_179 = arith.constant 0 : i32
        %dma_wait3A_180 = tpu.memref_slice %arg7[%dma_wait3A_178, %dma_wait3A_179] : memref<10240x16xf32, #tpu.memory_space<vmem_shared>> -> memref<10240x16xf32, #tpu.memory_space<vmem_shared>>
        tpu.wait_indirect_dma semaphore(%arg8 : memref<!tpu.dma_semaphore, #tpu.memory_space<semaphore_mem>>) src(%arg5 : memref<128x16xf32, #tpu.memory_space<vmem>>) dst(%dma_wait3A_180 : memref<10240x16xf32, #tpu.memory_space<vmem_shared>>)
      } else {
      }
      %mul3A_105 = arith.constant 5 : i32
      %mul3A_106 = arith.muli %scan3A_102, %mul3A_105 : i32
      %add3A_107 = arith.constant 0 : i32
      %add3A_108 = arith.addi %mul3A_106, %add3A_107 : i32
      %dma_start3A = arith.constant 0 : i32
      %dma_start3A_109 = tpu.memref_slice %arg4[%add3A_108, %dma_start3A] : memref<80x128xi32, #tpu.memory_space<vmem>> -> memref<1x128xi32, #tpu.memory_space<vmem>>
      %dma_start3A_110 = tpu.memref_squeeze %dma_start3A_109 : memref<1x128xi32, #tpu.memory_space<vmem>> -> memref<128xi32, #tpu.memory_space<vmem>>
      %dma_start3A_111 = arith.constant 0 : i32
      %dma_start3A_112 = arith.constant 0 : i32
      %dma_start3A_113 = tpu.memref_slice %arg7[%dma_start3A_111, %dma_start3A_112] : memref<10240x16xf32, #tpu.memory_space<vmem_shared>> -> memref<10240x16xf32, #tpu.memory_space<vmem_shared>>
      tpu.enqueue_indirect_dma source(%arg5 : memref<128x16xf32, #tpu.memory_space<vmem>>) target(%dma_start3A_113 : memref<10240x16xf32, #tpu.memory_space<vmem_shared>>) offsets(%dma_start3A_110 : memref<128xi32, #tpu.memory_space<vmem>>) semaphore(%arg8 : memref<!tpu.dma_semaphore, #tpu.memory_space<semaphore_mem>>) {add = true}
      %gt3A_114 = arith.constant 0 : i32
      %gt3A_115 = arith.cmpi sgt, %scan3A_102, %gt3A_114 : i32
      %convert_element_type3A_116 = arith.extui %gt3A_115 : i1 to i32
      %cond3A_117 = arith.constant 0 : i32
      %cond3A_118 = arith.cmpi ne, %convert_element_type3A_116, %cond3A_117 : i32
      scf.if %cond3A_118 {
        %dma_wait3A_174 = arith.constant 0 : i32
        %dma_wait3A_175 = arith.constant 0 : i32
        %dma_wait3A_176 = tpu.memref_slice %arg4[%dma_wait3A_174, %dma_wait3A_175] : memref<80x128xi32, #tpu.memory_space<vmem>> -> memref<1x128xi32, #tpu.memory_space<vmem>>
        %dma_wait3A_177 = tpu.memref_squeeze %dma_wait3A_176 : memref<1x128xi32, #tpu.memory_space<vmem>> -> memref<128xi32, #tpu.memory_space<vmem>>
        %dma_wait3A_178 = arith.constant 0 : i32
        %dma_wait3A_179 = arith.constant 0 : i32
        %dma_wait3A_180 = tpu.memref_slice %arg7[%dma_wait3A_178, %dma_wait3A_179] : memref<10240x16xf32, #tpu.memory_space<vmem_shared>> -> memref<10240x16xf32, #tpu.memory_space<vmem_shared>>
        tpu.wait_indirect_dma semaphore(%arg9 : memref<!tpu.dma_semaphore, #tpu.memory_space<semaphore_mem>>) src(%arg5 : memref<128x16xf32, #tpu.memory_space<vmem>>) dst(%dma_wait3A_180 : memref<10240x16xf32, #tpu.memory_space<vmem_shared>>)
      } else {
      }
      %mul3A_119 = arith.constant 5 : i32
      %mul3A_120 = arith.muli %scan3A_102, %mul3A_119 : i32
      %add3A_121 = arith.constant 1 : i32
      %add3A_122 = arith.addi %mul3A_120, %add3A_121 : i32
      %dma_start3A_123 = arith.constant 0 : i32
      %dma_start3A_124 = tpu.memref_slice %arg4[%add3A_122, %dma_start3A_123] : memref<80x128xi32, #tpu.memory_space<vmem>> -> memref<1x128xi32, #tpu.memory_space<vmem>>
      %dma_start3A_125 = tpu.memref_squeeze %dma_start3A_124 : memref<1x128xi32, #tpu.memory_space<vmem>> -> memref<128xi32, #tpu.memory_space<vmem>>
      %dma_start3A_126 = arith.constant 0 : i32
      %dma_start3A_127 = arith.constant 0 : i32
      %dma_start3A_128 = tpu.memref_slice %arg7[%dma_start3A_126, %dma_start3A_127] : memref<10240x16xf32, #tpu.memory_space<vmem_shared>> -> memref<10240x16xf32, #tpu.memory_space<vmem_shared>>
      tpu.enqueue_indirect_dma source(%arg5 : memref<128x16xf32, #tpu.memory_space<vmem>>) target(%dma_start3A_128 : memref<10240x16xf32, #tpu.memory_space<vmem_shared>>) offsets(%dma_start3A_125 : memref<128xi32, #tpu.memory_space<vmem>>) semaphore(%arg9 : memref<!tpu.dma_semaphore, #tpu.memory_space<semaphore_mem>>) {add = true}
      %gt3A_129 = arith.constant 0 : i32
      %gt3A_130 = arith.cmpi sgt, %scan3A_102, %gt3A_129 : i32
      %convert_element_type3A_131 = arith.extui %gt3A_130 : i1 to i32
      %cond3A_132 = arith.constant 0 : i32
      %cond3A_133 = arith.cmpi ne, %convert_element_type3A_131, %cond3A_132 : i32
      scf.if %cond3A_133 {
        %dma_wait3A_174 = arith.constant 0 : i32
        %dma_wait3A_175 = arith.constant 0 : i32
        %dma_wait3A_176 = tpu.memref_slice %arg4[%dma_wait3A_174, %dma_wait3A_175] : memref<80x128xi32, #tpu.memory_space<vmem>> -> memref<1x128xi32, #tpu.memory_space<vmem>>
        %dma_wait3A_177 = tpu.memref_squeeze %dma_wait3A_176 : memref<1x128xi32, #tpu.memory_space<vmem>> -> memref<128xi32, #tpu.memory_space<vmem>>
        %dma_wait3A_178 = arith.constant 0 : i32
        %dma_wait3A_179 = arith.constant 0 : i32
        %dma_wait3A_180 = tpu.memref_slice %arg7[%dma_wait3A_178, %dma_wait3A_179] : memref<10240x16xf32, #tpu.memory_space<vmem_shared>> -> memref<10240x16xf32, #tpu.memory_space<vmem_shared>>
        tpu.wait_indirect_dma semaphore(%arg10 : memref<!tpu.dma_semaphore, #tpu.memory_space<semaphore_mem>>) src(%arg5 : memref<128x16xf32, #tpu.memory_space<vmem>>) dst(%dma_wait3A_180 : memref<10240x16xf32, #tpu.memory_space<vmem_shared>>)
      } else {
      }
      %mul3A_134 = arith.constant 5 : i32
      %mul3A_135 = arith.muli %scan3A_102, %mul3A_134 : i32
      %add3A_136 = arith.constant 2 : i32
      %add3A_137 = arith.addi %mul3A_135, %add3A_136 : i32
      %dma_start3A_138 = arith.constant 0 : i32
      %dma_start3A_139 = tpu.memref_slice %arg4[%add3A_137, %dma_start3A_138] : memref<80x128xi32, #tpu.memory_space<vmem>> -> memref<1x128xi32, #tpu.memory_space<vmem>>
      %dma_start3A_140 = tpu.memref_squeeze %dma_start3A_139 : memref<1x128xi32, #tpu.memory_space<vmem>> -> memref<128xi32, #tpu.memory_space<vmem>>
      %dma_start3A_141 = arith.constant 0 : i32
      %dma_start3A_142 = arith.constant 0 : i32
      %dma_start3A_143 = tpu.memref_slice %arg7[%dma_start3A_141, %dma_start3A_142] : memref<10240x16xf32, #tpu.memory_space<vmem_shared>> -> memref<10240x16xf32, #tpu.memory_space<vmem_shared>>
      tpu.enqueue_indirect_dma source(%arg5 : memref<128x16xf32, #tpu.memory_space<vmem>>) target(%dma_start3A_143 : memref<10240x16xf32, #tpu.memory_space<vmem_shared>>) offsets(%dma_start3A_140 : memref<128xi32, #tpu.memory_space<vmem>>) semaphore(%arg10 : memref<!tpu.dma_semaphore, #tpu.memory_space<semaphore_mem>>) {add = true}
      %gt3A_144 = arith.constant 0 : i32
      %gt3A_145 = arith.cmpi sgt, %scan3A_102, %gt3A_144 : i32
      %convert_element_type3A_146 = arith.extui %gt3A_145 : i1 to i32
      %cond3A_147 = arith.constant 0 : i32
      %cond3A_148 = arith.cmpi ne, %convert_element_type3A_146, %cond3A_147 : i32
      scf.if %cond3A_148 {
        %dma_wait3A_174 = arith.constant 0 : i32
        %dma_wait3A_175 = arith.constant 0 : i32
        %dma_wait3A_176 = tpu.memref_slice %arg4[%dma_wait3A_174, %dma_wait3A_175] : memref<80x128xi32, #tpu.memory_space<vmem>> -> memref<1x128xi32, #tpu.memory_space<vmem>>
        %dma_wait3A_177 = tpu.memref_squeeze %dma_wait3A_176 : memref<1x128xi32, #tpu.memory_space<vmem>> -> memref<128xi32, #tpu.memory_space<vmem>>
        %dma_wait3A_178 = arith.constant 0 : i32
        %dma_wait3A_179 = arith.constant 0 : i32
        %dma_wait3A_180 = tpu.memref_slice %arg7[%dma_wait3A_178, %dma_wait3A_179] : memref<10240x16xf32, #tpu.memory_space<vmem_shared>> -> memref<10240x16xf32, #tpu.memory_space<vmem_shared>>
        tpu.wait_indirect_dma semaphore(%arg11 : memref<!tpu.dma_semaphore, #tpu.memory_space<semaphore_mem>>) src(%arg5 : memref<128x16xf32, #tpu.memory_space<vmem>>) dst(%dma_wait3A_180 : memref<10240x16xf32, #tpu.memory_space<vmem_shared>>)
      } else {
      }
      %mul3A_149 = arith.constant 5 : i32
      %mul3A_150 = arith.muli %scan3A_102, %mul3A_149 : i32
      %add3A_151 = arith.constant 3 : i32
      %add3A_152 = arith.addi %mul3A_150, %add3A_151 : i32
      %dma_start3A_153 = arith.constant 0 : i32
      %dma_start3A_154 = tpu.memref_slice %arg4[%add3A_152, %dma_start3A_153] : memref<80x128xi32, #tpu.memory_space<vmem>> -> memref<1x128xi32, #tpu.memory_space<vmem>>
      %dma_start3A_155 = tpu.memref_squeeze %dma_start3A_154 : memref<1x128xi32, #tpu.memory_space<vmem>> -> memref<128xi32, #tpu.memory_space<vmem>>
      %dma_start3A_156 = arith.constant 0 : i32
      %dma_start3A_157 = arith.constant 0 : i32
      %dma_start3A_158 = tpu.memref_slice %arg7[%dma_start3A_156, %dma_start3A_157] : memref<10240x16xf32, #tpu.memory_space<vmem_shared>> -> memref<10240x16xf32, #tpu.memory_space<vmem_shared>>
      tpu.enqueue_indirect_dma source(%arg5 : memref<128x16xf32, #tpu.memory_space<vmem>>) target(%dma_start3A_158 : memref<10240x16xf32, #tpu.memory_space<vmem_shared>>) offsets(%dma_start3A_155 : memref<128xi32, #tpu.memory_space<vmem>>) semaphore(%arg11 : memref<!tpu.dma_semaphore, #tpu.memory_space<semaphore_mem>>) {add = true}
      %gt3A_159 = arith.constant 0 : i32
      %gt3A_160 = arith.cmpi sgt, %scan3A_102, %gt3A_159 : i32
      %convert_element_type3A_161 = arith.extui %gt3A_160 : i1 to i32
      %cond3A_162 = arith.constant 0 : i32
      %cond3A_163 = arith.cmpi ne, %convert_element_type3A_161, %cond3A_162 : i32
      scf.if %cond3A_163 {
        %dma_wait3A_174 = arith.constant 0 : i32
        %dma_wait3A_175 = arith.constant 0 : i32
        %dma_wait3A_176 = tpu.memref_slice %arg4[%dma_wait3A_174, %dma_wait3A_175] : memref<80x128xi32, #tpu.memory_space<vmem>> -> memref<1x128xi32, #tpu.memory_space<vmem>>
        %dma_wait3A_177 = tpu.memref_squeeze %dma_wait3A_176 : memref<1x128xi32, #tpu.memory_space<vmem>> -> memref<128xi32, #tpu.memory_space<vmem>>
        %dma_wait3A_178 = arith.constant 0 : i32
        %dma_wait3A_179 = arith.constant 0 : i32
        %dma_wait3A_180 = tpu.memref_slice %arg7[%dma_wait3A_178, %dma_wait3A_179] : memref<10240x16xf32, #tpu.memory_space<vmem_shared>> -> memref<10240x16xf32, #tpu.memory_space<vmem_shared>>
        tpu.wait_indirect_dma semaphore(%arg12 : memref<!tpu.dma_semaphore, #tpu.memory_space<semaphore_mem>>) src(%arg5 : memref<128x16xf32, #tpu.memory_space<vmem>>) dst(%dma_wait3A_180 : memref<10240x16xf32, #tpu.memory_space<vmem_shared>>)
      } else {
      }
      %mul3A_164 = arith.constant 5 : i32
      %mul3A_165 = arith.muli %scan3A_102, %mul3A_164 : i32
      %add3A_166 = arith.constant 4 : i32
      %add3A_167 = arith.addi %mul3A_165, %add3A_166 : i32
      %dma_start3A_168 = arith.constant 0 : i32
      %dma_start3A_169 = tpu.memref_slice %arg4[%add3A_167, %dma_start3A_168] : memref<80x128xi32, #tpu.memory_space<vmem>> -> memref<1x128xi32, #tpu.memory_space<vmem>>
      %dma_start3A_170 = tpu.memref_squeeze %dma_start3A_169 : memref<1x128xi32, #tpu.memory_space<vmem>> -> memref<128xi32, #tpu.memory_space<vmem>>
      %dma_start3A_171 = arith.constant 0 : i32
      %dma_start3A_172 = arith.constant 0 : i32
      %dma_start3A_173 = tpu.memref_slice %arg7[%dma_start3A_171, %dma_start3A_172] : memref<10240x16xf32, #tpu.memory_space<vmem_shared>> -> memref<10240x16xf32, #tpu.memory_space<vmem_shared>>
      tpu.enqueue_indirect_dma source(%arg5 : memref<128x16xf32, #tpu.memory_space<vmem>>) target(%dma_start3A_173 : memref<10240x16xf32, #tpu.memory_space<vmem_shared>>) offsets(%dma_start3A_170 : memref<128xi32, #tpu.memory_space<vmem>>) semaphore(%arg12 : memref<!tpu.dma_semaphore, #tpu.memory_space<semaphore_mem>>) {add = true}
    }
    %scan3A_62 = arith.constant 16 : i32
    %dma_wait3A = arith.constant 0 : i32
    %dma_wait3A_63 = arith.constant 0 : i32
    %dma_wait3A_64 = tpu.memref_slice %arg4[%dma_wait3A, %dma_wait3A_63] : memref<80x128xi32, #tpu.memory_space<vmem>> -> memref<1x128xi32, #tpu.memory_space<vmem>>
    %dma_wait3A_65 = tpu.memref_squeeze %dma_wait3A_64 : memref<1x128xi32, #tpu.memory_space<vmem>> -> memref<128xi32, #tpu.memory_space<vmem>>
    %dma_wait3A_66 = arith.constant 0 : i32
    %dma_wait3A_67 = arith.constant 0 : i32
    %dma_wait3A_68 = tpu.memref_slice %arg7[%dma_wait3A_66, %dma_wait3A_67] : memref<10240x16xf32, #tpu.memory_space<vmem_shared>> -> memref<10240x16xf32, #tpu.memory_space<vmem_shared>>
    tpu.wait_indirect_dma semaphore(%arg8 : memref<!tpu.dma_semaphore, #tpu.memory_space<semaphore_mem>>) src(%arg5 : memref<128x16xf32, #tpu.memory_space<vmem>>) dst(%dma_wait3A_68 : memref<10240x16xf32, #tpu.memory_space<vmem_shared>>)
    %dma_wait3A_69 = arith.constant 0 : i32
    %dma_wait3A_70 = arith.constant 0 : i32
    %dma_wait3A_71 = tpu.memref_slice %arg4[%dma_wait3A_69, %dma_wait3A_70] : memref<80x128xi32, #tpu.memory_space<vmem>> -> memref<1x128xi32, #tpu.memory_space<vmem>>
    %dma_wait3A_72 = tpu.memref_squeeze %dma_wait3A_71 : memref<1x128xi32, #tpu.memory_space<vmem>> -> memref<128xi32, #tpu.memory_space<vmem>>
    %dma_wait3A_73 = arith.constant 0 : i32
    %dma_wait3A_74 = arith.constant 0 : i32
    %dma_wait3A_75 = tpu.memref_slice %arg7[%dma_wait3A_73, %dma_wait3A_74] : memref<10240x16xf32, #tpu.memory_space<vmem_shared>> -> memref<10240x16xf32, #tpu.memory_space<vmem_shared>>
    tpu.wait_indirect_dma semaphore(%arg9 : memref<!tpu.dma_semaphore, #tpu.memory_space<semaphore_mem>>) src(%arg5 : memref<128x16xf32, #tpu.memory_space<vmem>>) dst(%dma_wait3A_75 : memref<10240x16xf32, #tpu.memory_space<vmem_shared>>)
    %dma_wait3A_76 = arith.constant 0 : i32
    %dma_wait3A_77 = arith.constant 0 : i32
    %dma_wait3A_78 = tpu.memref_slice %arg4[%dma_wait3A_76, %dma_wait3A_77] : memref<80x128xi32, #tpu.memory_space<vmem>> -> memref<1x128xi32, #tpu.memory_space<vmem>>
    %dma_wait3A_79 = tpu.memref_squeeze %dma_wait3A_78 : memref<1x128xi32, #tpu.memory_space<vmem>> -> memref<128xi32, #tpu.memory_space<vmem>>
    %dma_wait3A_80 = arith.constant 0 : i32
    %dma_wait3A_81 = arith.constant 0 : i32
    %dma_wait3A_82 = tpu.memref_slice %arg7[%dma_wait3A_80, %dma_wait3A_81] : memref<10240x16xf32, #tpu.memory_space<vmem_shared>> -> memref<10240x16xf32, #tpu.memory_space<vmem_shared>>
    tpu.wait_indirect_dma semaphore(%arg10 : memref<!tpu.dma_semaphore, #tpu.memory_space<semaphore_mem>>) src(%arg5 : memref<128x16xf32, #tpu.memory_space<vmem>>) dst(%dma_wait3A_82 : memref<10240x16xf32, #tpu.memory_space<vmem_shared>>)
    %dma_wait3A_83 = arith.constant 0 : i32
    %dma_wait3A_84 = arith.constant 0 : i32
    %dma_wait3A_85 = tpu.memref_slice %arg4[%dma_wait3A_83, %dma_wait3A_84] : memref<80x128xi32, #tpu.memory_space<vmem>> -> memref<1x128xi32, #tpu.memory_space<vmem>>
    %dma_wait3A_86 = tpu.memref_squeeze %dma_wait3A_85 : memref<1x128xi32, #tpu.memory_space<vmem>> -> memref<128xi32, #tpu.memory_space<vmem>>
    %dma_wait3A_87 = arith.constant 0 : i32
    %dma_wait3A_88 = arith.constant 0 : i32
    %dma_wait3A_89 = tpu.memref_slice %arg7[%dma_wait3A_87, %dma_wait3A_88] : memref<10240x16xf32, #tpu.memory_space<vmem_shared>> -> memref<10240x16xf32, #tpu.memory_space<vmem_shared>>
    tpu.wait_indirect_dma semaphore(%arg11 : memref<!tpu.dma_semaphore, #tpu.memory_space<semaphore_mem>>) src(%arg5 : memref<128x16xf32, #tpu.memory_space<vmem>>) dst(%dma_wait3A_89 : memref<10240x16xf32, #tpu.memory_space<vmem_shared>>)
    %dma_wait3A_90 = arith.constant 0 : i32
    %dma_wait3A_91 = arith.constant 0 : i32
    %dma_wait3A_92 = tpu.memref_slice %arg4[%dma_wait3A_90, %dma_wait3A_91] : memref<80x128xi32, #tpu.memory_space<vmem>> -> memref<1x128xi32, #tpu.memory_space<vmem>>
    %dma_wait3A_93 = tpu.memref_squeeze %dma_wait3A_92 : memref<1x128xi32, #tpu.memory_space<vmem>> -> memref<128xi32, #tpu.memory_space<vmem>>
    %dma_wait3A_94 = arith.constant 0 : i32
    %dma_wait3A_95 = arith.constant 0 : i32
    %dma_wait3A_96 = tpu.memref_slice %arg7[%dma_wait3A_94, %dma_wait3A_95] : memref<10240x16xf32, #tpu.memory_space<vmem_shared>> -> memref<10240x16xf32, #tpu.memory_space<vmem_shared>>
    tpu.wait_indirect_dma semaphore(%arg12 : memref<!tpu.dma_semaphore, #tpu.memory_space<semaphore_mem>>) src(%arg5 : memref<128x16xf32, #tpu.memory_space<vmem>>) dst(%dma_wait3A_96 : memref<10240x16xf32, #tpu.memory_space<vmem_shared>>)
    %barrier3A_97 = arith.constant 0 : index
    tpu.barrier barrier_id(%barrier3A_97)
    %mul3A_98 = arith.constant 640 : i32
    %mul3A_99 = arith.muli %arg1, %mul3A_98 : i32
    %mul3A_100 = arith.constant 640 : i32
    %mul3A_101 = arith.muli %arg1, %mul3A_100 : i32
    "tpu.region"() ({
      %run_scoped3A_102 = tpu.sem_alloc : memref<!tpu.dma_semaphore, #tpu.memory_space<semaphore_mem>>
      %dma_start3A = arith.constant 0 : i32
      %dma_start3A_103 = tpu.memref_slice %arg3[%arg0, %mul3A_101, %dma_start3A] : memref<2x10240x16xf32, #tpu.memory_space<hbm>> -> memref<1x640x16xf32, #tpu.memory_space<hbm>>
      %dma_start3A_104 = tpu.memref_squeeze %dma_start3A_103 : memref<1x640x16xf32, #tpu.memory_space<hbm>> -> memref<640x16xf32, #tpu.memory_space<hbm>>
      %dma_start3A_105 = arith.constant 0 : i32
      %dma_start3A_106 = tpu.memref_slice %arg7[%mul3A_99, %dma_start3A_105] : memref<10240x16xf32, #tpu.memory_space<vmem_shared>> -> memref<640x16xf32, #tpu.memory_space<vmem_shared>>
      tpu.enqueue_dma source(%dma_start3A_106 : memref<640x16xf32, #tpu.memory_space<vmem_shared>>) target(%dma_start3A_104 : memref<640x16xf32, #tpu.memory_space<hbm>>) target_semaphore(%run_scoped3A_102 : memref<!tpu.dma_semaphore, #tpu.memory_space<semaphore_mem>>)
      %dma_wait3A_107 = arith.constant 0 : i32
      %dma_wait3A_108 = tpu.memref_slice %arg3[%arg0, %mul3A_101, %dma_wait3A_107] : memref<2x10240x16xf32, #tpu.memory_space<hbm>> -> memref<1x640x16xf32, #tpu.memory_space<hbm>>
      %dma_wait3A_109 = tpu.memref_squeeze %dma_wait3A_108 : memref<1x640x16xf32, #tpu.memory_space<hbm>> -> memref<640x16xf32, #tpu.memory_space<hbm>>
      %dma_wait3A_110 = arith.constant 0 : i32
      %dma_wait3A_111 = tpu.memref_slice %arg7[%mul3A_99, %dma_wait3A_110] : memref<10240x16xf32, #tpu.memory_space<vmem_shared>> -> memref<640x16xf32, #tpu.memory_space<vmem_shared>>
      tpu.wait_dma2 semaphore(%run_scoped3A_102 : memref<!tpu.dma_semaphore, #tpu.memory_space<semaphore_mem>>) src(%dma_wait3A_111 : memref<640x16xf32, #tpu.memory_space<vmem_shared>>) dst(%dma_wait3A_109 : memref<640x16xf32, #tpu.memory_space<hbm>>)
      tpu.yield
    }) : () -> ()
    return
  }
}

#map = affine_map<(d0, d1) -> (0, 0, 0)>
module attributes {stable_mosaic.version = 14 : i64} {
  func.func @prop(%arg0: i32, %arg1: i32, %arg2: memref<2x10240x32xf32, #tpu.memory_space<hbm>>, %arg3: memref<2x2560x128xi32, #tpu.memory_space<hbm>>, %arg4: memref<2x10240x32xf32, #tpu.memory_space<hbm>>, %arg5: memref<160x128xi32, #tpu.memory_space<vmem>>, %arg6: memref<160x128xi32, #tpu.memory_space<vmem>>, %arg7: memref<5x128x32xf32, #tpu.memory_space<vmem>>, %arg8: memref<64x32xf32, #tpu.memory_space<vmem>>, %arg9: memref<10240x32xf32, #tpu.memory_space<vmem_shared>>, %arg10: memref<!tpu.dma_semaphore, #tpu.memory_space<semaphore_mem>>, %arg11: memref<!tpu.dma_semaphore, #tpu.memory_space<semaphore_mem>>, %arg12: memref<!tpu.dma_semaphore, #tpu.memory_space<semaphore_mem>>, %arg13: memref<!tpu.dma_semaphore, #tpu.memory_space<semaphore_mem>>, %arg14: memref<!tpu.dma_semaphore, #tpu.memory_space<semaphore_mem>>, %arg15: memref<!tpu.dma_semaphore, #tpu.memory_space<semaphore_mem>>, %arg16: memref<!tpu.dma_semaphore, #tpu.memory_space<semaphore_mem>>, %arg17: memref<!tpu.dma_semaphore, #tpu.memory_space<semaphore_mem>>, %arg18: memref<!tpu.dma_semaphore, #tpu.memory_space<semaphore_mem>>, %arg19: memref<!tpu.dma_semaphore, #tpu.memory_space<semaphore_mem>>) attributes {dimension_semantics = [#tpu.dimension_semantics<core_parallel>, #tpu.dimension_semantics<subcore_parallel>], iteration_bounds = array<i64: 2, 16>, scalar_prefetch = 0 : i64, scratch_operands = 15 : i64, tpu.core_type = #tpu.core_type<sc_vector_subcore>, window_params = [{transform_indices = #map}, {transform_indices = #map}, {transform_indices = #map}]} {
    %mul3A = arith.constant 160 : i32
    %mul3A_0 = arith.muli %arg1, %mul3A : i32
    %run_scoped3A = arith.constant 0 : i32
    "tpu.region"() ({
      %run_scoped3A_200 = tpu.sem_alloc : memref<!tpu.dma_semaphore, #tpu.memory_space<semaphore_mem>>
      %dma_start3A_201 = arith.constant 0 : i32
      %dma_start3A_202 = tpu.memref_slice %arg3[%run_scoped3A, %mul3A_0, %dma_start3A_201] : memref<2x2560x128xi32, #tpu.memory_space<hbm>> -> memref<1x160x128xi32, #tpu.memory_space<hbm>>
      %dma_start3A_203 = tpu.memref_squeeze %dma_start3A_202 : memref<1x160x128xi32, #tpu.memory_space<hbm>> -> memref<160x128xi32, #tpu.memory_space<hbm>>
      %dma_start3A_204 = arith.constant 0 : i32
      %dma_start3A_205 = tpu.memref_slice %arg3[%run_scoped3A, %mul3A_0, %dma_start3A_204] : memref<2x2560x128xi32, #tpu.memory_space<hbm>> -> memref<1x160x128xi32, #tpu.memory_space<hbm>>
      %dma_start3A_206 = tpu.memref_squeeze %dma_start3A_205 : memref<1x160x128xi32, #tpu.memory_space<hbm>> -> memref<160x128xi32, #tpu.memory_space<hbm>>
      tpu.enqueue_dma source(%dma_start3A_206 : memref<160x128xi32, #tpu.memory_space<hbm>>) target(%arg5 : memref<160x128xi32, #tpu.memory_space<vmem>>) target_semaphore(%run_scoped3A_200 : memref<!tpu.dma_semaphore, #tpu.memory_space<semaphore_mem>>)
      %dma_wait3A_207 = arith.constant 0 : i32
      %dma_wait3A_208 = tpu.memref_slice %arg3[%run_scoped3A, %mul3A_0, %dma_wait3A_207] : memref<2x2560x128xi32, #tpu.memory_space<hbm>> -> memref<1x160x128xi32, #tpu.memory_space<hbm>>
      %dma_wait3A_209 = tpu.memref_squeeze %dma_wait3A_208 : memref<1x160x128xi32, #tpu.memory_space<hbm>> -> memref<160x128xi32, #tpu.memory_space<hbm>>
      %dma_wait3A_210 = arith.constant 0 : i32
      %dma_wait3A_211 = tpu.memref_slice %arg3[%run_scoped3A, %mul3A_0, %dma_wait3A_210] : memref<2x2560x128xi32, #tpu.memory_space<hbm>> -> memref<1x160x128xi32, #tpu.memory_space<hbm>>
      %dma_wait3A_212 = tpu.memref_squeeze %dma_wait3A_211 : memref<1x160x128xi32, #tpu.memory_space<hbm>> -> memref<160x128xi32, #tpu.memory_space<hbm>>
      tpu.wait_dma2 semaphore(%run_scoped3A_200 : memref<!tpu.dma_semaphore, #tpu.memory_space<semaphore_mem>>) src(%dma_wait3A_212 : memref<160x128xi32, #tpu.memory_space<hbm>>) dst(%arg5 : memref<160x128xi32, #tpu.memory_space<vmem>>)
      tpu.yield
    }) : () -> ()
    %run_scoped3A_1 = arith.constant 1 : i32
    "tpu.region"() ({
      %run_scoped3A_200 = tpu.sem_alloc : memref<!tpu.dma_semaphore, #tpu.memory_space<semaphore_mem>>
      %dma_start3A_201 = arith.constant 0 : i32
      %dma_start3A_202 = tpu.memref_slice %arg3[%run_scoped3A_1, %mul3A_0, %dma_start3A_201] : memref<2x2560x128xi32, #tpu.memory_space<hbm>> -> memref<1x160x128xi32, #tpu.memory_space<hbm>>
      %dma_start3A_203 = tpu.memref_squeeze %dma_start3A_202 : memref<1x160x128xi32, #tpu.memory_space<hbm>> -> memref<160x128xi32, #tpu.memory_space<hbm>>
      %dma_start3A_204 = arith.constant 0 : i32
      %dma_start3A_205 = tpu.memref_slice %arg3[%run_scoped3A_1, %mul3A_0, %dma_start3A_204] : memref<2x2560x128xi32, #tpu.memory_space<hbm>> -> memref<1x160x128xi32, #tpu.memory_space<hbm>>
      %dma_start3A_206 = tpu.memref_squeeze %dma_start3A_205 : memref<1x160x128xi32, #tpu.memory_space<hbm>> -> memref<160x128xi32, #tpu.memory_space<hbm>>
      tpu.enqueue_dma source(%dma_start3A_206 : memref<160x128xi32, #tpu.memory_space<hbm>>) target(%arg6 : memref<160x128xi32, #tpu.memory_space<vmem>>) target_semaphore(%run_scoped3A_200 : memref<!tpu.dma_semaphore, #tpu.memory_space<semaphore_mem>>)
      %dma_wait3A_207 = arith.constant 0 : i32
      %dma_wait3A_208 = tpu.memref_slice %arg3[%run_scoped3A_1, %mul3A_0, %dma_wait3A_207] : memref<2x2560x128xi32, #tpu.memory_space<hbm>> -> memref<1x160x128xi32, #tpu.memory_space<hbm>>
      %dma_wait3A_209 = tpu.memref_squeeze %dma_wait3A_208 : memref<1x160x128xi32, #tpu.memory_space<hbm>> -> memref<160x128xi32, #tpu.memory_space<hbm>>
      %dma_wait3A_210 = arith.constant 0 : i32
      %dma_wait3A_211 = tpu.memref_slice %arg3[%run_scoped3A_1, %mul3A_0, %dma_wait3A_210] : memref<2x2560x128xi32, #tpu.memory_space<hbm>> -> memref<1x160x128xi32, #tpu.memory_space<hbm>>
      %dma_wait3A_212 = tpu.memref_squeeze %dma_wait3A_211 : memref<1x160x128xi32, #tpu.memory_space<hbm>> -> memref<160x128xi32, #tpu.memory_space<hbm>>
      tpu.wait_dma2 semaphore(%run_scoped3A_200 : memref<!tpu.dma_semaphore, #tpu.memory_space<semaphore_mem>>) src(%dma_wait3A_212 : memref<160x128xi32, #tpu.memory_space<hbm>>) dst(%arg6 : memref<160x128xi32, #tpu.memory_space<vmem>>)
      tpu.yield
    }) : () -> ()
    %broadcast_in_dim3A = arith.constant 0.000000e+00 : f32
    %broadcast_in_dim3A_2 = vector.broadcast %broadcast_in_dim3A : f32 to vector<16xf32>
    %scan3A = arith.constant 0 : i32
    %scan3A_3 = arith.constant 0 : i32
    %scan3A_4 = arith.constant 64 : i32
    %scan3A_5 = arith.addi %scan3A_3, %scan3A_4 : i32
    %scan3A_6 = arith.constant 1 : i32
    scf.for %scan3A_200 = %scan3A_3 to %scan3A_5 step %scan3A_6  : i32 {
      %swap3A = arith.index_cast %scan3A_200 : i32 to index
      %swap3A_201 = arith.constant 0 : index
      %swap3A_202 = tpu.vector_load %arg8[%swap3A, %swap3A_201] {strides = array<i32>} : memref<64x32xf32, #tpu.memory_space<vmem>>, vector<1x16xf32>,
      %swap3A_203 = vector.shape_cast %swap3A_202 : vector<1x16xf32> to vector<16xf32>
      %swap3A_204 = vector.shape_cast %broadcast_in_dim3A_2 : vector<16xf32> to vector<1x16xf32>
      tpu.vector_store %arg8[%swap3A, %swap3A_201], %swap3A_204 {strides = array<i32>} : memref<64x32xf32, #tpu.memory_space<vmem>>, vector<1x16xf32>,
      %swap3A_205 = arith.index_cast %scan3A_200 : i32 to index
      %swap3A_206 = arith.constant 16 : index
      %swap3A_207 = tpu.vector_load %arg8[%swap3A_205, %swap3A_206] {strides = array<i32>} : memref<64x32xf32, #tpu.memory_space<vmem>>, vector<1x16xf32>,
      %swap3A_208 = vector.shape_cast %swap3A_207 : vector<1x16xf32> to vector<16xf32>
      %swap3A_209 = vector.shape_cast %broadcast_in_dim3A_2 : vector<16xf32> to vector<1x16xf32>
      tpu.vector_store %arg8[%swap3A_205, %swap3A_206], %swap3A_209 {strides = array<i32>} : memref<64x32xf32, #tpu.memory_space<vmem>>, vector<1x16xf32>,
    }
    %scan3A_7 = arith.constant 64 : i32
    %mul3A_8 = arith.constant 640 : i32
    %mul3A_9 = arith.muli %arg1, %mul3A_8 : i32
    %add3A = arith.constant 0 : i32
    %add3A_10 = arith.addi %mul3A_9, %add3A : i32
    "tpu.region"() ({
      %run_scoped3A_200 = tpu.sem_alloc : memref<!tpu.dma_semaphore, #tpu.memory_space<semaphore_mem>>
      %dma_start3A_201 = arith.constant 0 : i32
      %dma_start3A_202 = tpu.memref_slice %arg9[%add3A_10, %dma_start3A_201] : memref<10240x32xf32, #tpu.memory_space<vmem_shared>> -> memref<64x32xf32, #tpu.memory_space<vmem_shared>>
      %dma_start3A_203 = arith.constant 0 : i32
      %dma_start3A_204 = tpu.memref_slice %arg9[%add3A_10, %dma_start3A_203] : memref<10240x32xf32, #tpu.memory_space<vmem_shared>> -> memref<64x32xf32, #tpu.memory_space<vmem_shared>>
      tpu.enqueue_dma source(%arg8 : memref<64x32xf32, #tpu.memory_space<vmem>>) target(%dma_start3A_204 : memref<64x32xf32, #tpu.memory_space<vmem_shared>>) target_semaphore(%run_scoped3A_200 : memref<!tpu.dma_semaphore, #tpu.memory_space<semaphore_mem>>)
      %dma_wait3A_205 = arith.constant 0 : i32
      %dma_wait3A_206 = tpu.memref_slice %arg9[%add3A_10, %dma_wait3A_205] : memref<10240x32xf32, #tpu.memory_space<vmem_shared>> -> memref<64x32xf32, #tpu.memory_space<vmem_shared>>
      %dma_wait3A_207 = arith.constant 0 : i32
      %dma_wait3A_208 = tpu.memref_slice %arg9[%add3A_10, %dma_wait3A_207] : memref<10240x32xf32, #tpu.memory_space<vmem_shared>> -> memref<64x32xf32, #tpu.memory_space<vmem_shared>>
      tpu.wait_dma2 semaphore(%run_scoped3A_200 : memref<!tpu.dma_semaphore, #tpu.memory_space<semaphore_mem>>) src(%arg8 : memref<64x32xf32, #tpu.memory_space<vmem>>) dst(%dma_wait3A_208 : memref<64x32xf32, #tpu.memory_space<vmem_shared>>)
      tpu.yield
    }) : () -> ()
    %mul3A_11 = arith.constant 640 : i32
    %mul3A_12 = arith.muli %arg1, %mul3A_11 : i32
    %add3A_13 = arith.constant 64 : i32
    %add3A_14 = arith.addi %mul3A_12, %add3A_13 : i32
    "tpu.region"() ({
      %run_scoped3A_200 = tpu.sem_alloc : memref<!tpu.dma_semaphore, #tpu.memory_space<semaphore_mem>>
      %dma_start3A_201 = arith.constant 0 : i32
      %dma_start3A_202 = tpu.memref_slice %arg9[%add3A_14, %dma_start3A_201] : memref<10240x32xf32, #tpu.memory_space<vmem_shared>> -> memref<64x32xf32, #tpu.memory_space<vmem_shared>>
      %dma_start3A_203 = arith.constant 0 : i32
      %dma_start3A_204 = tpu.memref_slice %arg9[%add3A_14, %dma_start3A_203] : memref<10240x32xf32, #tpu.memory_space<vmem_shared>> -> memref<64x32xf32, #tpu.memory_space<vmem_shared>>
      tpu.enqueue_dma source(%arg8 : memref<64x32xf32, #tpu.memory_space<vmem>>) target(%dma_start3A_204 : memref<64x32xf32, #tpu.memory_space<vmem_shared>>) target_semaphore(%run_scoped3A_200 : memref<!tpu.dma_semaphore, #tpu.memory_space<semaphore_mem>>)
      %dma_wait3A_205 = arith.constant 0 : i32
      %dma_wait3A_206 = tpu.memref_slice %arg9[%add3A_14, %dma_wait3A_205] : memref<10240x32xf32, #tpu.memory_space<vmem_shared>> -> memref<64x32xf32, #tpu.memory_space<vmem_shared>>
      %dma_wait3A_207 = arith.constant 0 : i32
      %dma_wait3A_208 = tpu.memref_slice %arg9[%add3A_14, %dma_wait3A_207] : memref<10240x32xf32, #tpu.memory_space<vmem_shared>> -> memref<64x32xf32, #tpu.memory_space<vmem_shared>>
      tpu.wait_dma2 semaphore(%run_scoped3A_200 : memref<!tpu.dma_semaphore, #tpu.memory_space<semaphore_mem>>) src(%arg8 : memref<64x32xf32, #tpu.memory_space<vmem>>) dst(%dma_wait3A_208 : memref<64x32xf32, #tpu.memory_space<vmem_shared>>)
      tpu.yield
    }) : () -> ()
    %mul3A_15 = arith.constant 640 : i32
    %mul3A_16 = arith.muli %arg1, %mul3A_15 : i32
    %add3A_17 = arith.constant 128 : i32
    %add3A_18 = arith.addi %mul3A_16, %add3A_17 : i32
    "tpu.region"() ({
      %run_scoped3A_200 = tpu.sem_alloc : memref<!tpu.dma_semaphore, #tpu.memory_space<semaphore_mem>>
      %dma_start3A_201 = arith.constant 0 : i32
      %dma_start3A_202 = tpu.memref_slice %arg9[%add3A_18, %dma_start3A_201] : memref<10240x32xf32, #tpu.memory_space<vmem_shared>> -> memref<64x32xf32, #tpu.memory_space<vmem_shared>>
      %dma_start3A_203 = arith.constant 0 : i32
      %dma_start3A_204 = tpu.memref_slice %arg9[%add3A_18, %dma_start3A_203] : memref<10240x32xf32, #tpu.memory_space<vmem_shared>> -> memref<64x32xf32, #tpu.memory_space<vmem_shared>>
      tpu.enqueue_dma source(%arg8 : memref<64x32xf32, #tpu.memory_space<vmem>>) target(%dma_start3A_204 : memref<64x32xf32, #tpu.memory_space<vmem_shared>>) target_semaphore(%run_scoped3A_200 : memref<!tpu.dma_semaphore, #tpu.memory_space<semaphore_mem>>)
      %dma_wait3A_205 = arith.constant 0 : i32
      %dma_wait3A_206 = tpu.memref_slice %arg9[%add3A_18, %dma_wait3A_205] : memref<10240x32xf32, #tpu.memory_space<vmem_shared>> -> memref<64x32xf32, #tpu.memory_space<vmem_shared>>
      %dma_wait3A_207 = arith.constant 0 : i32
      %dma_wait3A_208 = tpu.memref_slice %arg9[%add3A_18, %dma_wait3A_207] : memref<10240x32xf32, #tpu.memory_space<vmem_shared>> -> memref<64x32xf32, #tpu.memory_space<vmem_shared>>
      tpu.wait_dma2 semaphore(%run_scoped3A_200 : memref<!tpu.dma_semaphore, #tpu.memory_space<semaphore_mem>>) src(%arg8 : memref<64x32xf32, #tpu.memory_space<vmem>>) dst(%dma_wait3A_208 : memref<64x32xf32, #tpu.memory_space<vmem_shared>>)
      tpu.yield
    }) : () -> ()
    %mul3A_19 = arith.constant 640 : i32
    %mul3A_20 = arith.muli %arg1, %mul3A_19 : i32
    %add3A_21 = arith.constant 192 : i32
    %add3A_22 = arith.addi %mul3A_20, %add3A_21 : i32
    "tpu.region"() ({
      %run_scoped3A_200 = tpu.sem_alloc : memref<!tpu.dma_semaphore, #tpu.memory_space<semaphore_mem>>
      %dma_start3A_201 = arith.constant 0 : i32
      %dma_start3A_202 = tpu.memref_slice %arg9[%add3A_22, %dma_start3A_201] : memref<10240x32xf32, #tpu.memory_space<vmem_shared>> -> memref<64x32xf32, #tpu.memory_space<vmem_shared>>
      %dma_start3A_203 = arith.constant 0 : i32
      %dma_start3A_204 = tpu.memref_slice %arg9[%add3A_22, %dma_start3A_203] : memref<10240x32xf32, #tpu.memory_space<vmem_shared>> -> memref<64x32xf32, #tpu.memory_space<vmem_shared>>
      tpu.enqueue_dma source(%arg8 : memref<64x32xf32, #tpu.memory_space<vmem>>) target(%dma_start3A_204 : memref<64x32xf32, #tpu.memory_space<vmem_shared>>) target_semaphore(%run_scoped3A_200 : memref<!tpu.dma_semaphore, #tpu.memory_space<semaphore_mem>>)
      %dma_wait3A_205 = arith.constant 0 : i32
      %dma_wait3A_206 = tpu.memref_slice %arg9[%add3A_22, %dma_wait3A_205] : memref<10240x32xf32, #tpu.memory_space<vmem_shared>> -> memref<64x32xf32, #tpu.memory_space<vmem_shared>>
      %dma_wait3A_207 = arith.constant 0 : i32
      %dma_wait3A_208 = tpu.memref_slice %arg9[%add3A_22, %dma_wait3A_207] : memref<10240x32xf32, #tpu.memory_space<vmem_shared>> -> memref<64x32xf32, #tpu.memory_space<vmem_shared>>
      tpu.wait_dma2 semaphore(%run_scoped3A_200 : memref<!tpu.dma_semaphore, #tpu.memory_space<semaphore_mem>>) src(%arg8 : memref<64x32xf32, #tpu.memory_space<vmem>>) dst(%dma_wait3A_208 : memref<64x32xf32, #tpu.memory_space<vmem_shared>>)
      tpu.yield
    }) : () -> ()
    %mul3A_23 = arith.constant 640 : i32
    %mul3A_24 = arith.muli %arg1, %mul3A_23 : i32
    %add3A_25 = arith.constant 256 : i32
    %add3A_26 = arith.addi %mul3A_24, %add3A_25 : i32
    "tpu.region"() ({
      %run_scoped3A_200 = tpu.sem_alloc : memref<!tpu.dma_semaphore, #tpu.memory_space<semaphore_mem>>
      %dma_start3A_201 = arith.constant 0 : i32
      %dma_start3A_202 = tpu.memref_slice %arg9[%add3A_26, %dma_start3A_201] : memref<10240x32xf32, #tpu.memory_space<vmem_shared>> -> memref<64x32xf32, #tpu.memory_space<vmem_shared>>
      %dma_start3A_203 = arith.constant 0 : i32
      %dma_start3A_204 = tpu.memref_slice %arg9[%add3A_26, %dma_start3A_203] : memref<10240x32xf32, #tpu.memory_space<vmem_shared>> -> memref<64x32xf32, #tpu.memory_space<vmem_shared>>
      tpu.enqueue_dma source(%arg8 : memref<64x32xf32, #tpu.memory_space<vmem>>) target(%dma_start3A_204 : memref<64x32xf32, #tpu.memory_space<vmem_shared>>) target_semaphore(%run_scoped3A_200 : memref<!tpu.dma_semaphore, #tpu.memory_space<semaphore_mem>>)
      %dma_wait3A_205 = arith.constant 0 : i32
      %dma_wait3A_206 = tpu.memref_slice %arg9[%add3A_26, %dma_wait3A_205] : memref<10240x32xf32, #tpu.memory_space<vmem_shared>> -> memref<64x32xf32, #tpu.memory_space<vmem_shared>>
      %dma_wait3A_207 = arith.constant 0 : i32
      %dma_wait3A_208 = tpu.memref_slice %arg9[%add3A_26, %dma_wait3A_207] : memref<10240x32xf32, #tpu.memory_space<vmem_shared>> -> memref<64x32xf32, #tpu.memory_space<vmem_shared>>
      tpu.wait_dma2 semaphore(%run_scoped3A_200 : memref<!tpu.dma_semaphore, #tpu.memory_space<semaphore_mem>>) src(%arg8 : memref<64x32xf32, #tpu.memory_space<vmem>>) dst(%dma_wait3A_208 : memref<64x32xf32, #tpu.memory_space<vmem_shared>>)
      tpu.yield
    }) : () -> ()
    %mul3A_27 = arith.constant 640 : i32
    %mul3A_28 = arith.muli %arg1, %mul3A_27 : i32
    %add3A_29 = arith.constant 320 : i32
    %add3A_30 = arith.addi %mul3A_28, %add3A_29 : i32
    "tpu.region"() ({
      %run_scoped3A_200 = tpu.sem_alloc : memref<!tpu.dma_semaphore, #tpu.memory_space<semaphore_mem>>
      %dma_start3A_201 = arith.constant 0 : i32
      %dma_start3A_202 = tpu.memref_slice %arg9[%add3A_30, %dma_start3A_201] : memref<10240x32xf32, #tpu.memory_space<vmem_shared>> -> memref<64x32xf32, #tpu.memory_space<vmem_shared>>
      %dma_start3A_203 = arith.constant 0 : i32
      %dma_start3A_204 = tpu.memref_slice %arg9[%add3A_30, %dma_start3A_203] : memref<10240x32xf32, #tpu.memory_space<vmem_shared>> -> memref<64x32xf32, #tpu.memory_space<vmem_shared>>
      tpu.enqueue_dma source(%arg8 : memref<64x32xf32, #tpu.memory_space<vmem>>) target(%dma_start3A_204 : memref<64x32xf32, #tpu.memory_space<vmem_shared>>) target_semaphore(%run_scoped3A_200 : memref<!tpu.dma_semaphore, #tpu.memory_space<semaphore_mem>>)
      %dma_wait3A_205 = arith.constant 0 : i32
      %dma_wait3A_206 = tpu.memref_slice %arg9[%add3A_30, %dma_wait3A_205] : memref<10240x32xf32, #tpu.memory_space<vmem_shared>> -> memref<64x32xf32, #tpu.memory_space<vmem_shared>>
      %dma_wait3A_207 = arith.constant 0 : i32
      %dma_wait3A_208 = tpu.memref_slice %arg9[%add3A_30, %dma_wait3A_207] : memref<10240x32xf32, #tpu.memory_space<vmem_shared>> -> memref<64x32xf32, #tpu.memory_space<vmem_shared>>
      tpu.wait_dma2 semaphore(%run_scoped3A_200 : memref<!tpu.dma_semaphore, #tpu.memory_space<semaphore_mem>>) src(%arg8 : memref<64x32xf32, #tpu.memory_space<vmem>>) dst(%dma_wait3A_208 : memref<64x32xf32, #tpu.memory_space<vmem_shared>>)
      tpu.yield
    }) : () -> ()
    %mul3A_31 = arith.constant 640 : i32
    %mul3A_32 = arith.muli %arg1, %mul3A_31 : i32
    %add3A_33 = arith.constant 384 : i32
    %add3A_34 = arith.addi %mul3A_32, %add3A_33 : i32
    "tpu.region"() ({
      %run_scoped3A_200 = tpu.sem_alloc : memref<!tpu.dma_semaphore, #tpu.memory_space<semaphore_mem>>
      %dma_start3A_201 = arith.constant 0 : i32
      %dma_start3A_202 = tpu.memref_slice %arg9[%add3A_34, %dma_start3A_201] : memref<10240x32xf32, #tpu.memory_space<vmem_shared>> -> memref<64x32xf32, #tpu.memory_space<vmem_shared>>
      %dma_start3A_203 = arith.constant 0 : i32
      %dma_start3A_204 = tpu.memref_slice %arg9[%add3A_34, %dma_start3A_203] : memref<10240x32xf32, #tpu.memory_space<vmem_shared>> -> memref<64x32xf32, #tpu.memory_space<vmem_shared>>
      tpu.enqueue_dma source(%arg8 : memref<64x32xf32, #tpu.memory_space<vmem>>) target(%dma_start3A_204 : memref<64x32xf32, #tpu.memory_space<vmem_shared>>) target_semaphore(%run_scoped3A_200 : memref<!tpu.dma_semaphore, #tpu.memory_space<semaphore_mem>>)
      %dma_wait3A_205 = arith.constant 0 : i32
      %dma_wait3A_206 = tpu.memref_slice %arg9[%add3A_34, %dma_wait3A_205] : memref<10240x32xf32, #tpu.memory_space<vmem_shared>> -> memref<64x32xf32, #tpu.memory_space<vmem_shared>>
      %dma_wait3A_207 = arith.constant 0 : i32
      %dma_wait3A_208 = tpu.memref_slice %arg9[%add3A_34, %dma_wait3A_207] : memref<10240x32xf32, #tpu.memory_space<vmem_shared>> -> memref<64x32xf32, #tpu.memory_space<vmem_shared>>
      tpu.wait_dma2 semaphore(%run_scoped3A_200 : memref<!tpu.dma_semaphore, #tpu.memory_space<semaphore_mem>>) src(%arg8 : memref<64x32xf32, #tpu.memory_space<vmem>>) dst(%dma_wait3A_208 : memref<64x32xf32, #tpu.memory_space<vmem_shared>>)
      tpu.yield
    }) : () -> ()
    %mul3A_35 = arith.constant 640 : i32
    %mul3A_36 = arith.muli %arg1, %mul3A_35 : i32
    %add3A_37 = arith.constant 448 : i32
    %add3A_38 = arith.addi %mul3A_36, %add3A_37 : i32
    "tpu.region"() ({
      %run_scoped3A_200 = tpu.sem_alloc : memref<!tpu.dma_semaphore, #tpu.memory_space<semaphore_mem>>
      %dma_start3A_201 = arith.constant 0 : i32
      %dma_start3A_202 = tpu.memref_slice %arg9[%add3A_38, %dma_start3A_201] : memref<10240x32xf32, #tpu.memory_space<vmem_shared>> -> memref<64x32xf32, #tpu.memory_space<vmem_shared>>
      %dma_start3A_203 = arith.constant 0 : i32
      %dma_start3A_204 = tpu.memref_slice %arg9[%add3A_38, %dma_start3A_203] : memref<10240x32xf32, #tpu.memory_space<vmem_shared>> -> memref<64x32xf32, #tpu.memory_space<vmem_shared>>
      tpu.enqueue_dma source(%arg8 : memref<64x32xf32, #tpu.memory_space<vmem>>) target(%dma_start3A_204 : memref<64x32xf32, #tpu.memory_space<vmem_shared>>) target_semaphore(%run_scoped3A_200 : memref<!tpu.dma_semaphore, #tpu.memory_space<semaphore_mem>>)
      %dma_wait3A_205 = arith.constant 0 : i32
      %dma_wait3A_206 = tpu.memref_slice %arg9[%add3A_38, %dma_wait3A_205] : memref<10240x32xf32, #tpu.memory_space<vmem_shared>> -> memref<64x32xf32, #tpu.memory_space<vmem_shared>>
      %dma_wait3A_207 = arith.constant 0 : i32
      %dma_wait3A_208 = tpu.memref_slice %arg9[%add3A_38, %dma_wait3A_207] : memref<10240x32xf32, #tpu.memory_space<vmem_shared>> -> memref<64x32xf32, #tpu.memory_space<vmem_shared>>
      tpu.wait_dma2 semaphore(%run_scoped3A_200 : memref<!tpu.dma_semaphore, #tpu.memory_space<semaphore_mem>>) src(%arg8 : memref<64x32xf32, #tpu.memory_space<vmem>>) dst(%dma_wait3A_208 : memref<64x32xf32, #tpu.memory_space<vmem_shared>>)
      tpu.yield
    }) : () -> ()
    %mul3A_39 = arith.constant 640 : i32
    %mul3A_40 = arith.muli %arg1, %mul3A_39 : i32
    %add3A_41 = arith.constant 512 : i32
    %add3A_42 = arith.addi %mul3A_40, %add3A_41 : i32
    "tpu.region"() ({
      %run_scoped3A_200 = tpu.sem_alloc : memref<!tpu.dma_semaphore, #tpu.memory_space<semaphore_mem>>
      %dma_start3A_201 = arith.constant 0 : i32
      %dma_start3A_202 = tpu.memref_slice %arg9[%add3A_42, %dma_start3A_201] : memref<10240x32xf32, #tpu.memory_space<vmem_shared>> -> memref<64x32xf32, #tpu.memory_space<vmem_shared>>
      %dma_start3A_203 = arith.constant 0 : i32
      %dma_start3A_204 = tpu.memref_slice %arg9[%add3A_42, %dma_start3A_203] : memref<10240x32xf32, #tpu.memory_space<vmem_shared>> -> memref<64x32xf32, #tpu.memory_space<vmem_shared>>
      tpu.enqueue_dma source(%arg8 : memref<64x32xf32, #tpu.memory_space<vmem>>) target(%dma_start3A_204 : memref<64x32xf32, #tpu.memory_space<vmem_shared>>) target_semaphore(%run_scoped3A_200 : memref<!tpu.dma_semaphore, #tpu.memory_space<semaphore_mem>>)
      %dma_wait3A_205 = arith.constant 0 : i32
      %dma_wait3A_206 = tpu.memref_slice %arg9[%add3A_42, %dma_wait3A_205] : memref<10240x32xf32, #tpu.memory_space<vmem_shared>> -> memref<64x32xf32, #tpu.memory_space<vmem_shared>>
      %dma_wait3A_207 = arith.constant 0 : i32
      %dma_wait3A_208 = tpu.memref_slice %arg9[%add3A_42, %dma_wait3A_207] : memref<10240x32xf32, #tpu.memory_space<vmem_shared>> -> memref<64x32xf32, #tpu.memory_space<vmem_shared>>
      tpu.wait_dma2 semaphore(%run_scoped3A_200 : memref<!tpu.dma_semaphore, #tpu.memory_space<semaphore_mem>>) src(%arg8 : memref<64x32xf32, #tpu.memory_space<vmem>>) dst(%dma_wait3A_208 : memref<64x32xf32, #tpu.memory_space<vmem_shared>>)
      tpu.yield
    }) : () -> ()
    %mul3A_43 = arith.constant 640 : i32
    %mul3A_44 = arith.muli %arg1, %mul3A_43 : i32
    %add3A_45 = arith.constant 576 : i32
    %add3A_46 = arith.addi %mul3A_44, %add3A_45 : i32
    "tpu.region"() ({
      %run_scoped3A_200 = tpu.sem_alloc : memref<!tpu.dma_semaphore, #tpu.memory_space<semaphore_mem>>
      %dma_start3A_201 = arith.constant 0 : i32
      %dma_start3A_202 = tpu.memref_slice %arg9[%add3A_46, %dma_start3A_201] : memref<10240x32xf32, #tpu.memory_space<vmem_shared>> -> memref<64x32xf32, #tpu.memory_space<vmem_shared>>
      %dma_start3A_203 = arith.constant 0 : i32
      %dma_start3A_204 = tpu.memref_slice %arg9[%add3A_46, %dma_start3A_203] : memref<10240x32xf32, #tpu.memory_space<vmem_shared>> -> memref<64x32xf32, #tpu.memory_space<vmem_shared>>
      tpu.enqueue_dma source(%arg8 : memref<64x32xf32, #tpu.memory_space<vmem>>) target(%dma_start3A_204 : memref<64x32xf32, #tpu.memory_space<vmem_shared>>) target_semaphore(%run_scoped3A_200 : memref<!tpu.dma_semaphore, #tpu.memory_space<semaphore_mem>>)
      %dma_wait3A_205 = arith.constant 0 : i32
      %dma_wait3A_206 = tpu.memref_slice %arg9[%add3A_46, %dma_wait3A_205] : memref<10240x32xf32, #tpu.memory_space<vmem_shared>> -> memref<64x32xf32, #tpu.memory_space<vmem_shared>>
      %dma_wait3A_207 = arith.constant 0 : i32
      %dma_wait3A_208 = tpu.memref_slice %arg9[%add3A_46, %dma_wait3A_207] : memref<10240x32xf32, #tpu.memory_space<vmem_shared>> -> memref<64x32xf32, #tpu.memory_space<vmem_shared>>
      tpu.wait_dma2 semaphore(%run_scoped3A_200 : memref<!tpu.dma_semaphore, #tpu.memory_space<semaphore_mem>>) src(%arg8 : memref<64x32xf32, #tpu.memory_space<vmem>>) dst(%dma_wait3A_208 : memref<64x32xf32, #tpu.memory_space<vmem_shared>>)
      tpu.yield
    }) : () -> ()
    %barrier3A = arith.constant 0 : index
    tpu.barrier barrier_id(%barrier3A)
    %scan3A_47 = arith.constant 0 : i32
    %scan3A_48 = arith.constant 0 : i32
    %scan3A_49 = arith.constant 32 : i32
    %scan3A_50 = arith.addi %scan3A_48, %scan3A_49 : i32
    %scan3A_51 = arith.constant 1 : i32
    scf.for %scan3A_200 = %scan3A_48 to %scan3A_50 step %scan3A_51  : i32 {
      %mul3A_201 = arith.constant 5 : i32
      %mul3A_202 = arith.muli %scan3A_200, %mul3A_201 : i32
      %add3A_203 = arith.constant 0 : i32
      %add3A_204 = arith.addi %mul3A_202, %add3A_203 : i32
      %gt3A = arith.constant 0 : i32
      %gt3A_205 = arith.cmpi sgt, %scan3A_200, %gt3A : i32
      %convert_element_type3A = arith.extui %gt3A_205 : i1 to i32
      %cond3A = arith.constant 0 : i32
      %cond3A_206 = arith.cmpi ne, %convert_element_type3A, %cond3A : i32
      scf.if %cond3A_206 {
        %dma_wait3A_390 = arith.constant 0 : i32
        %dma_wait3A_391 = arith.constant 0 : i32
        %dma_wait3A_392 = arith.constant 0 : i32
        %dma_wait3A_393 = arith.constant 0 : i32
        %dma_wait3A_394 = tpu.memref_slice %arg7[%dma_wait3A_390, %dma_wait3A_392, %dma_wait3A_393] : memref<5x128x32xf32, #tpu.memory_space<vmem>> -> memref<1x128x32xf32, #tpu.memory_space<vmem>>
        %dma_wait3A_395 = tpu.memref_squeeze %dma_wait3A_394 : memref<1x128x32xf32, #tpu.memory_space<vmem>> -> memref<128x32xf32, #tpu.memory_space<vmem>>
        %dma_wait3A_396 = arith.constant 0 : i32
        %dma_wait3A_397 = tpu.memref_slice %arg6[%dma_wait3A_391, %dma_wait3A_396] : memref<160x128xi32, #tpu.memory_space<vmem>> -> memref<1x128xi32, #tpu.memory_space<vmem>>
        %dma_wait3A_398 = tpu.memref_squeeze %dma_wait3A_397 : memref<1x128xi32, #tpu.memory_space<vmem>> -> memref<128xi32, #tpu.memory_space<vmem>>
        %dma_wait3A_399 = arith.constant 0 : i32
        %dma_wait3A_400 = arith.constant 0 : i32
        %dma_wait3A_401 = tpu.memref_slice %arg9[%dma_wait3A_399, %dma_wait3A_400] : memref<10240x32xf32, #tpu.memory_space<vmem_shared>> -> memref<10240x32xf32, #tpu.memory_space<vmem_shared>>
        tpu.wait_indirect_dma semaphore(%arg15 : memref<!tpu.dma_semaphore, #tpu.memory_space<semaphore_mem>>) src(%dma_wait3A_395 : memref<128x32xf32, #tpu.memory_space<vmem>>) dst(%dma_wait3A_401 : memref<10240x32xf32, #tpu.memory_space<vmem_shared>>)
      } else {
      }
      %dma_start3A_207 = arith.constant 0 : i32
      %dma_start3A_208 = arith.constant 0 : i32
      %dma_start3A_209 = arith.constant 0 : i32
      %dma_start3A_210 = tpu.memref_slice %arg7[%dma_start3A_207, %dma_start3A_208, %dma_start3A_209] : memref<5x128x32xf32, #tpu.memory_space<vmem>> -> memref<1x128x32xf32, #tpu.memory_space<vmem>>
      %dma_start3A_211 = tpu.memref_squeeze %dma_start3A_210 : memref<1x128x32xf32, #tpu.memory_space<vmem>> -> memref<128x32xf32, #tpu.memory_space<vmem>>
      %dma_start3A_212 = arith.constant 0 : i32
      %dma_start3A_213 = tpu.memref_slice %arg5[%add3A_204, %dma_start3A_212] : memref<160x128xi32, #tpu.memory_space<vmem>> -> memref<1x128xi32, #tpu.memory_space<vmem>>
      %dma_start3A_214 = tpu.memref_squeeze %dma_start3A_213 : memref<1x128xi32, #tpu.memory_space<vmem>> -> memref<128xi32, #tpu.memory_space<vmem>>
      %dma_start3A_215 = arith.constant 0 : i32
      %dma_start3A_216 = arith.constant 0 : i32
      %dma_start3A_217 = tpu.memref_slice %arg2[%arg0, %dma_start3A_215, %dma_start3A_216] : memref<2x10240x32xf32, #tpu.memory_space<hbm>> -> memref<1x10240x32xf32, #tpu.memory_space<hbm>>
      %dma_start3A_218 = tpu.memref_squeeze %dma_start3A_217 : memref<1x10240x32xf32, #tpu.memory_space<hbm>> -> memref<10240x32xf32, #tpu.memory_space<hbm>>
      %dma_start3A_219 = arith.constant 0 : i32
      %dma_start3A_220 = arith.constant 0 : i32
      %dma_start3A_221 = tpu.memref_slice %dma_start3A_218[%dma_start3A_219, %dma_start3A_220] : memref<10240x32xf32, #tpu.memory_space<hbm>> -> memref<10240x32xf32, #tpu.memory_space<hbm>>
      tpu.enqueue_indirect_dma source(%dma_start3A_221 : memref<10240x32xf32, #tpu.memory_space<hbm>>) target(%dma_start3A_211 : memref<128x32xf32, #tpu.memory_space<vmem>>) offsets(%dma_start3A_214 : memref<128xi32, #tpu.memory_space<vmem>>) semaphore(%arg10 : memref<!tpu.dma_semaphore, #tpu.memory_space<semaphore_mem>>)
      %gt3A_222 = arith.constant 0 : i32
      %gt3A_223 = arith.cmpi sgt, %scan3A_200, %gt3A_222 : i32
      %convert_element_type3A_224 = arith.extui %gt3A_223 : i1 to i32
      %cond3A_225 = arith.constant 0 : i32
      %cond3A_226 = arith.cmpi ne, %convert_element_type3A_224, %cond3A_225 : i32
      scf.if %cond3A_226 {
        %dma_wait3A_390 = arith.constant 0 : i32
        %dma_wait3A_391 = arith.constant 2 : i32
        %dma_wait3A_392 = arith.constant 0 : i32
        %dma_wait3A_393 = arith.constant 0 : i32
        %dma_wait3A_394 = tpu.memref_slice %arg7[%dma_wait3A_391, %dma_wait3A_392, %dma_wait3A_393] : memref<5x128x32xf32, #tpu.memory_space<vmem>> -> memref<1x128x32xf32, #tpu.memory_space<vmem>>
        %dma_wait3A_395 = tpu.memref_squeeze %dma_wait3A_394 : memref<1x128x32xf32, #tpu.memory_space<vmem>> -> memref<128x32xf32, #tpu.memory_space<vmem>>
        %dma_wait3A_396 = arith.constant 0 : i32
        %dma_wait3A_397 = tpu.memref_slice %arg5[%dma_wait3A_390, %dma_wait3A_396] : memref<160x128xi32, #tpu.memory_space<vmem>> -> memref<1x128xi32, #tpu.memory_space<vmem>>
        %dma_wait3A_398 = tpu.memref_squeeze %dma_wait3A_397 : memref<1x128xi32, #tpu.memory_space<vmem>> -> memref<128xi32, #tpu.memory_space<vmem>>
        %dma_wait3A_399 = arith.constant 0 : i32
        %dma_wait3A_400 = arith.constant 0 : i32
        %dma_wait3A_401 = tpu.memref_slice %arg2[%arg0, %dma_wait3A_399, %dma_wait3A_400] : memref<2x10240x32xf32, #tpu.memory_space<hbm>> -> memref<1x10240x32xf32, #tpu.memory_space<hbm>>
        %dma_wait3A_402 = tpu.memref_squeeze %dma_wait3A_401 : memref<1x10240x32xf32, #tpu.memory_space<hbm>> -> memref<10240x32xf32, #tpu.memory_space<hbm>>
        %dma_wait3A_403 = arith.constant 0 : i32
        %dma_wait3A_404 = arith.constant 0 : i32
        %dma_wait3A_405 = tpu.memref_slice %dma_wait3A_402[%dma_wait3A_403, %dma_wait3A_404] : memref<10240x32xf32, #tpu.memory_space<hbm>> -> memref<10240x32xf32, #tpu.memory_space<hbm>>
        tpu.wait_indirect_dma semaphore(%arg12 : memref<!tpu.dma_semaphore, #tpu.memory_space<semaphore_mem>>) src(%dma_wait3A_405 : memref<10240x32xf32, #tpu.memory_space<hbm>>) dst(%dma_wait3A_395 : memref<128x32xf32, #tpu.memory_space<vmem>>)
        %sub3A_406 = arith.constant 3 : i32
        %sub3A_407 = arith.subi %add3A_204, %sub3A_406 : i32
        %dma_start3A_408 = arith.constant 2 : i32
        %dma_start3A_409 = arith.constant 0 : i32
        %dma_start3A_410 = arith.constant 0 : i32
        %dma_start3A_411 = tpu.memref_slice %arg7[%dma_start3A_408, %dma_start3A_409, %dma_start3A_410] : memref<5x128x32xf32, #tpu.memory_space<vmem>> -> memref<1x128x32xf32, #tpu.memory_space<vmem>>
        %dma_start3A_412 = tpu.memref_squeeze %dma_start3A_411 : memref<1x128x32xf32, #tpu.memory_space<vmem>> -> memref<128x32xf32, #tpu.memory_space<vmem>>
        %dma_start3A_413 = arith.constant 0 : i32
        %dma_start3A_414 = tpu.memref_slice %arg6[%sub3A_407, %dma_start3A_413] : memref<160x128xi32, #tpu.memory_space<vmem>> -> memref<1x128xi32, #tpu.memory_space<vmem>>
        %dma_start3A_415 = tpu.memref_squeeze %dma_start3A_414 : memref<1x128xi32, #tpu.memory_space<vmem>> -> memref<128xi32, #tpu.memory_space<vmem>>
        %dma_start3A_416 = arith.constant 0 : i32
        %dma_start3A_417 = arith.constant 0 : i32
        %dma_start3A_418 = tpu.memref_slice %arg9[%dma_start3A_416, %dma_start3A_417] : memref<10240x32xf32, #tpu.memory_space<vmem_shared>> -> memref<10240x32xf32, #tpu.memory_space<vmem_shared>>
        tpu.enqueue_indirect_dma source(%dma_start3A_412 : memref<128x32xf32, #tpu.memory_space<vmem>>) target(%dma_start3A_418 : memref<10240x32xf32, #tpu.memory_space<vmem_shared>>) offsets(%dma_start3A_415 : memref<128xi32, #tpu.memory_space<vmem>>) semaphore(%arg17 : memref<!tpu.dma_semaphore, #tpu.memory_space<semaphore_mem>>) {add = true}
      } else {
      }
      %mul3A_227 = arith.constant 5 : i32
      %mul3A_228 = arith.muli %scan3A_200, %mul3A_227 : i32
      %add3A_229 = arith.constant 1 : i32
      %add3A_230 = arith.addi %mul3A_228, %add3A_229 : i32
      %gt3A_231 = arith.constant 0 : i32
      %gt3A_232 = arith.cmpi sgt, %scan3A_200, %gt3A_231 : i32
      %convert_element_type3A_233 = arith.extui %gt3A_232 : i1 to i32
      %cond3A_234 = arith.constant 0 : i32
      %cond3A_235 = arith.cmpi ne, %convert_element_type3A_233, %cond3A_234 : i32
      scf.if %cond3A_235 {
        %dma_wait3A_390 = arith.constant 1 : i32
        %dma_wait3A_391 = arith.constant 0 : i32
        %dma_wait3A_392 = arith.constant 0 : i32
        %dma_wait3A_393 = arith.constant 0 : i32
        %dma_wait3A_394 = tpu.memref_slice %arg7[%dma_wait3A_390, %dma_wait3A_392, %dma_wait3A_393] : memref<5x128x32xf32, #tpu.memory_space<vmem>> -> memref<1x128x32xf32, #tpu.memory_space<vmem>>
        %dma_wait3A_395 = tpu.memref_squeeze %dma_wait3A_394 : memref<1x128x32xf32, #tpu.memory_space<vmem>> -> memref<128x32xf32, #tpu.memory_space<vmem>>
        %dma_wait3A_396 = arith.constant 0 : i32
        %dma_wait3A_397 = tpu.memref_slice %arg6[%dma_wait3A_391, %dma_wait3A_396] : memref<160x128xi32, #tpu.memory_space<vmem>> -> memref<1x128xi32, #tpu.memory_space<vmem>>
        %dma_wait3A_398 = tpu.memref_squeeze %dma_wait3A_397 : memref<1x128xi32, #tpu.memory_space<vmem>> -> memref<128xi32, #tpu.memory_space<vmem>>
        %dma_wait3A_399 = arith.constant 0 : i32
        %dma_wait3A_400 = arith.constant 0 : i32
        %dma_wait3A_401 = tpu.memref_slice %arg9[%dma_wait3A_399, %dma_wait3A_400] : memref<10240x32xf32, #tpu.memory_space<vmem_shared>> -> memref<10240x32xf32, #tpu.memory_space<vmem_shared>>
        tpu.wait_indirect_dma semaphore(%arg16 : memref<!tpu.dma_semaphore, #tpu.memory_space<semaphore_mem>>) src(%dma_wait3A_395 : memref<128x32xf32, #tpu.memory_space<vmem>>) dst(%dma_wait3A_401 : memref<10240x32xf32, #tpu.memory_space<vmem_shared>>)
      } else {
      }
      %dma_start3A_236 = arith.constant 1 : i32
      %dma_start3A_237 = arith.constant 0 : i32
      %dma_start3A_238 = arith.constant 0 : i32
      %dma_start3A_239 = tpu.memref_slice %arg7[%dma_start3A_236, %dma_start3A_237, %dma_start3A_238] : memref<5x128x32xf32, #tpu.memory_space<vmem>> -> memref<1x128x32xf32, #tpu.memory_space<vmem>>
      %dma_start3A_240 = tpu.memref_squeeze %dma_start3A_239 : memref<1x128x32xf32, #tpu.memory_space<vmem>> -> memref<128x32xf32, #tpu.memory_space<vmem>>
      %dma_start3A_241 = arith.constant 0 : i32
      %dma_start3A_242 = tpu.memref_slice %arg5[%add3A_230, %dma_start3A_241] : memref<160x128xi32, #tpu.memory_space<vmem>> -> memref<1x128xi32, #tpu.memory_space<vmem>>
      %dma_start3A_243 = tpu.memref_squeeze %dma_start3A_242 : memref<1x128xi32, #tpu.memory_space<vmem>> -> memref<128xi32, #tpu.memory_space<vmem>>
      %dma_start3A_244 = arith.constant 0 : i32
      %dma_start3A_245 = arith.constant 0 : i32
      %dma_start3A_246 = tpu.memref_slice %arg2[%arg0, %dma_start3A_244, %dma_start3A_245] : memref<2x10240x32xf32, #tpu.memory_space<hbm>> -> memref<1x10240x32xf32, #tpu.memory_space<hbm>>
      %dma_start3A_247 = tpu.memref_squeeze %dma_start3A_246 : memref<1x10240x32xf32, #tpu.memory_space<hbm>> -> memref<10240x32xf32, #tpu.memory_space<hbm>>
      %dma_start3A_248 = arith.constant 0 : i32
      %dma_start3A_249 = arith.constant 0 : i32
      %dma_start3A_250 = tpu.memref_slice %dma_start3A_247[%dma_start3A_248, %dma_start3A_249] : memref<10240x32xf32, #tpu.memory_space<hbm>> -> memref<10240x32xf32, #tpu.memory_space<hbm>>
      tpu.enqueue_indirect_dma source(%dma_start3A_250 : memref<10240x32xf32, #tpu.memory_space<hbm>>) target(%dma_start3A_240 : memref<128x32xf32, #tpu.memory_space<vmem>>) offsets(%dma_start3A_243 : memref<128xi32, #tpu.memory_space<vmem>>) semaphore(%arg11 : memref<!tpu.dma_semaphore, #tpu.memory_space<semaphore_mem>>)
      %gt3A_251 = arith.constant 0 : i32
      %gt3A_252 = arith.cmpi sgt, %scan3A_200, %gt3A_251 : i32
      %convert_element_type3A_253 = arith.extui %gt3A_252 : i1 to i32
      %cond3A_254 = arith.constant 0 : i32
      %cond3A_255 = arith.cmpi ne, %convert_element_type3A_253, %cond3A_254 : i32
      scf.if %cond3A_255 {
        %dma_wait3A_390 = arith.constant 0 : i32
        %dma_wait3A_391 = arith.constant 3 : i32
        %dma_wait3A_392 = arith.constant 0 : i32
        %dma_wait3A_393 = arith.constant 0 : i32
        %dma_wait3A_394 = tpu.memref_slice %arg7[%dma_wait3A_391, %dma_wait3A_392, %dma_wait3A_393] : memref<5x128x32xf32, #tpu.memory_space<vmem>> -> memref<1x128x32xf32, #tpu.memory_space<vmem>>
        %dma_wait3A_395 = tpu.memref_squeeze %dma_wait3A_394 : memref<1x128x32xf32, #tpu.memory_space<vmem>> -> memref<128x32xf32, #tpu.memory_space<vmem>>
        %dma_wait3A_396 = arith.constant 0 : i32
        %dma_wait3A_397 = tpu.memref_slice %arg5[%dma_wait3A_390, %dma_wait3A_396] : memref<160x128xi32, #tpu.memory_space<vmem>> -> memref<1x128xi32, #tpu.memory_space<vmem>>
        %dma_wait3A_398 = tpu.memref_squeeze %dma_wait3A_397 : memref<1x128xi32, #tpu.memory_space<vmem>> -> memref<128xi32, #tpu.memory_space<vmem>>
        %dma_wait3A_399 = arith.constant 0 : i32
        %dma_wait3A_400 = arith.constant 0 : i32
        %dma_wait3A_401 = tpu.memref_slice %arg2[%arg0, %dma_wait3A_399, %dma_wait3A_400] : memref<2x10240x32xf32, #tpu.memory_space<hbm>> -> memref<1x10240x32xf32, #tpu.memory_space<hbm>>
        %dma_wait3A_402 = tpu.memref_squeeze %dma_wait3A_401 : memref<1x10240x32xf32, #tpu.memory_space<hbm>> -> memref<10240x32xf32, #tpu.memory_space<hbm>>
        %dma_wait3A_403 = arith.constant 0 : i32
        %dma_wait3A_404 = arith.constant 0 : i32
        %dma_wait3A_405 = tpu.memref_slice %dma_wait3A_402[%dma_wait3A_403, %dma_wait3A_404] : memref<10240x32xf32, #tpu.memory_space<hbm>> -> memref<10240x32xf32, #tpu.memory_space<hbm>>
        tpu.wait_indirect_dma semaphore(%arg13 : memref<!tpu.dma_semaphore, #tpu.memory_space<semaphore_mem>>) src(%dma_wait3A_405 : memref<10240x32xf32, #tpu.memory_space<hbm>>) dst(%dma_wait3A_395 : memref<128x32xf32, #tpu.memory_space<vmem>>)
        %sub3A_406 = arith.constant 3 : i32
        %sub3A_407 = arith.subi %add3A_230, %sub3A_406 : i32
        %dma_start3A_408 = arith.constant 3 : i32
        %dma_start3A_409 = arith.constant 0 : i32
        %dma_start3A_410 = arith.constant 0 : i32
        %dma_start3A_411 = tpu.memref_slice %arg7[%dma_start3A_408, %dma_start3A_409, %dma_start3A_410] : memref<5x128x32xf32, #tpu.memory_space<vmem>> -> memref<1x128x32xf32, #tpu.memory_space<vmem>>
        %dma_start3A_412 = tpu.memref_squeeze %dma_start3A_411 : memref<1x128x32xf32, #tpu.memory_space<vmem>> -> memref<128x32xf32, #tpu.memory_space<vmem>>
        %dma_start3A_413 = arith.constant 0 : i32
        %dma_start3A_414 = tpu.memref_slice %arg6[%sub3A_407, %dma_start3A_413] : memref<160x128xi32, #tpu.memory_space<vmem>> -> memref<1x128xi32, #tpu.memory_space<vmem>>
        %dma_start3A_415 = tpu.memref_squeeze %dma_start3A_414 : memref<1x128xi32, #tpu.memory_space<vmem>> -> memref<128xi32, #tpu.memory_space<vmem>>
        %dma_start3A_416 = arith.constant 0 : i32
        %dma_start3A_417 = arith.constant 0 : i32
        %dma_start3A_418 = tpu.memref_slice %arg9[%dma_start3A_416, %dma_start3A_417] : memref<10240x32xf32, #tpu.memory_space<vmem_shared>> -> memref<10240x32xf32, #tpu.memory_space<vmem_shared>>
        tpu.enqueue_indirect_dma source(%dma_start3A_412 : memref<128x32xf32, #tpu.memory_space<vmem>>) target(%dma_start3A_418 : memref<10240x32xf32, #tpu.memory_space<vmem_shared>>) offsets(%dma_start3A_415 : memref<128xi32, #tpu.memory_space<vmem>>) semaphore(%arg18 : memref<!tpu.dma_semaphore, #tpu.memory_space<semaphore_mem>>) {add = true}
      } else {
      }
      %mul3A_256 = arith.constant 5 : i32
      %mul3A_257 = arith.muli %scan3A_200, %mul3A_256 : i32
      %add3A_258 = arith.constant 2 : i32
      %add3A_259 = arith.addi %mul3A_257, %add3A_258 : i32
      %gt3A_260 = arith.constant 0 : i32
      %gt3A_261 = arith.cmpi sgt, %scan3A_200, %gt3A_260 : i32
      %convert_element_type3A_262 = arith.extui %gt3A_261 : i1 to i32
      %cond3A_263 = arith.constant 0 : i32
      %cond3A_264 = arith.cmpi ne, %convert_element_type3A_262, %cond3A_263 : i32
      scf.if %cond3A_264 {
        %dma_wait3A_390 = arith.constant 2 : i32
        %dma_wait3A_391 = arith.constant 0 : i32
        %dma_wait3A_392 = arith.constant 0 : i32
        %dma_wait3A_393 = arith.constant 0 : i32
        %dma_wait3A_394 = tpu.memref_slice %arg7[%dma_wait3A_390, %dma_wait3A_392, %dma_wait3A_393] : memref<5x128x32xf32, #tpu.memory_space<vmem>> -> memref<1x128x32xf32, #tpu.memory_space<vmem>>
        %dma_wait3A_395 = tpu.memref_squeeze %dma_wait3A_394 : memref<1x128x32xf32, #tpu.memory_space<vmem>> -> memref<128x32xf32, #tpu.memory_space<vmem>>
        %dma_wait3A_396 = arith.constant 0 : i32
        %dma_wait3A_397 = tpu.memref_slice %arg6[%dma_wait3A_391, %dma_wait3A_396] : memref<160x128xi32, #tpu.memory_space<vmem>> -> memref<1x128xi32, #tpu.memory_space<vmem>>
        %dma_wait3A_398 = tpu.memref_squeeze %dma_wait3A_397 : memref<1x128xi32, #tpu.memory_space<vmem>> -> memref<128xi32, #tpu.memory_space<vmem>>
        %dma_wait3A_399 = arith.constant 0 : i32
        %dma_wait3A_400 = arith.constant 0 : i32
        %dma_wait3A_401 = tpu.memref_slice %arg9[%dma_wait3A_399, %dma_wait3A_400] : memref<10240x32xf32, #tpu.memory_space<vmem_shared>> -> memref<10240x32xf32, #tpu.memory_space<vmem_shared>>
        tpu.wait_indirect_dma semaphore(%arg17 : memref<!tpu.dma_semaphore, #tpu.memory_space<semaphore_mem>>) src(%dma_wait3A_395 : memref<128x32xf32, #tpu.memory_space<vmem>>) dst(%dma_wait3A_401 : memref<10240x32xf32, #tpu.memory_space<vmem_shared>>)
      } else {
      }
      %dma_start3A_265 = arith.constant 2 : i32
      %dma_start3A_266 = arith.constant 0 : i32
      %dma_start3A_267 = arith.constant 0 : i32
      %dma_start3A_268 = tpu.memref_slice %arg7[%dma_start3A_265, %dma_start3A_266, %dma_start3A_267] : memref<5x128x32xf32, #tpu.memory_space<vmem>> -> memref<1x128x32xf32, #tpu.memory_space<vmem>>
      %dma_start3A_269 = tpu.memref_squeeze %dma_start3A_268 : memref<1x128x32xf32, #tpu.memory_space<vmem>> -> memref<128x32xf32, #tpu.memory_space<vmem>>
      %dma_start3A_270 = arith.constant 0 : i32
      %dma_start3A_271 = tpu.memref_slice %arg5[%add3A_259, %dma_start3A_270] : memref<160x128xi32, #tpu.memory_space<vmem>> -> memref<1x128xi32, #tpu.memory_space<vmem>>
      %dma_start3A_272 = tpu.memref_squeeze %dma_start3A_271 : memref<1x128xi32, #tpu.memory_space<vmem>> -> memref<128xi32, #tpu.memory_space<vmem>>
      %dma_start3A_273 = arith.constant 0 : i32
      %dma_start3A_274 = arith.constant 0 : i32
      %dma_start3A_275 = tpu.memref_slice %arg2[%arg0, %dma_start3A_273, %dma_start3A_274] : memref<2x10240x32xf32, #tpu.memory_space<hbm>> -> memref<1x10240x32xf32, #tpu.memory_space<hbm>>
      %dma_start3A_276 = tpu.memref_squeeze %dma_start3A_275 : memref<1x10240x32xf32, #tpu.memory_space<hbm>> -> memref<10240x32xf32, #tpu.memory_space<hbm>>
      %dma_start3A_277 = arith.constant 0 : i32
      %dma_start3A_278 = arith.constant 0 : i32
      %dma_start3A_279 = tpu.memref_slice %dma_start3A_276[%dma_start3A_277, %dma_start3A_278] : memref<10240x32xf32, #tpu.memory_space<hbm>> -> memref<10240x32xf32, #tpu.memory_space<hbm>>
      tpu.enqueue_indirect_dma source(%dma_start3A_279 : memref<10240x32xf32, #tpu.memory_space<hbm>>) target(%dma_start3A_269 : memref<128x32xf32, #tpu.memory_space<vmem>>) offsets(%dma_start3A_272 : memref<128xi32, #tpu.memory_space<vmem>>) semaphore(%arg12 : memref<!tpu.dma_semaphore, #tpu.memory_space<semaphore_mem>>)
      %gt3A_280 = arith.constant 0 : i32
      %gt3A_281 = arith.cmpi sgt, %scan3A_200, %gt3A_280 : i32
      %convert_element_type3A_282 = arith.extui %gt3A_281 : i1 to i32
      %cond3A_283 = arith.constant 0 : i32
      %cond3A_284 = arith.cmpi ne, %convert_element_type3A_282, %cond3A_283 : i32
      scf.if %cond3A_284 {
        %dma_wait3A_390 = arith.constant 0 : i32
        %dma_wait3A_391 = arith.constant 4 : i32
        %dma_wait3A_392 = arith.constant 0 : i32
        %dma_wait3A_393 = arith.constant 0 : i32
        %dma_wait3A_394 = tpu.memref_slice %arg7[%dma_wait3A_391, %dma_wait3A_392, %dma_wait3A_393] : memref<5x128x32xf32, #tpu.memory_space<vmem>> -> memref<1x128x32xf32, #tpu.memory_space<vmem>>
        %dma_wait3A_395 = tpu.memref_squeeze %dma_wait3A_394 : memref<1x128x32xf32, #tpu.memory_space<vmem>> -> memref<128x32xf32, #tpu.memory_space<vmem>>
        %dma_wait3A_396 = arith.constant 0 : i32
        %dma_wait3A_397 = tpu.memref_slice %arg5[%dma_wait3A_390, %dma_wait3A_396] : memref<160x128xi32, #tpu.memory_space<vmem>> -> memref<1x128xi32, #tpu.memory_space<vmem>>
        %dma_wait3A_398 = tpu.memref_squeeze %dma_wait3A_397 : memref<1x128xi32, #tpu.memory_space<vmem>> -> memref<128xi32, #tpu.memory_space<vmem>>
        %dma_wait3A_399 = arith.constant 0 : i32
        %dma_wait3A_400 = arith.constant 0 : i32
        %dma_wait3A_401 = tpu.memref_slice %arg2[%arg0, %dma_wait3A_399, %dma_wait3A_400] : memref<2x10240x32xf32, #tpu.memory_space<hbm>> -> memref<1x10240x32xf32, #tpu.memory_space<hbm>>
        %dma_wait3A_402 = tpu.memref_squeeze %dma_wait3A_401 : memref<1x10240x32xf32, #tpu.memory_space<hbm>> -> memref<10240x32xf32, #tpu.memory_space<hbm>>
        %dma_wait3A_403 = arith.constant 0 : i32
        %dma_wait3A_404 = arith.constant 0 : i32
        %dma_wait3A_405 = tpu.memref_slice %dma_wait3A_402[%dma_wait3A_403, %dma_wait3A_404] : memref<10240x32xf32, #tpu.memory_space<hbm>> -> memref<10240x32xf32, #tpu.memory_space<hbm>>
        tpu.wait_indirect_dma semaphore(%arg14 : memref<!tpu.dma_semaphore, #tpu.memory_space<semaphore_mem>>) src(%dma_wait3A_405 : memref<10240x32xf32, #tpu.memory_space<hbm>>) dst(%dma_wait3A_395 : memref<128x32xf32, #tpu.memory_space<vmem>>)
        %sub3A_406 = arith.constant 3 : i32
        %sub3A_407 = arith.subi %add3A_259, %sub3A_406 : i32
        %dma_start3A_408 = arith.constant 4 : i32
        %dma_start3A_409 = arith.constant 0 : i32
        %dma_start3A_410 = arith.constant 0 : i32
        %dma_start3A_411 = tpu.memref_slice %arg7[%dma_start3A_408, %dma_start3A_409, %dma_start3A_410] : memref<5x128x32xf32, #tpu.memory_space<vmem>> -> memref<1x128x32xf32, #tpu.memory_space<vmem>>
        %dma_start3A_412 = tpu.memref_squeeze %dma_start3A_411 : memref<1x128x32xf32, #tpu.memory_space<vmem>> -> memref<128x32xf32, #tpu.memory_space<vmem>>
        %dma_start3A_413 = arith.constant 0 : i32
        %dma_start3A_414 = tpu.memref_slice %arg6[%sub3A_407, %dma_start3A_413] : memref<160x128xi32, #tpu.memory_space<vmem>> -> memref<1x128xi32, #tpu.memory_space<vmem>>
        %dma_start3A_415 = tpu.memref_squeeze %dma_start3A_414 : memref<1x128xi32, #tpu.memory_space<vmem>> -> memref<128xi32, #tpu.memory_space<vmem>>
        %dma_start3A_416 = arith.constant 0 : i32
        %dma_start3A_417 = arith.constant 0 : i32
        %dma_start3A_418 = tpu.memref_slice %arg9[%dma_start3A_416, %dma_start3A_417] : memref<10240x32xf32, #tpu.memory_space<vmem_shared>> -> memref<10240x32xf32, #tpu.memory_space<vmem_shared>>
        tpu.enqueue_indirect_dma source(%dma_start3A_412 : memref<128x32xf32, #tpu.memory_space<vmem>>) target(%dma_start3A_418 : memref<10240x32xf32, #tpu.memory_space<vmem_shared>>) offsets(%dma_start3A_415 : memref<128xi32, #tpu.memory_space<vmem>>) semaphore(%arg19 : memref<!tpu.dma_semaphore, #tpu.memory_space<semaphore_mem>>) {add = true}
      } else {
      }
      %mul3A_285 = arith.constant 5 : i32
      %mul3A_286 = arith.muli %scan3A_200, %mul3A_285 : i32
      %add3A_287 = arith.constant 3 : i32
      %add3A_288 = arith.addi %mul3A_286, %add3A_287 : i32
      %gt3A_289 = arith.constant 0 : i32
      %gt3A_290 = arith.cmpi sgt, %scan3A_200, %gt3A_289 : i32
      %convert_element_type3A_291 = arith.extui %gt3A_290 : i1 to i32
      %cond3A_292 = arith.constant 0 : i32
      %cond3A_293 = arith.cmpi ne, %convert_element_type3A_291, %cond3A_292 : i32
      scf.if %cond3A_293 {
        %dma_wait3A_390 = arith.constant 3 : i32
        %dma_wait3A_391 = arith.constant 0 : i32
        %dma_wait3A_392 = arith.constant 0 : i32
        %dma_wait3A_393 = arith.constant 0 : i32
        %dma_wait3A_394 = tpu.memref_slice %arg7[%dma_wait3A_390, %dma_wait3A_392, %dma_wait3A_393] : memref<5x128x32xf32, #tpu.memory_space<vmem>> -> memref<1x128x32xf32, #tpu.memory_space<vmem>>
        %dma_wait3A_395 = tpu.memref_squeeze %dma_wait3A_394 : memref<1x128x32xf32, #tpu.memory_space<vmem>> -> memref<128x32xf32, #tpu.memory_space<vmem>>
        %dma_wait3A_396 = arith.constant 0 : i32
        %dma_wait3A_397 = tpu.memref_slice %arg6[%dma_wait3A_391, %dma_wait3A_396] : memref<160x128xi32, #tpu.memory_space<vmem>> -> memref<1x128xi32, #tpu.memory_space<vmem>>
        %dma_wait3A_398 = tpu.memref_squeeze %dma_wait3A_397 : memref<1x128xi32, #tpu.memory_space<vmem>> -> memref<128xi32, #tpu.memory_space<vmem>>
        %dma_wait3A_399 = arith.constant 0 : i32
        %dma_wait3A_400 = arith.constant 0 : i32
        %dma_wait3A_401 = tpu.memref_slice %arg9[%dma_wait3A_399, %dma_wait3A_400] : memref<10240x32xf32, #tpu.memory_space<vmem_shared>> -> memref<10240x32xf32, #tpu.memory_space<vmem_shared>>
        tpu.wait_indirect_dma semaphore(%arg18 : memref<!tpu.dma_semaphore, #tpu.memory_space<semaphore_mem>>) src(%dma_wait3A_395 : memref<128x32xf32, #tpu.memory_space<vmem>>) dst(%dma_wait3A_401 : memref<10240x32xf32, #tpu.memory_space<vmem_shared>>)
      } else {
      }
      %dma_start3A_294 = arith.constant 3 : i32
      %dma_start3A_295 = arith.constant 0 : i32
      %dma_start3A_296 = arith.constant 0 : i32
      %dma_start3A_297 = tpu.memref_slice %arg7[%dma_start3A_294, %dma_start3A_295, %dma_start3A_296] : memref<5x128x32xf32, #tpu.memory_space<vmem>> -> memref<1x128x32xf32, #tpu.memory_space<vmem>>
      %dma_start3A_298 = tpu.memref_squeeze %dma_start3A_297 : memref<1x128x32xf32, #tpu.memory_space<vmem>> -> memref<128x32xf32, #tpu.memory_space<vmem>>
      %dma_start3A_299 = arith.constant 0 : i32
      %dma_start3A_300 = tpu.memref_slice %arg5[%add3A_288, %dma_start3A_299] : memref<160x128xi32, #tpu.memory_space<vmem>> -> memref<1x128xi32, #tpu.memory_space<vmem>>
      %dma_start3A_301 = tpu.memref_squeeze %dma_start3A_300 : memref<1x128xi32, #tpu.memory_space<vmem>> -> memref<128xi32, #tpu.memory_space<vmem>>
      %dma_start3A_302 = arith.constant 0 : i32
      %dma_start3A_303 = arith.constant 0 : i32
      %dma_start3A_304 = tpu.memref_slice %arg2[%arg0, %dma_start3A_302, %dma_start3A_303] : memref<2x10240x32xf32, #tpu.memory_space<hbm>> -> memref<1x10240x32xf32, #tpu.memory_space<hbm>>
      %dma_start3A_305 = tpu.memref_squeeze %dma_start3A_304 : memref<1x10240x32xf32, #tpu.memory_space<hbm>> -> memref<10240x32xf32, #tpu.memory_space<hbm>>
      %dma_start3A_306 = arith.constant 0 : i32
      %dma_start3A_307 = arith.constant 0 : i32
      %dma_start3A_308 = tpu.memref_slice %dma_start3A_305[%dma_start3A_306, %dma_start3A_307] : memref<10240x32xf32, #tpu.memory_space<hbm>> -> memref<10240x32xf32, #tpu.memory_space<hbm>>
      tpu.enqueue_indirect_dma source(%dma_start3A_308 : memref<10240x32xf32, #tpu.memory_space<hbm>>) target(%dma_start3A_298 : memref<128x32xf32, #tpu.memory_space<vmem>>) offsets(%dma_start3A_301 : memref<128xi32, #tpu.memory_space<vmem>>) semaphore(%arg13 : memref<!tpu.dma_semaphore, #tpu.memory_space<semaphore_mem>>)
      %dma_wait3A_309 = arith.constant 0 : i32
      %dma_wait3A_310 = arith.constant 0 : i32
      %dma_wait3A_311 = arith.constant 0 : i32
      %dma_wait3A_312 = arith.constant 0 : i32
      %dma_wait3A_313 = tpu.memref_slice %arg7[%dma_wait3A_310, %dma_wait3A_311, %dma_wait3A_312] : memref<5x128x32xf32, #tpu.memory_space<vmem>> -> memref<1x128x32xf32, #tpu.memory_space<vmem>>
      %dma_wait3A_314 = tpu.memref_squeeze %dma_wait3A_313 : memref<1x128x32xf32, #tpu.memory_space<vmem>> -> memref<128x32xf32, #tpu.memory_space<vmem>>
      %dma_wait3A_315 = arith.constant 0 : i32
      %dma_wait3A_316 = tpu.memref_slice %arg5[%dma_wait3A_309, %dma_wait3A_315] : memref<160x128xi32, #tpu.memory_space<vmem>> -> memref<1x128xi32, #tpu.memory_space<vmem>>
      %dma_wait3A_317 = tpu.memref_squeeze %dma_wait3A_316 : memref<1x128xi32, #tpu.memory_space<vmem>> -> memref<128xi32, #tpu.memory_space<vmem>>
      %dma_wait3A_318 = arith.constant 0 : i32
      %dma_wait3A_319 = arith.constant 0 : i32
      %dma_wait3A_320 = tpu.memref_slice %arg2[%arg0, %dma_wait3A_318, %dma_wait3A_319] : memref<2x10240x32xf32, #tpu.memory_space<hbm>> -> memref<1x10240x32xf32, #tpu.memory_space<hbm>>
      %dma_wait3A_321 = tpu.memref_squeeze %dma_wait3A_320 : memref<1x10240x32xf32, #tpu.memory_space<hbm>> -> memref<10240x32xf32, #tpu.memory_space<hbm>>
      %dma_wait3A_322 = arith.constant 0 : i32
      %dma_wait3A_323 = arith.constant 0 : i32
      %dma_wait3A_324 = tpu.memref_slice %dma_wait3A_321[%dma_wait3A_322, %dma_wait3A_323] : memref<10240x32xf32, #tpu.memory_space<hbm>> -> memref<10240x32xf32, #tpu.memory_space<hbm>>
      tpu.wait_indirect_dma semaphore(%arg10 : memref<!tpu.dma_semaphore, #tpu.memory_space<semaphore_mem>>) src(%dma_wait3A_324 : memref<10240x32xf32, #tpu.memory_space<hbm>>) dst(%dma_wait3A_314 : memref<128x32xf32, #tpu.memory_space<vmem>>)
      %sub3A = arith.constant 3 : i32
      %sub3A_325 = arith.subi %add3A_288, %sub3A : i32
      %dma_start3A_326 = arith.constant 0 : i32
      %dma_start3A_327 = arith.constant 0 : i32
      %dma_start3A_328 = arith.constant 0 : i32
      %dma_start3A_329 = tpu.memref_slice %arg7[%dma_start3A_326, %dma_start3A_327, %dma_start3A_328] : memref<5x128x32xf32, #tpu.memory_space<vmem>> -> memref<1x128x32xf32, #tpu.memory_space<vmem>>
      %dma_start3A_330 = tpu.memref_squeeze %dma_start3A_329 : memref<1x128x32xf32, #tpu.memory_space<vmem>> -> memref<128x32xf32, #tpu.memory_space<vmem>>
      %dma_start3A_331 = arith.constant 0 : i32
      %dma_start3A_332 = tpu.memref_slice %arg6[%sub3A_325, %dma_start3A_331] : memref<160x128xi32, #tpu.memory_space<vmem>> -> memref<1x128xi32, #tpu.memory_space<vmem>>
      %dma_start3A_333 = tpu.memref_squeeze %dma_start3A_332 : memref<1x128xi32, #tpu.memory_space<vmem>> -> memref<128xi32, #tpu.memory_space<vmem>>
      %dma_start3A_334 = arith.constant 0 : i32
      %dma_start3A_335 = arith.constant 0 : i32
      %dma_start3A_336 = tpu.memref_slice %arg9[%dma_start3A_334, %dma_start3A_335] : memref<10240x32xf32, #tpu.memory_space<vmem_shared>> -> memref<10240x32xf32, #tpu.memory_space<vmem_shared>>
      tpu.enqueue_indirect_dma source(%dma_start3A_330 : memref<128x32xf32, #tpu.memory_space<vmem>>) target(%dma_start3A_336 : memref<10240x32xf32, #tpu.memory_space<vmem_shared>>) offsets(%dma_start3A_333 : memref<128xi32, #tpu.memory_space<vmem>>) semaphore(%arg15 : memref<!tpu.dma_semaphore, #tpu.memory_space<semaphore_mem>>) {add = true}
      %mul3A_337 = arith.constant 5 : i32
      %mul3A_338 = arith.muli %scan3A_200, %mul3A_337 : i32
      %add3A_339 = arith.constant 4 : i32
      %add3A_340 = arith.addi %mul3A_338, %add3A_339 : i32
      %gt3A_341 = arith.constant 0 : i32
      %gt3A_342 = arith.cmpi sgt, %scan3A_200, %gt3A_341 : i32
      %convert_element_type3A_343 = arith.extui %gt3A_342 : i1 to i32
      %cond3A_344 = arith.constant 0 : i32
      %cond3A_345 = arith.cmpi ne, %convert_element_type3A_343, %cond3A_344 : i32
      scf.if %cond3A_345 {
        %dma_wait3A_390 = arith.constant 4 : i32
        %dma_wait3A_391 = arith.constant 0 : i32
        %dma_wait3A_392 = arith.constant 0 : i32
        %dma_wait3A_393 = arith.constant 0 : i32
        %dma_wait3A_394 = tpu.memref_slice %arg7[%dma_wait3A_390, %dma_wait3A_392, %dma_wait3A_393] : memref<5x128x32xf32, #tpu.memory_space<vmem>> -> memref<1x128x32xf32, #tpu.memory_space<vmem>>
        %dma_wait3A_395 = tpu.memref_squeeze %dma_wait3A_394 : memref<1x128x32xf32, #tpu.memory_space<vmem>> -> memref<128x32xf32, #tpu.memory_space<vmem>>
        %dma_wait3A_396 = arith.constant 0 : i32
        %dma_wait3A_397 = tpu.memref_slice %arg6[%dma_wait3A_391, %dma_wait3A_396] : memref<160x128xi32, #tpu.memory_space<vmem>> -> memref<1x128xi32, #tpu.memory_space<vmem>>
        %dma_wait3A_398 = tpu.memref_squeeze %dma_wait3A_397 : memref<1x128xi32, #tpu.memory_space<vmem>> -> memref<128xi32, #tpu.memory_space<vmem>>
        %dma_wait3A_399 = arith.constant 0 : i32
        %dma_wait3A_400 = arith.constant 0 : i32
        %dma_wait3A_401 = tpu.memref_slice %arg9[%dma_wait3A_399, %dma_wait3A_400] : memref<10240x32xf32, #tpu.memory_space<vmem_shared>> -> memref<10240x32xf32, #tpu.memory_space<vmem_shared>>
        tpu.wait_indirect_dma semaphore(%arg19 : memref<!tpu.dma_semaphore, #tpu.memory_space<semaphore_mem>>) src(%dma_wait3A_395 : memref<128x32xf32, #tpu.memory_space<vmem>>) dst(%dma_wait3A_401 : memref<10240x32xf32, #tpu.memory_space<vmem_shared>>)
      } else {
      }
      %dma_start3A_346 = arith.constant 4 : i32
      %dma_start3A_347 = arith.constant 0 : i32
      %dma_start3A_348 = arith.constant 0 : i32
      %dma_start3A_349 = tpu.memref_slice %arg7[%dma_start3A_346, %dma_start3A_347, %dma_start3A_348] : memref<5x128x32xf32, #tpu.memory_space<vmem>> -> memref<1x128x32xf32, #tpu.memory_space<vmem>>
      %dma_start3A_350 = tpu.memref_squeeze %dma_start3A_349 : memref<1x128x32xf32, #tpu.memory_space<vmem>> -> memref<128x32xf32, #tpu.memory_space<vmem>>
      %dma_start3A_351 = arith.constant 0 : i32
      %dma_start3A_352 = tpu.memref_slice %arg5[%add3A_340, %dma_start3A_351] : memref<160x128xi32, #tpu.memory_space<vmem>> -> memref<1x128xi32, #tpu.memory_space<vmem>>
      %dma_start3A_353 = tpu.memref_squeeze %dma_start3A_352 : memref<1x128xi32, #tpu.memory_space<vmem>> -> memref<128xi32, #tpu.memory_space<vmem>>
      %dma_start3A_354 = arith.constant 0 : i32
      %dma_start3A_355 = arith.constant 0 : i32
      %dma_start3A_356 = tpu.memref_slice %arg2[%arg0, %dma_start3A_354, %dma_start3A_355] : memref<2x10240x32xf32, #tpu.memory_space<hbm>> -> memref<1x10240x32xf32, #tpu.memory_space<hbm>>
      %dma_start3A_357 = tpu.memref_squeeze %dma_start3A_356 : memref<1x10240x32xf32, #tpu.memory_space<hbm>> -> memref<10240x32xf32, #tpu.memory_space<hbm>>
      %dma_start3A_358 = arith.constant 0 : i32
      %dma_start3A_359 = arith.constant 0 : i32
      %dma_start3A_360 = tpu.memref_slice %dma_start3A_357[%dma_start3A_358, %dma_start3A_359] : memref<10240x32xf32, #tpu.memory_space<hbm>> -> memref<10240x32xf32, #tpu.memory_space<hbm>>
      tpu.enqueue_indirect_dma source(%dma_start3A_360 : memref<10240x32xf32, #tpu.memory_space<hbm>>) target(%dma_start3A_350 : memref<128x32xf32, #tpu.memory_space<vmem>>) offsets(%dma_start3A_353 : memref<128xi32, #tpu.memory_space<vmem>>) semaphore(%arg14 : memref<!tpu.dma_semaphore, #tpu.memory_space<semaphore_mem>>)
      %dma_wait3A_361 = arith.constant 0 : i32
      %dma_wait3A_362 = arith.constant 1 : i32
      %dma_wait3A_363 = arith.constant 0 : i32
      %dma_wait3A_364 = arith.constant 0 : i32
      %dma_wait3A_365 = tpu.memref_slice %arg7[%dma_wait3A_362, %dma_wait3A_363, %dma_wait3A_364] : memref<5x128x32xf32, #tpu.memory_space<vmem>> -> memref<1x128x32xf32, #tpu.memory_space<vmem>>
      %dma_wait3A_366 = tpu.memref_squeeze %dma_wait3A_365 : memref<1x128x32xf32, #tpu.memory_space<vmem>> -> memref<128x32xf32, #tpu.memory_space<vmem>>
      %dma_wait3A_367 = arith.constant 0 : i32
      %dma_wait3A_368 = tpu.memref_slice %arg5[%dma_wait3A_361, %dma_wait3A_367] : memref<160x128xi32, #tpu.memory_space<vmem>> -> memref<1x128xi32, #tpu.memory_space<vmem>>
      %dma_wait3A_369 = tpu.memref_squeeze %dma_wait3A_368 : memref<1x128xi32, #tpu.memory_space<vmem>> -> memref<128xi32, #tpu.memory_space<vmem>>
      %dma_wait3A_370 = arith.constant 0 : i32
      %dma_wait3A_371 = arith.constant 0 : i32
      %dma_wait3A_372 = tpu.memref_slice %arg2[%arg0, %dma_wait3A_370, %dma_wait3A_371] : memref<2x10240x32xf32, #tpu.memory_space<hbm>> -> memref<1x10240x32xf32, #tpu.memory_space<hbm>>
      %dma_wait3A_373 = tpu.memref_squeeze %dma_wait3A_372 : memref<1x10240x32xf32, #tpu.memory_space<hbm>> -> memref<10240x32xf32, #tpu.memory_space<hbm>>
      %dma_wait3A_374 = arith.constant 0 : i32
      %dma_wait3A_375 = arith.constant 0 : i32
      %dma_wait3A_376 = tpu.memref_slice %dma_wait3A_373[%dma_wait3A_374, %dma_wait3A_375] : memref<10240x32xf32, #tpu.memory_space<hbm>> -> memref<10240x32xf32, #tpu.memory_space<hbm>>
      tpu.wait_indirect_dma semaphore(%arg11 : memref<!tpu.dma_semaphore, #tpu.memory_space<semaphore_mem>>) src(%dma_wait3A_376 : memref<10240x32xf32, #tpu.memory_space<hbm>>) dst(%dma_wait3A_366 : memref<128x32xf32, #tpu.memory_space<vmem>>)
      %sub3A_377 = arith.constant 3 : i32
      %sub3A_378 = arith.subi %add3A_340, %sub3A_377 : i32
      %dma_start3A_379 = arith.constant 1 : i32
      %dma_start3A_380 = arith.constant 0 : i32
      %dma_start3A_381 = arith.constant 0 : i32
      %dma_start3A_382 = tpu.memref_slice %arg7[%dma_start3A_379, %dma_start3A_380, %dma_start3A_381] : memref<5x128x32xf32, #tpu.memory_space<vmem>> -> memref<1x128x32xf32, #tpu.memory_space<vmem>>
      %dma_start3A_383 = tpu.memref_squeeze %dma_start3A_382 : memref<1x128x32xf32, #tpu.memory_space<vmem>> -> memref<128x32xf32, #tpu.memory_space<vmem>>
      %dma_start3A_384 = arith.constant 0 : i32
      %dma_start3A_385 = tpu.memref_slice %arg6[%sub3A_378, %dma_start3A_384] : memref<160x128xi32, #tpu.memory_space<vmem>> -> memref<1x128xi32, #tpu.memory_space<vmem>>
      %dma_start3A_386 = tpu.memref_squeeze %dma_start3A_385 : memref<1x128xi32, #tpu.memory_space<vmem>> -> memref<128xi32, #tpu.memory_space<vmem>>
      %dma_start3A_387 = arith.constant 0 : i32
      %dma_start3A_388 = arith.constant 0 : i32
      %dma_start3A_389 = tpu.memref_slice %arg9[%dma_start3A_387, %dma_start3A_388] : memref<10240x32xf32, #tpu.memory_space<vmem_shared>> -> memref<10240x32xf32, #tpu.memory_space<vmem_shared>>
      tpu.enqueue_indirect_dma source(%dma_start3A_383 : memref<128x32xf32, #tpu.memory_space<vmem>>) target(%dma_start3A_389 : memref<10240x32xf32, #tpu.memory_space<vmem_shared>>) offsets(%dma_start3A_386 : memref<128xi32, #tpu.memory_space<vmem>>) semaphore(%arg16 : memref<!tpu.dma_semaphore, #tpu.memory_space<semaphore_mem>>) {add = true}
    }
    %scan3A_52 = arith.constant 32 : i32
    %dma_wait3A = arith.constant 0 : i32
    %dma_wait3A_53 = arith.constant 2 : i32
    %dma_wait3A_54 = arith.constant 0 : i32
    %dma_wait3A_55 = arith.constant 0 : i32
    %dma_wait3A_56 = tpu.memref_slice %arg7[%dma_wait3A_53, %dma_wait3A_54, %dma_wait3A_55] : memref<5x128x32xf32, #tpu.memory_space<vmem>> -> memref<1x128x32xf32, #tpu.memory_space<vmem>>
    %dma_wait3A_57 = tpu.memref_squeeze %dma_wait3A_56 : memref<1x128x32xf32, #tpu.memory_space<vmem>> -> memref<128x32xf32, #tpu.memory_space<vmem>>
    %dma_wait3A_58 = arith.constant 0 : i32
    %dma_wait3A_59 = tpu.memref_slice %arg5[%dma_wait3A, %dma_wait3A_58] : memref<160x128xi32, #tpu.memory_space<vmem>> -> memref<1x128xi32, #tpu.memory_space<vmem>>
    %dma_wait3A_60 = tpu.memref_squeeze %dma_wait3A_59 : memref<1x128xi32, #tpu.memory_space<vmem>> -> memref<128xi32, #tpu.memory_space<vmem>>
    %dma_wait3A_61 = arith.constant 0 : i32
    %dma_wait3A_62 = arith.constant 0 : i32
    %dma_wait3A_63 = tpu.memref_slice %arg2[%arg0, %dma_wait3A_61, %dma_wait3A_62] : memref<2x10240x32xf32, #tpu.memory_space<hbm>> -> memref<1x10240x32xf32, #tpu.memory_space<hbm>>
    %dma_wait3A_64 = tpu.memref_squeeze %dma_wait3A_63 : memref<1x10240x32xf32, #tpu.memory_space<hbm>> -> memref<10240x32xf32, #tpu.memory_space<hbm>>
    %dma_wait3A_65 = arith.constant 0 : i32
    %dma_wait3A_66 = arith.constant 0 : i32
    %dma_wait3A_67 = tpu.memref_slice %dma_wait3A_64[%dma_wait3A_65, %dma_wait3A_66] : memref<10240x32xf32, #tpu.memory_space<hbm>> -> memref<10240x32xf32, #tpu.memory_space<hbm>>
    tpu.wait_indirect_dma semaphore(%arg12 : memref<!tpu.dma_semaphore, #tpu.memory_space<semaphore_mem>>) src(%dma_wait3A_67 : memref<10240x32xf32, #tpu.memory_space<hbm>>) dst(%dma_wait3A_57 : memref<128x32xf32, #tpu.memory_space<vmem>>)
    %dma_start3A = arith.constant 2 : i32
    %dma_start3A_68 = arith.constant 157 : i32
    %dma_start3A_69 = arith.constant 0 : i32
    %dma_start3A_70 = arith.constant 0 : i32
    %dma_start3A_71 = tpu.memref_slice %arg7[%dma_start3A, %dma_start3A_69, %dma_start3A_70] : memref<5x128x32xf32, #tpu.memory_space<vmem>> -> memref<1x128x32xf32, #tpu.memory_space<vmem>>
    %dma_start3A_72 = tpu.memref_squeeze %dma_start3A_71 : memref<1x128x32xf32, #tpu.memory_space<vmem>> -> memref<128x32xf32, #tpu.memory_space<vmem>>
    %dma_start3A_73 = arith.constant 0 : i32
    %dma_start3A_74 = tpu.memref_slice %arg6[%dma_start3A_68, %dma_start3A_73] : memref<160x128xi32, #tpu.memory_space<vmem>> -> memref<1x128xi32, #tpu.memory_space<vmem>>
    %dma_start3A_75 = tpu.memref_squeeze %dma_start3A_74 : memref<1x128xi32, #tpu.memory_space<vmem>> -> memref<128xi32, #tpu.memory_space<vmem>>
    %dma_start3A_76 = arith.constant 0 : i32
    %dma_start3A_77 = arith.constant 0 : i32
    %dma_start3A_78 = tpu.memref_slice %arg9[%dma_start3A_76, %dma_start3A_77] : memref<10240x32xf32, #tpu.memory_space<vmem_shared>> -> memref<10240x32xf32, #tpu.memory_space<vmem_shared>>
    tpu.enqueue_indirect_dma source(%dma_start3A_72 : memref<128x32xf32, #tpu.memory_space<vmem>>) target(%dma_start3A_78 : memref<10240x32xf32, #tpu.memory_space<vmem_shared>>) offsets(%dma_start3A_75 : memref<128xi32, #tpu.memory_space<vmem>>) semaphore(%arg17 : memref<!tpu.dma_semaphore, #tpu.memory_space<semaphore_mem>>) {add = true}
    %dma_wait3A_79 = arith.constant 0 : i32
    %dma_wait3A_80 = arith.constant 3 : i32
    %dma_wait3A_81 = arith.constant 0 : i32
    %dma_wait3A_82 = arith.constant 0 : i32
    %dma_wait3A_83 = tpu.memref_slice %arg7[%dma_wait3A_80, %dma_wait3A_81, %dma_wait3A_82] : memref<5x128x32xf32, #tpu.memory_space<vmem>> -> memref<1x128x32xf32, #tpu.memory_space<vmem>>
    %dma_wait3A_84 = tpu.memref_squeeze %dma_wait3A_83 : memref<1x128x32xf32, #tpu.memory_space<vmem>> -> memref<128x32xf32, #tpu.memory_space<vmem>>
    %dma_wait3A_85 = arith.constant 0 : i32
    %dma_wait3A_86 = tpu.memref_slice %arg5[%dma_wait3A_79, %dma_wait3A_85] : memref<160x128xi32, #tpu.memory_space<vmem>> -> memref<1x128xi32, #tpu.memory_space<vmem>>
    %dma_wait3A_87 = tpu.memref_squeeze %dma_wait3A_86 : memref<1x128xi32, #tpu.memory_space<vmem>> -> memref<128xi32, #tpu.memory_space<vmem>>
    %dma_wait3A_88 = arith.constant 0 : i32
    %dma_wait3A_89 = arith.constant 0 : i32
    %dma_wait3A_90 = tpu.memref_slice %arg2[%arg0, %dma_wait3A_88, %dma_wait3A_89] : memref<2x10240x32xf32, #tpu.memory_space<hbm>> -> memref<1x10240x32xf32, #tpu.memory_space<hbm>>
    %dma_wait3A_91 = tpu.memref_squeeze %dma_wait3A_90 : memref<1x10240x32xf32, #tpu.memory_space<hbm>> -> memref<10240x32xf32, #tpu.memory_space<hbm>>
    %dma_wait3A_92 = arith.constant 0 : i32
    %dma_wait3A_93 = arith.constant 0 : i32
    %dma_wait3A_94 = tpu.memref_slice %dma_wait3A_91[%dma_wait3A_92, %dma_wait3A_93] : memref<10240x32xf32, #tpu.memory_space<hbm>> -> memref<10240x32xf32, #tpu.memory_space<hbm>>
    tpu.wait_indirect_dma semaphore(%arg13 : memref<!tpu.dma_semaphore, #tpu.memory_space<semaphore_mem>>) src(%dma_wait3A_94 : memref<10240x32xf32, #tpu.memory_space<hbm>>) dst(%dma_wait3A_84 : memref<128x32xf32, #tpu.memory_space<vmem>>)
    %dma_start3A_95 = arith.constant 3 : i32
    %dma_start3A_96 = arith.constant 158 : i32
    %dma_start3A_97 = arith.constant 0 : i32
    %dma_start3A_98 = arith.constant 0 : i32
    %dma_start3A_99 = tpu.memref_slice %arg7[%dma_start3A_95, %dma_start3A_97, %dma_start3A_98] : memref<5x128x32xf32, #tpu.memory_space<vmem>> -> memref<1x128x32xf32, #tpu.memory_space<vmem>>
    %dma_start3A_100 = tpu.memref_squeeze %dma_start3A_99 : memref<1x128x32xf32, #tpu.memory_space<vmem>> -> memref<128x32xf32, #tpu.memory_space<vmem>>
    %dma_start3A_101 = arith.constant 0 : i32
    %dma_start3A_102 = tpu.memref_slice %arg6[%dma_start3A_96, %dma_start3A_101] : memref<160x128xi32, #tpu.memory_space<vmem>> -> memref<1x128xi32, #tpu.memory_space<vmem>>
    %dma_start3A_103 = tpu.memref_squeeze %dma_start3A_102 : memref<1x128xi32, #tpu.memory_space<vmem>> -> memref<128xi32, #tpu.memory_space<vmem>>
    %dma_start3A_104 = arith.constant 0 : i32
    %dma_start3A_105 = arith.constant 0 : i32
    %dma_start3A_106 = tpu.memref_slice %arg9[%dma_start3A_104, %dma_start3A_105] : memref<10240x32xf32, #tpu.memory_space<vmem_shared>> -> memref<10240x32xf32, #tpu.memory_space<vmem_shared>>
    tpu.enqueue_indirect_dma source(%dma_start3A_100 : memref<128x32xf32, #tpu.memory_space<vmem>>) target(%dma_start3A_106 : memref<10240x32xf32, #tpu.memory_space<vmem_shared>>) offsets(%dma_start3A_103 : memref<128xi32, #tpu.memory_space<vmem>>) semaphore(%arg18 : memref<!tpu.dma_semaphore, #tpu.memory_space<semaphore_mem>>) {add = true}
    %dma_wait3A_107 = arith.constant 0 : i32
    %dma_wait3A_108 = arith.constant 4 : i32
    %dma_wait3A_109 = arith.constant 0 : i32
    %dma_wait3A_110 = arith.constant 0 : i32
    %dma_wait3A_111 = tpu.memref_slice %arg7[%dma_wait3A_108, %dma_wait3A_109, %dma_wait3A_110] : memref<5x128x32xf32, #tpu.memory_space<vmem>> -> memref<1x128x32xf32, #tpu.memory_space<vmem>>
    %dma_wait3A_112 = tpu.memref_squeeze %dma_wait3A_111 : memref<1x128x32xf32, #tpu.memory_space<vmem>> -> memref<128x32xf32, #tpu.memory_space<vmem>>
    %dma_wait3A_113 = arith.constant 0 : i32
    %dma_wait3A_114 = tpu.memref_slice %arg5[%dma_wait3A_107, %dma_wait3A_113] : memref<160x128xi32, #tpu.memory_space<vmem>> -> memref<1x128xi32, #tpu.memory_space<vmem>>
    %dma_wait3A_115 = tpu.memref_squeeze %dma_wait3A_114 : memref<1x128xi32, #tpu.memory_space<vmem>> -> memref<128xi32, #tpu.memory_space<vmem>>
    %dma_wait3A_116 = arith.constant 0 : i32
    %dma_wait3A_117 = arith.constant 0 : i32
    %dma_wait3A_118 = tpu.memref_slice %arg2[%arg0, %dma_wait3A_116, %dma_wait3A_117] : memref<2x10240x32xf32, #tpu.memory_space<hbm>> -> memref<1x10240x32xf32, #tpu.memory_space<hbm>>
    %dma_wait3A_119 = tpu.memref_squeeze %dma_wait3A_118 : memref<1x10240x32xf32, #tpu.memory_space<hbm>> -> memref<10240x32xf32, #tpu.memory_space<hbm>>
    %dma_wait3A_120 = arith.constant 0 : i32
    %dma_wait3A_121 = arith.constant 0 : i32
    %dma_wait3A_122 = tpu.memref_slice %dma_wait3A_119[%dma_wait3A_120, %dma_wait3A_121] : memref<10240x32xf32, #tpu.memory_space<hbm>> -> memref<10240x32xf32, #tpu.memory_space<hbm>>
    tpu.wait_indirect_dma semaphore(%arg14 : memref<!tpu.dma_semaphore, #tpu.memory_space<semaphore_mem>>) src(%dma_wait3A_122 : memref<10240x32xf32, #tpu.memory_space<hbm>>) dst(%dma_wait3A_112 : memref<128x32xf32, #tpu.memory_space<vmem>>)
    %dma_start3A_123 = arith.constant 4 : i32
    %dma_start3A_124 = arith.constant 159 : i32
    %dma_start3A_125 = arith.constant 0 : i32
    %dma_start3A_126 = arith.constant 0 : i32
    %dma_start3A_127 = tpu.memref_slice %arg7[%dma_start3A_123, %dma_start3A_125, %dma_start3A_126] : memref<5x128x32xf32, #tpu.memory_space<vmem>> -> memref<1x128x32xf32, #tpu.memory_space<vmem>>
    %dma_start3A_128 = tpu.memref_squeeze %dma_start3A_127 : memref<1x128x32xf32, #tpu.memory_space<vmem>> -> memref<128x32xf32, #tpu.memory_space<vmem>>
    %dma_start3A_129 = arith.constant 0 : i32
    %dma_start3A_130 = tpu.memref_slice %arg6[%dma_start3A_124, %dma_start3A_129] : memref<160x128xi32, #tpu.memory_space<vmem>> -> memref<1x128xi32, #tpu.memory_space<vmem>>
    %dma_start3A_131 = tpu.memref_squeeze %dma_start3A_130 : memref<1x128xi32, #tpu.memory_space<vmem>> -> memref<128xi32, #tpu.memory_space<vmem>>
    %dma_start3A_132 = arith.constant 0 : i32
    %dma_start3A_133 = arith.constant 0 : i32
    %dma_start3A_134 = tpu.memref_slice %arg9[%dma_start3A_132, %dma_start3A_133] : memref<10240x32xf32, #tpu.memory_space<vmem_shared>> -> memref<10240x32xf32, #tpu.memory_space<vmem_shared>>
    tpu.enqueue_indirect_dma source(%dma_start3A_128 : memref<128x32xf32, #tpu.memory_space<vmem>>) target(%dma_start3A_134 : memref<10240x32xf32, #tpu.memory_space<vmem_shared>>) offsets(%dma_start3A_131 : memref<128xi32, #tpu.memory_space<vmem>>) semaphore(%arg19 : memref<!tpu.dma_semaphore, #tpu.memory_space<semaphore_mem>>) {add = true}
    %dma_wait3A_135 = arith.constant 0 : i32
    %dma_wait3A_136 = arith.constant 0 : i32
    %dma_wait3A_137 = arith.constant 0 : i32
    %dma_wait3A_138 = arith.constant 0 : i32
    %dma_wait3A_139 = tpu.memref_slice %arg7[%dma_wait3A_135, %dma_wait3A_137, %dma_wait3A_138] : memref<5x128x32xf32, #tpu.memory_space<vmem>> -> memref<1x128x32xf32, #tpu.memory_space<vmem>>
    %dma_wait3A_140 = tpu.memref_squeeze %dma_wait3A_139 : memref<1x128x32xf32, #tpu.memory_space<vmem>> -> memref<128x32xf32, #tpu.memory_space<vmem>>
    %dma_wait3A_141 = arith.constant 0 : i32
    %dma_wait3A_142 = tpu.memref_slice %arg6[%dma_wait3A_136, %dma_wait3A_141] : memref<160x128xi32, #tpu.memory_space<vmem>> -> memref<1x128xi32, #tpu.memory_space<vmem>>
    %dma_wait3A_143 = tpu.memref_squeeze %dma_wait3A_142 : memref<1x128xi32, #tpu.memory_space<vmem>> -> memref<128xi32, #tpu.memory_space<vmem>>
    %dma_wait3A_144 = arith.constant 0 : i32
    %dma_wait3A_145 = arith.constant 0 : i32
    %dma_wait3A_146 = tpu.memref_slice %arg9[%dma_wait3A_144, %dma_wait3A_145] : memref<10240x32xf32, #tpu.memory_space<vmem_shared>> -> memref<10240x32xf32, #tpu.memory_space<vmem_shared>>
    tpu.wait_indirect_dma semaphore(%arg15 : memref<!tpu.dma_semaphore, #tpu.memory_space<semaphore_mem>>) src(%dma_wait3A_140 : memref<128x32xf32, #tpu.memory_space<vmem>>) dst(%dma_wait3A_146 : memref<10240x32xf32, #tpu.memory_space<vmem_shared>>)
    %dma_wait3A_147 = arith.constant 1 : i32
    %dma_wait3A_148 = arith.constant 0 : i32
    %dma_wait3A_149 = arith.constant 0 : i32
    %dma_wait3A_150 = arith.constant 0 : i32
    %dma_wait3A_151 = tpu.memref_slice %arg7[%dma_wait3A_147, %dma_wait3A_149, %dma_wait3A_150] : memref<5x128x32xf32, #tpu.memory_space<vmem>> -> memref<1x128x32xf32, #tpu.memory_space<vmem>>
    %dma_wait3A_152 = tpu.memref_squeeze %dma_wait3A_151 : memref<1x128x32xf32, #tpu.memory_space<vmem>> -> memref<128x32xf32, #tpu.memory_space<vmem>>
    %dma_wait3A_153 = arith.constant 0 : i32
    %dma_wait3A_154 = tpu.memref_slice %arg6[%dma_wait3A_148, %dma_wait3A_153] : memref<160x128xi32, #tpu.memory_space<vmem>> -> memref<1x128xi32, #tpu.memory_space<vmem>>
    %dma_wait3A_155 = tpu.memref_squeeze %dma_wait3A_154 : memref<1x128xi32, #tpu.memory_space<vmem>> -> memref<128xi32, #tpu.memory_space<vmem>>
    %dma_wait3A_156 = arith.constant 0 : i32
    %dma_wait3A_157 = arith.constant 0 : i32
    %dma_wait3A_158 = tpu.memref_slice %arg9[%dma_wait3A_156, %dma_wait3A_157] : memref<10240x32xf32, #tpu.memory_space<vmem_shared>> -> memref<10240x32xf32, #tpu.memory_space<vmem_shared>>
    tpu.wait_indirect_dma semaphore(%arg16 : memref<!tpu.dma_semaphore, #tpu.memory_space<semaphore_mem>>) src(%dma_wait3A_152 : memref<128x32xf32, #tpu.memory_space<vmem>>) dst(%dma_wait3A_158 : memref<10240x32xf32, #tpu.memory_space<vmem_shared>>)
    %dma_wait3A_159 = arith.constant 2 : i32
    %dma_wait3A_160 = arith.constant 0 : i32
    %dma_wait3A_161 = arith.constant 0 : i32
    %dma_wait3A_162 = arith.constant 0 : i32
    %dma_wait3A_163 = tpu.memref_slice %arg7[%dma_wait3A_159, %dma_wait3A_161, %dma_wait3A_162] : memref<5x128x32xf32, #tpu.memory_space<vmem>> -> memref<1x128x32xf32, #tpu.memory_space<vmem>>
    %dma_wait3A_164 = tpu.memref_squeeze %dma_wait3A_163 : memref<1x128x32xf32, #tpu.memory_space<vmem>> -> memref<128x32xf32, #tpu.memory_space<vmem>>
    %dma_wait3A_165 = arith.constant 0 : i32
    %dma_wait3A_166 = tpu.memref_slice %arg6[%dma_wait3A_160, %dma_wait3A_165] : memref<160x128xi32, #tpu.memory_space<vmem>> -> memref<1x128xi32, #tpu.memory_space<vmem>>
    %dma_wait3A_167 = tpu.memref_squeeze %dma_wait3A_166 : memref<1x128xi32, #tpu.memory_space<vmem>> -> memref<128xi32, #tpu.memory_space<vmem>>
    %dma_wait3A_168 = arith.constant 0 : i32
    %dma_wait3A_169 = arith.constant 0 : i32
    %dma_wait3A_170 = tpu.memref_slice %arg9[%dma_wait3A_168, %dma_wait3A_169] : memref<10240x32xf32, #tpu.memory_space<vmem_shared>> -> memref<10240x32xf32, #tpu.memory_space<vmem_shared>>
    tpu.wait_indirect_dma semaphore(%arg17 : memref<!tpu.dma_semaphore, #tpu.memory_space<semaphore_mem>>) src(%dma_wait3A_164 : memref<128x32xf32, #tpu.memory_space<vmem>>) dst(%dma_wait3A_170 : memref<10240x32xf32, #tpu.memory_space<vmem_shared>>)
    %dma_wait3A_171 = arith.constant 3 : i32
    %dma_wait3A_172 = arith.constant 0 : i32
    %dma_wait3A_173 = arith.constant 0 : i32
    %dma_wait3A_174 = arith.constant 0 : i32
    %dma_wait3A_175 = tpu.memref_slice %arg7[%dma_wait3A_171, %dma_wait3A_173, %dma_wait3A_174] : memref<5x128x32xf32, #tpu.memory_space<vmem>> -> memref<1x128x32xf32, #tpu.memory_space<vmem>>
    %dma_wait3A_176 = tpu.memref_squeeze %dma_wait3A_175 : memref<1x128x32xf32, #tpu.memory_space<vmem>> -> memref<128x32xf32, #tpu.memory_space<vmem>>
    %dma_wait3A_177 = arith.constant 0 : i32
    %dma_wait3A_178 = tpu.memref_slice %arg6[%dma_wait3A_172, %dma_wait3A_177] : memref<160x128xi32, #tpu.memory_space<vmem>> -> memref<1x128xi32, #tpu.memory_space<vmem>>
    %dma_wait3A_179 = tpu.memref_squeeze %dma_wait3A_178 : memref<1x128xi32, #tpu.memory_space<vmem>> -> memref<128xi32, #tpu.memory_space<vmem>>
    %dma_wait3A_180 = arith.constant 0 : i32
    %dma_wait3A_181 = arith.constant 0 : i32
    %dma_wait3A_182 = tpu.memref_slice %arg9[%dma_wait3A_180, %dma_wait3A_181] : memref<10240x32xf32, #tpu.memory_space<vmem_shared>> -> memref<10240x32xf32, #tpu.memory_space<vmem_shared>>
    tpu.wait_indirect_dma semaphore(%arg18 : memref<!tpu.dma_semaphore, #tpu.memory_space<semaphore_mem>>) src(%dma_wait3A_176 : memref<128x32xf32, #tpu.memory_space<vmem>>) dst(%dma_wait3A_182 : memref<10240x32xf32, #tpu.memory_space<vmem_shared>>)
    %dma_wait3A_183 = arith.constant 4 : i32
    %dma_wait3A_184 = arith.constant 0 : i32
    %dma_wait3A_185 = arith.constant 0 : i32
    %dma_wait3A_186 = arith.constant 0 : i32
    %dma_wait3A_187 = tpu.memref_slice %arg7[%dma_wait3A_183, %dma_wait3A_185, %dma_wait3A_186] : memref<5x128x32xf32, #tpu.memory_space<vmem>> -> memref<1x128x32xf32, #tpu.memory_space<vmem>>
    %dma_wait3A_188 = tpu.memref_squeeze %dma_wait3A_187 : memref<1x128x32xf32, #tpu.memory_space<vmem>> -> memref<128x32xf32, #tpu.memory_space<vmem>>
    %dma_wait3A_189 = arith.constant 0 : i32
    %dma_wait3A_190 = tpu.memref_slice %arg6[%dma_wait3A_184, %dma_wait3A_189] : memref<160x128xi32, #tpu.memory_space<vmem>> -> memref<1x128xi32, #tpu.memory_space<vmem>>
    %dma_wait3A_191 = tpu.memref_squeeze %dma_wait3A_190 : memref<1x128xi32, #tpu.memory_space<vmem>> -> memref<128xi32, #tpu.memory_space<vmem>>
    %dma_wait3A_192 = arith.constant 0 : i32
    %dma_wait3A_193 = arith.constant 0 : i32
    %dma_wait3A_194 = tpu.memref_slice %arg9[%dma_wait3A_192, %dma_wait3A_193] : memref<10240x32xf32, #tpu.memory_space<vmem_shared>> -> memref<10240x32xf32, #tpu.memory_space<vmem_shared>>
    tpu.wait_indirect_dma semaphore(%arg19 : memref<!tpu.dma_semaphore, #tpu.memory_space<semaphore_mem>>) src(%dma_wait3A_188 : memref<128x32xf32, #tpu.memory_space<vmem>>) dst(%dma_wait3A_194 : memref<10240x32xf32, #tpu.memory_space<vmem_shared>>)
    %barrier3A_195 = arith.constant 0 : index
    tpu.barrier barrier_id(%barrier3A_195)
    %mul3A_196 = arith.constant 640 : i32
    %mul3A_197 = arith.muli %arg1, %mul3A_196 : i32
    %mul3A_198 = arith.constant 640 : i32
    %mul3A_199 = arith.muli %arg1, %mul3A_198 : i32
    "tpu.region"() ({
      %run_scoped3A_200 = tpu.sem_alloc : memref<!tpu.dma_semaphore, #tpu.memory_space<semaphore_mem>>
      %dma_start3A_201 = arith.constant 0 : i32
      %dma_start3A_202 = tpu.memref_slice %arg4[%arg0, %mul3A_199, %dma_start3A_201] : memref<2x10240x32xf32, #tpu.memory_space<hbm>> -> memref<1x640x32xf32, #tpu.memory_space<hbm>>
      %dma_start3A_203 = tpu.memref_squeeze %dma_start3A_202 : memref<1x640x32xf32, #tpu.memory_space<hbm>> -> memref<640x32xf32, #tpu.memory_space<hbm>>
      %dma_start3A_204 = arith.constant 0 : i32
      %dma_start3A_205 = tpu.memref_slice %arg9[%mul3A_197, %dma_start3A_204] : memref<10240x32xf32, #tpu.memory_space<vmem_shared>> -> memref<640x32xf32, #tpu.memory_space<vmem_shared>>
      tpu.enqueue_dma source(%dma_start3A_205 : memref<640x32xf32, #tpu.memory_space<vmem_shared>>) target(%dma_start3A_203 : memref<640x32xf32, #tpu.memory_space<hbm>>) target_semaphore(%run_scoped3A_200 : memref<!tpu.dma_semaphore, #tpu.memory_space<semaphore_mem>>)
      %dma_wait3A_206 = arith.constant 0 : i32
      %dma_wait3A_207 = tpu.memref_slice %arg4[%arg0, %mul3A_199, %dma_wait3A_206] : memref<2x10240x32xf32, #tpu.memory_space<hbm>> -> memref<1x640x32xf32, #tpu.memory_space<hbm>>
      %dma_wait3A_208 = tpu.memref_squeeze %dma_wait3A_207 : memref<1x640x32xf32, #tpu.memory_space<hbm>> -> memref<640x32xf32, #tpu.memory_space<hbm>>
      %dma_wait3A_209 = arith.constant 0 : i32
      %dma_wait3A_210 = tpu.memref_slice %arg9[%mul3A_197, %dma_wait3A_209] : memref<10240x32xf32, #tpu.memory_space<vmem_shared>> -> memref<640x32xf32, #tpu.memory_space<vmem_shared>>
      tpu.wait_dma2 semaphore(%run_scoped3A_200 : memref<!tpu.dma_semaphore, #tpu.memory_space<semaphore_mem>>) src(%dma_wait3A_210 : memref<640x32xf32, #tpu.memory_space<vmem_shared>>) dst(%dma_wait3A_208 : memref<640x32xf32, #tpu.memory_space<hbm>>)
      tpu.yield
    }) : () -> ()
    return
  }
}

#map = affine_map<(d0, d1) -> (0, 0, 0)>
module attributes {stable_mosaic.version = 14 : i64} {
  func.func @prop(%arg0: i32, %arg1: i32, %arg2: memref<2x10240x64xf32, #tpu.memory_space<hbm>>, %arg3: memref<2x2560x128xi32, #tpu.memory_space<hbm>>, %arg4: memref<2x10240x64xf32, #tpu.memory_space<hbm>>, %arg5: memref<160x128xi32, #tpu.memory_space<vmem>>, %arg6: memref<160x128xi32, #tpu.memory_space<vmem>>, %arg7: memref<5x128x64xf32, #tpu.memory_space<vmem>>, %arg8: memref<64x64xf32, #tpu.memory_space<vmem>>, %arg9: memref<10240x64xf32, #tpu.memory_space<vmem_shared>>, %arg10: memref<!tpu.dma_semaphore, #tpu.memory_space<semaphore_mem>>, %arg11: memref<!tpu.dma_semaphore, #tpu.memory_space<semaphore_mem>>, %arg12: memref<!tpu.dma_semaphore, #tpu.memory_space<semaphore_mem>>, %arg13: memref<!tpu.dma_semaphore, #tpu.memory_space<semaphore_mem>>, %arg14: memref<!tpu.dma_semaphore, #tpu.memory_space<semaphore_mem>>, %arg15: memref<!tpu.dma_semaphore, #tpu.memory_space<semaphore_mem>>, %arg16: memref<!tpu.dma_semaphore, #tpu.memory_space<semaphore_mem>>, %arg17: memref<!tpu.dma_semaphore, #tpu.memory_space<semaphore_mem>>, %arg18: memref<!tpu.dma_semaphore, #tpu.memory_space<semaphore_mem>>, %arg19: memref<!tpu.dma_semaphore, #tpu.memory_space<semaphore_mem>>) attributes {dimension_semantics = [#tpu.dimension_semantics<core_parallel>, #tpu.dimension_semantics<subcore_parallel>], iteration_bounds = array<i64: 2, 16>, scalar_prefetch = 0 : i64, scratch_operands = 15 : i64, tpu.core_type = #tpu.core_type<sc_vector_subcore>, window_params = [{transform_indices = #map}, {transform_indices = #map}, {transform_indices = #map}]} {
    %mul3A = arith.constant 160 : i32
    %mul3A_0 = arith.muli %arg1, %mul3A : i32
    %run_scoped3A = arith.constant 0 : i32
    "tpu.region"() ({
      %run_scoped3A_200 = tpu.sem_alloc : memref<!tpu.dma_semaphore, #tpu.memory_space<semaphore_mem>>
      %dma_start3A_201 = arith.constant 0 : i32
      %dma_start3A_202 = tpu.memref_slice %arg3[%run_scoped3A, %mul3A_0, %dma_start3A_201] : memref<2x2560x128xi32, #tpu.memory_space<hbm>> -> memref<1x160x128xi32, #tpu.memory_space<hbm>>
      %dma_start3A_203 = tpu.memref_squeeze %dma_start3A_202 : memref<1x160x128xi32, #tpu.memory_space<hbm>> -> memref<160x128xi32, #tpu.memory_space<hbm>>
      %dma_start3A_204 = arith.constant 0 : i32
      %dma_start3A_205 = tpu.memref_slice %arg3[%run_scoped3A, %mul3A_0, %dma_start3A_204] : memref<2x2560x128xi32, #tpu.memory_space<hbm>> -> memref<1x160x128xi32, #tpu.memory_space<hbm>>
      %dma_start3A_206 = tpu.memref_squeeze %dma_start3A_205 : memref<1x160x128xi32, #tpu.memory_space<hbm>> -> memref<160x128xi32, #tpu.memory_space<hbm>>
      tpu.enqueue_dma source(%dma_start3A_206 : memref<160x128xi32, #tpu.memory_space<hbm>>) target(%arg5 : memref<160x128xi32, #tpu.memory_space<vmem>>) target_semaphore(%run_scoped3A_200 : memref<!tpu.dma_semaphore, #tpu.memory_space<semaphore_mem>>)
      %dma_wait3A_207 = arith.constant 0 : i32
      %dma_wait3A_208 = tpu.memref_slice %arg3[%run_scoped3A, %mul3A_0, %dma_wait3A_207] : memref<2x2560x128xi32, #tpu.memory_space<hbm>> -> memref<1x160x128xi32, #tpu.memory_space<hbm>>
      %dma_wait3A_209 = tpu.memref_squeeze %dma_wait3A_208 : memref<1x160x128xi32, #tpu.memory_space<hbm>> -> memref<160x128xi32, #tpu.memory_space<hbm>>
      %dma_wait3A_210 = arith.constant 0 : i32
      %dma_wait3A_211 = tpu.memref_slice %arg3[%run_scoped3A, %mul3A_0, %dma_wait3A_210] : memref<2x2560x128xi32, #tpu.memory_space<hbm>> -> memref<1x160x128xi32, #tpu.memory_space<hbm>>
      %dma_wait3A_212 = tpu.memref_squeeze %dma_wait3A_211 : memref<1x160x128xi32, #tpu.memory_space<hbm>> -> memref<160x128xi32, #tpu.memory_space<hbm>>
      tpu.wait_dma2 semaphore(%run_scoped3A_200 : memref<!tpu.dma_semaphore, #tpu.memory_space<semaphore_mem>>) src(%dma_wait3A_212 : memref<160x128xi32, #tpu.memory_space<hbm>>) dst(%arg5 : memref<160x128xi32, #tpu.memory_space<vmem>>)
      tpu.yield
    }) : () -> ()
    %run_scoped3A_1 = arith.constant 1 : i32
    "tpu.region"() ({
      %run_scoped3A_200 = tpu.sem_alloc : memref<!tpu.dma_semaphore, #tpu.memory_space<semaphore_mem>>
      %dma_start3A_201 = arith.constant 0 : i32
      %dma_start3A_202 = tpu.memref_slice %arg3[%run_scoped3A_1, %mul3A_0, %dma_start3A_201] : memref<2x2560x128xi32, #tpu.memory_space<hbm>> -> memref<1x160x128xi32, #tpu.memory_space<hbm>>
      %dma_start3A_203 = tpu.memref_squeeze %dma_start3A_202 : memref<1x160x128xi32, #tpu.memory_space<hbm>> -> memref<160x128xi32, #tpu.memory_space<hbm>>
      %dma_start3A_204 = arith.constant 0 : i32
      %dma_start3A_205 = tpu.memref_slice %arg3[%run_scoped3A_1, %mul3A_0, %dma_start3A_204] : memref<2x2560x128xi32, #tpu.memory_space<hbm>> -> memref<1x160x128xi32, #tpu.memory_space<hbm>>
      %dma_start3A_206 = tpu.memref_squeeze %dma_start3A_205 : memref<1x160x128xi32, #tpu.memory_space<hbm>> -> memref<160x128xi32, #tpu.memory_space<hbm>>
      tpu.enqueue_dma source(%dma_start3A_206 : memref<160x128xi32, #tpu.memory_space<hbm>>) target(%arg6 : memref<160x128xi32, #tpu.memory_space<vmem>>) target_semaphore(%run_scoped3A_200 : memref<!tpu.dma_semaphore, #tpu.memory_space<semaphore_mem>>)
      %dma_wait3A_207 = arith.constant 0 : i32
      %dma_wait3A_208 = tpu.memref_slice %arg3[%run_scoped3A_1, %mul3A_0, %dma_wait3A_207] : memref<2x2560x128xi32, #tpu.memory_space<hbm>> -> memref<1x160x128xi32, #tpu.memory_space<hbm>>
      %dma_wait3A_209 = tpu.memref_squeeze %dma_wait3A_208 : memref<1x160x128xi32, #tpu.memory_space<hbm>> -> memref<160x128xi32, #tpu.memory_space<hbm>>
      %dma_wait3A_210 = arith.constant 0 : i32
      %dma_wait3A_211 = tpu.memref_slice %arg3[%run_scoped3A_1, %mul3A_0, %dma_wait3A_210] : memref<2x2560x128xi32, #tpu.memory_space<hbm>> -> memref<1x160x128xi32, #tpu.memory_space<hbm>>
      %dma_wait3A_212 = tpu.memref_squeeze %dma_wait3A_211 : memref<1x160x128xi32, #tpu.memory_space<hbm>> -> memref<160x128xi32, #tpu.memory_space<hbm>>
      tpu.wait_dma2 semaphore(%run_scoped3A_200 : memref<!tpu.dma_semaphore, #tpu.memory_space<semaphore_mem>>) src(%dma_wait3A_212 : memref<160x128xi32, #tpu.memory_space<hbm>>) dst(%arg6 : memref<160x128xi32, #tpu.memory_space<vmem>>)
      tpu.yield
    }) : () -> ()
    %broadcast_in_dim3A = arith.constant 0.000000e+00 : f32
    %broadcast_in_dim3A_2 = vector.broadcast %broadcast_in_dim3A : f32 to vector<16xf32>
    %scan3A = arith.constant 0 : i32
    %scan3A_3 = arith.constant 0 : i32
    %scan3A_4 = arith.constant 64 : i32
    %scan3A_5 = arith.addi %scan3A_3, %scan3A_4 : i32
    %scan3A_6 = arith.constant 1 : i32
    scf.for %scan3A_200 = %scan3A_3 to %scan3A_5 step %scan3A_6  : i32 {
      %swap3A = arith.index_cast %scan3A_200 : i32 to index
      %swap3A_201 = arith.constant 0 : index
      %swap3A_202 = tpu.vector_load %arg8[%swap3A, %swap3A_201] {strides = array<i32>} : memref<64x64xf32, #tpu.memory_space<vmem>>, vector<1x16xf32>,
      %swap3A_203 = vector.shape_cast %swap3A_202 : vector<1x16xf32> to vector<16xf32>
      %swap3A_204 = vector.shape_cast %broadcast_in_dim3A_2 : vector<16xf32> to vector<1x16xf32>
      tpu.vector_store %arg8[%swap3A, %swap3A_201], %swap3A_204 {strides = array<i32>} : memref<64x64xf32, #tpu.memory_space<vmem>>, vector<1x16xf32>,
      %swap3A_205 = arith.index_cast %scan3A_200 : i32 to index
      %swap3A_206 = arith.constant 16 : index
      %swap3A_207 = tpu.vector_load %arg8[%swap3A_205, %swap3A_206] {strides = array<i32>} : memref<64x64xf32, #tpu.memory_space<vmem>>, vector<1x16xf32>,
      %swap3A_208 = vector.shape_cast %swap3A_207 : vector<1x16xf32> to vector<16xf32>
      %swap3A_209 = vector.shape_cast %broadcast_in_dim3A_2 : vector<16xf32> to vector<1x16xf32>
      tpu.vector_store %arg8[%swap3A_205, %swap3A_206], %swap3A_209 {strides = array<i32>} : memref<64x64xf32, #tpu.memory_space<vmem>>, vector<1x16xf32>,
      %swap3A_210 = arith.index_cast %scan3A_200 : i32 to index
      %swap3A_211 = arith.constant 32 : index
      %swap3A_212 = tpu.vector_load %arg8[%swap3A_210, %swap3A_211] {strides = array<i32>} : memref<64x64xf32, #tpu.memory_space<vmem>>, vector<1x16xf32>,
      %swap3A_213 = vector.shape_cast %swap3A_212 : vector<1x16xf32> to vector<16xf32>
      %swap3A_214 = vector.shape_cast %broadcast_in_dim3A_2 : vector<16xf32> to vector<1x16xf32>
      tpu.vector_store %arg8[%swap3A_210, %swap3A_211], %swap3A_214 {strides = array<i32>} : memref<64x64xf32, #tpu.memory_space<vmem>>, vector<1x16xf32>,
      %swap3A_215 = arith.index_cast %scan3A_200 : i32 to index
      %swap3A_216 = arith.constant 48 : index
      %swap3A_217 = tpu.vector_load %arg8[%swap3A_215, %swap3A_216] {strides = array<i32>} : memref<64x64xf32, #tpu.memory_space<vmem>>, vector<1x16xf32>,
      %swap3A_218 = vector.shape_cast %swap3A_217 : vector<1x16xf32> to vector<16xf32>
      %swap3A_219 = vector.shape_cast %broadcast_in_dim3A_2 : vector<16xf32> to vector<1x16xf32>
      tpu.vector_store %arg8[%swap3A_215, %swap3A_216], %swap3A_219 {strides = array<i32>} : memref<64x64xf32, #tpu.memory_space<vmem>>, vector<1x16xf32>,
    }
    %scan3A_7 = arith.constant 64 : i32
    %mul3A_8 = arith.constant 640 : i32
    %mul3A_9 = arith.muli %arg1, %mul3A_8 : i32
    %add3A = arith.constant 0 : i32
    %add3A_10 = arith.addi %mul3A_9, %add3A : i32
    "tpu.region"() ({
      %run_scoped3A_200 = tpu.sem_alloc : memref<!tpu.dma_semaphore, #tpu.memory_space<semaphore_mem>>
      %dma_start3A_201 = arith.constant 0 : i32
      %dma_start3A_202 = tpu.memref_slice %arg9[%add3A_10, %dma_start3A_201] : memref<10240x64xf32, #tpu.memory_space<vmem_shared>> -> memref<64x64xf32, #tpu.memory_space<vmem_shared>>
      %dma_start3A_203 = arith.constant 0 : i32
      %dma_start3A_204 = tpu.memref_slice %arg9[%add3A_10, %dma_start3A_203] : memref<10240x64xf32, #tpu.memory_space<vmem_shared>> -> memref<64x64xf32, #tpu.memory_space<vmem_shared>>
      tpu.enqueue_dma source(%arg8 : memref<64x64xf32, #tpu.memory_space<vmem>>) target(%dma_start3A_204 : memref<64x64xf32, #tpu.memory_space<vmem_shared>>) target_semaphore(%run_scoped3A_200 : memref<!tpu.dma_semaphore, #tpu.memory_space<semaphore_mem>>)
      %dma_wait3A_205 = arith.constant 0 : i32
      %dma_wait3A_206 = tpu.memref_slice %arg9[%add3A_10, %dma_wait3A_205] : memref<10240x64xf32, #tpu.memory_space<vmem_shared>> -> memref<64x64xf32, #tpu.memory_space<vmem_shared>>
      %dma_wait3A_207 = arith.constant 0 : i32
      %dma_wait3A_208 = tpu.memref_slice %arg9[%add3A_10, %dma_wait3A_207] : memref<10240x64xf32, #tpu.memory_space<vmem_shared>> -> memref<64x64xf32, #tpu.memory_space<vmem_shared>>
      tpu.wait_dma2 semaphore(%run_scoped3A_200 : memref<!tpu.dma_semaphore, #tpu.memory_space<semaphore_mem>>) src(%arg8 : memref<64x64xf32, #tpu.memory_space<vmem>>) dst(%dma_wait3A_208 : memref<64x64xf32, #tpu.memory_space<vmem_shared>>)
      tpu.yield
    }) : () -> ()
    %mul3A_11 = arith.constant 640 : i32
    %mul3A_12 = arith.muli %arg1, %mul3A_11 : i32
    %add3A_13 = arith.constant 64 : i32
    %add3A_14 = arith.addi %mul3A_12, %add3A_13 : i32
    "tpu.region"() ({
      %run_scoped3A_200 = tpu.sem_alloc : memref<!tpu.dma_semaphore, #tpu.memory_space<semaphore_mem>>
      %dma_start3A_201 = arith.constant 0 : i32
      %dma_start3A_202 = tpu.memref_slice %arg9[%add3A_14, %dma_start3A_201] : memref<10240x64xf32, #tpu.memory_space<vmem_shared>> -> memref<64x64xf32, #tpu.memory_space<vmem_shared>>
      %dma_start3A_203 = arith.constant 0 : i32
      %dma_start3A_204 = tpu.memref_slice %arg9[%add3A_14, %dma_start3A_203] : memref<10240x64xf32, #tpu.memory_space<vmem_shared>> -> memref<64x64xf32, #tpu.memory_space<vmem_shared>>
      tpu.enqueue_dma source(%arg8 : memref<64x64xf32, #tpu.memory_space<vmem>>) target(%dma_start3A_204 : memref<64x64xf32, #tpu.memory_space<vmem_shared>>) target_semaphore(%run_scoped3A_200 : memref<!tpu.dma_semaphore, #tpu.memory_space<semaphore_mem>>)
      %dma_wait3A_205 = arith.constant 0 : i32
      %dma_wait3A_206 = tpu.memref_slice %arg9[%add3A_14, %dma_wait3A_205] : memref<10240x64xf32, #tpu.memory_space<vmem_shared>> -> memref<64x64xf32, #tpu.memory_space<vmem_shared>>
      %dma_wait3A_207 = arith.constant 0 : i32
      %dma_wait3A_208 = tpu.memref_slice %arg9[%add3A_14, %dma_wait3A_207] : memref<10240x64xf32, #tpu.memory_space<vmem_shared>> -> memref<64x64xf32, #tpu.memory_space<vmem_shared>>
      tpu.wait_dma2 semaphore(%run_scoped3A_200 : memref<!tpu.dma_semaphore, #tpu.memory_space<semaphore_mem>>) src(%arg8 : memref<64x64xf32, #tpu.memory_space<vmem>>) dst(%dma_wait3A_208 : memref<64x64xf32, #tpu.memory_space<vmem_shared>>)
      tpu.yield
    }) : () -> ()
    %mul3A_15 = arith.constant 640 : i32
    %mul3A_16 = arith.muli %arg1, %mul3A_15 : i32
    %add3A_17 = arith.constant 128 : i32
    %add3A_18 = arith.addi %mul3A_16, %add3A_17 : i32
    "tpu.region"() ({
      %run_scoped3A_200 = tpu.sem_alloc : memref<!tpu.dma_semaphore, #tpu.memory_space<semaphore_mem>>
      %dma_start3A_201 = arith.constant 0 : i32
      %dma_start3A_202 = tpu.memref_slice %arg9[%add3A_18, %dma_start3A_201] : memref<10240x64xf32, #tpu.memory_space<vmem_shared>> -> memref<64x64xf32, #tpu.memory_space<vmem_shared>>
      %dma_start3A_203 = arith.constant 0 : i32
      %dma_start3A_204 = tpu.memref_slice %arg9[%add3A_18, %dma_start3A_203] : memref<10240x64xf32, #tpu.memory_space<vmem_shared>> -> memref<64x64xf32, #tpu.memory_space<vmem_shared>>
      tpu.enqueue_dma source(%arg8 : memref<64x64xf32, #tpu.memory_space<vmem>>) target(%dma_start3A_204 : memref<64x64xf32, #tpu.memory_space<vmem_shared>>) target_semaphore(%run_scoped3A_200 : memref<!tpu.dma_semaphore, #tpu.memory_space<semaphore_mem>>)
      %dma_wait3A_205 = arith.constant 0 : i32
      %dma_wait3A_206 = tpu.memref_slice %arg9[%add3A_18, %dma_wait3A_205] : memref<10240x64xf32, #tpu.memory_space<vmem_shared>> -> memref<64x64xf32, #tpu.memory_space<vmem_shared>>
      %dma_wait3A_207 = arith.constant 0 : i32
      %dma_wait3A_208 = tpu.memref_slice %arg9[%add3A_18, %dma_wait3A_207] : memref<10240x64xf32, #tpu.memory_space<vmem_shared>> -> memref<64x64xf32, #tpu.memory_space<vmem_shared>>
      tpu.wait_dma2 semaphore(%run_scoped3A_200 : memref<!tpu.dma_semaphore, #tpu.memory_space<semaphore_mem>>) src(%arg8 : memref<64x64xf32, #tpu.memory_space<vmem>>) dst(%dma_wait3A_208 : memref<64x64xf32, #tpu.memory_space<vmem_shared>>)
      tpu.yield
    }) : () -> ()
    %mul3A_19 = arith.constant 640 : i32
    %mul3A_20 = arith.muli %arg1, %mul3A_19 : i32
    %add3A_21 = arith.constant 192 : i32
    %add3A_22 = arith.addi %mul3A_20, %add3A_21 : i32
    "tpu.region"() ({
      %run_scoped3A_200 = tpu.sem_alloc : memref<!tpu.dma_semaphore, #tpu.memory_space<semaphore_mem>>
      %dma_start3A_201 = arith.constant 0 : i32
      %dma_start3A_202 = tpu.memref_slice %arg9[%add3A_22, %dma_start3A_201] : memref<10240x64xf32, #tpu.memory_space<vmem_shared>> -> memref<64x64xf32, #tpu.memory_space<vmem_shared>>
      %dma_start3A_203 = arith.constant 0 : i32
      %dma_start3A_204 = tpu.memref_slice %arg9[%add3A_22, %dma_start3A_203] : memref<10240x64xf32, #tpu.memory_space<vmem_shared>> -> memref<64x64xf32, #tpu.memory_space<vmem_shared>>
      tpu.enqueue_dma source(%arg8 : memref<64x64xf32, #tpu.memory_space<vmem>>) target(%dma_start3A_204 : memref<64x64xf32, #tpu.memory_space<vmem_shared>>) target_semaphore(%run_scoped3A_200 : memref<!tpu.dma_semaphore, #tpu.memory_space<semaphore_mem>>)
      %dma_wait3A_205 = arith.constant 0 : i32
      %dma_wait3A_206 = tpu.memref_slice %arg9[%add3A_22, %dma_wait3A_205] : memref<10240x64xf32, #tpu.memory_space<vmem_shared>> -> memref<64x64xf32, #tpu.memory_space<vmem_shared>>
      %dma_wait3A_207 = arith.constant 0 : i32
      %dma_wait3A_208 = tpu.memref_slice %arg9[%add3A_22, %dma_wait3A_207] : memref<10240x64xf32, #tpu.memory_space<vmem_shared>> -> memref<64x64xf32, #tpu.memory_space<vmem_shared>>
      tpu.wait_dma2 semaphore(%run_scoped3A_200 : memref<!tpu.dma_semaphore, #tpu.memory_space<semaphore_mem>>) src(%arg8 : memref<64x64xf32, #tpu.memory_space<vmem>>) dst(%dma_wait3A_208 : memref<64x64xf32, #tpu.memory_space<vmem_shared>>)
      tpu.yield
    }) : () -> ()
    %mul3A_23 = arith.constant 640 : i32
    %mul3A_24 = arith.muli %arg1, %mul3A_23 : i32
    %add3A_25 = arith.constant 256 : i32
    %add3A_26 = arith.addi %mul3A_24, %add3A_25 : i32
    "tpu.region"() ({
      %run_scoped3A_200 = tpu.sem_alloc : memref<!tpu.dma_semaphore, #tpu.memory_space<semaphore_mem>>
      %dma_start3A_201 = arith.constant 0 : i32
      %dma_start3A_202 = tpu.memref_slice %arg9[%add3A_26, %dma_start3A_201] : memref<10240x64xf32, #tpu.memory_space<vmem_shared>> -> memref<64x64xf32, #tpu.memory_space<vmem_shared>>
      %dma_start3A_203 = arith.constant 0 : i32
      %dma_start3A_204 = tpu.memref_slice %arg9[%add3A_26, %dma_start3A_203] : memref<10240x64xf32, #tpu.memory_space<vmem_shared>> -> memref<64x64xf32, #tpu.memory_space<vmem_shared>>
      tpu.enqueue_dma source(%arg8 : memref<64x64xf32, #tpu.memory_space<vmem>>) target(%dma_start3A_204 : memref<64x64xf32, #tpu.memory_space<vmem_shared>>) target_semaphore(%run_scoped3A_200 : memref<!tpu.dma_semaphore, #tpu.memory_space<semaphore_mem>>)
      %dma_wait3A_205 = arith.constant 0 : i32
      %dma_wait3A_206 = tpu.memref_slice %arg9[%add3A_26, %dma_wait3A_205] : memref<10240x64xf32, #tpu.memory_space<vmem_shared>> -> memref<64x64xf32, #tpu.memory_space<vmem_shared>>
      %dma_wait3A_207 = arith.constant 0 : i32
      %dma_wait3A_208 = tpu.memref_slice %arg9[%add3A_26, %dma_wait3A_207] : memref<10240x64xf32, #tpu.memory_space<vmem_shared>> -> memref<64x64xf32, #tpu.memory_space<vmem_shared>>
      tpu.wait_dma2 semaphore(%run_scoped3A_200 : memref<!tpu.dma_semaphore, #tpu.memory_space<semaphore_mem>>) src(%arg8 : memref<64x64xf32, #tpu.memory_space<vmem>>) dst(%dma_wait3A_208 : memref<64x64xf32, #tpu.memory_space<vmem_shared>>)
      tpu.yield
    }) : () -> ()
    %mul3A_27 = arith.constant 640 : i32
    %mul3A_28 = arith.muli %arg1, %mul3A_27 : i32
    %add3A_29 = arith.constant 320 : i32
    %add3A_30 = arith.addi %mul3A_28, %add3A_29 : i32
    "tpu.region"() ({
      %run_scoped3A_200 = tpu.sem_alloc : memref<!tpu.dma_semaphore, #tpu.memory_space<semaphore_mem>>
      %dma_start3A_201 = arith.constant 0 : i32
      %dma_start3A_202 = tpu.memref_slice %arg9[%add3A_30, %dma_start3A_201] : memref<10240x64xf32, #tpu.memory_space<vmem_shared>> -> memref<64x64xf32, #tpu.memory_space<vmem_shared>>
      %dma_start3A_203 = arith.constant 0 : i32
      %dma_start3A_204 = tpu.memref_slice %arg9[%add3A_30, %dma_start3A_203] : memref<10240x64xf32, #tpu.memory_space<vmem_shared>> -> memref<64x64xf32, #tpu.memory_space<vmem_shared>>
      tpu.enqueue_dma source(%arg8 : memref<64x64xf32, #tpu.memory_space<vmem>>) target(%dma_start3A_204 : memref<64x64xf32, #tpu.memory_space<vmem_shared>>) target_semaphore(%run_scoped3A_200 : memref<!tpu.dma_semaphore, #tpu.memory_space<semaphore_mem>>)
      %dma_wait3A_205 = arith.constant 0 : i32
      %dma_wait3A_206 = tpu.memref_slice %arg9[%add3A_30, %dma_wait3A_205] : memref<10240x64xf32, #tpu.memory_space<vmem_shared>> -> memref<64x64xf32, #tpu.memory_space<vmem_shared>>
      %dma_wait3A_207 = arith.constant 0 : i32
      %dma_wait3A_208 = tpu.memref_slice %arg9[%add3A_30, %dma_wait3A_207] : memref<10240x64xf32, #tpu.memory_space<vmem_shared>> -> memref<64x64xf32, #tpu.memory_space<vmem_shared>>
      tpu.wait_dma2 semaphore(%run_scoped3A_200 : memref<!tpu.dma_semaphore, #tpu.memory_space<semaphore_mem>>) src(%arg8 : memref<64x64xf32, #tpu.memory_space<vmem>>) dst(%dma_wait3A_208 : memref<64x64xf32, #tpu.memory_space<vmem_shared>>)
      tpu.yield
    }) : () -> ()
    %mul3A_31 = arith.constant 640 : i32
    %mul3A_32 = arith.muli %arg1, %mul3A_31 : i32
    %add3A_33 = arith.constant 384 : i32
    %add3A_34 = arith.addi %mul3A_32, %add3A_33 : i32
    "tpu.region"() ({
      %run_scoped3A_200 = tpu.sem_alloc : memref<!tpu.dma_semaphore, #tpu.memory_space<semaphore_mem>>
      %dma_start3A_201 = arith.constant 0 : i32
      %dma_start3A_202 = tpu.memref_slice %arg9[%add3A_34, %dma_start3A_201] : memref<10240x64xf32, #tpu.memory_space<vmem_shared>> -> memref<64x64xf32, #tpu.memory_space<vmem_shared>>
      %dma_start3A_203 = arith.constant 0 : i32
      %dma_start3A_204 = tpu.memref_slice %arg9[%add3A_34, %dma_start3A_203] : memref<10240x64xf32, #tpu.memory_space<vmem_shared>> -> memref<64x64xf32, #tpu.memory_space<vmem_shared>>
      tpu.enqueue_dma source(%arg8 : memref<64x64xf32, #tpu.memory_space<vmem>>) target(%dma_start3A_204 : memref<64x64xf32, #tpu.memory_space<vmem_shared>>) target_semaphore(%run_scoped3A_200 : memref<!tpu.dma_semaphore, #tpu.memory_space<semaphore_mem>>)
      %dma_wait3A_205 = arith.constant 0 : i32
      %dma_wait3A_206 = tpu.memref_slice %arg9[%add3A_34, %dma_wait3A_205] : memref<10240x64xf32, #tpu.memory_space<vmem_shared>> -> memref<64x64xf32, #tpu.memory_space<vmem_shared>>
      %dma_wait3A_207 = arith.constant 0 : i32
      %dma_wait3A_208 = tpu.memref_slice %arg9[%add3A_34, %dma_wait3A_207] : memref<10240x64xf32, #tpu.memory_space<vmem_shared>> -> memref<64x64xf32, #tpu.memory_space<vmem_shared>>
      tpu.wait_dma2 semaphore(%run_scoped3A_200 : memref<!tpu.dma_semaphore, #tpu.memory_space<semaphore_mem>>) src(%arg8 : memref<64x64xf32, #tpu.memory_space<vmem>>) dst(%dma_wait3A_208 : memref<64x64xf32, #tpu.memory_space<vmem_shared>>)
      tpu.yield
    }) : () -> ()
    %mul3A_35 = arith.constant 640 : i32
    %mul3A_36 = arith.muli %arg1, %mul3A_35 : i32
    %add3A_37 = arith.constant 448 : i32
    %add3A_38 = arith.addi %mul3A_36, %add3A_37 : i32
    "tpu.region"() ({
      %run_scoped3A_200 = tpu.sem_alloc : memref<!tpu.dma_semaphore, #tpu.memory_space<semaphore_mem>>
      %dma_start3A_201 = arith.constant 0 : i32
      %dma_start3A_202 = tpu.memref_slice %arg9[%add3A_38, %dma_start3A_201] : memref<10240x64xf32, #tpu.memory_space<vmem_shared>> -> memref<64x64xf32, #tpu.memory_space<vmem_shared>>
      %dma_start3A_203 = arith.constant 0 : i32
      %dma_start3A_204 = tpu.memref_slice %arg9[%add3A_38, %dma_start3A_203] : memref<10240x64xf32, #tpu.memory_space<vmem_shared>> -> memref<64x64xf32, #tpu.memory_space<vmem_shared>>
      tpu.enqueue_dma source(%arg8 : memref<64x64xf32, #tpu.memory_space<vmem>>) target(%dma_start3A_204 : memref<64x64xf32, #tpu.memory_space<vmem_shared>>) target_semaphore(%run_scoped3A_200 : memref<!tpu.dma_semaphore, #tpu.memory_space<semaphore_mem>>)
      %dma_wait3A_205 = arith.constant 0 : i32
      %dma_wait3A_206 = tpu.memref_slice %arg9[%add3A_38, %dma_wait3A_205] : memref<10240x64xf32, #tpu.memory_space<vmem_shared>> -> memref<64x64xf32, #tpu.memory_space<vmem_shared>>
      %dma_wait3A_207 = arith.constant 0 : i32
      %dma_wait3A_208 = tpu.memref_slice %arg9[%add3A_38, %dma_wait3A_207] : memref<10240x64xf32, #tpu.memory_space<vmem_shared>> -> memref<64x64xf32, #tpu.memory_space<vmem_shared>>
      tpu.wait_dma2 semaphore(%run_scoped3A_200 : memref<!tpu.dma_semaphore, #tpu.memory_space<semaphore_mem>>) src(%arg8 : memref<64x64xf32, #tpu.memory_space<vmem>>) dst(%dma_wait3A_208 : memref<64x64xf32, #tpu.memory_space<vmem_shared>>)
      tpu.yield
    }) : () -> ()
    %mul3A_39 = arith.constant 640 : i32
    %mul3A_40 = arith.muli %arg1, %mul3A_39 : i32
    %add3A_41 = arith.constant 512 : i32
    %add3A_42 = arith.addi %mul3A_40, %add3A_41 : i32
    "tpu.region"() ({
      %run_scoped3A_200 = tpu.sem_alloc : memref<!tpu.dma_semaphore, #tpu.memory_space<semaphore_mem>>
      %dma_start3A_201 = arith.constant 0 : i32
      %dma_start3A_202 = tpu.memref_slice %arg9[%add3A_42, %dma_start3A_201] : memref<10240x64xf32, #tpu.memory_space<vmem_shared>> -> memref<64x64xf32, #tpu.memory_space<vmem_shared>>
      %dma_start3A_203 = arith.constant 0 : i32
      %dma_start3A_204 = tpu.memref_slice %arg9[%add3A_42, %dma_start3A_203] : memref<10240x64xf32, #tpu.memory_space<vmem_shared>> -> memref<64x64xf32, #tpu.memory_space<vmem_shared>>
      tpu.enqueue_dma source(%arg8 : memref<64x64xf32, #tpu.memory_space<vmem>>) target(%dma_start3A_204 : memref<64x64xf32, #tpu.memory_space<vmem_shared>>) target_semaphore(%run_scoped3A_200 : memref<!tpu.dma_semaphore, #tpu.memory_space<semaphore_mem>>)
      %dma_wait3A_205 = arith.constant 0 : i32
      %dma_wait3A_206 = tpu.memref_slice %arg9[%add3A_42, %dma_wait3A_205] : memref<10240x64xf32, #tpu.memory_space<vmem_shared>> -> memref<64x64xf32, #tpu.memory_space<vmem_shared>>
      %dma_wait3A_207 = arith.constant 0 : i32
      %dma_wait3A_208 = tpu.memref_slice %arg9[%add3A_42, %dma_wait3A_207] : memref<10240x64xf32, #tpu.memory_space<vmem_shared>> -> memref<64x64xf32, #tpu.memory_space<vmem_shared>>
      tpu.wait_dma2 semaphore(%run_scoped3A_200 : memref<!tpu.dma_semaphore, #tpu.memory_space<semaphore_mem>>) src(%arg8 : memref<64x64xf32, #tpu.memory_space<vmem>>) dst(%dma_wait3A_208 : memref<64x64xf32, #tpu.memory_space<vmem_shared>>)
      tpu.yield
    }) : () -> ()
    %mul3A_43 = arith.constant 640 : i32
    %mul3A_44 = arith.muli %arg1, %mul3A_43 : i32
    %add3A_45 = arith.constant 576 : i32
    %add3A_46 = arith.addi %mul3A_44, %add3A_45 : i32
    "tpu.region"() ({
      %run_scoped3A_200 = tpu.sem_alloc : memref<!tpu.dma_semaphore, #tpu.memory_space<semaphore_mem>>
      %dma_start3A_201 = arith.constant 0 : i32
      %dma_start3A_202 = tpu.memref_slice %arg9[%add3A_46, %dma_start3A_201] : memref<10240x64xf32, #tpu.memory_space<vmem_shared>> -> memref<64x64xf32, #tpu.memory_space<vmem_shared>>
      %dma_start3A_203 = arith.constant 0 : i32
      %dma_start3A_204 = tpu.memref_slice %arg9[%add3A_46, %dma_start3A_203] : memref<10240x64xf32, #tpu.memory_space<vmem_shared>> -> memref<64x64xf32, #tpu.memory_space<vmem_shared>>
      tpu.enqueue_dma source(%arg8 : memref<64x64xf32, #tpu.memory_space<vmem>>) target(%dma_start3A_204 : memref<64x64xf32, #tpu.memory_space<vmem_shared>>) target_semaphore(%run_scoped3A_200 : memref<!tpu.dma_semaphore, #tpu.memory_space<semaphore_mem>>)
      %dma_wait3A_205 = arith.constant 0 : i32
      %dma_wait3A_206 = tpu.memref_slice %arg9[%add3A_46, %dma_wait3A_205] : memref<10240x64xf32, #tpu.memory_space<vmem_shared>> -> memref<64x64xf32, #tpu.memory_space<vmem_shared>>
      %dma_wait3A_207 = arith.constant 0 : i32
      %dma_wait3A_208 = tpu.memref_slice %arg9[%add3A_46, %dma_wait3A_207] : memref<10240x64xf32, #tpu.memory_space<vmem_shared>> -> memref<64x64xf32, #tpu.memory_space<vmem_shared>>
      tpu.wait_dma2 semaphore(%run_scoped3A_200 : memref<!tpu.dma_semaphore, #tpu.memory_space<semaphore_mem>>) src(%arg8 : memref<64x64xf32, #tpu.memory_space<vmem>>) dst(%dma_wait3A_208 : memref<64x64xf32, #tpu.memory_space<vmem_shared>>)
      tpu.yield
    }) : () -> ()
    %barrier3A = arith.constant 0 : index
    tpu.barrier barrier_id(%barrier3A)
    %scan3A_47 = arith.constant 0 : i32
    %scan3A_48 = arith.constant 0 : i32
    %scan3A_49 = arith.constant 32 : i32
    %scan3A_50 = arith.addi %scan3A_48, %scan3A_49 : i32
    %scan3A_51 = arith.constant 1 : i32
    scf.for %scan3A_200 = %scan3A_48 to %scan3A_50 step %scan3A_51  : i32 {
      %mul3A_201 = arith.constant 5 : i32
      %mul3A_202 = arith.muli %scan3A_200, %mul3A_201 : i32
      %add3A_203 = arith.constant 0 : i32
      %add3A_204 = arith.addi %mul3A_202, %add3A_203 : i32
      %gt3A = arith.constant 0 : i32
      %gt3A_205 = arith.cmpi sgt, %scan3A_200, %gt3A : i32
      %convert_element_type3A = arith.extui %gt3A_205 : i1 to i32
      %cond3A = arith.constant 0 : i32
      %cond3A_206 = arith.cmpi ne, %convert_element_type3A, %cond3A : i32
      scf.if %cond3A_206 {
        %dma_wait3A_390 = arith.constant 0 : i32
        %dma_wait3A_391 = arith.constant 0 : i32
        %dma_wait3A_392 = arith.constant 0 : i32
        %dma_wait3A_393 = arith.constant 0 : i32
        %dma_wait3A_394 = tpu.memref_slice %arg7[%dma_wait3A_390, %dma_wait3A_392, %dma_wait3A_393] : memref<5x128x64xf32, #tpu.memory_space<vmem>> -> memref<1x128x64xf32, #tpu.memory_space<vmem>>
        %dma_wait3A_395 = tpu.memref_squeeze %dma_wait3A_394 : memref<1x128x64xf32, #tpu.memory_space<vmem>> -> memref<128x64xf32, #tpu.memory_space<vmem>>
        %dma_wait3A_396 = arith.constant 0 : i32
        %dma_wait3A_397 = tpu.memref_slice %arg6[%dma_wait3A_391, %dma_wait3A_396] : memref<160x128xi32, #tpu.memory_space<vmem>> -> memref<1x128xi32, #tpu.memory_space<vmem>>
        %dma_wait3A_398 = tpu.memref_squeeze %dma_wait3A_397 : memref<1x128xi32, #tpu.memory_space<vmem>> -> memref<128xi32, #tpu.memory_space<vmem>>
        %dma_wait3A_399 = arith.constant 0 : i32
        %dma_wait3A_400 = arith.constant 0 : i32
        %dma_wait3A_401 = tpu.memref_slice %arg9[%dma_wait3A_399, %dma_wait3A_400] : memref<10240x64xf32, #tpu.memory_space<vmem_shared>> -> memref<10240x64xf32, #tpu.memory_space<vmem_shared>>
        tpu.wait_indirect_dma semaphore(%arg15 : memref<!tpu.dma_semaphore, #tpu.memory_space<semaphore_mem>>) src(%dma_wait3A_395 : memref<128x64xf32, #tpu.memory_space<vmem>>) dst(%dma_wait3A_401 : memref<10240x64xf32, #tpu.memory_space<vmem_shared>>)
      } else {
      }
      %dma_start3A_207 = arith.constant 0 : i32
      %dma_start3A_208 = arith.constant 0 : i32
      %dma_start3A_209 = arith.constant 0 : i32
      %dma_start3A_210 = tpu.memref_slice %arg7[%dma_start3A_207, %dma_start3A_208, %dma_start3A_209] : memref<5x128x64xf32, #tpu.memory_space<vmem>> -> memref<1x128x64xf32, #tpu.memory_space<vmem>>
      %dma_start3A_211 = tpu.memref_squeeze %dma_start3A_210 : memref<1x128x64xf32, #tpu.memory_space<vmem>> -> memref<128x64xf32, #tpu.memory_space<vmem>>
      %dma_start3A_212 = arith.constant 0 : i32
      %dma_start3A_213 = tpu.memref_slice %arg5[%add3A_204, %dma_start3A_212] : memref<160x128xi32, #tpu.memory_space<vmem>> -> memref<1x128xi32, #tpu.memory_space<vmem>>
      %dma_start3A_214 = tpu.memref_squeeze %dma_start3A_213 : memref<1x128xi32, #tpu.memory_space<vmem>> -> memref<128xi32, #tpu.memory_space<vmem>>
      %dma_start3A_215 = arith.constant 0 : i32
      %dma_start3A_216 = arith.constant 0 : i32
      %dma_start3A_217 = tpu.memref_slice %arg2[%arg0, %dma_start3A_215, %dma_start3A_216] : memref<2x10240x64xf32, #tpu.memory_space<hbm>> -> memref<1x10240x64xf32, #tpu.memory_space<hbm>>
      %dma_start3A_218 = tpu.memref_squeeze %dma_start3A_217 : memref<1x10240x64xf32, #tpu.memory_space<hbm>> -> memref<10240x64xf32, #tpu.memory_space<hbm>>
      %dma_start3A_219 = arith.constant 0 : i32
      %dma_start3A_220 = arith.constant 0 : i32
      %dma_start3A_221 = tpu.memref_slice %dma_start3A_218[%dma_start3A_219, %dma_start3A_220] : memref<10240x64xf32, #tpu.memory_space<hbm>> -> memref<10240x64xf32, #tpu.memory_space<hbm>>
      tpu.enqueue_indirect_dma source(%dma_start3A_221 : memref<10240x64xf32, #tpu.memory_space<hbm>>) target(%dma_start3A_211 : memref<128x64xf32, #tpu.memory_space<vmem>>) offsets(%dma_start3A_214 : memref<128xi32, #tpu.memory_space<vmem>>) semaphore(%arg10 : memref<!tpu.dma_semaphore, #tpu.memory_space<semaphore_mem>>)
      %gt3A_222 = arith.constant 0 : i32
      %gt3A_223 = arith.cmpi sgt, %scan3A_200, %gt3A_222 : i32
      %convert_element_type3A_224 = arith.extui %gt3A_223 : i1 to i32
      %cond3A_225 = arith.constant 0 : i32
      %cond3A_226 = arith.cmpi ne, %convert_element_type3A_224, %cond3A_225 : i32
      scf.if %cond3A_226 {
        %dma_wait3A_390 = arith.constant 0 : i32
        %dma_wait3A_391 = arith.constant 2 : i32
        %dma_wait3A_392 = arith.constant 0 : i32
        %dma_wait3A_393 = arith.constant 0 : i32
        %dma_wait3A_394 = tpu.memref_slice %arg7[%dma_wait3A_391, %dma_wait3A_392, %dma_wait3A_393] : memref<5x128x64xf32, #tpu.memory_space<vmem>> -> memref<1x128x64xf32, #tpu.memory_space<vmem>>
        %dma_wait3A_395 = tpu.memref_squeeze %dma_wait3A_394 : memref<1x128x64xf32, #tpu.memory_space<vmem>> -> memref<128x64xf32, #tpu.memory_space<vmem>>
        %dma_wait3A_396 = arith.constant 0 : i32
        %dma_wait3A_397 = tpu.memref_slice %arg5[%dma_wait3A_390, %dma_wait3A_396] : memref<160x128xi32, #tpu.memory_space<vmem>> -> memref<1x128xi32, #tpu.memory_space<vmem>>
        %dma_wait3A_398 = tpu.memref_squeeze %dma_wait3A_397 : memref<1x128xi32, #tpu.memory_space<vmem>> -> memref<128xi32, #tpu.memory_space<vmem>>
        %dma_wait3A_399 = arith.constant 0 : i32
        %dma_wait3A_400 = arith.constant 0 : i32
        %dma_wait3A_401 = tpu.memref_slice %arg2[%arg0, %dma_wait3A_399, %dma_wait3A_400] : memref<2x10240x64xf32, #tpu.memory_space<hbm>> -> memref<1x10240x64xf32, #tpu.memory_space<hbm>>
        %dma_wait3A_402 = tpu.memref_squeeze %dma_wait3A_401 : memref<1x10240x64xf32, #tpu.memory_space<hbm>> -> memref<10240x64xf32, #tpu.memory_space<hbm>>
        %dma_wait3A_403 = arith.constant 0 : i32
        %dma_wait3A_404 = arith.constant 0 : i32
        %dma_wait3A_405 = tpu.memref_slice %dma_wait3A_402[%dma_wait3A_403, %dma_wait3A_404] : memref<10240x64xf32, #tpu.memory_space<hbm>> -> memref<10240x64xf32, #tpu.memory_space<hbm>>
        tpu.wait_indirect_dma semaphore(%arg12 : memref<!tpu.dma_semaphore, #tpu.memory_space<semaphore_mem>>) src(%dma_wait3A_405 : memref<10240x64xf32, #tpu.memory_space<hbm>>) dst(%dma_wait3A_395 : memref<128x64xf32, #tpu.memory_space<vmem>>)
        %sub3A_406 = arith.constant 3 : i32
        %sub3A_407 = arith.subi %add3A_204, %sub3A_406 : i32
        %dma_start3A_408 = arith.constant 2 : i32
        %dma_start3A_409 = arith.constant 0 : i32
        %dma_start3A_410 = arith.constant 0 : i32
        %dma_start3A_411 = tpu.memref_slice %arg7[%dma_start3A_408, %dma_start3A_409, %dma_start3A_410] : memref<5x128x64xf32, #tpu.memory_space<vmem>> -> memref<1x128x64xf32, #tpu.memory_space<vmem>>
        %dma_start3A_412 = tpu.memref_squeeze %dma_start3A_411 : memref<1x128x64xf32, #tpu.memory_space<vmem>> -> memref<128x64xf32, #tpu.memory_space<vmem>>
        %dma_start3A_413 = arith.constant 0 : i32
        %dma_start3A_414 = tpu.memref_slice %arg6[%sub3A_407, %dma_start3A_413] : memref<160x128xi32, #tpu.memory_space<vmem>> -> memref<1x128xi32, #tpu.memory_space<vmem>>
        %dma_start3A_415 = tpu.memref_squeeze %dma_start3A_414 : memref<1x128xi32, #tpu.memory_space<vmem>> -> memref<128xi32, #tpu.memory_space<vmem>>
        %dma_start3A_416 = arith.constant 0 : i32
        %dma_start3A_417 = arith.constant 0 : i32
        %dma_start3A_418 = tpu.memref_slice %arg9[%dma_start3A_416, %dma_start3A_417] : memref<10240x64xf32, #tpu.memory_space<vmem_shared>> -> memref<10240x64xf32, #tpu.memory_space<vmem_shared>>
        tpu.enqueue_indirect_dma source(%dma_start3A_412 : memref<128x64xf32, #tpu.memory_space<vmem>>) target(%dma_start3A_418 : memref<10240x64xf32, #tpu.memory_space<vmem_shared>>) offsets(%dma_start3A_415 : memref<128xi32, #tpu.memory_space<vmem>>) semaphore(%arg17 : memref<!tpu.dma_semaphore, #tpu.memory_space<semaphore_mem>>) {add = true}
      } else {
      }
      %mul3A_227 = arith.constant 5 : i32
      %mul3A_228 = arith.muli %scan3A_200, %mul3A_227 : i32
      %add3A_229 = arith.constant 1 : i32
      %add3A_230 = arith.addi %mul3A_228, %add3A_229 : i32
      %gt3A_231 = arith.constant 0 : i32
      %gt3A_232 = arith.cmpi sgt, %scan3A_200, %gt3A_231 : i32
      %convert_element_type3A_233 = arith.extui %gt3A_232 : i1 to i32
      %cond3A_234 = arith.constant 0 : i32
      %cond3A_235 = arith.cmpi ne, %convert_element_type3A_233, %cond3A_234 : i32
      scf.if %cond3A_235 {
        %dma_wait3A_390 = arith.constant 1 : i32
        %dma_wait3A_391 = arith.constant 0 : i32
        %dma_wait3A_392 = arith.constant 0 : i32
        %dma_wait3A_393 = arith.constant 0 : i32
        %dma_wait3A_394 = tpu.memref_slice %arg7[%dma_wait3A_390, %dma_wait3A_392, %dma_wait3A_393] : memref<5x128x64xf32, #tpu.memory_space<vmem>> -> memref<1x128x64xf32, #tpu.memory_space<vmem>>
        %dma_wait3A_395 = tpu.memref_squeeze %dma_wait3A_394 : memref<1x128x64xf32, #tpu.memory_space<vmem>> -> memref<128x64xf32, #tpu.memory_space<vmem>>
        %dma_wait3A_396 = arith.constant 0 : i32
        %dma_wait3A_397 = tpu.memref_slice %arg6[%dma_wait3A_391, %dma_wait3A_396] : memref<160x128xi32, #tpu.memory_space<vmem>> -> memref<1x128xi32, #tpu.memory_space<vmem>>
        %dma_wait3A_398 = tpu.memref_squeeze %dma_wait3A_397 : memref<1x128xi32, #tpu.memory_space<vmem>> -> memref<128xi32, #tpu.memory_space<vmem>>
        %dma_wait3A_399 = arith.constant 0 : i32
        %dma_wait3A_400 = arith.constant 0 : i32
        %dma_wait3A_401 = tpu.memref_slice %arg9[%dma_wait3A_399, %dma_wait3A_400] : memref<10240x64xf32, #tpu.memory_space<vmem_shared>> -> memref<10240x64xf32, #tpu.memory_space<vmem_shared>>
        tpu.wait_indirect_dma semaphore(%arg16 : memref<!tpu.dma_semaphore, #tpu.memory_space<semaphore_mem>>) src(%dma_wait3A_395 : memref<128x64xf32, #tpu.memory_space<vmem>>) dst(%dma_wait3A_401 : memref<10240x64xf32, #tpu.memory_space<vmem_shared>>)
      } else {
      }
      %dma_start3A_236 = arith.constant 1 : i32
      %dma_start3A_237 = arith.constant 0 : i32
      %dma_start3A_238 = arith.constant 0 : i32
      %dma_start3A_239 = tpu.memref_slice %arg7[%dma_start3A_236, %dma_start3A_237, %dma_start3A_238] : memref<5x128x64xf32, #tpu.memory_space<vmem>> -> memref<1x128x64xf32, #tpu.memory_space<vmem>>
      %dma_start3A_240 = tpu.memref_squeeze %dma_start3A_239 : memref<1x128x64xf32, #tpu.memory_space<vmem>> -> memref<128x64xf32, #tpu.memory_space<vmem>>
      %dma_start3A_241 = arith.constant 0 : i32
      %dma_start3A_242 = tpu.memref_slice %arg5[%add3A_230, %dma_start3A_241] : memref<160x128xi32, #tpu.memory_space<vmem>> -> memref<1x128xi32, #tpu.memory_space<vmem>>
      %dma_start3A_243 = tpu.memref_squeeze %dma_start3A_242 : memref<1x128xi32, #tpu.memory_space<vmem>> -> memref<128xi32, #tpu.memory_space<vmem>>
      %dma_start3A_244 = arith.constant 0 : i32
      %dma_start3A_245 = arith.constant 0 : i32
      %dma_start3A_246 = tpu.memref_slice %arg2[%arg0, %dma_start3A_244, %dma_start3A_245] : memref<2x10240x64xf32, #tpu.memory_space<hbm>> -> memref<1x10240x64xf32, #tpu.memory_space<hbm>>
      %dma_start3A_247 = tpu.memref_squeeze %dma_start3A_246 : memref<1x10240x64xf32, #tpu.memory_space<hbm>> -> memref<10240x64xf32, #tpu.memory_space<hbm>>
      %dma_start3A_248 = arith.constant 0 : i32
      %dma_start3A_249 = arith.constant 0 : i32
      %dma_start3A_250 = tpu.memref_slice %dma_start3A_247[%dma_start3A_248, %dma_start3A_249] : memref<10240x64xf32, #tpu.memory_space<hbm>> -> memref<10240x64xf32, #tpu.memory_space<hbm>>
      tpu.enqueue_indirect_dma source(%dma_start3A_250 : memref<10240x64xf32, #tpu.memory_space<hbm>>) target(%dma_start3A_240 : memref<128x64xf32, #tpu.memory_space<vmem>>) offsets(%dma_start3A_243 : memref<128xi32, #tpu.memory_space<vmem>>) semaphore(%arg11 : memref<!tpu.dma_semaphore, #tpu.memory_space<semaphore_mem>>)
      %gt3A_251 = arith.constant 0 : i32
      %gt3A_252 = arith.cmpi sgt, %scan3A_200, %gt3A_251 : i32
      %convert_element_type3A_253 = arith.extui %gt3A_252 : i1 to i32
      %cond3A_254 = arith.constant 0 : i32
      %cond3A_255 = arith.cmpi ne, %convert_element_type3A_253, %cond3A_254 : i32
      scf.if %cond3A_255 {
        %dma_wait3A_390 = arith.constant 0 : i32
        %dma_wait3A_391 = arith.constant 3 : i32
        %dma_wait3A_392 = arith.constant 0 : i32
        %dma_wait3A_393 = arith.constant 0 : i32
        %dma_wait3A_394 = tpu.memref_slice %arg7[%dma_wait3A_391, %dma_wait3A_392, %dma_wait3A_393] : memref<5x128x64xf32, #tpu.memory_space<vmem>> -> memref<1x128x64xf32, #tpu.memory_space<vmem>>
        %dma_wait3A_395 = tpu.memref_squeeze %dma_wait3A_394 : memref<1x128x64xf32, #tpu.memory_space<vmem>> -> memref<128x64xf32, #tpu.memory_space<vmem>>
        %dma_wait3A_396 = arith.constant 0 : i32
        %dma_wait3A_397 = tpu.memref_slice %arg5[%dma_wait3A_390, %dma_wait3A_396] : memref<160x128xi32, #tpu.memory_space<vmem>> -> memref<1x128xi32, #tpu.memory_space<vmem>>
        %dma_wait3A_398 = tpu.memref_squeeze %dma_wait3A_397 : memref<1x128xi32, #tpu.memory_space<vmem>> -> memref<128xi32, #tpu.memory_space<vmem>>
        %dma_wait3A_399 = arith.constant 0 : i32
        %dma_wait3A_400 = arith.constant 0 : i32
        %dma_wait3A_401 = tpu.memref_slice %arg2[%arg0, %dma_wait3A_399, %dma_wait3A_400] : memref<2x10240x64xf32, #tpu.memory_space<hbm>> -> memref<1x10240x64xf32, #tpu.memory_space<hbm>>
        %dma_wait3A_402 = tpu.memref_squeeze %dma_wait3A_401 : memref<1x10240x64xf32, #tpu.memory_space<hbm>> -> memref<10240x64xf32, #tpu.memory_space<hbm>>
        %dma_wait3A_403 = arith.constant 0 : i32
        %dma_wait3A_404 = arith.constant 0 : i32
        %dma_wait3A_405 = tpu.memref_slice %dma_wait3A_402[%dma_wait3A_403, %dma_wait3A_404] : memref<10240x64xf32, #tpu.memory_space<hbm>> -> memref<10240x64xf32, #tpu.memory_space<hbm>>
        tpu.wait_indirect_dma semaphore(%arg13 : memref<!tpu.dma_semaphore, #tpu.memory_space<semaphore_mem>>) src(%dma_wait3A_405 : memref<10240x64xf32, #tpu.memory_space<hbm>>) dst(%dma_wait3A_395 : memref<128x64xf32, #tpu.memory_space<vmem>>)
        %sub3A_406 = arith.constant 3 : i32
        %sub3A_407 = arith.subi %add3A_230, %sub3A_406 : i32
        %dma_start3A_408 = arith.constant 3 : i32
        %dma_start3A_409 = arith.constant 0 : i32
        %dma_start3A_410 = arith.constant 0 : i32
        %dma_start3A_411 = tpu.memref_slice %arg7[%dma_start3A_408, %dma_start3A_409, %dma_start3A_410] : memref<5x128x64xf32, #tpu.memory_space<vmem>> -> memref<1x128x64xf32, #tpu.memory_space<vmem>>
        %dma_start3A_412 = tpu.memref_squeeze %dma_start3A_411 : memref<1x128x64xf32, #tpu.memory_space<vmem>> -> memref<128x64xf32, #tpu.memory_space<vmem>>
        %dma_start3A_413 = arith.constant 0 : i32
        %dma_start3A_414 = tpu.memref_slice %arg6[%sub3A_407, %dma_start3A_413] : memref<160x128xi32, #tpu.memory_space<vmem>> -> memref<1x128xi32, #tpu.memory_space<vmem>>
        %dma_start3A_415 = tpu.memref_squeeze %dma_start3A_414 : memref<1x128xi32, #tpu.memory_space<vmem>> -> memref<128xi32, #tpu.memory_space<vmem>>
        %dma_start3A_416 = arith.constant 0 : i32
        %dma_start3A_417 = arith.constant 0 : i32
        %dma_start3A_418 = tpu.memref_slice %arg9[%dma_start3A_416, %dma_start3A_417] : memref<10240x64xf32, #tpu.memory_space<vmem_shared>> -> memref<10240x64xf32, #tpu.memory_space<vmem_shared>>
        tpu.enqueue_indirect_dma source(%dma_start3A_412 : memref<128x64xf32, #tpu.memory_space<vmem>>) target(%dma_start3A_418 : memref<10240x64xf32, #tpu.memory_space<vmem_shared>>) offsets(%dma_start3A_415 : memref<128xi32, #tpu.memory_space<vmem>>) semaphore(%arg18 : memref<!tpu.dma_semaphore, #tpu.memory_space<semaphore_mem>>) {add = true}
      } else {
      }
      %mul3A_256 = arith.constant 5 : i32
      %mul3A_257 = arith.muli %scan3A_200, %mul3A_256 : i32
      %add3A_258 = arith.constant 2 : i32
      %add3A_259 = arith.addi %mul3A_257, %add3A_258 : i32
      %gt3A_260 = arith.constant 0 : i32
      %gt3A_261 = arith.cmpi sgt, %scan3A_200, %gt3A_260 : i32
      %convert_element_type3A_262 = arith.extui %gt3A_261 : i1 to i32
      %cond3A_263 = arith.constant 0 : i32
      %cond3A_264 = arith.cmpi ne, %convert_element_type3A_262, %cond3A_263 : i32
      scf.if %cond3A_264 {
        %dma_wait3A_390 = arith.constant 2 : i32
        %dma_wait3A_391 = arith.constant 0 : i32
        %dma_wait3A_392 = arith.constant 0 : i32
        %dma_wait3A_393 = arith.constant 0 : i32
        %dma_wait3A_394 = tpu.memref_slice %arg7[%dma_wait3A_390, %dma_wait3A_392, %dma_wait3A_393] : memref<5x128x64xf32, #tpu.memory_space<vmem>> -> memref<1x128x64xf32, #tpu.memory_space<vmem>>
        %dma_wait3A_395 = tpu.memref_squeeze %dma_wait3A_394 : memref<1x128x64xf32, #tpu.memory_space<vmem>> -> memref<128x64xf32, #tpu.memory_space<vmem>>
        %dma_wait3A_396 = arith.constant 0 : i32
        %dma_wait3A_397 = tpu.memref_slice %arg6[%dma_wait3A_391, %dma_wait3A_396] : memref<160x128xi32, #tpu.memory_space<vmem>> -> memref<1x128xi32, #tpu.memory_space<vmem>>
        %dma_wait3A_398 = tpu.memref_squeeze %dma_wait3A_397 : memref<1x128xi32, #tpu.memory_space<vmem>> -> memref<128xi32, #tpu.memory_space<vmem>>
        %dma_wait3A_399 = arith.constant 0 : i32
        %dma_wait3A_400 = arith.constant 0 : i32
        %dma_wait3A_401 = tpu.memref_slice %arg9[%dma_wait3A_399, %dma_wait3A_400] : memref<10240x64xf32, #tpu.memory_space<vmem_shared>> -> memref<10240x64xf32, #tpu.memory_space<vmem_shared>>
        tpu.wait_indirect_dma semaphore(%arg17 : memref<!tpu.dma_semaphore, #tpu.memory_space<semaphore_mem>>) src(%dma_wait3A_395 : memref<128x64xf32, #tpu.memory_space<vmem>>) dst(%dma_wait3A_401 : memref<10240x64xf32, #tpu.memory_space<vmem_shared>>)
      } else {
      }
      %dma_start3A_265 = arith.constant 2 : i32
      %dma_start3A_266 = arith.constant 0 : i32
      %dma_start3A_267 = arith.constant 0 : i32
      %dma_start3A_268 = tpu.memref_slice %arg7[%dma_start3A_265, %dma_start3A_266, %dma_start3A_267] : memref<5x128x64xf32, #tpu.memory_space<vmem>> -> memref<1x128x64xf32, #tpu.memory_space<vmem>>
      %dma_start3A_269 = tpu.memref_squeeze %dma_start3A_268 : memref<1x128x64xf32, #tpu.memory_space<vmem>> -> memref<128x64xf32, #tpu.memory_space<vmem>>
      %dma_start3A_270 = arith.constant 0 : i32
      %dma_start3A_271 = tpu.memref_slice %arg5[%add3A_259, %dma_start3A_270] : memref<160x128xi32, #tpu.memory_space<vmem>> -> memref<1x128xi32, #tpu.memory_space<vmem>>
      %dma_start3A_272 = tpu.memref_squeeze %dma_start3A_271 : memref<1x128xi32, #tpu.memory_space<vmem>> -> memref<128xi32, #tpu.memory_space<vmem>>
      %dma_start3A_273 = arith.constant 0 : i32
      %dma_start3A_274 = arith.constant 0 : i32
      %dma_start3A_275 = tpu.memref_slice %arg2[%arg0, %dma_start3A_273, %dma_start3A_274] : memref<2x10240x64xf32, #tpu.memory_space<hbm>> -> memref<1x10240x64xf32, #tpu.memory_space<hbm>>
      %dma_start3A_276 = tpu.memref_squeeze %dma_start3A_275 : memref<1x10240x64xf32, #tpu.memory_space<hbm>> -> memref<10240x64xf32, #tpu.memory_space<hbm>>
      %dma_start3A_277 = arith.constant 0 : i32
      %dma_start3A_278 = arith.constant 0 : i32
      %dma_start3A_279 = tpu.memref_slice %dma_start3A_276[%dma_start3A_277, %dma_start3A_278] : memref<10240x64xf32, #tpu.memory_space<hbm>> -> memref<10240x64xf32, #tpu.memory_space<hbm>>
      tpu.enqueue_indirect_dma source(%dma_start3A_279 : memref<10240x64xf32, #tpu.memory_space<hbm>>) target(%dma_start3A_269 : memref<128x64xf32, #tpu.memory_space<vmem>>) offsets(%dma_start3A_272 : memref<128xi32, #tpu.memory_space<vmem>>) semaphore(%arg12 : memref<!tpu.dma_semaphore, #tpu.memory_space<semaphore_mem>>)
      %gt3A_280 = arith.constant 0 : i32
      %gt3A_281 = arith.cmpi sgt, %scan3A_200, %gt3A_280 : i32
      %convert_element_type3A_282 = arith.extui %gt3A_281 : i1 to i32
      %cond3A_283 = arith.constant 0 : i32
      %cond3A_284 = arith.cmpi ne, %convert_element_type3A_282, %cond3A_283 : i32
      scf.if %cond3A_284 {
        %dma_wait3A_390 = arith.constant 0 : i32
        %dma_wait3A_391 = arith.constant 4 : i32
        %dma_wait3A_392 = arith.constant 0 : i32
        %dma_wait3A_393 = arith.constant 0 : i32
        %dma_wait3A_394 = tpu.memref_slice %arg7[%dma_wait3A_391, %dma_wait3A_392, %dma_wait3A_393] : memref<5x128x64xf32, #tpu.memory_space<vmem>> -> memref<1x128x64xf32, #tpu.memory_space<vmem>>
        %dma_wait3A_395 = tpu.memref_squeeze %dma_wait3A_394 : memref<1x128x64xf32, #tpu.memory_space<vmem>> -> memref<128x64xf32, #tpu.memory_space<vmem>>
        %dma_wait3A_396 = arith.constant 0 : i32
        %dma_wait3A_397 = tpu.memref_slice %arg5[%dma_wait3A_390, %dma_wait3A_396] : memref<160x128xi32, #tpu.memory_space<vmem>> -> memref<1x128xi32, #tpu.memory_space<vmem>>
        %dma_wait3A_398 = tpu.memref_squeeze %dma_wait3A_397 : memref<1x128xi32, #tpu.memory_space<vmem>> -> memref<128xi32, #tpu.memory_space<vmem>>
        %dma_wait3A_399 = arith.constant 0 : i32
        %dma_wait3A_400 = arith.constant 0 : i32
        %dma_wait3A_401 = tpu.memref_slice %arg2[%arg0, %dma_wait3A_399, %dma_wait3A_400] : memref<2x10240x64xf32, #tpu.memory_space<hbm>> -> memref<1x10240x64xf32, #tpu.memory_space<hbm>>
        %dma_wait3A_402 = tpu.memref_squeeze %dma_wait3A_401 : memref<1x10240x64xf32, #tpu.memory_space<hbm>> -> memref<10240x64xf32, #tpu.memory_space<hbm>>
        %dma_wait3A_403 = arith.constant 0 : i32
        %dma_wait3A_404 = arith.constant 0 : i32
        %dma_wait3A_405 = tpu.memref_slice %dma_wait3A_402[%dma_wait3A_403, %dma_wait3A_404] : memref<10240x64xf32, #tpu.memory_space<hbm>> -> memref<10240x64xf32, #tpu.memory_space<hbm>>
        tpu.wait_indirect_dma semaphore(%arg14 : memref<!tpu.dma_semaphore, #tpu.memory_space<semaphore_mem>>) src(%dma_wait3A_405 : memref<10240x64xf32, #tpu.memory_space<hbm>>) dst(%dma_wait3A_395 : memref<128x64xf32, #tpu.memory_space<vmem>>)
        %sub3A_406 = arith.constant 3 : i32
        %sub3A_407 = arith.subi %add3A_259, %sub3A_406 : i32
        %dma_start3A_408 = arith.constant 4 : i32
        %dma_start3A_409 = arith.constant 0 : i32
        %dma_start3A_410 = arith.constant 0 : i32
        %dma_start3A_411 = tpu.memref_slice %arg7[%dma_start3A_408, %dma_start3A_409, %dma_start3A_410] : memref<5x128x64xf32, #tpu.memory_space<vmem>> -> memref<1x128x64xf32, #tpu.memory_space<vmem>>
        %dma_start3A_412 = tpu.memref_squeeze %dma_start3A_411 : memref<1x128x64xf32, #tpu.memory_space<vmem>> -> memref<128x64xf32, #tpu.memory_space<vmem>>
        %dma_start3A_413 = arith.constant 0 : i32
        %dma_start3A_414 = tpu.memref_slice %arg6[%sub3A_407, %dma_start3A_413] : memref<160x128xi32, #tpu.memory_space<vmem>> -> memref<1x128xi32, #tpu.memory_space<vmem>>
        %dma_start3A_415 = tpu.memref_squeeze %dma_start3A_414 : memref<1x128xi32, #tpu.memory_space<vmem>> -> memref<128xi32, #tpu.memory_space<vmem>>
        %dma_start3A_416 = arith.constant 0 : i32
        %dma_start3A_417 = arith.constant 0 : i32
        %dma_start3A_418 = tpu.memref_slice %arg9[%dma_start3A_416, %dma_start3A_417] : memref<10240x64xf32, #tpu.memory_space<vmem_shared>> -> memref<10240x64xf32, #tpu.memory_space<vmem_shared>>
        tpu.enqueue_indirect_dma source(%dma_start3A_412 : memref<128x64xf32, #tpu.memory_space<vmem>>) target(%dma_start3A_418 : memref<10240x64xf32, #tpu.memory_space<vmem_shared>>) offsets(%dma_start3A_415 : memref<128xi32, #tpu.memory_space<vmem>>) semaphore(%arg19 : memref<!tpu.dma_semaphore, #tpu.memory_space<semaphore_mem>>) {add = true}
      } else {
      }
      %mul3A_285 = arith.constant 5 : i32
      %mul3A_286 = arith.muli %scan3A_200, %mul3A_285 : i32
      %add3A_287 = arith.constant 3 : i32
      %add3A_288 = arith.addi %mul3A_286, %add3A_287 : i32
      %gt3A_289 = arith.constant 0 : i32
      %gt3A_290 = arith.cmpi sgt, %scan3A_200, %gt3A_289 : i32
      %convert_element_type3A_291 = arith.extui %gt3A_290 : i1 to i32
      %cond3A_292 = arith.constant 0 : i32
      %cond3A_293 = arith.cmpi ne, %convert_element_type3A_291, %cond3A_292 : i32
      scf.if %cond3A_293 {
        %dma_wait3A_390 = arith.constant 3 : i32
        %dma_wait3A_391 = arith.constant 0 : i32
        %dma_wait3A_392 = arith.constant 0 : i32
        %dma_wait3A_393 = arith.constant 0 : i32
        %dma_wait3A_394 = tpu.memref_slice %arg7[%dma_wait3A_390, %dma_wait3A_392, %dma_wait3A_393] : memref<5x128x64xf32, #tpu.memory_space<vmem>> -> memref<1x128x64xf32, #tpu.memory_space<vmem>>
        %dma_wait3A_395 = tpu.memref_squeeze %dma_wait3A_394 : memref<1x128x64xf32, #tpu.memory_space<vmem>> -> memref<128x64xf32, #tpu.memory_space<vmem>>
        %dma_wait3A_396 = arith.constant 0 : i32
        %dma_wait3A_397 = tpu.memref_slice %arg6[%dma_wait3A_391, %dma_wait3A_396] : memref<160x128xi32, #tpu.memory_space<vmem>> -> memref<1x128xi32, #tpu.memory_space<vmem>>
        %dma_wait3A_398 = tpu.memref_squeeze %dma_wait3A_397 : memref<1x128xi32, #tpu.memory_space<vmem>> -> memref<128xi32, #tpu.memory_space<vmem>>
        %dma_wait3A_399 = arith.constant 0 : i32
        %dma_wait3A_400 = arith.constant 0 : i32
        %dma_wait3A_401 = tpu.memref_slice %arg9[%dma_wait3A_399, %dma_wait3A_400] : memref<10240x64xf32, #tpu.memory_space<vmem_shared>> -> memref<10240x64xf32, #tpu.memory_space<vmem_shared>>
        tpu.wait_indirect_dma semaphore(%arg18 : memref<!tpu.dma_semaphore, #tpu.memory_space<semaphore_mem>>) src(%dma_wait3A_395 : memref<128x64xf32, #tpu.memory_space<vmem>>) dst(%dma_wait3A_401 : memref<10240x64xf32, #tpu.memory_space<vmem_shared>>)
      } else {
      }
      %dma_start3A_294 = arith.constant 3 : i32
      %dma_start3A_295 = arith.constant 0 : i32
      %dma_start3A_296 = arith.constant 0 : i32
      %dma_start3A_297 = tpu.memref_slice %arg7[%dma_start3A_294, %dma_start3A_295, %dma_start3A_296] : memref<5x128x64xf32, #tpu.memory_space<vmem>> -> memref<1x128x64xf32, #tpu.memory_space<vmem>>
      %dma_start3A_298 = tpu.memref_squeeze %dma_start3A_297 : memref<1x128x64xf32, #tpu.memory_space<vmem>> -> memref<128x64xf32, #tpu.memory_space<vmem>>
      %dma_start3A_299 = arith.constant 0 : i32
      %dma_start3A_300 = tpu.memref_slice %arg5[%add3A_288, %dma_start3A_299] : memref<160x128xi32, #tpu.memory_space<vmem>> -> memref<1x128xi32, #tpu.memory_space<vmem>>
      %dma_start3A_301 = tpu.memref_squeeze %dma_start3A_300 : memref<1x128xi32, #tpu.memory_space<vmem>> -> memref<128xi32, #tpu.memory_space<vmem>>
      %dma_start3A_302 = arith.constant 0 : i32
      %dma_start3A_303 = arith.constant 0 : i32
      %dma_start3A_304 = tpu.memref_slice %arg2[%arg0, %dma_start3A_302, %dma_start3A_303] : memref<2x10240x64xf32, #tpu.memory_space<hbm>> -> memref<1x10240x64xf32, #tpu.memory_space<hbm>>
      %dma_start3A_305 = tpu.memref_squeeze %dma_start3A_304 : memref<1x10240x64xf32, #tpu.memory_space<hbm>> -> memref<10240x64xf32, #tpu.memory_space<hbm>>
      %dma_start3A_306 = arith.constant 0 : i32
      %dma_start3A_307 = arith.constant 0 : i32
      %dma_start3A_308 = tpu.memref_slice %dma_start3A_305[%dma_start3A_306, %dma_start3A_307] : memref<10240x64xf32, #tpu.memory_space<hbm>> -> memref<10240x64xf32, #tpu.memory_space<hbm>>
      tpu.enqueue_indirect_dma source(%dma_start3A_308 : memref<10240x64xf32, #tpu.memory_space<hbm>>) target(%dma_start3A_298 : memref<128x64xf32, #tpu.memory_space<vmem>>) offsets(%dma_start3A_301 : memref<128xi32, #tpu.memory_space<vmem>>) semaphore(%arg13 : memref<!tpu.dma_semaphore, #tpu.memory_space<semaphore_mem>>)
      %dma_wait3A_309 = arith.constant 0 : i32
      %dma_wait3A_310 = arith.constant 0 : i32
      %dma_wait3A_311 = arith.constant 0 : i32
      %dma_wait3A_312 = arith.constant 0 : i32
      %dma_wait3A_313 = tpu.memref_slice %arg7[%dma_wait3A_310, %dma_wait3A_311, %dma_wait3A_312] : memref<5x128x64xf32, #tpu.memory_space<vmem>> -> memref<1x128x64xf32, #tpu.memory_space<vmem>>
      %dma_wait3A_314 = tpu.memref_squeeze %dma_wait3A_313 : memref<1x128x64xf32, #tpu.memory_space<vmem>> -> memref<128x64xf32, #tpu.memory_space<vmem>>
      %dma_wait3A_315 = arith.constant 0 : i32
      %dma_wait3A_316 = tpu.memref_slice %arg5[%dma_wait3A_309, %dma_wait3A_315] : memref<160x128xi32, #tpu.memory_space<vmem>> -> memref<1x128xi32, #tpu.memory_space<vmem>>
      %dma_wait3A_317 = tpu.memref_squeeze %dma_wait3A_316 : memref<1x128xi32, #tpu.memory_space<vmem>> -> memref<128xi32, #tpu.memory_space<vmem>>
      %dma_wait3A_318 = arith.constant 0 : i32
      %dma_wait3A_319 = arith.constant 0 : i32
      %dma_wait3A_320 = tpu.memref_slice %arg2[%arg0, %dma_wait3A_318, %dma_wait3A_319] : memref<2x10240x64xf32, #tpu.memory_space<hbm>> -> memref<1x10240x64xf32, #tpu.memory_space<hbm>>
      %dma_wait3A_321 = tpu.memref_squeeze %dma_wait3A_320 : memref<1x10240x64xf32, #tpu.memory_space<hbm>> -> memref<10240x64xf32, #tpu.memory_space<hbm>>
      %dma_wait3A_322 = arith.constant 0 : i32
      %dma_wait3A_323 = arith.constant 0 : i32
      %dma_wait3A_324 = tpu.memref_slice %dma_wait3A_321[%dma_wait3A_322, %dma_wait3A_323] : memref<10240x64xf32, #tpu.memory_space<hbm>> -> memref<10240x64xf32, #tpu.memory_space<hbm>>
      tpu.wait_indirect_dma semaphore(%arg10 : memref<!tpu.dma_semaphore, #tpu.memory_space<semaphore_mem>>) src(%dma_wait3A_324 : memref<10240x64xf32, #tpu.memory_space<hbm>>) dst(%dma_wait3A_314 : memref<128x64xf32, #tpu.memory_space<vmem>>)
      %sub3A = arith.constant 3 : i32
      %sub3A_325 = arith.subi %add3A_288, %sub3A : i32
      %dma_start3A_326 = arith.constant 0 : i32
      %dma_start3A_327 = arith.constant 0 : i32
      %dma_start3A_328 = arith.constant 0 : i32
      %dma_start3A_329 = tpu.memref_slice %arg7[%dma_start3A_326, %dma_start3A_327, %dma_start3A_328] : memref<5x128x64xf32, #tpu.memory_space<vmem>> -> memref<1x128x64xf32, #tpu.memory_space<vmem>>
      %dma_start3A_330 = tpu.memref_squeeze %dma_start3A_329 : memref<1x128x64xf32, #tpu.memory_space<vmem>> -> memref<128x64xf32, #tpu.memory_space<vmem>>
      %dma_start3A_331 = arith.constant 0 : i32
      %dma_start3A_332 = tpu.memref_slice %arg6[%sub3A_325, %dma_start3A_331] : memref<160x128xi32, #tpu.memory_space<vmem>> -> memref<1x128xi32, #tpu.memory_space<vmem>>
      %dma_start3A_333 = tpu.memref_squeeze %dma_start3A_332 : memref<1x128xi32, #tpu.memory_space<vmem>> -> memref<128xi32, #tpu.memory_space<vmem>>
      %dma_start3A_334 = arith.constant 0 : i32
      %dma_start3A_335 = arith.constant 0 : i32
      %dma_start3A_336 = tpu.memref_slice %arg9[%dma_start3A_334, %dma_start3A_335] : memref<10240x64xf32, #tpu.memory_space<vmem_shared>> -> memref<10240x64xf32, #tpu.memory_space<vmem_shared>>
      tpu.enqueue_indirect_dma source(%dma_start3A_330 : memref<128x64xf32, #tpu.memory_space<vmem>>) target(%dma_start3A_336 : memref<10240x64xf32, #tpu.memory_space<vmem_shared>>) offsets(%dma_start3A_333 : memref<128xi32, #tpu.memory_space<vmem>>) semaphore(%arg15 : memref<!tpu.dma_semaphore, #tpu.memory_space<semaphore_mem>>) {add = true}
      %mul3A_337 = arith.constant 5 : i32
      %mul3A_338 = arith.muli %scan3A_200, %mul3A_337 : i32
      %add3A_339 = arith.constant 4 : i32
      %add3A_340 = arith.addi %mul3A_338, %add3A_339 : i32
      %gt3A_341 = arith.constant 0 : i32
      %gt3A_342 = arith.cmpi sgt, %scan3A_200, %gt3A_341 : i32
      %convert_element_type3A_343 = arith.extui %gt3A_342 : i1 to i32
      %cond3A_344 = arith.constant 0 : i32
      %cond3A_345 = arith.cmpi ne, %convert_element_type3A_343, %cond3A_344 : i32
      scf.if %cond3A_345 {
        %dma_wait3A_390 = arith.constant 4 : i32
        %dma_wait3A_391 = arith.constant 0 : i32
        %dma_wait3A_392 = arith.constant 0 : i32
        %dma_wait3A_393 = arith.constant 0 : i32
        %dma_wait3A_394 = tpu.memref_slice %arg7[%dma_wait3A_390, %dma_wait3A_392, %dma_wait3A_393] : memref<5x128x64xf32, #tpu.memory_space<vmem>> -> memref<1x128x64xf32, #tpu.memory_space<vmem>>
        %dma_wait3A_395 = tpu.memref_squeeze %dma_wait3A_394 : memref<1x128x64xf32, #tpu.memory_space<vmem>> -> memref<128x64xf32, #tpu.memory_space<vmem>>
        %dma_wait3A_396 = arith.constant 0 : i32
        %dma_wait3A_397 = tpu.memref_slice %arg6[%dma_wait3A_391, %dma_wait3A_396] : memref<160x128xi32, #tpu.memory_space<vmem>> -> memref<1x128xi32, #tpu.memory_space<vmem>>
        %dma_wait3A_398 = tpu.memref_squeeze %dma_wait3A_397 : memref<1x128xi32, #tpu.memory_space<vmem>> -> memref<128xi32, #tpu.memory_space<vmem>>
        %dma_wait3A_399 = arith.constant 0 : i32
        %dma_wait3A_400 = arith.constant 0 : i32
        %dma_wait3A_401 = tpu.memref_slice %arg9[%dma_wait3A_399, %dma_wait3A_400] : memref<10240x64xf32, #tpu.memory_space<vmem_shared>> -> memref<10240x64xf32, #tpu.memory_space<vmem_shared>>
        tpu.wait_indirect_dma semaphore(%arg19 : memref<!tpu.dma_semaphore, #tpu.memory_space<semaphore_mem>>) src(%dma_wait3A_395 : memref<128x64xf32, #tpu.memory_space<vmem>>) dst(%dma_wait3A_401 : memref<10240x64xf32, #tpu.memory_space<vmem_shared>>)
      } else {
      }
      %dma_start3A_346 = arith.constant 4 : i32
      %dma_start3A_347 = arith.constant 0 : i32
      %dma_start3A_348 = arith.constant 0 : i32
      %dma_start3A_349 = tpu.memref_slice %arg7[%dma_start3A_346, %dma_start3A_347, %dma_start3A_348] : memref<5x128x64xf32, #tpu.memory_space<vmem>> -> memref<1x128x64xf32, #tpu.memory_space<vmem>>
      %dma_start3A_350 = tpu.memref_squeeze %dma_start3A_349 : memref<1x128x64xf32, #tpu.memory_space<vmem>> -> memref<128x64xf32, #tpu.memory_space<vmem>>
      %dma_start3A_351 = arith.constant 0 : i32
      %dma_start3A_352 = tpu.memref_slice %arg5[%add3A_340, %dma_start3A_351] : memref<160x128xi32, #tpu.memory_space<vmem>> -> memref<1x128xi32, #tpu.memory_space<vmem>>
      %dma_start3A_353 = tpu.memref_squeeze %dma_start3A_352 : memref<1x128xi32, #tpu.memory_space<vmem>> -> memref<128xi32, #tpu.memory_space<vmem>>
      %dma_start3A_354 = arith.constant 0 : i32
      %dma_start3A_355 = arith.constant 0 : i32
      %dma_start3A_356 = tpu.memref_slice %arg2[%arg0, %dma_start3A_354, %dma_start3A_355] : memref<2x10240x64xf32, #tpu.memory_space<hbm>> -> memref<1x10240x64xf32, #tpu.memory_space<hbm>>
      %dma_start3A_357 = tpu.memref_squeeze %dma_start3A_356 : memref<1x10240x64xf32, #tpu.memory_space<hbm>> -> memref<10240x64xf32, #tpu.memory_space<hbm>>
      %dma_start3A_358 = arith.constant 0 : i32
      %dma_start3A_359 = arith.constant 0 : i32
      %dma_start3A_360 = tpu.memref_slice %dma_start3A_357[%dma_start3A_358, %dma_start3A_359] : memref<10240x64xf32, #tpu.memory_space<hbm>> -> memref<10240x64xf32, #tpu.memory_space<hbm>>
      tpu.enqueue_indirect_dma source(%dma_start3A_360 : memref<10240x64xf32, #tpu.memory_space<hbm>>) target(%dma_start3A_350 : memref<128x64xf32, #tpu.memory_space<vmem>>) offsets(%dma_start3A_353 : memref<128xi32, #tpu.memory_space<vmem>>) semaphore(%arg14 : memref<!tpu.dma_semaphore, #tpu.memory_space<semaphore_mem>>)
      %dma_wait3A_361 = arith.constant 0 : i32
      %dma_wait3A_362 = arith.constant 1 : i32
      %dma_wait3A_363 = arith.constant 0 : i32
      %dma_wait3A_364 = arith.constant 0 : i32
      %dma_wait3A_365 = tpu.memref_slice %arg7[%dma_wait3A_362, %dma_wait3A_363, %dma_wait3A_364] : memref<5x128x64xf32, #tpu.memory_space<vmem>> -> memref<1x128x64xf32, #tpu.memory_space<vmem>>
      %dma_wait3A_366 = tpu.memref_squeeze %dma_wait3A_365 : memref<1x128x64xf32, #tpu.memory_space<vmem>> -> memref<128x64xf32, #tpu.memory_space<vmem>>
      %dma_wait3A_367 = arith.constant 0 : i32
      %dma_wait3A_368 = tpu.memref_slice %arg5[%dma_wait3A_361, %dma_wait3A_367] : memref<160x128xi32, #tpu.memory_space<vmem>> -> memref<1x128xi32, #tpu.memory_space<vmem>>
      %dma_wait3A_369 = tpu.memref_squeeze %dma_wait3A_368 : memref<1x128xi32, #tpu.memory_space<vmem>> -> memref<128xi32, #tpu.memory_space<vmem>>
      %dma_wait3A_370 = arith.constant 0 : i32
      %dma_wait3A_371 = arith.constant 0 : i32
      %dma_wait3A_372 = tpu.memref_slice %arg2[%arg0, %dma_wait3A_370, %dma_wait3A_371] : memref<2x10240x64xf32, #tpu.memory_space<hbm>> -> memref<1x10240x64xf32, #tpu.memory_space<hbm>>
      %dma_wait3A_373 = tpu.memref_squeeze %dma_wait3A_372 : memref<1x10240x64xf32, #tpu.memory_space<hbm>> -> memref<10240x64xf32, #tpu.memory_space<hbm>>
      %dma_wait3A_374 = arith.constant 0 : i32
      %dma_wait3A_375 = arith.constant 0 : i32
      %dma_wait3A_376 = tpu.memref_slice %dma_wait3A_373[%dma_wait3A_374, %dma_wait3A_375] : memref<10240x64xf32, #tpu.memory_space<hbm>> -> memref<10240x64xf32, #tpu.memory_space<hbm>>
      tpu.wait_indirect_dma semaphore(%arg11 : memref<!tpu.dma_semaphore, #tpu.memory_space<semaphore_mem>>) src(%dma_wait3A_376 : memref<10240x64xf32, #tpu.memory_space<hbm>>) dst(%dma_wait3A_366 : memref<128x64xf32, #tpu.memory_space<vmem>>)
      %sub3A_377 = arith.constant 3 : i32
      %sub3A_378 = arith.subi %add3A_340, %sub3A_377 : i32
      %dma_start3A_379 = arith.constant 1 : i32
      %dma_start3A_380 = arith.constant 0 : i32
      %dma_start3A_381 = arith.constant 0 : i32
      %dma_start3A_382 = tpu.memref_slice %arg7[%dma_start3A_379, %dma_start3A_380, %dma_start3A_381] : memref<5x128x64xf32, #tpu.memory_space<vmem>> -> memref<1x128x64xf32, #tpu.memory_space<vmem>>
      %dma_start3A_383 = tpu.memref_squeeze %dma_start3A_382 : memref<1x128x64xf32, #tpu.memory_space<vmem>> -> memref<128x64xf32, #tpu.memory_space<vmem>>
      %dma_start3A_384 = arith.constant 0 : i32
      %dma_start3A_385 = tpu.memref_slice %arg6[%sub3A_378, %dma_start3A_384] : memref<160x128xi32, #tpu.memory_space<vmem>> -> memref<1x128xi32, #tpu.memory_space<vmem>>
      %dma_start3A_386 = tpu.memref_squeeze %dma_start3A_385 : memref<1x128xi32, #tpu.memory_space<vmem>> -> memref<128xi32, #tpu.memory_space<vmem>>
      %dma_start3A_387 = arith.constant 0 : i32
      %dma_start3A_388 = arith.constant 0 : i32
      %dma_start3A_389 = tpu.memref_slice %arg9[%dma_start3A_387, %dma_start3A_388] : memref<10240x64xf32, #tpu.memory_space<vmem_shared>> -> memref<10240x64xf32, #tpu.memory_space<vmem_shared>>
      tpu.enqueue_indirect_dma source(%dma_start3A_383 : memref<128x64xf32, #tpu.memory_space<vmem>>) target(%dma_start3A_389 : memref<10240x64xf32, #tpu.memory_space<vmem_shared>>) offsets(%dma_start3A_386 : memref<128xi32, #tpu.memory_space<vmem>>) semaphore(%arg16 : memref<!tpu.dma_semaphore, #tpu.memory_space<semaphore_mem>>) {add = true}
    }
    %scan3A_52 = arith.constant 32 : i32
    %dma_wait3A = arith.constant 0 : i32
    %dma_wait3A_53 = arith.constant 2 : i32
    %dma_wait3A_54 = arith.constant 0 : i32
    %dma_wait3A_55 = arith.constant 0 : i32
    %dma_wait3A_56 = tpu.memref_slice %arg7[%dma_wait3A_53, %dma_wait3A_54, %dma_wait3A_55] : memref<5x128x64xf32, #tpu.memory_space<vmem>> -> memref<1x128x64xf32, #tpu.memory_space<vmem>>
    %dma_wait3A_57 = tpu.memref_squeeze %dma_wait3A_56 : memref<1x128x64xf32, #tpu.memory_space<vmem>> -> memref<128x64xf32, #tpu.memory_space<vmem>>
    %dma_wait3A_58 = arith.constant 0 : i32
    %dma_wait3A_59 = tpu.memref_slice %arg5[%dma_wait3A, %dma_wait3A_58] : memref<160x128xi32, #tpu.memory_space<vmem>> -> memref<1x128xi32, #tpu.memory_space<vmem>>
    %dma_wait3A_60 = tpu.memref_squeeze %dma_wait3A_59 : memref<1x128xi32, #tpu.memory_space<vmem>> -> memref<128xi32, #tpu.memory_space<vmem>>
    %dma_wait3A_61 = arith.constant 0 : i32
    %dma_wait3A_62 = arith.constant 0 : i32
    %dma_wait3A_63 = tpu.memref_slice %arg2[%arg0, %dma_wait3A_61, %dma_wait3A_62] : memref<2x10240x64xf32, #tpu.memory_space<hbm>> -> memref<1x10240x64xf32, #tpu.memory_space<hbm>>
    %dma_wait3A_64 = tpu.memref_squeeze %dma_wait3A_63 : memref<1x10240x64xf32, #tpu.memory_space<hbm>> -> memref<10240x64xf32, #tpu.memory_space<hbm>>
    %dma_wait3A_65 = arith.constant 0 : i32
    %dma_wait3A_66 = arith.constant 0 : i32
    %dma_wait3A_67 = tpu.memref_slice %dma_wait3A_64[%dma_wait3A_65, %dma_wait3A_66] : memref<10240x64xf32, #tpu.memory_space<hbm>> -> memref<10240x64xf32, #tpu.memory_space<hbm>>
    tpu.wait_indirect_dma semaphore(%arg12 : memref<!tpu.dma_semaphore, #tpu.memory_space<semaphore_mem>>) src(%dma_wait3A_67 : memref<10240x64xf32, #tpu.memory_space<hbm>>) dst(%dma_wait3A_57 : memref<128x64xf32, #tpu.memory_space<vmem>>)
    %dma_start3A = arith.constant 2 : i32
    %dma_start3A_68 = arith.constant 157 : i32
    %dma_start3A_69 = arith.constant 0 : i32
    %dma_start3A_70 = arith.constant 0 : i32
    %dma_start3A_71 = tpu.memref_slice %arg7[%dma_start3A, %dma_start3A_69, %dma_start3A_70] : memref<5x128x64xf32, #tpu.memory_space<vmem>> -> memref<1x128x64xf32, #tpu.memory_space<vmem>>
    %dma_start3A_72 = tpu.memref_squeeze %dma_start3A_71 : memref<1x128x64xf32, #tpu.memory_space<vmem>> -> memref<128x64xf32, #tpu.memory_space<vmem>>
    %dma_start3A_73 = arith.constant 0 : i32
    %dma_start3A_74 = tpu.memref_slice %arg6[%dma_start3A_68, %dma_start3A_73] : memref<160x128xi32, #tpu.memory_space<vmem>> -> memref<1x128xi32, #tpu.memory_space<vmem>>
    %dma_start3A_75 = tpu.memref_squeeze %dma_start3A_74 : memref<1x128xi32, #tpu.memory_space<vmem>> -> memref<128xi32, #tpu.memory_space<vmem>>
    %dma_start3A_76 = arith.constant 0 : i32
    %dma_start3A_77 = arith.constant 0 : i32
    %dma_start3A_78 = tpu.memref_slice %arg9[%dma_start3A_76, %dma_start3A_77] : memref<10240x64xf32, #tpu.memory_space<vmem_shared>> -> memref<10240x64xf32, #tpu.memory_space<vmem_shared>>
    tpu.enqueue_indirect_dma source(%dma_start3A_72 : memref<128x64xf32, #tpu.memory_space<vmem>>) target(%dma_start3A_78 : memref<10240x64xf32, #tpu.memory_space<vmem_shared>>) offsets(%dma_start3A_75 : memref<128xi32, #tpu.memory_space<vmem>>) semaphore(%arg17 : memref<!tpu.dma_semaphore, #tpu.memory_space<semaphore_mem>>) {add = true}
    %dma_wait3A_79 = arith.constant 0 : i32
    %dma_wait3A_80 = arith.constant 3 : i32
    %dma_wait3A_81 = arith.constant 0 : i32
    %dma_wait3A_82 = arith.constant 0 : i32
    %dma_wait3A_83 = tpu.memref_slice %arg7[%dma_wait3A_80, %dma_wait3A_81, %dma_wait3A_82] : memref<5x128x64xf32, #tpu.memory_space<vmem>> -> memref<1x128x64xf32, #tpu.memory_space<vmem>>
    %dma_wait3A_84 = tpu.memref_squeeze %dma_wait3A_83 : memref<1x128x64xf32, #tpu.memory_space<vmem>> -> memref<128x64xf32, #tpu.memory_space<vmem>>
    %dma_wait3A_85 = arith.constant 0 : i32
    %dma_wait3A_86 = tpu.memref_slice %arg5[%dma_wait3A_79, %dma_wait3A_85] : memref<160x128xi32, #tpu.memory_space<vmem>> -> memref<1x128xi32, #tpu.memory_space<vmem>>
    %dma_wait3A_87 = tpu.memref_squeeze %dma_wait3A_86 : memref<1x128xi32, #tpu.memory_space<vmem>> -> memref<128xi32, #tpu.memory_space<vmem>>
    %dma_wait3A_88 = arith.constant 0 : i32
    %dma_wait3A_89 = arith.constant 0 : i32
    %dma_wait3A_90 = tpu.memref_slice %arg2[%arg0, %dma_wait3A_88, %dma_wait3A_89] : memref<2x10240x64xf32, #tpu.memory_space<hbm>> -> memref<1x10240x64xf32, #tpu.memory_space<hbm>>
    %dma_wait3A_91 = tpu.memref_squeeze %dma_wait3A_90 : memref<1x10240x64xf32, #tpu.memory_space<hbm>> -> memref<10240x64xf32, #tpu.memory_space<hbm>>
    %dma_wait3A_92 = arith.constant 0 : i32
    %dma_wait3A_93 = arith.constant 0 : i32
    %dma_wait3A_94 = tpu.memref_slice %dma_wait3A_91[%dma_wait3A_92, %dma_wait3A_93] : memref<10240x64xf32, #tpu.memory_space<hbm>> -> memref<10240x64xf32, #tpu.memory_space<hbm>>
    tpu.wait_indirect_dma semaphore(%arg13 : memref<!tpu.dma_semaphore, #tpu.memory_space<semaphore_mem>>) src(%dma_wait3A_94 : memref<10240x64xf32, #tpu.memory_space<hbm>>) dst(%dma_wait3A_84 : memref<128x64xf32, #tpu.memory_space<vmem>>)
    %dma_start3A_95 = arith.constant 3 : i32
    %dma_start3A_96 = arith.constant 158 : i32
    %dma_start3A_97 = arith.constant 0 : i32
    %dma_start3A_98 = arith.constant 0 : i32
    %dma_start3A_99 = tpu.memref_slice %arg7[%dma_start3A_95, %dma_start3A_97, %dma_start3A_98] : memref<5x128x64xf32, #tpu.memory_space<vmem>> -> memref<1x128x64xf32, #tpu.memory_space<vmem>>
    %dma_start3A_100 = tpu.memref_squeeze %dma_start3A_99 : memref<1x128x64xf32, #tpu.memory_space<vmem>> -> memref<128x64xf32, #tpu.memory_space<vmem>>
    %dma_start3A_101 = arith.constant 0 : i32
    %dma_start3A_102 = tpu.memref_slice %arg6[%dma_start3A_96, %dma_start3A_101] : memref<160x128xi32, #tpu.memory_space<vmem>> -> memref<1x128xi32, #tpu.memory_space<vmem>>
    %dma_start3A_103 = tpu.memref_squeeze %dma_start3A_102 : memref<1x128xi32, #tpu.memory_space<vmem>> -> memref<128xi32, #tpu.memory_space<vmem>>
    %dma_start3A_104 = arith.constant 0 : i32
    %dma_start3A_105 = arith.constant 0 : i32
    %dma_start3A_106 = tpu.memref_slice %arg9[%dma_start3A_104, %dma_start3A_105] : memref<10240x64xf32, #tpu.memory_space<vmem_shared>> -> memref<10240x64xf32, #tpu.memory_space<vmem_shared>>
    tpu.enqueue_indirect_dma source(%dma_start3A_100 : memref<128x64xf32, #tpu.memory_space<vmem>>) target(%dma_start3A_106 : memref<10240x64xf32, #tpu.memory_space<vmem_shared>>) offsets(%dma_start3A_103 : memref<128xi32, #tpu.memory_space<vmem>>) semaphore(%arg18 : memref<!tpu.dma_semaphore, #tpu.memory_space<semaphore_mem>>) {add = true}
    %dma_wait3A_107 = arith.constant 0 : i32
    %dma_wait3A_108 = arith.constant 4 : i32
    %dma_wait3A_109 = arith.constant 0 : i32
    %dma_wait3A_110 = arith.constant 0 : i32
    %dma_wait3A_111 = tpu.memref_slice %arg7[%dma_wait3A_108, %dma_wait3A_109, %dma_wait3A_110] : memref<5x128x64xf32, #tpu.memory_space<vmem>> -> memref<1x128x64xf32, #tpu.memory_space<vmem>>
    %dma_wait3A_112 = tpu.memref_squeeze %dma_wait3A_111 : memref<1x128x64xf32, #tpu.memory_space<vmem>> -> memref<128x64xf32, #tpu.memory_space<vmem>>
    %dma_wait3A_113 = arith.constant 0 : i32
    %dma_wait3A_114 = tpu.memref_slice %arg5[%dma_wait3A_107, %dma_wait3A_113] : memref<160x128xi32, #tpu.memory_space<vmem>> -> memref<1x128xi32, #tpu.memory_space<vmem>>
    %dma_wait3A_115 = tpu.memref_squeeze %dma_wait3A_114 : memref<1x128xi32, #tpu.memory_space<vmem>> -> memref<128xi32, #tpu.memory_space<vmem>>
    %dma_wait3A_116 = arith.constant 0 : i32
    %dma_wait3A_117 = arith.constant 0 : i32
    %dma_wait3A_118 = tpu.memref_slice %arg2[%arg0, %dma_wait3A_116, %dma_wait3A_117] : memref<2x10240x64xf32, #tpu.memory_space<hbm>> -> memref<1x10240x64xf32, #tpu.memory_space<hbm>>
    %dma_wait3A_119 = tpu.memref_squeeze %dma_wait3A_118 : memref<1x10240x64xf32, #tpu.memory_space<hbm>> -> memref<10240x64xf32, #tpu.memory_space<hbm>>
    %dma_wait3A_120 = arith.constant 0 : i32
    %dma_wait3A_121 = arith.constant 0 : i32
    %dma_wait3A_122 = tpu.memref_slice %dma_wait3A_119[%dma_wait3A_120, %dma_wait3A_121] : memref<10240x64xf32, #tpu.memory_space<hbm>> -> memref<10240x64xf32, #tpu.memory_space<hbm>>
    tpu.wait_indirect_dma semaphore(%arg14 : memref<!tpu.dma_semaphore, #tpu.memory_space<semaphore_mem>>) src(%dma_wait3A_122 : memref<10240x64xf32, #tpu.memory_space<hbm>>) dst(%dma_wait3A_112 : memref<128x64xf32, #tpu.memory_space<vmem>>)
    %dma_start3A_123 = arith.constant 4 : i32
    %dma_start3A_124 = arith.constant 159 : i32
    %dma_start3A_125 = arith.constant 0 : i32
    %dma_start3A_126 = arith.constant 0 : i32
    %dma_start3A_127 = tpu.memref_slice %arg7[%dma_start3A_123, %dma_start3A_125, %dma_start3A_126] : memref<5x128x64xf32, #tpu.memory_space<vmem>> -> memref<1x128x64xf32, #tpu.memory_space<vmem>>
    %dma_start3A_128 = tpu.memref_squeeze %dma_start3A_127 : memref<1x128x64xf32, #tpu.memory_space<vmem>> -> memref<128x64xf32, #tpu.memory_space<vmem>>
    %dma_start3A_129 = arith.constant 0 : i32
    %dma_start3A_130 = tpu.memref_slice %arg6[%dma_start3A_124, %dma_start3A_129] : memref<160x128xi32, #tpu.memory_space<vmem>> -> memref<1x128xi32, #tpu.memory_space<vmem>>
    %dma_start3A_131 = tpu.memref_squeeze %dma_start3A_130 : memref<1x128xi32, #tpu.memory_space<vmem>> -> memref<128xi32, #tpu.memory_space<vmem>>
    %dma_start3A_132 = arith.constant 0 : i32
    %dma_start3A_133 = arith.constant 0 : i32
    %dma_start3A_134 = tpu.memref_slice %arg9[%dma_start3A_132, %dma_start3A_133] : memref<10240x64xf32, #tpu.memory_space<vmem_shared>> -> memref<10240x64xf32, #tpu.memory_space<vmem_shared>>
    tpu.enqueue_indirect_dma source(%dma_start3A_128 : memref<128x64xf32, #tpu.memory_space<vmem>>) target(%dma_start3A_134 : memref<10240x64xf32, #tpu.memory_space<vmem_shared>>) offsets(%dma_start3A_131 : memref<128xi32, #tpu.memory_space<vmem>>) semaphore(%arg19 : memref<!tpu.dma_semaphore, #tpu.memory_space<semaphore_mem>>) {add = true}
    %dma_wait3A_135 = arith.constant 0 : i32
    %dma_wait3A_136 = arith.constant 0 : i32
    %dma_wait3A_137 = arith.constant 0 : i32
    %dma_wait3A_138 = arith.constant 0 : i32
    %dma_wait3A_139 = tpu.memref_slice %arg7[%dma_wait3A_135, %dma_wait3A_137, %dma_wait3A_138] : memref<5x128x64xf32, #tpu.memory_space<vmem>> -> memref<1x128x64xf32, #tpu.memory_space<vmem>>
    %dma_wait3A_140 = tpu.memref_squeeze %dma_wait3A_139 : memref<1x128x64xf32, #tpu.memory_space<vmem>> -> memref<128x64xf32, #tpu.memory_space<vmem>>
    %dma_wait3A_141 = arith.constant 0 : i32
    %dma_wait3A_142 = tpu.memref_slice %arg6[%dma_wait3A_136, %dma_wait3A_141] : memref<160x128xi32, #tpu.memory_space<vmem>> -> memref<1x128xi32, #tpu.memory_space<vmem>>
    %dma_wait3A_143 = tpu.memref_squeeze %dma_wait3A_142 : memref<1x128xi32, #tpu.memory_space<vmem>> -> memref<128xi32, #tpu.memory_space<vmem>>
    %dma_wait3A_144 = arith.constant 0 : i32
    %dma_wait3A_145 = arith.constant 0 : i32
    %dma_wait3A_146 = tpu.memref_slice %arg9[%dma_wait3A_144, %dma_wait3A_145] : memref<10240x64xf32, #tpu.memory_space<vmem_shared>> -> memref<10240x64xf32, #tpu.memory_space<vmem_shared>>
    tpu.wait_indirect_dma semaphore(%arg15 : memref<!tpu.dma_semaphore, #tpu.memory_space<semaphore_mem>>) src(%dma_wait3A_140 : memref<128x64xf32, #tpu.memory_space<vmem>>) dst(%dma_wait3A_146 : memref<10240x64xf32, #tpu.memory_space<vmem_shared>>)
    %dma_wait3A_147 = arith.constant 1 : i32
    %dma_wait3A_148 = arith.constant 0 : i32
    %dma_wait3A_149 = arith.constant 0 : i32
    %dma_wait3A_150 = arith.constant 0 : i32
    %dma_wait3A_151 = tpu.memref_slice %arg7[%dma_wait3A_147, %dma_wait3A_149, %dma_wait3A_150] : memref<5x128x64xf32, #tpu.memory_space<vmem>> -> memref<1x128x64xf32, #tpu.memory_space<vmem>>
    %dma_wait3A_152 = tpu.memref_squeeze %dma_wait3A_151 : memref<1x128x64xf32, #tpu.memory_space<vmem>> -> memref<128x64xf32, #tpu.memory_space<vmem>>
    %dma_wait3A_153 = arith.constant 0 : i32
    %dma_wait3A_154 = tpu.memref_slice %arg6[%dma_wait3A_148, %dma_wait3A_153] : memref<160x128xi32, #tpu.memory_space<vmem>> -> memref<1x128xi32, #tpu.memory_space<vmem>>
    %dma_wait3A_155 = tpu.memref_squeeze %dma_wait3A_154 : memref<1x128xi32, #tpu.memory_space<vmem>> -> memref<128xi32, #tpu.memory_space<vmem>>
    %dma_wait3A_156 = arith.constant 0 : i32
    %dma_wait3A_157 = arith.constant 0 : i32
    %dma_wait3A_158 = tpu.memref_slice %arg9[%dma_wait3A_156, %dma_wait3A_157] : memref<10240x64xf32, #tpu.memory_space<vmem_shared>> -> memref<10240x64xf32, #tpu.memory_space<vmem_shared>>
    tpu.wait_indirect_dma semaphore(%arg16 : memref<!tpu.dma_semaphore, #tpu.memory_space<semaphore_mem>>) src(%dma_wait3A_152 : memref<128x64xf32, #tpu.memory_space<vmem>>) dst(%dma_wait3A_158 : memref<10240x64xf32, #tpu.memory_space<vmem_shared>>)
    %dma_wait3A_159 = arith.constant 2 : i32
    %dma_wait3A_160 = arith.constant 0 : i32
    %dma_wait3A_161 = arith.constant 0 : i32
    %dma_wait3A_162 = arith.constant 0 : i32
    %dma_wait3A_163 = tpu.memref_slice %arg7[%dma_wait3A_159, %dma_wait3A_161, %dma_wait3A_162] : memref<5x128x64xf32, #tpu.memory_space<vmem>> -> memref<1x128x64xf32, #tpu.memory_space<vmem>>
    %dma_wait3A_164 = tpu.memref_squeeze %dma_wait3A_163 : memref<1x128x64xf32, #tpu.memory_space<vmem>> -> memref<128x64xf32, #tpu.memory_space<vmem>>
    %dma_wait3A_165 = arith.constant 0 : i32
    %dma_wait3A_166 = tpu.memref_slice %arg6[%dma_wait3A_160, %dma_wait3A_165] : memref<160x128xi32, #tpu.memory_space<vmem>> -> memref<1x128xi32, #tpu.memory_space<vmem>>
    %dma_wait3A_167 = tpu.memref_squeeze %dma_wait3A_166 : memref<1x128xi32, #tpu.memory_space<vmem>> -> memref<128xi32, #tpu.memory_space<vmem>>
    %dma_wait3A_168 = arith.constant 0 : i32
    %dma_wait3A_169 = arith.constant 0 : i32
    %dma_wait3A_170 = tpu.memref_slice %arg9[%dma_wait3A_168, %dma_wait3A_169] : memref<10240x64xf32, #tpu.memory_space<vmem_shared>> -> memref<10240x64xf32, #tpu.memory_space<vmem_shared>>
    tpu.wait_indirect_dma semaphore(%arg17 : memref<!tpu.dma_semaphore, #tpu.memory_space<semaphore_mem>>) src(%dma_wait3A_164 : memref<128x64xf32, #tpu.memory_space<vmem>>) dst(%dma_wait3A_170 : memref<10240x64xf32, #tpu.memory_space<vmem_shared>>)
    %dma_wait3A_171 = arith.constant 3 : i32
    %dma_wait3A_172 = arith.constant 0 : i32
    %dma_wait3A_173 = arith.constant 0 : i32
    %dma_wait3A_174 = arith.constant 0 : i32
    %dma_wait3A_175 = tpu.memref_slice %arg7[%dma_wait3A_171, %dma_wait3A_173, %dma_wait3A_174] : memref<5x128x64xf32, #tpu.memory_space<vmem>> -> memref<1x128x64xf32, #tpu.memory_space<vmem>>
    %dma_wait3A_176 = tpu.memref_squeeze %dma_wait3A_175 : memref<1x128x64xf32, #tpu.memory_space<vmem>> -> memref<128x64xf32, #tpu.memory_space<vmem>>
    %dma_wait3A_177 = arith.constant 0 : i32
    %dma_wait3A_178 = tpu.memref_slice %arg6[%dma_wait3A_172, %dma_wait3A_177] : memref<160x128xi32, #tpu.memory_space<vmem>> -> memref<1x128xi32, #tpu.memory_space<vmem>>
    %dma_wait3A_179 = tpu.memref_squeeze %dma_wait3A_178 : memref<1x128xi32, #tpu.memory_space<vmem>> -> memref<128xi32, #tpu.memory_space<vmem>>
    %dma_wait3A_180 = arith.constant 0 : i32
    %dma_wait3A_181 = arith.constant 0 : i32
    %dma_wait3A_182 = tpu.memref_slice %arg9[%dma_wait3A_180, %dma_wait3A_181] : memref<10240x64xf32, #tpu.memory_space<vmem_shared>> -> memref<10240x64xf32, #tpu.memory_space<vmem_shared>>
    tpu.wait_indirect_dma semaphore(%arg18 : memref<!tpu.dma_semaphore, #tpu.memory_space<semaphore_mem>>) src(%dma_wait3A_176 : memref<128x64xf32, #tpu.memory_space<vmem>>) dst(%dma_wait3A_182 : memref<10240x64xf32, #tpu.memory_space<vmem_shared>>)
    %dma_wait3A_183 = arith.constant 4 : i32
    %dma_wait3A_184 = arith.constant 0 : i32
    %dma_wait3A_185 = arith.constant 0 : i32
    %dma_wait3A_186 = arith.constant 0 : i32
    %dma_wait3A_187 = tpu.memref_slice %arg7[%dma_wait3A_183, %dma_wait3A_185, %dma_wait3A_186] : memref<5x128x64xf32, #tpu.memory_space<vmem>> -> memref<1x128x64xf32, #tpu.memory_space<vmem>>
    %dma_wait3A_188 = tpu.memref_squeeze %dma_wait3A_187 : memref<1x128x64xf32, #tpu.memory_space<vmem>> -> memref<128x64xf32, #tpu.memory_space<vmem>>
    %dma_wait3A_189 = arith.constant 0 : i32
    %dma_wait3A_190 = tpu.memref_slice %arg6[%dma_wait3A_184, %dma_wait3A_189] : memref<160x128xi32, #tpu.memory_space<vmem>> -> memref<1x128xi32, #tpu.memory_space<vmem>>
    %dma_wait3A_191 = tpu.memref_squeeze %dma_wait3A_190 : memref<1x128xi32, #tpu.memory_space<vmem>> -> memref<128xi32, #tpu.memory_space<vmem>>
    %dma_wait3A_192 = arith.constant 0 : i32
    %dma_wait3A_193 = arith.constant 0 : i32
    %dma_wait3A_194 = tpu.memref_slice %arg9[%dma_wait3A_192, %dma_wait3A_193] : memref<10240x64xf32, #tpu.memory_space<vmem_shared>> -> memref<10240x64xf32, #tpu.memory_space<vmem_shared>>
    tpu.wait_indirect_dma semaphore(%arg19 : memref<!tpu.dma_semaphore, #tpu.memory_space<semaphore_mem>>) src(%dma_wait3A_188 : memref<128x64xf32, #tpu.memory_space<vmem>>) dst(%dma_wait3A_194 : memref<10240x64xf32, #tpu.memory_space<vmem_shared>>)
    %barrier3A_195 = arith.constant 0 : index
    tpu.barrier barrier_id(%barrier3A_195)
    %mul3A_196 = arith.constant 640 : i32
    %mul3A_197 = arith.muli %arg1, %mul3A_196 : i32
    %mul3A_198 = arith.constant 640 : i32
    %mul3A_199 = arith.muli %arg1, %mul3A_198 : i32
    "tpu.region"() ({
      %run_scoped3A_200 = tpu.sem_alloc : memref<!tpu.dma_semaphore, #tpu.memory_space<semaphore_mem>>
      %dma_start3A_201 = arith.constant 0 : i32
      %dma_start3A_202 = tpu.memref_slice %arg4[%arg0, %mul3A_199, %dma_start3A_201] : memref<2x10240x64xf32, #tpu.memory_space<hbm>> -> memref<1x640x64xf32, #tpu.memory_space<hbm>>
      %dma_start3A_203 = tpu.memref_squeeze %dma_start3A_202 : memref<1x640x64xf32, #tpu.memory_space<hbm>> -> memref<640x64xf32, #tpu.memory_space<hbm>>
      %dma_start3A_204 = arith.constant 0 : i32
      %dma_start3A_205 = tpu.memref_slice %arg9[%mul3A_197, %dma_start3A_204] : memref<10240x64xf32, #tpu.memory_space<vmem_shared>> -> memref<640x64xf32, #tpu.memory_space<vmem_shared>>
      tpu.enqueue_dma source(%dma_start3A_205 : memref<640x64xf32, #tpu.memory_space<vmem_shared>>) target(%dma_start3A_203 : memref<640x64xf32, #tpu.memory_space<hbm>>) target_semaphore(%run_scoped3A_200 : memref<!tpu.dma_semaphore, #tpu.memory_space<semaphore_mem>>)
      %dma_wait3A_206 = arith.constant 0 : i32
      %dma_wait3A_207 = tpu.memref_slice %arg4[%arg0, %mul3A_199, %dma_wait3A_206] : memref<2x10240x64xf32, #tpu.memory_space<hbm>> -> memref<1x640x64xf32, #tpu.memory_space<hbm>>
      %dma_wait3A_208 = tpu.memref_squeeze %dma_wait3A_207 : memref<1x640x64xf32, #tpu.memory_space<hbm>> -> memref<640x64xf32, #tpu.memory_space<hbm>>
      %dma_wait3A_209 = arith.constant 0 : i32
      %dma_wait3A_210 = tpu.memref_slice %arg9[%mul3A_197, %dma_wait3A_209] : memref<10240x64xf32, #tpu.memory_space<vmem_shared>> -> memref<640x64xf32, #tpu.memory_space<vmem_shared>>
      tpu.wait_dma2 semaphore(%run_scoped3A_200 : memref<!tpu.dma_semaphore, #tpu.memory_space<semaphore_mem>>) src(%dma_wait3A_210 : memref<640x64xf32, #tpu.memory_space<vmem_shared>>) dst(%dma_wait3A_208 : memref<640x64xf32, #tpu.memory_space<hbm>>)
      tpu.yield
    }) : () -> ()
    return
  }
}

#map = affine_map<(d0, d1) -> (0, 0)>
#map1 = affine_map<(d0, d1) -> (0, 0, 0)>
module attributes {stable_mosaic.version = 14 : i64} {
  func.func @prop(%arg0: i32, %arg1: i32, %arg2: memref<10240x16xf32, #tpu.memory_space<hbm>>, %arg3: memref<2x2560x128xi32, #tpu.memory_space<hbm>>, %arg4: memref<2x10240x16xf32, #tpu.memory_space<hbm>>, %arg5: memref<80x128xi32, #tpu.memory_space<vmem>>, %arg6: memref<80x128xi32, #tpu.memory_space<vmem>>, %arg7: memref<5x128x16xf32, #tpu.memory_space<vmem>>, %arg8: memref<64x16xf32, #tpu.memory_space<vmem>>, %arg9: memref<10240x16xf32, #tpu.memory_space<vmem_shared>>, %arg10: memref<!tpu.dma_semaphore, #tpu.memory_space<semaphore_mem>>, %arg11: memref<!tpu.dma_semaphore, #tpu.memory_space<semaphore_mem>>, %arg12: memref<!tpu.dma_semaphore, #tpu.memory_space<semaphore_mem>>, %arg13: memref<!tpu.dma_semaphore, #tpu.memory_space<semaphore_mem>>, %arg14: memref<!tpu.dma_semaphore, #tpu.memory_space<semaphore_mem>>, %arg15: memref<!tpu.dma_semaphore, #tpu.memory_space<semaphore_mem>>, %arg16: memref<!tpu.dma_semaphore, #tpu.memory_space<semaphore_mem>>, %arg17: memref<!tpu.dma_semaphore, #tpu.memory_space<semaphore_mem>>, %arg18: memref<!tpu.dma_semaphore, #tpu.memory_space<semaphore_mem>>, %arg19: memref<!tpu.dma_semaphore, #tpu.memory_space<semaphore_mem>>) attributes {dimension_semantics = [#tpu.dimension_semantics<core_parallel>, #tpu.dimension_semantics<subcore_parallel>], iteration_bounds = array<i64: 2, 16>, scalar_prefetch = 0 : i64, scratch_operands = 15 : i64, tpu.core_type = #tpu.core_type<sc_vector_subcore>, window_params = [{transform_indices = #map}, {transform_indices = #map1}, {transform_indices = #map1}]} {
    %mul3A = arith.constant 16 : i32
    %mul3A_0 = arith.muli %arg0, %mul3A : i32
    %add3A = arith.addi %mul3A_0, %arg1 : i32
    %mul3A_1 = arith.constant 80 : i32
    %mul3A_2 = arith.muli %add3A, %mul3A_1 : i32
    %run_scoped3A = arith.constant 0 : i32
    "tpu.region"() ({
      %run_scoped3A_191 = tpu.sem_alloc : memref<!tpu.dma_semaphore, #tpu.memory_space<semaphore_mem>>
      %dma_start3A_192 = arith.constant 0 : i32
      %dma_start3A_193 = tpu.memref_slice %arg3[%run_scoped3A, %mul3A_2, %dma_start3A_192] : memref<2x2560x128xi32, #tpu.memory_space<hbm>> -> memref<1x80x128xi32, #tpu.memory_space<hbm>>
      %dma_start3A_194 = tpu.memref_squeeze %dma_start3A_193 : memref<1x80x128xi32, #tpu.memory_space<hbm>> -> memref<80x128xi32, #tpu.memory_space<hbm>>
      %dma_start3A_195 = arith.constant 0 : i32
      %dma_start3A_196 = tpu.memref_slice %arg3[%run_scoped3A, %mul3A_2, %dma_start3A_195] : memref<2x2560x128xi32, #tpu.memory_space<hbm>> -> memref<1x80x128xi32, #tpu.memory_space<hbm>>
      %dma_start3A_197 = tpu.memref_squeeze %dma_start3A_196 : memref<1x80x128xi32, #tpu.memory_space<hbm>> -> memref<80x128xi32, #tpu.memory_space<hbm>>
      tpu.enqueue_dma source(%dma_start3A_197 : memref<80x128xi32, #tpu.memory_space<hbm>>) target(%arg5 : memref<80x128xi32, #tpu.memory_space<vmem>>) target_semaphore(%run_scoped3A_191 : memref<!tpu.dma_semaphore, #tpu.memory_space<semaphore_mem>>)
      %dma_wait3A_198 = arith.constant 0 : i32
      %dma_wait3A_199 = tpu.memref_slice %arg3[%run_scoped3A, %mul3A_2, %dma_wait3A_198] : memref<2x2560x128xi32, #tpu.memory_space<hbm>> -> memref<1x80x128xi32, #tpu.memory_space<hbm>>
      %dma_wait3A_200 = tpu.memref_squeeze %dma_wait3A_199 : memref<1x80x128xi32, #tpu.memory_space<hbm>> -> memref<80x128xi32, #tpu.memory_space<hbm>>
      %dma_wait3A_201 = arith.constant 0 : i32
      %dma_wait3A_202 = tpu.memref_slice %arg3[%run_scoped3A, %mul3A_2, %dma_wait3A_201] : memref<2x2560x128xi32, #tpu.memory_space<hbm>> -> memref<1x80x128xi32, #tpu.memory_space<hbm>>
      %dma_wait3A_203 = tpu.memref_squeeze %dma_wait3A_202 : memref<1x80x128xi32, #tpu.memory_space<hbm>> -> memref<80x128xi32, #tpu.memory_space<hbm>>
      tpu.wait_dma2 semaphore(%run_scoped3A_191 : memref<!tpu.dma_semaphore, #tpu.memory_space<semaphore_mem>>) src(%dma_wait3A_203 : memref<80x128xi32, #tpu.memory_space<hbm>>) dst(%arg5 : memref<80x128xi32, #tpu.memory_space<vmem>>)
      tpu.yield
    }) : () -> ()
    %run_scoped3A_3 = arith.constant 1 : i32
    "tpu.region"() ({
      %run_scoped3A_191 = tpu.sem_alloc : memref<!tpu.dma_semaphore, #tpu.memory_space<semaphore_mem>>
      %dma_start3A_192 = arith.constant 0 : i32
      %dma_start3A_193 = tpu.memref_slice %arg3[%run_scoped3A_3, %mul3A_2, %dma_start3A_192] : memref<2x2560x128xi32, #tpu.memory_space<hbm>> -> memref<1x80x128xi32, #tpu.memory_space<hbm>>
      %dma_start3A_194 = tpu.memref_squeeze %dma_start3A_193 : memref<1x80x128xi32, #tpu.memory_space<hbm>> -> memref<80x128xi32, #tpu.memory_space<hbm>>
      %dma_start3A_195 = arith.constant 0 : i32
      %dma_start3A_196 = tpu.memref_slice %arg3[%run_scoped3A_3, %mul3A_2, %dma_start3A_195] : memref<2x2560x128xi32, #tpu.memory_space<hbm>> -> memref<1x80x128xi32, #tpu.memory_space<hbm>>
      %dma_start3A_197 = tpu.memref_squeeze %dma_start3A_196 : memref<1x80x128xi32, #tpu.memory_space<hbm>> -> memref<80x128xi32, #tpu.memory_space<hbm>>
      tpu.enqueue_dma source(%dma_start3A_197 : memref<80x128xi32, #tpu.memory_space<hbm>>) target(%arg6 : memref<80x128xi32, #tpu.memory_space<vmem>>) target_semaphore(%run_scoped3A_191 : memref<!tpu.dma_semaphore, #tpu.memory_space<semaphore_mem>>)
      %dma_wait3A_198 = arith.constant 0 : i32
      %dma_wait3A_199 = tpu.memref_slice %arg3[%run_scoped3A_3, %mul3A_2, %dma_wait3A_198] : memref<2x2560x128xi32, #tpu.memory_space<hbm>> -> memref<1x80x128xi32, #tpu.memory_space<hbm>>
      %dma_wait3A_200 = tpu.memref_squeeze %dma_wait3A_199 : memref<1x80x128xi32, #tpu.memory_space<hbm>> -> memref<80x128xi32, #tpu.memory_space<hbm>>
      %dma_wait3A_201 = arith.constant 0 : i32
      %dma_wait3A_202 = tpu.memref_slice %arg3[%run_scoped3A_3, %mul3A_2, %dma_wait3A_201] : memref<2x2560x128xi32, #tpu.memory_space<hbm>> -> memref<1x80x128xi32, #tpu.memory_space<hbm>>
      %dma_wait3A_203 = tpu.memref_squeeze %dma_wait3A_202 : memref<1x80x128xi32, #tpu.memory_space<hbm>> -> memref<80x128xi32, #tpu.memory_space<hbm>>
      tpu.wait_dma2 semaphore(%run_scoped3A_191 : memref<!tpu.dma_semaphore, #tpu.memory_space<semaphore_mem>>) src(%dma_wait3A_203 : memref<80x128xi32, #tpu.memory_space<hbm>>) dst(%arg6 : memref<80x128xi32, #tpu.memory_space<vmem>>)
      tpu.yield
    }) : () -> ()
    %broadcast_in_dim3A = arith.constant 0.000000e+00 : f32
    %broadcast_in_dim3A_4 = vector.broadcast %broadcast_in_dim3A : f32 to vector<16xf32>
    %scan3A = arith.constant 0 : i32
    %scan3A_5 = arith.constant 0 : i32
    %scan3A_6 = arith.constant 64 : i32
    %scan3A_7 = arith.addi %scan3A_5, %scan3A_6 : i32
    %scan3A_8 = arith.constant 1 : i32
    scf.for %scan3A_191 = %scan3A_5 to %scan3A_7 step %scan3A_8  : i32 {
      %swap3A = arith.index_cast %scan3A_191 : i32 to index
      %swap3A_192 = arith.constant 0 : index
      %swap3A_193 = tpu.vector_load %arg8[%swap3A, %swap3A_192] {strides = array<i32>} : memref<64x16xf32, #tpu.memory_space<vmem>>, vector<1x16xf32>,
      %swap3A_194 = vector.shape_cast %swap3A_193 : vector<1x16xf32> to vector<16xf32>
      %swap3A_195 = vector.shape_cast %broadcast_in_dim3A_4 : vector<16xf32> to vector<1x16xf32>
      tpu.vector_store %arg8[%swap3A, %swap3A_192], %swap3A_195 {strides = array<i32>} : memref<64x16xf32, #tpu.memory_space<vmem>>, vector<1x16xf32>,
    }
    %scan3A_9 = arith.constant 64 : i32
    %mul3A_10 = arith.constant 640 : i32
    %mul3A_11 = arith.muli %arg1, %mul3A_10 : i32
    %add3A_12 = arith.constant 0 : i32
    %add3A_13 = arith.addi %mul3A_11, %add3A_12 : i32
    "tpu.region"() ({
      %run_scoped3A_191 = tpu.sem_alloc : memref<!tpu.dma_semaphore, #tpu.memory_space<semaphore_mem>>
      %dma_start3A_192 = arith.constant 0 : i32
      %dma_start3A_193 = tpu.memref_slice %arg9[%add3A_13, %dma_start3A_192] : memref<10240x16xf32, #tpu.memory_space<vmem_shared>> -> memref<64x16xf32, #tpu.memory_space<vmem_shared>>
      %dma_start3A_194 = arith.constant 0 : i32
      %dma_start3A_195 = tpu.memref_slice %arg9[%add3A_13, %dma_start3A_194] : memref<10240x16xf32, #tpu.memory_space<vmem_shared>> -> memref<64x16xf32, #tpu.memory_space<vmem_shared>>
      tpu.enqueue_dma source(%arg8 : memref<64x16xf32, #tpu.memory_space<vmem>>) target(%dma_start3A_195 : memref<64x16xf32, #tpu.memory_space<vmem_shared>>) target_semaphore(%run_scoped3A_191 : memref<!tpu.dma_semaphore, #tpu.memory_space<semaphore_mem>>)
      %dma_wait3A_196 = arith.constant 0 : i32
      %dma_wait3A_197 = tpu.memref_slice %arg9[%add3A_13, %dma_wait3A_196] : memref<10240x16xf32, #tpu.memory_space<vmem_shared>> -> memref<64x16xf32, #tpu.memory_space<vmem_shared>>
      %dma_wait3A_198 = arith.constant 0 : i32
      %dma_wait3A_199 = tpu.memref_slice %arg9[%add3A_13, %dma_wait3A_198] : memref<10240x16xf32, #tpu.memory_space<vmem_shared>> -> memref<64x16xf32, #tpu.memory_space<vmem_shared>>
      tpu.wait_dma2 semaphore(%run_scoped3A_191 : memref<!tpu.dma_semaphore, #tpu.memory_space<semaphore_mem>>) src(%arg8 : memref<64x16xf32, #tpu.memory_space<vmem>>) dst(%dma_wait3A_199 : memref<64x16xf32, #tpu.memory_space<vmem_shared>>)
      tpu.yield
    }) : () -> ()
    %mul3A_14 = arith.constant 640 : i32
    %mul3A_15 = arith.muli %arg1, %mul3A_14 : i32
    %add3A_16 = arith.constant 64 : i32
    %add3A_17 = arith.addi %mul3A_15, %add3A_16 : i32
    "tpu.region"() ({
      %run_scoped3A_191 = tpu.sem_alloc : memref<!tpu.dma_semaphore, #tpu.memory_space<semaphore_mem>>
      %dma_start3A_192 = arith.constant 0 : i32
      %dma_start3A_193 = tpu.memref_slice %arg9[%add3A_17, %dma_start3A_192] : memref<10240x16xf32, #tpu.memory_space<vmem_shared>> -> memref<64x16xf32, #tpu.memory_space<vmem_shared>>
      %dma_start3A_194 = arith.constant 0 : i32
      %dma_start3A_195 = tpu.memref_slice %arg9[%add3A_17, %dma_start3A_194] : memref<10240x16xf32, #tpu.memory_space<vmem_shared>> -> memref<64x16xf32, #tpu.memory_space<vmem_shared>>
      tpu.enqueue_dma source(%arg8 : memref<64x16xf32, #tpu.memory_space<vmem>>) target(%dma_start3A_195 : memref<64x16xf32, #tpu.memory_space<vmem_shared>>) target_semaphore(%run_scoped3A_191 : memref<!tpu.dma_semaphore, #tpu.memory_space<semaphore_mem>>)
      %dma_wait3A_196 = arith.constant 0 : i32
      %dma_wait3A_197 = tpu.memref_slice %arg9[%add3A_17, %dma_wait3A_196] : memref<10240x16xf32, #tpu.memory_space<vmem_shared>> -> memref<64x16xf32, #tpu.memory_space<vmem_shared>>
      %dma_wait3A_198 = arith.constant 0 : i32
      %dma_wait3A_199 = tpu.memref_slice %arg9[%add3A_17, %dma_wait3A_198] : memref<10240x16xf32, #tpu.memory_space<vmem_shared>> -> memref<64x16xf32, #tpu.memory_space<vmem_shared>>
      tpu.wait_dma2 semaphore(%run_scoped3A_191 : memref<!tpu.dma_semaphore, #tpu.memory_space<semaphore_mem>>) src(%arg8 : memref<64x16xf32, #tpu.memory_space<vmem>>) dst(%dma_wait3A_199 : memref<64x16xf32, #tpu.memory_space<vmem_shared>>)
      tpu.yield
    }) : () -> ()
    %mul3A_18 = arith.constant 640 : i32
    %mul3A_19 = arith.muli %arg1, %mul3A_18 : i32
    %add3A_20 = arith.constant 128 : i32
    %add3A_21 = arith.addi %mul3A_19, %add3A_20 : i32
    "tpu.region"() ({
      %run_scoped3A_191 = tpu.sem_alloc : memref<!tpu.dma_semaphore, #tpu.memory_space<semaphore_mem>>
      %dma_start3A_192 = arith.constant 0 : i32
      %dma_start3A_193 = tpu.memref_slice %arg9[%add3A_21, %dma_start3A_192] : memref<10240x16xf32, #tpu.memory_space<vmem_shared>> -> memref<64x16xf32, #tpu.memory_space<vmem_shared>>
      %dma_start3A_194 = arith.constant 0 : i32
      %dma_start3A_195 = tpu.memref_slice %arg9[%add3A_21, %dma_start3A_194] : memref<10240x16xf32, #tpu.memory_space<vmem_shared>> -> memref<64x16xf32, #tpu.memory_space<vmem_shared>>
      tpu.enqueue_dma source(%arg8 : memref<64x16xf32, #tpu.memory_space<vmem>>) target(%dma_start3A_195 : memref<64x16xf32, #tpu.memory_space<vmem_shared>>) target_semaphore(%run_scoped3A_191 : memref<!tpu.dma_semaphore, #tpu.memory_space<semaphore_mem>>)
      %dma_wait3A_196 = arith.constant 0 : i32
      %dma_wait3A_197 = tpu.memref_slice %arg9[%add3A_21, %dma_wait3A_196] : memref<10240x16xf32, #tpu.memory_space<vmem_shared>> -> memref<64x16xf32, #tpu.memory_space<vmem_shared>>
      %dma_wait3A_198 = arith.constant 0 : i32
      %dma_wait3A_199 = tpu.memref_slice %arg9[%add3A_21, %dma_wait3A_198] : memref<10240x16xf32, #tpu.memory_space<vmem_shared>> -> memref<64x16xf32, #tpu.memory_space<vmem_shared>>
      tpu.wait_dma2 semaphore(%run_scoped3A_191 : memref<!tpu.dma_semaphore, #tpu.memory_space<semaphore_mem>>) src(%arg8 : memref<64x16xf32, #tpu.memory_space<vmem>>) dst(%dma_wait3A_199 : memref<64x16xf32, #tpu.memory_space<vmem_shared>>)
      tpu.yield
    }) : () -> ()
    %mul3A_22 = arith.constant 640 : i32
    %mul3A_23 = arith.muli %arg1, %mul3A_22 : i32
    %add3A_24 = arith.constant 192 : i32
    %add3A_25 = arith.addi %mul3A_23, %add3A_24 : i32
    "tpu.region"() ({
      %run_scoped3A_191 = tpu.sem_alloc : memref<!tpu.dma_semaphore, #tpu.memory_space<semaphore_mem>>
      %dma_start3A_192 = arith.constant 0 : i32
      %dma_start3A_193 = tpu.memref_slice %arg9[%add3A_25, %dma_start3A_192] : memref<10240x16xf32, #tpu.memory_space<vmem_shared>> -> memref<64x16xf32, #tpu.memory_space<vmem_shared>>
      %dma_start3A_194 = arith.constant 0 : i32
      %dma_start3A_195 = tpu.memref_slice %arg9[%add3A_25, %dma_start3A_194] : memref<10240x16xf32, #tpu.memory_space<vmem_shared>> -> memref<64x16xf32, #tpu.memory_space<vmem_shared>>
      tpu.enqueue_dma source(%arg8 : memref<64x16xf32, #tpu.memory_space<vmem>>) target(%dma_start3A_195 : memref<64x16xf32, #tpu.memory_space<vmem_shared>>) target_semaphore(%run_scoped3A_191 : memref<!tpu.dma_semaphore, #tpu.memory_space<semaphore_mem>>)
      %dma_wait3A_196 = arith.constant 0 : i32
      %dma_wait3A_197 = tpu.memref_slice %arg9[%add3A_25, %dma_wait3A_196] : memref<10240x16xf32, #tpu.memory_space<vmem_shared>> -> memref<64x16xf32, #tpu.memory_space<vmem_shared>>
      %dma_wait3A_198 = arith.constant 0 : i32
      %dma_wait3A_199 = tpu.memref_slice %arg9[%add3A_25, %dma_wait3A_198] : memref<10240x16xf32, #tpu.memory_space<vmem_shared>> -> memref<64x16xf32, #tpu.memory_space<vmem_shared>>
      tpu.wait_dma2 semaphore(%run_scoped3A_191 : memref<!tpu.dma_semaphore, #tpu.memory_space<semaphore_mem>>) src(%arg8 : memref<64x16xf32, #tpu.memory_space<vmem>>) dst(%dma_wait3A_199 : memref<64x16xf32, #tpu.memory_space<vmem_shared>>)
      tpu.yield
    }) : () -> ()
    %mul3A_26 = arith.constant 640 : i32
    %mul3A_27 = arith.muli %arg1, %mul3A_26 : i32
    %add3A_28 = arith.constant 256 : i32
    %add3A_29 = arith.addi %mul3A_27, %add3A_28 : i32
    "tpu.region"() ({
      %run_scoped3A_191 = tpu.sem_alloc : memref<!tpu.dma_semaphore, #tpu.memory_space<semaphore_mem>>
      %dma_start3A_192 = arith.constant 0 : i32
      %dma_start3A_193 = tpu.memref_slice %arg9[%add3A_29, %dma_start3A_192] : memref<10240x16xf32, #tpu.memory_space<vmem_shared>> -> memref<64x16xf32, #tpu.memory_space<vmem_shared>>
      %dma_start3A_194 = arith.constant 0 : i32
      %dma_start3A_195 = tpu.memref_slice %arg9[%add3A_29, %dma_start3A_194] : memref<10240x16xf32, #tpu.memory_space<vmem_shared>> -> memref<64x16xf32, #tpu.memory_space<vmem_shared>>
      tpu.enqueue_dma source(%arg8 : memref<64x16xf32, #tpu.memory_space<vmem>>) target(%dma_start3A_195 : memref<64x16xf32, #tpu.memory_space<vmem_shared>>) target_semaphore(%run_scoped3A_191 : memref<!tpu.dma_semaphore, #tpu.memory_space<semaphore_mem>>)
      %dma_wait3A_196 = arith.constant 0 : i32
      %dma_wait3A_197 = tpu.memref_slice %arg9[%add3A_29, %dma_wait3A_196] : memref<10240x16xf32, #tpu.memory_space<vmem_shared>> -> memref<64x16xf32, #tpu.memory_space<vmem_shared>>
      %dma_wait3A_198 = arith.constant 0 : i32
      %dma_wait3A_199 = tpu.memref_slice %arg9[%add3A_29, %dma_wait3A_198] : memref<10240x16xf32, #tpu.memory_space<vmem_shared>> -> memref<64x16xf32, #tpu.memory_space<vmem_shared>>
      tpu.wait_dma2 semaphore(%run_scoped3A_191 : memref<!tpu.dma_semaphore, #tpu.memory_space<semaphore_mem>>) src(%arg8 : memref<64x16xf32, #tpu.memory_space<vmem>>) dst(%dma_wait3A_199 : memref<64x16xf32, #tpu.memory_space<vmem_shared>>)
      tpu.yield
    }) : () -> ()
    %mul3A_30 = arith.constant 640 : i32
    %mul3A_31 = arith.muli %arg1, %mul3A_30 : i32
    %add3A_32 = arith.constant 320 : i32
    %add3A_33 = arith.addi %mul3A_31, %add3A_32 : i32
    "tpu.region"() ({
      %run_scoped3A_191 = tpu.sem_alloc : memref<!tpu.dma_semaphore, #tpu.memory_space<semaphore_mem>>
      %dma_start3A_192 = arith.constant 0 : i32
      %dma_start3A_193 = tpu.memref_slice %arg9[%add3A_33, %dma_start3A_192] : memref<10240x16xf32, #tpu.memory_space<vmem_shared>> -> memref<64x16xf32, #tpu.memory_space<vmem_shared>>
      %dma_start3A_194 = arith.constant 0 : i32
      %dma_start3A_195 = tpu.memref_slice %arg9[%add3A_33, %dma_start3A_194] : memref<10240x16xf32, #tpu.memory_space<vmem_shared>> -> memref<64x16xf32, #tpu.memory_space<vmem_shared>>
      tpu.enqueue_dma source(%arg8 : memref<64x16xf32, #tpu.memory_space<vmem>>) target(%dma_start3A_195 : memref<64x16xf32, #tpu.memory_space<vmem_shared>>) target_semaphore(%run_scoped3A_191 : memref<!tpu.dma_semaphore, #tpu.memory_space<semaphore_mem>>)
      %dma_wait3A_196 = arith.constant 0 : i32
      %dma_wait3A_197 = tpu.memref_slice %arg9[%add3A_33, %dma_wait3A_196] : memref<10240x16xf32, #tpu.memory_space<vmem_shared>> -> memref<64x16xf32, #tpu.memory_space<vmem_shared>>
      %dma_wait3A_198 = arith.constant 0 : i32
      %dma_wait3A_199 = tpu.memref_slice %arg9[%add3A_33, %dma_wait3A_198] : memref<10240x16xf32, #tpu.memory_space<vmem_shared>> -> memref<64x16xf32, #tpu.memory_space<vmem_shared>>
      tpu.wait_dma2 semaphore(%run_scoped3A_191 : memref<!tpu.dma_semaphore, #tpu.memory_space<semaphore_mem>>) src(%arg8 : memref<64x16xf32, #tpu.memory_space<vmem>>) dst(%dma_wait3A_199 : memref<64x16xf32, #tpu.memory_space<vmem_shared>>)
      tpu.yield
    }) : () -> ()
    %mul3A_34 = arith.constant 640 : i32
    %mul3A_35 = arith.muli %arg1, %mul3A_34 : i32
    %add3A_36 = arith.constant 384 : i32
    %add3A_37 = arith.addi %mul3A_35, %add3A_36 : i32
    "tpu.region"() ({
      %run_scoped3A_191 = tpu.sem_alloc : memref<!tpu.dma_semaphore, #tpu.memory_space<semaphore_mem>>
      %dma_start3A_192 = arith.constant 0 : i32
      %dma_start3A_193 = tpu.memref_slice %arg9[%add3A_37, %dma_start3A_192] : memref<10240x16xf32, #tpu.memory_space<vmem_shared>> -> memref<64x16xf32, #tpu.memory_space<vmem_shared>>
      %dma_start3A_194 = arith.constant 0 : i32
      %dma_start3A_195 = tpu.memref_slice %arg9[%add3A_37, %dma_start3A_194] : memref<10240x16xf32, #tpu.memory_space<vmem_shared>> -> memref<64x16xf32, #tpu.memory_space<vmem_shared>>
      tpu.enqueue_dma source(%arg8 : memref<64x16xf32, #tpu.memory_space<vmem>>) target(%dma_start3A_195 : memref<64x16xf32, #tpu.memory_space<vmem_shared>>) target_semaphore(%run_scoped3A_191 : memref<!tpu.dma_semaphore, #tpu.memory_space<semaphore_mem>>)
      %dma_wait3A_196 = arith.constant 0 : i32
      %dma_wait3A_197 = tpu.memref_slice %arg9[%add3A_37, %dma_wait3A_196] : memref<10240x16xf32, #tpu.memory_space<vmem_shared>> -> memref<64x16xf32, #tpu.memory_space<vmem_shared>>
      %dma_wait3A_198 = arith.constant 0 : i32
      %dma_wait3A_199 = tpu.memref_slice %arg9[%add3A_37, %dma_wait3A_198] : memref<10240x16xf32, #tpu.memory_space<vmem_shared>> -> memref<64x16xf32, #tpu.memory_space<vmem_shared>>
      tpu.wait_dma2 semaphore(%run_scoped3A_191 : memref<!tpu.dma_semaphore, #tpu.memory_space<semaphore_mem>>) src(%arg8 : memref<64x16xf32, #tpu.memory_space<vmem>>) dst(%dma_wait3A_199 : memref<64x16xf32, #tpu.memory_space<vmem_shared>>)
      tpu.yield
    }) : () -> ()
    %mul3A_38 = arith.constant 640 : i32
    %mul3A_39 = arith.muli %arg1, %mul3A_38 : i32
    %add3A_40 = arith.constant 448 : i32
    %add3A_41 = arith.addi %mul3A_39, %add3A_40 : i32
    "tpu.region"() ({
      %run_scoped3A_191 = tpu.sem_alloc : memref<!tpu.dma_semaphore, #tpu.memory_space<semaphore_mem>>
      %dma_start3A_192 = arith.constant 0 : i32
      %dma_start3A_193 = tpu.memref_slice %arg9[%add3A_41, %dma_start3A_192] : memref<10240x16xf32, #tpu.memory_space<vmem_shared>> -> memref<64x16xf32, #tpu.memory_space<vmem_shared>>
      %dma_start3A_194 = arith.constant 0 : i32
      %dma_start3A_195 = tpu.memref_slice %arg9[%add3A_41, %dma_start3A_194] : memref<10240x16xf32, #tpu.memory_space<vmem_shared>> -> memref<64x16xf32, #tpu.memory_space<vmem_shared>>
      tpu.enqueue_dma source(%arg8 : memref<64x16xf32, #tpu.memory_space<vmem>>) target(%dma_start3A_195 : memref<64x16xf32, #tpu.memory_space<vmem_shared>>) target_semaphore(%run_scoped3A_191 : memref<!tpu.dma_semaphore, #tpu.memory_space<semaphore_mem>>)
      %dma_wait3A_196 = arith.constant 0 : i32
      %dma_wait3A_197 = tpu.memref_slice %arg9[%add3A_41, %dma_wait3A_196] : memref<10240x16xf32, #tpu.memory_space<vmem_shared>> -> memref<64x16xf32, #tpu.memory_space<vmem_shared>>
      %dma_wait3A_198 = arith.constant 0 : i32
      %dma_wait3A_199 = tpu.memref_slice %arg9[%add3A_41, %dma_wait3A_198] : memref<10240x16xf32, #tpu.memory_space<vmem_shared>> -> memref<64x16xf32, #tpu.memory_space<vmem_shared>>
      tpu.wait_dma2 semaphore(%run_scoped3A_191 : memref<!tpu.dma_semaphore, #tpu.memory_space<semaphore_mem>>) src(%arg8 : memref<64x16xf32, #tpu.memory_space<vmem>>) dst(%dma_wait3A_199 : memref<64x16xf32, #tpu.memory_space<vmem_shared>>)
      tpu.yield
    }) : () -> ()
    %mul3A_42 = arith.constant 640 : i32
    %mul3A_43 = arith.muli %arg1, %mul3A_42 : i32
    %add3A_44 = arith.constant 512 : i32
    %add3A_45 = arith.addi %mul3A_43, %add3A_44 : i32
    "tpu.region"() ({
      %run_scoped3A_191 = tpu.sem_alloc : memref<!tpu.dma_semaphore, #tpu.memory_space<semaphore_mem>>
      %dma_start3A_192 = arith.constant 0 : i32
      %dma_start3A_193 = tpu.memref_slice %arg9[%add3A_45, %dma_start3A_192] : memref<10240x16xf32, #tpu.memory_space<vmem_shared>> -> memref<64x16xf32, #tpu.memory_space<vmem_shared>>
      %dma_start3A_194 = arith.constant 0 : i32
      %dma_start3A_195 = tpu.memref_slice %arg9[%add3A_45, %dma_start3A_194] : memref<10240x16xf32, #tpu.memory_space<vmem_shared>> -> memref<64x16xf32, #tpu.memory_space<vmem_shared>>
      tpu.enqueue_dma source(%arg8 : memref<64x16xf32, #tpu.memory_space<vmem>>) target(%dma_start3A_195 : memref<64x16xf32, #tpu.memory_space<vmem_shared>>) target_semaphore(%run_scoped3A_191 : memref<!tpu.dma_semaphore, #tpu.memory_space<semaphore_mem>>)
      %dma_wait3A_196 = arith.constant 0 : i32
      %dma_wait3A_197 = tpu.memref_slice %arg9[%add3A_45, %dma_wait3A_196] : memref<10240x16xf32, #tpu.memory_space<vmem_shared>> -> memref<64x16xf32, #tpu.memory_space<vmem_shared>>
      %dma_wait3A_198 = arith.constant 0 : i32
      %dma_wait3A_199 = tpu.memref_slice %arg9[%add3A_45, %dma_wait3A_198] : memref<10240x16xf32, #tpu.memory_space<vmem_shared>> -> memref<64x16xf32, #tpu.memory_space<vmem_shared>>
      tpu.wait_dma2 semaphore(%run_scoped3A_191 : memref<!tpu.dma_semaphore, #tpu.memory_space<semaphore_mem>>) src(%arg8 : memref<64x16xf32, #tpu.memory_space<vmem>>) dst(%dma_wait3A_199 : memref<64x16xf32, #tpu.memory_space<vmem_shared>>)
      tpu.yield
    }) : () -> ()
    %mul3A_46 = arith.constant 640 : i32
    %mul3A_47 = arith.muli %arg1, %mul3A_46 : i32
    %add3A_48 = arith.constant 576 : i32
    %add3A_49 = arith.addi %mul3A_47, %add3A_48 : i32
    "tpu.region"() ({
      %run_scoped3A_191 = tpu.sem_alloc : memref<!tpu.dma_semaphore, #tpu.memory_space<semaphore_mem>>
      %dma_start3A_192 = arith.constant 0 : i32
      %dma_start3A_193 = tpu.memref_slice %arg9[%add3A_49, %dma_start3A_192] : memref<10240x16xf32, #tpu.memory_space<vmem_shared>> -> memref<64x16xf32, #tpu.memory_space<vmem_shared>>
      %dma_start3A_194 = arith.constant 0 : i32
      %dma_start3A_195 = tpu.memref_slice %arg9[%add3A_49, %dma_start3A_194] : memref<10240x16xf32, #tpu.memory_space<vmem_shared>> -> memref<64x16xf32, #tpu.memory_space<vmem_shared>>
      tpu.enqueue_dma source(%arg8 : memref<64x16xf32, #tpu.memory_space<vmem>>) target(%dma_start3A_195 : memref<64x16xf32, #tpu.memory_space<vmem_shared>>) target_semaphore(%run_scoped3A_191 : memref<!tpu.dma_semaphore, #tpu.memory_space<semaphore_mem>>)
      %dma_wait3A_196 = arith.constant 0 : i32
      %dma_wait3A_197 = tpu.memref_slice %arg9[%add3A_49, %dma_wait3A_196] : memref<10240x16xf32, #tpu.memory_space<vmem_shared>> -> memref<64x16xf32, #tpu.memory_space<vmem_shared>>
      %dma_wait3A_198 = arith.constant 0 : i32
      %dma_wait3A_199 = tpu.memref_slice %arg9[%add3A_49, %dma_wait3A_198] : memref<10240x16xf32, #tpu.memory_space<vmem_shared>> -> memref<64x16xf32, #tpu.memory_space<vmem_shared>>
      tpu.wait_dma2 semaphore(%run_scoped3A_191 : memref<!tpu.dma_semaphore, #tpu.memory_space<semaphore_mem>>) src(%arg8 : memref<64x16xf32, #tpu.memory_space<vmem>>) dst(%dma_wait3A_199 : memref<64x16xf32, #tpu.memory_space<vmem_shared>>)
      tpu.yield
    }) : () -> ()
    %barrier3A = arith.constant 0 : index
    tpu.barrier barrier_id(%barrier3A)
    %scan3A_50 = arith.constant 0 : i32
    %scan3A_51 = arith.constant 0 : i32
    %scan3A_52 = arith.constant 16 : i32
    %scan3A_53 = arith.addi %scan3A_51, %scan3A_52 : i32
    %scan3A_54 = arith.constant 1 : i32
    scf.for %scan3A_191 = %scan3A_51 to %scan3A_53 step %scan3A_54  : i32 {
      %mul3A_192 = arith.constant 5 : i32
      %mul3A_193 = arith.muli %scan3A_191, %mul3A_192 : i32
      %add3A_194 = arith.constant 0 : i32
      %add3A_195 = arith.addi %mul3A_193, %add3A_194 : i32
      %gt3A = arith.constant 0 : i32
      %gt3A_196 = arith.cmpi sgt, %scan3A_191, %gt3A : i32
      %convert_element_type3A = arith.extui %gt3A_196 : i1 to i32
      %cond3A = arith.constant 0 : i32
      %cond3A_197 = arith.cmpi ne, %convert_element_type3A, %cond3A : i32
      scf.if %cond3A_197 {
        %dma_wait3A_353 = arith.constant 0 : i32
        %dma_wait3A_354 = arith.constant 0 : i32
        %dma_wait3A_355 = arith.constant 0 : i32
        %dma_wait3A_356 = arith.constant 0 : i32
        %dma_wait3A_357 = tpu.memref_slice %arg7[%dma_wait3A_353, %dma_wait3A_355, %dma_wait3A_356] : memref<5x128x16xf32, #tpu.memory_space<vmem>> -> memref<1x128x16xf32, #tpu.memory_space<vmem>>
        %dma_wait3A_358 = tpu.memref_squeeze %dma_wait3A_357 : memref<1x128x16xf32, #tpu.memory_space<vmem>> -> memref<128x16xf32, #tpu.memory_space<vmem>>
        %dma_wait3A_359 = arith.constant 0 : i32
        %dma_wait3A_360 = tpu.memref_slice %arg6[%dma_wait3A_354, %dma_wait3A_359] : memref<80x128xi32, #tpu.memory_space<vmem>> -> memref<1x128xi32, #tpu.memory_space<vmem>>
        %dma_wait3A_361 = tpu.memref_squeeze %dma_wait3A_360 : memref<1x128xi32, #tpu.memory_space<vmem>> -> memref<128xi32, #tpu.memory_space<vmem>>
        %dma_wait3A_362 = arith.constant 0 : i32
        %dma_wait3A_363 = arith.constant 0 : i32
        %dma_wait3A_364 = tpu.memref_slice %arg9[%dma_wait3A_362, %dma_wait3A_363] : memref<10240x16xf32, #tpu.memory_space<vmem_shared>> -> memref<10240x16xf32, #tpu.memory_space<vmem_shared>>
        tpu.wait_indirect_dma semaphore(%arg15 : memref<!tpu.dma_semaphore, #tpu.memory_space<semaphore_mem>>) src(%dma_wait3A_358 : memref<128x16xf32, #tpu.memory_space<vmem>>) dst(%dma_wait3A_364 : memref<10240x16xf32, #tpu.memory_space<vmem_shared>>)
      } else {
      }
      %dma_start3A_198 = arith.constant 0 : i32
      %dma_start3A_199 = arith.constant 0 : i32
      %dma_start3A_200 = arith.constant 0 : i32
      %dma_start3A_201 = tpu.memref_slice %arg7[%dma_start3A_198, %dma_start3A_199, %dma_start3A_200] : memref<5x128x16xf32, #tpu.memory_space<vmem>> -> memref<1x128x16xf32, #tpu.memory_space<vmem>>
      %dma_start3A_202 = tpu.memref_squeeze %dma_start3A_201 : memref<1x128x16xf32, #tpu.memory_space<vmem>> -> memref<128x16xf32, #tpu.memory_space<vmem>>
      %dma_start3A_203 = arith.constant 0 : i32
      %dma_start3A_204 = tpu.memref_slice %arg5[%add3A_195, %dma_start3A_203] : memref<80x128xi32, #tpu.memory_space<vmem>> -> memref<1x128xi32, #tpu.memory_space<vmem>>
      %dma_start3A_205 = tpu.memref_squeeze %dma_start3A_204 : memref<1x128xi32, #tpu.memory_space<vmem>> -> memref<128xi32, #tpu.memory_space<vmem>>
      %dma_start3A_206 = arith.constant 0 : i32
      %dma_start3A_207 = arith.constant 0 : i32
      %dma_start3A_208 = tpu.memref_slice %arg2[%dma_start3A_206, %dma_start3A_207] : memref<10240x16xf32, #tpu.memory_space<hbm>> -> memref<10240x16xf32, #tpu.memory_space<hbm>>
      tpu.enqueue_indirect_dma source(%dma_start3A_208 : memref<10240x16xf32, #tpu.memory_space<hbm>>) target(%dma_start3A_202 : memref<128x16xf32, #tpu.memory_space<vmem>>) offsets(%dma_start3A_205 : memref<128xi32, #tpu.memory_space<vmem>>) semaphore(%arg10 : memref<!tpu.dma_semaphore, #tpu.memory_space<semaphore_mem>>)
      %gt3A_209 = arith.constant 0 : i32
      %gt3A_210 = arith.cmpi sgt, %scan3A_191, %gt3A_209 : i32
      %convert_element_type3A_211 = arith.extui %gt3A_210 : i1 to i32
      %cond3A_212 = arith.constant 0 : i32
      %cond3A_213 = arith.cmpi ne, %convert_element_type3A_211, %cond3A_212 : i32
      scf.if %cond3A_213 {
        %dma_wait3A_353 = arith.constant 0 : i32
        %dma_wait3A_354 = arith.constant 2 : i32
        %dma_wait3A_355 = arith.constant 0 : i32
        %dma_wait3A_356 = arith.constant 0 : i32
        %dma_wait3A_357 = tpu.memref_slice %arg7[%dma_wait3A_354, %dma_wait3A_355, %dma_wait3A_356] : memref<5x128x16xf32, #tpu.memory_space<vmem>> -> memref<1x128x16xf32, #tpu.memory_space<vmem>>
        %dma_wait3A_358 = tpu.memref_squeeze %dma_wait3A_357 : memref<1x128x16xf32, #tpu.memory_space<vmem>> -> memref<128x16xf32, #tpu.memory_space<vmem>>
        %dma_wait3A_359 = arith.constant 0 : i32
        %dma_wait3A_360 = tpu.memref_slice %arg5[%dma_wait3A_353, %dma_wait3A_359] : memref<80x128xi32, #tpu.memory_space<vmem>> -> memref<1x128xi32, #tpu.memory_space<vmem>>
        %dma_wait3A_361 = tpu.memref_squeeze %dma_wait3A_360 : memref<1x128xi32, #tpu.memory_space<vmem>> -> memref<128xi32, #tpu.memory_space<vmem>>
        %dma_wait3A_362 = arith.constant 0 : i32
        %dma_wait3A_363 = arith.constant 0 : i32
        %dma_wait3A_364 = tpu.memref_slice %arg2[%dma_wait3A_362, %dma_wait3A_363] : memref<10240x16xf32, #tpu.memory_space<hbm>> -> memref<10240x16xf32, #tpu.memory_space<hbm>>
        tpu.wait_indirect_dma semaphore(%arg12 : memref<!tpu.dma_semaphore, #tpu.memory_space<semaphore_mem>>) src(%dma_wait3A_364 : memref<10240x16xf32, #tpu.memory_space<hbm>>) dst(%dma_wait3A_358 : memref<128x16xf32, #tpu.memory_space<vmem>>)
        %sub3A_365 = arith.constant 3 : i32
        %sub3A_366 = arith.subi %add3A_195, %sub3A_365 : i32
        %dma_start3A_367 = arith.constant 2 : i32
        %dma_start3A_368 = arith.constant 0 : i32
        %dma_start3A_369 = arith.constant 0 : i32
        %dma_start3A_370 = tpu.memref_slice %arg7[%dma_start3A_367, %dma_start3A_368, %dma_start3A_369] : memref<5x128x16xf32, #tpu.memory_space<vmem>> -> memref<1x128x16xf32, #tpu.memory_space<vmem>>
        %dma_start3A_371 = tpu.memref_squeeze %dma_start3A_370 : memref<1x128x16xf32, #tpu.memory_space<vmem>> -> memref<128x16xf32, #tpu.memory_space<vmem>>
        %dma_start3A_372 = arith.constant 0 : i32
        %dma_start3A_373 = tpu.memref_slice %arg6[%sub3A_366, %dma_start3A_372] : memref<80x128xi32, #tpu.memory_space<vmem>> -> memref<1x128xi32, #tpu.memory_space<vmem>>
        %dma_start3A_374 = tpu.memref_squeeze %dma_start3A_373 : memref<1x128xi32, #tpu.memory_space<vmem>> -> memref<128xi32, #tpu.memory_space<vmem>>
        %dma_start3A_375 = arith.constant 0 : i32
        %dma_start3A_376 = arith.constant 0 : i32
        %dma_start3A_377 = tpu.memref_slice %arg9[%dma_start3A_375, %dma_start3A_376] : memref<10240x16xf32, #tpu.memory_space<vmem_shared>> -> memref<10240x16xf32, #tpu.memory_space<vmem_shared>>
        tpu.enqueue_indirect_dma source(%dma_start3A_371 : memref<128x16xf32, #tpu.memory_space<vmem>>) target(%dma_start3A_377 : memref<10240x16xf32, #tpu.memory_space<vmem_shared>>) offsets(%dma_start3A_374 : memref<128xi32, #tpu.memory_space<vmem>>) semaphore(%arg17 : memref<!tpu.dma_semaphore, #tpu.memory_space<semaphore_mem>>) {add = true}
      } else {
      }
      %mul3A_214 = arith.constant 5 : i32
      %mul3A_215 = arith.muli %scan3A_191, %mul3A_214 : i32
      %add3A_216 = arith.constant 1 : i32
      %add3A_217 = arith.addi %mul3A_215, %add3A_216 : i32
      %gt3A_218 = arith.constant 0 : i32
      %gt3A_219 = arith.cmpi sgt, %scan3A_191, %gt3A_218 : i32
      %convert_element_type3A_220 = arith.extui %gt3A_219 : i1 to i32
      %cond3A_221 = arith.constant 0 : i32
      %cond3A_222 = arith.cmpi ne, %convert_element_type3A_220, %cond3A_221 : i32
      scf.if %cond3A_222 {
        %dma_wait3A_353 = arith.constant 1 : i32
        %dma_wait3A_354 = arith.constant 0 : i32
        %dma_wait3A_355 = arith.constant 0 : i32
        %dma_wait3A_356 = arith.constant 0 : i32
        %dma_wait3A_357 = tpu.memref_slice %arg7[%dma_wait3A_353, %dma_wait3A_355, %dma_wait3A_356] : memref<5x128x16xf32, #tpu.memory_space<vmem>> -> memref<1x128x16xf32, #tpu.memory_space<vmem>>
        %dma_wait3A_358 = tpu.memref_squeeze %dma_wait3A_357 : memref<1x128x16xf32, #tpu.memory_space<vmem>> -> memref<128x16xf32, #tpu.memory_space<vmem>>
        %dma_wait3A_359 = arith.constant 0 : i32
        %dma_wait3A_360 = tpu.memref_slice %arg6[%dma_wait3A_354, %dma_wait3A_359] : memref<80x128xi32, #tpu.memory_space<vmem>> -> memref<1x128xi32, #tpu.memory_space<vmem>>
        %dma_wait3A_361 = tpu.memref_squeeze %dma_wait3A_360 : memref<1x128xi32, #tpu.memory_space<vmem>> -> memref<128xi32, #tpu.memory_space<vmem>>
        %dma_wait3A_362 = arith.constant 0 : i32
        %dma_wait3A_363 = arith.constant 0 : i32
        %dma_wait3A_364 = tpu.memref_slice %arg9[%dma_wait3A_362, %dma_wait3A_363] : memref<10240x16xf32, #tpu.memory_space<vmem_shared>> -> memref<10240x16xf32, #tpu.memory_space<vmem_shared>>
        tpu.wait_indirect_dma semaphore(%arg16 : memref<!tpu.dma_semaphore, #tpu.memory_space<semaphore_mem>>) src(%dma_wait3A_358 : memref<128x16xf32, #tpu.memory_space<vmem>>) dst(%dma_wait3A_364 : memref<10240x16xf32, #tpu.memory_space<vmem_shared>>)
      } else {
      }
      %dma_start3A_223 = arith.constant 1 : i32
      %dma_start3A_224 = arith.constant 0 : i32
      %dma_start3A_225 = arith.constant 0 : i32
      %dma_start3A_226 = tpu.memref_slice %arg7[%dma_start3A_223, %dma_start3A_224, %dma_start3A_225] : memref<5x128x16xf32, #tpu.memory_space<vmem>> -> memref<1x128x16xf32, #tpu.memory_space<vmem>>
      %dma_start3A_227 = tpu.memref_squeeze %dma_start3A_226 : memref<1x128x16xf32, #tpu.memory_space<vmem>> -> memref<128x16xf32, #tpu.memory_space<vmem>>
      %dma_start3A_228 = arith.constant 0 : i32
      %dma_start3A_229 = tpu.memref_slice %arg5[%add3A_217, %dma_start3A_228] : memref<80x128xi32, #tpu.memory_space<vmem>> -> memref<1x128xi32, #tpu.memory_space<vmem>>
      %dma_start3A_230 = tpu.memref_squeeze %dma_start3A_229 : memref<1x128xi32, #tpu.memory_space<vmem>> -> memref<128xi32, #tpu.memory_space<vmem>>
      %dma_start3A_231 = arith.constant 0 : i32
      %dma_start3A_232 = arith.constant 0 : i32
      %dma_start3A_233 = tpu.memref_slice %arg2[%dma_start3A_231, %dma_start3A_232] : memref<10240x16xf32, #tpu.memory_space<hbm>> -> memref<10240x16xf32, #tpu.memory_space<hbm>>
      tpu.enqueue_indirect_dma source(%dma_start3A_233 : memref<10240x16xf32, #tpu.memory_space<hbm>>) target(%dma_start3A_227 : memref<128x16xf32, #tpu.memory_space<vmem>>) offsets(%dma_start3A_230 : memref<128xi32, #tpu.memory_space<vmem>>) semaphore(%arg11 : memref<!tpu.dma_semaphore, #tpu.memory_space<semaphore_mem>>)
      %gt3A_234 = arith.constant 0 : i32
      %gt3A_235 = arith.cmpi sgt, %scan3A_191, %gt3A_234 : i32
      %convert_element_type3A_236 = arith.extui %gt3A_235 : i1 to i32
      %cond3A_237 = arith.constant 0 : i32
      %cond3A_238 = arith.cmpi ne, %convert_element_type3A_236, %cond3A_237 : i32
      scf.if %cond3A_238 {
        %dma_wait3A_353 = arith.constant 0 : i32
        %dma_wait3A_354 = arith.constant 3 : i32
        %dma_wait3A_355 = arith.constant 0 : i32
        %dma_wait3A_356 = arith.constant 0 : i32
        %dma_wait3A_357 = tpu.memref_slice %arg7[%dma_wait3A_354, %dma_wait3A_355, %dma_wait3A_356] : memref<5x128x16xf32, #tpu.memory_space<vmem>> -> memref<1x128x16xf32, #tpu.memory_space<vmem>>
        %dma_wait3A_358 = tpu.memref_squeeze %dma_wait3A_357 : memref<1x128x16xf32, #tpu.memory_space<vmem>> -> memref<128x16xf32, #tpu.memory_space<vmem>>
        %dma_wait3A_359 = arith.constant 0 : i32
        %dma_wait3A_360 = tpu.memref_slice %arg5[%dma_wait3A_353, %dma_wait3A_359] : memref<80x128xi32, #tpu.memory_space<vmem>> -> memref<1x128xi32, #tpu.memory_space<vmem>>
        %dma_wait3A_361 = tpu.memref_squeeze %dma_wait3A_360 : memref<1x128xi32, #tpu.memory_space<vmem>> -> memref<128xi32, #tpu.memory_space<vmem>>
        %dma_wait3A_362 = arith.constant 0 : i32
        %dma_wait3A_363 = arith.constant 0 : i32
        %dma_wait3A_364 = tpu.memref_slice %arg2[%dma_wait3A_362, %dma_wait3A_363] : memref<10240x16xf32, #tpu.memory_space<hbm>> -> memref<10240x16xf32, #tpu.memory_space<hbm>>
        tpu.wait_indirect_dma semaphore(%arg13 : memref<!tpu.dma_semaphore, #tpu.memory_space<semaphore_mem>>) src(%dma_wait3A_364 : memref<10240x16xf32, #tpu.memory_space<hbm>>) dst(%dma_wait3A_358 : memref<128x16xf32, #tpu.memory_space<vmem>>)
        %sub3A_365 = arith.constant 3 : i32
        %sub3A_366 = arith.subi %add3A_217, %sub3A_365 : i32
        %dma_start3A_367 = arith.constant 3 : i32
        %dma_start3A_368 = arith.constant 0 : i32
        %dma_start3A_369 = arith.constant 0 : i32
        %dma_start3A_370 = tpu.memref_slice %arg7[%dma_start3A_367, %dma_start3A_368, %dma_start3A_369] : memref<5x128x16xf32, #tpu.memory_space<vmem>> -> memref<1x128x16xf32, #tpu.memory_space<vmem>>
        %dma_start3A_371 = tpu.memref_squeeze %dma_start3A_370 : memref<1x128x16xf32, #tpu.memory_space<vmem>> -> memref<128x16xf32, #tpu.memory_space<vmem>>
        %dma_start3A_372 = arith.constant 0 : i32
        %dma_start3A_373 = tpu.memref_slice %arg6[%sub3A_366, %dma_start3A_372] : memref<80x128xi32, #tpu.memory_space<vmem>> -> memref<1x128xi32, #tpu.memory_space<vmem>>
        %dma_start3A_374 = tpu.memref_squeeze %dma_start3A_373 : memref<1x128xi32, #tpu.memory_space<vmem>> -> memref<128xi32, #tpu.memory_space<vmem>>
        %dma_start3A_375 = arith.constant 0 : i32
        %dma_start3A_376 = arith.constant 0 : i32
        %dma_start3A_377 = tpu.memref_slice %arg9[%dma_start3A_375, %dma_start3A_376] : memref<10240x16xf32, #tpu.memory_space<vmem_shared>> -> memref<10240x16xf32, #tpu.memory_space<vmem_shared>>
        tpu.enqueue_indirect_dma source(%dma_start3A_371 : memref<128x16xf32, #tpu.memory_space<vmem>>) target(%dma_start3A_377 : memref<10240x16xf32, #tpu.memory_space<vmem_shared>>) offsets(%dma_start3A_374 : memref<128xi32, #tpu.memory_space<vmem>>) semaphore(%arg18 : memref<!tpu.dma_semaphore, #tpu.memory_space<semaphore_mem>>) {add = true}
      } else {
      }
      %mul3A_239 = arith.constant 5 : i32
      %mul3A_240 = arith.muli %scan3A_191, %mul3A_239 : i32
      %add3A_241 = arith.constant 2 : i32
      %add3A_242 = arith.addi %mul3A_240, %add3A_241 : i32
      %gt3A_243 = arith.constant 0 : i32
      %gt3A_244 = arith.cmpi sgt, %scan3A_191, %gt3A_243 : i32
      %convert_element_type3A_245 = arith.extui %gt3A_244 : i1 to i32
      %cond3A_246 = arith.constant 0 : i32
      %cond3A_247 = arith.cmpi ne, %convert_element_type3A_245, %cond3A_246 : i32
      scf.if %cond3A_247 {
        %dma_wait3A_353 = arith.constant 2 : i32
        %dma_wait3A_354 = arith.constant 0 : i32
        %dma_wait3A_355 = arith.constant 0 : i32
        %dma_wait3A_356 = arith.constant 0 : i32
        %dma_wait3A_357 = tpu.memref_slice %arg7[%dma_wait3A_353, %dma_wait3A_355, %dma_wait3A_356] : memref<5x128x16xf32, #tpu.memory_space<vmem>> -> memref<1x128x16xf32, #tpu.memory_space<vmem>>
        %dma_wait3A_358 = tpu.memref_squeeze %dma_wait3A_357 : memref<1x128x16xf32, #tpu.memory_space<vmem>> -> memref<128x16xf32, #tpu.memory_space<vmem>>
        %dma_wait3A_359 = arith.constant 0 : i32
        %dma_wait3A_360 = tpu.memref_slice %arg6[%dma_wait3A_354, %dma_wait3A_359] : memref<80x128xi32, #tpu.memory_space<vmem>> -> memref<1x128xi32, #tpu.memory_space<vmem>>
        %dma_wait3A_361 = tpu.memref_squeeze %dma_wait3A_360 : memref<1x128xi32, #tpu.memory_space<vmem>> -> memref<128xi32, #tpu.memory_space<vmem>>
        %dma_wait3A_362 = arith.constant 0 : i32
        %dma_wait3A_363 = arith.constant 0 : i32
        %dma_wait3A_364 = tpu.memref_slice %arg9[%dma_wait3A_362, %dma_wait3A_363] : memref<10240x16xf32, #tpu.memory_space<vmem_shared>> -> memref<10240x16xf32, #tpu.memory_space<vmem_shared>>
        tpu.wait_indirect_dma semaphore(%arg17 : memref<!tpu.dma_semaphore, #tpu.memory_space<semaphore_mem>>) src(%dma_wait3A_358 : memref<128x16xf32, #tpu.memory_space<vmem>>) dst(%dma_wait3A_364 : memref<10240x16xf32, #tpu.memory_space<vmem_shared>>)
      } else {
      }
      %dma_start3A_248 = arith.constant 2 : i32
      %dma_start3A_249 = arith.constant 0 : i32
      %dma_start3A_250 = arith.constant 0 : i32
      %dma_start3A_251 = tpu.memref_slice %arg7[%dma_start3A_248, %dma_start3A_249, %dma_start3A_250] : memref<5x128x16xf32, #tpu.memory_space<vmem>> -> memref<1x128x16xf32, #tpu.memory_space<vmem>>
      %dma_start3A_252 = tpu.memref_squeeze %dma_start3A_251 : memref<1x128x16xf32, #tpu.memory_space<vmem>> -> memref<128x16xf32, #tpu.memory_space<vmem>>
      %dma_start3A_253 = arith.constant 0 : i32
      %dma_start3A_254 = tpu.memref_slice %arg5[%add3A_242, %dma_start3A_253] : memref<80x128xi32, #tpu.memory_space<vmem>> -> memref<1x128xi32, #tpu.memory_space<vmem>>
      %dma_start3A_255 = tpu.memref_squeeze %dma_start3A_254 : memref<1x128xi32, #tpu.memory_space<vmem>> -> memref<128xi32, #tpu.memory_space<vmem>>
      %dma_start3A_256 = arith.constant 0 : i32
      %dma_start3A_257 = arith.constant 0 : i32
      %dma_start3A_258 = tpu.memref_slice %arg2[%dma_start3A_256, %dma_start3A_257] : memref<10240x16xf32, #tpu.memory_space<hbm>> -> memref<10240x16xf32, #tpu.memory_space<hbm>>
      tpu.enqueue_indirect_dma source(%dma_start3A_258 : memref<10240x16xf32, #tpu.memory_space<hbm>>) target(%dma_start3A_252 : memref<128x16xf32, #tpu.memory_space<vmem>>) offsets(%dma_start3A_255 : memref<128xi32, #tpu.memory_space<vmem>>) semaphore(%arg12 : memref<!tpu.dma_semaphore, #tpu.memory_space<semaphore_mem>>)
      %gt3A_259 = arith.constant 0 : i32
      %gt3A_260 = arith.cmpi sgt, %scan3A_191, %gt3A_259 : i32
      %convert_element_type3A_261 = arith.extui %gt3A_260 : i1 to i32
      %cond3A_262 = arith.constant 0 : i32
      %cond3A_263 = arith.cmpi ne, %convert_element_type3A_261, %cond3A_262 : i32
      scf.if %cond3A_263 {
        %dma_wait3A_353 = arith.constant 0 : i32
        %dma_wait3A_354 = arith.constant 4 : i32
        %dma_wait3A_355 = arith.constant 0 : i32
        %dma_wait3A_356 = arith.constant 0 : i32
        %dma_wait3A_357 = tpu.memref_slice %arg7[%dma_wait3A_354, %dma_wait3A_355, %dma_wait3A_356] : memref<5x128x16xf32, #tpu.memory_space<vmem>> -> memref<1x128x16xf32, #tpu.memory_space<vmem>>
        %dma_wait3A_358 = tpu.memref_squeeze %dma_wait3A_357 : memref<1x128x16xf32, #tpu.memory_space<vmem>> -> memref<128x16xf32, #tpu.memory_space<vmem>>
        %dma_wait3A_359 = arith.constant 0 : i32
        %dma_wait3A_360 = tpu.memref_slice %arg5[%dma_wait3A_353, %dma_wait3A_359] : memref<80x128xi32, #tpu.memory_space<vmem>> -> memref<1x128xi32, #tpu.memory_space<vmem>>
        %dma_wait3A_361 = tpu.memref_squeeze %dma_wait3A_360 : memref<1x128xi32, #tpu.memory_space<vmem>> -> memref<128xi32, #tpu.memory_space<vmem>>
        %dma_wait3A_362 = arith.constant 0 : i32
        %dma_wait3A_363 = arith.constant 0 : i32
        %dma_wait3A_364 = tpu.memref_slice %arg2[%dma_wait3A_362, %dma_wait3A_363] : memref<10240x16xf32, #tpu.memory_space<hbm>> -> memref<10240x16xf32, #tpu.memory_space<hbm>>
        tpu.wait_indirect_dma semaphore(%arg14 : memref<!tpu.dma_semaphore, #tpu.memory_space<semaphore_mem>>) src(%dma_wait3A_364 : memref<10240x16xf32, #tpu.memory_space<hbm>>) dst(%dma_wait3A_358 : memref<128x16xf32, #tpu.memory_space<vmem>>)
        %sub3A_365 = arith.constant 3 : i32
        %sub3A_366 = arith.subi %add3A_242, %sub3A_365 : i32
        %dma_start3A_367 = arith.constant 4 : i32
        %dma_start3A_368 = arith.constant 0 : i32
        %dma_start3A_369 = arith.constant 0 : i32
        %dma_start3A_370 = tpu.memref_slice %arg7[%dma_start3A_367, %dma_start3A_368, %dma_start3A_369] : memref<5x128x16xf32, #tpu.memory_space<vmem>> -> memref<1x128x16xf32, #tpu.memory_space<vmem>>
        %dma_start3A_371 = tpu.memref_squeeze %dma_start3A_370 : memref<1x128x16xf32, #tpu.memory_space<vmem>> -> memref<128x16xf32, #tpu.memory_space<vmem>>
        %dma_start3A_372 = arith.constant 0 : i32
        %dma_start3A_373 = tpu.memref_slice %arg6[%sub3A_366, %dma_start3A_372] : memref<80x128xi32, #tpu.memory_space<vmem>> -> memref<1x128xi32, #tpu.memory_space<vmem>>
        %dma_start3A_374 = tpu.memref_squeeze %dma_start3A_373 : memref<1x128xi32, #tpu.memory_space<vmem>> -> memref<128xi32, #tpu.memory_space<vmem>>
        %dma_start3A_375 = arith.constant 0 : i32
        %dma_start3A_376 = arith.constant 0 : i32
        %dma_start3A_377 = tpu.memref_slice %arg9[%dma_start3A_375, %dma_start3A_376] : memref<10240x16xf32, #tpu.memory_space<vmem_shared>> -> memref<10240x16xf32, #tpu.memory_space<vmem_shared>>
        tpu.enqueue_indirect_dma source(%dma_start3A_371 : memref<128x16xf32, #tpu.memory_space<vmem>>) target(%dma_start3A_377 : memref<10240x16xf32, #tpu.memory_space<vmem_shared>>) offsets(%dma_start3A_374 : memref<128xi32, #tpu.memory_space<vmem>>) semaphore(%arg19 : memref<!tpu.dma_semaphore, #tpu.memory_space<semaphore_mem>>) {add = true}
      } else {
      }
      %mul3A_264 = arith.constant 5 : i32
      %mul3A_265 = arith.muli %scan3A_191, %mul3A_264 : i32
      %add3A_266 = arith.constant 3 : i32
      %add3A_267 = arith.addi %mul3A_265, %add3A_266 : i32
      %gt3A_268 = arith.constant 0 : i32
      %gt3A_269 = arith.cmpi sgt, %scan3A_191, %gt3A_268 : i32
      %convert_element_type3A_270 = arith.extui %gt3A_269 : i1 to i32
      %cond3A_271 = arith.constant 0 : i32
      %cond3A_272 = arith.cmpi ne, %convert_element_type3A_270, %cond3A_271 : i32
      scf.if %cond3A_272 {
        %dma_wait3A_353 = arith.constant 3 : i32
        %dma_wait3A_354 = arith.constant 0 : i32
        %dma_wait3A_355 = arith.constant 0 : i32
        %dma_wait3A_356 = arith.constant 0 : i32
        %dma_wait3A_357 = tpu.memref_slice %arg7[%dma_wait3A_353, %dma_wait3A_355, %dma_wait3A_356] : memref<5x128x16xf32, #tpu.memory_space<vmem>> -> memref<1x128x16xf32, #tpu.memory_space<vmem>>
        %dma_wait3A_358 = tpu.memref_squeeze %dma_wait3A_357 : memref<1x128x16xf32, #tpu.memory_space<vmem>> -> memref<128x16xf32, #tpu.memory_space<vmem>>
        %dma_wait3A_359 = arith.constant 0 : i32
        %dma_wait3A_360 = tpu.memref_slice %arg6[%dma_wait3A_354, %dma_wait3A_359] : memref<80x128xi32, #tpu.memory_space<vmem>> -> memref<1x128xi32, #tpu.memory_space<vmem>>
        %dma_wait3A_361 = tpu.memref_squeeze %dma_wait3A_360 : memref<1x128xi32, #tpu.memory_space<vmem>> -> memref<128xi32, #tpu.memory_space<vmem>>
        %dma_wait3A_362 = arith.constant 0 : i32
        %dma_wait3A_363 = arith.constant 0 : i32
        %dma_wait3A_364 = tpu.memref_slice %arg9[%dma_wait3A_362, %dma_wait3A_363] : memref<10240x16xf32, #tpu.memory_space<vmem_shared>> -> memref<10240x16xf32, #tpu.memory_space<vmem_shared>>
        tpu.wait_indirect_dma semaphore(%arg18 : memref<!tpu.dma_semaphore, #tpu.memory_space<semaphore_mem>>) src(%dma_wait3A_358 : memref<128x16xf32, #tpu.memory_space<vmem>>) dst(%dma_wait3A_364 : memref<10240x16xf32, #tpu.memory_space<vmem_shared>>)
      } else {
      }
      %dma_start3A_273 = arith.constant 3 : i32
      %dma_start3A_274 = arith.constant 0 : i32
      %dma_start3A_275 = arith.constant 0 : i32
      %dma_start3A_276 = tpu.memref_slice %arg7[%dma_start3A_273, %dma_start3A_274, %dma_start3A_275] : memref<5x128x16xf32, #tpu.memory_space<vmem>> -> memref<1x128x16xf32, #tpu.memory_space<vmem>>
      %dma_start3A_277 = tpu.memref_squeeze %dma_start3A_276 : memref<1x128x16xf32, #tpu.memory_space<vmem>> -> memref<128x16xf32, #tpu.memory_space<vmem>>
      %dma_start3A_278 = arith.constant 0 : i32
      %dma_start3A_279 = tpu.memref_slice %arg5[%add3A_267, %dma_start3A_278] : memref<80x128xi32, #tpu.memory_space<vmem>> -> memref<1x128xi32, #tpu.memory_space<vmem>>
      %dma_start3A_280 = tpu.memref_squeeze %dma_start3A_279 : memref<1x128xi32, #tpu.memory_space<vmem>> -> memref<128xi32, #tpu.memory_space<vmem>>
      %dma_start3A_281 = arith.constant 0 : i32
      %dma_start3A_282 = arith.constant 0 : i32
      %dma_start3A_283 = tpu.memref_slice %arg2[%dma_start3A_281, %dma_start3A_282] : memref<10240x16xf32, #tpu.memory_space<hbm>> -> memref<10240x16xf32, #tpu.memory_space<hbm>>
      tpu.enqueue_indirect_dma source(%dma_start3A_283 : memref<10240x16xf32, #tpu.memory_space<hbm>>) target(%dma_start3A_277 : memref<128x16xf32, #tpu.memory_space<vmem>>) offsets(%dma_start3A_280 : memref<128xi32, #tpu.memory_space<vmem>>) semaphore(%arg13 : memref<!tpu.dma_semaphore, #tpu.memory_space<semaphore_mem>>)
      %dma_wait3A_284 = arith.constant 0 : i32
      %dma_wait3A_285 = arith.constant 0 : i32
      %dma_wait3A_286 = arith.constant 0 : i32
      %dma_wait3A_287 = arith.constant 0 : i32
      %dma_wait3A_288 = tpu.memref_slice %arg7[%dma_wait3A_285, %dma_wait3A_286, %dma_wait3A_287] : memref<5x128x16xf32, #tpu.memory_space<vmem>> -> memref<1x128x16xf32, #tpu.memory_space<vmem>>
      %dma_wait3A_289 = tpu.memref_squeeze %dma_wait3A_288 : memref<1x128x16xf32, #tpu.memory_space<vmem>> -> memref<128x16xf32, #tpu.memory_space<vmem>>
      %dma_wait3A_290 = arith.constant 0 : i32
      %dma_wait3A_291 = tpu.memref_slice %arg5[%dma_wait3A_284, %dma_wait3A_290] : memref<80x128xi32, #tpu.memory_space<vmem>> -> memref<1x128xi32, #tpu.memory_space<vmem>>
      %dma_wait3A_292 = tpu.memref_squeeze %dma_wait3A_291 : memref<1x128xi32, #tpu.memory_space<vmem>> -> memref<128xi32, #tpu.memory_space<vmem>>
      %dma_wait3A_293 = arith.constant 0 : i32
      %dma_wait3A_294 = arith.constant 0 : i32
      %dma_wait3A_295 = tpu.memref_slice %arg2[%dma_wait3A_293, %dma_wait3A_294] : memref<10240x16xf32, #tpu.memory_space<hbm>> -> memref<10240x16xf32, #tpu.memory_space<hbm>>
      tpu.wait_indirect_dma semaphore(%arg10 : memref<!tpu.dma_semaphore, #tpu.memory_space<semaphore_mem>>) src(%dma_wait3A_295 : memref<10240x16xf32, #tpu.memory_space<hbm>>) dst(%dma_wait3A_289 : memref<128x16xf32, #tpu.memory_space<vmem>>)
      %sub3A = arith.constant 3 : i32
      %sub3A_296 = arith.subi %add3A_267, %sub3A : i32
      %dma_start3A_297 = arith.constant 0 : i32
      %dma_start3A_298 = arith.constant 0 : i32
      %dma_start3A_299 = arith.constant 0 : i32
      %dma_start3A_300 = tpu.memref_slice %arg7[%dma_start3A_297, %dma_start3A_298, %dma_start3A_299] : memref<5x128x16xf32, #tpu.memory_space<vmem>> -> memref<1x128x16xf32, #tpu.memory_space<vmem>>
      %dma_start3A_301 = tpu.memref_squeeze %dma_start3A_300 : memref<1x128x16xf32, #tpu.memory_space<vmem>> -> memref<128x16xf32, #tpu.memory_space<vmem>>
      %dma_start3A_302 = arith.constant 0 : i32
      %dma_start3A_303 = tpu.memref_slice %arg6[%sub3A_296, %dma_start3A_302] : memref<80x128xi32, #tpu.memory_space<vmem>> -> memref<1x128xi32, #tpu.memory_space<vmem>>
      %dma_start3A_304 = tpu.memref_squeeze %dma_start3A_303 : memref<1x128xi32, #tpu.memory_space<vmem>> -> memref<128xi32, #tpu.memory_space<vmem>>
      %dma_start3A_305 = arith.constant 0 : i32
      %dma_start3A_306 = arith.constant 0 : i32
      %dma_start3A_307 = tpu.memref_slice %arg9[%dma_start3A_305, %dma_start3A_306] : memref<10240x16xf32, #tpu.memory_space<vmem_shared>> -> memref<10240x16xf32, #tpu.memory_space<vmem_shared>>
      tpu.enqueue_indirect_dma source(%dma_start3A_301 : memref<128x16xf32, #tpu.memory_space<vmem>>) target(%dma_start3A_307 : memref<10240x16xf32, #tpu.memory_space<vmem_shared>>) offsets(%dma_start3A_304 : memref<128xi32, #tpu.memory_space<vmem>>) semaphore(%arg15 : memref<!tpu.dma_semaphore, #tpu.memory_space<semaphore_mem>>) {add = true}
      %mul3A_308 = arith.constant 5 : i32
      %mul3A_309 = arith.muli %scan3A_191, %mul3A_308 : i32
      %add3A_310 = arith.constant 4 : i32
      %add3A_311 = arith.addi %mul3A_309, %add3A_310 : i32
      %gt3A_312 = arith.constant 0 : i32
      %gt3A_313 = arith.cmpi sgt, %scan3A_191, %gt3A_312 : i32
      %convert_element_type3A_314 = arith.extui %gt3A_313 : i1 to i32
      %cond3A_315 = arith.constant 0 : i32
      %cond3A_316 = arith.cmpi ne, %convert_element_type3A_314, %cond3A_315 : i32
      scf.if %cond3A_316 {
        %dma_wait3A_353 = arith.constant 4 : i32
        %dma_wait3A_354 = arith.constant 0 : i32
        %dma_wait3A_355 = arith.constant 0 : i32
        %dma_wait3A_356 = arith.constant 0 : i32
        %dma_wait3A_357 = tpu.memref_slice %arg7[%dma_wait3A_353, %dma_wait3A_355, %dma_wait3A_356] : memref<5x128x16xf32, #tpu.memory_space<vmem>> -> memref<1x128x16xf32, #tpu.memory_space<vmem>>
        %dma_wait3A_358 = tpu.memref_squeeze %dma_wait3A_357 : memref<1x128x16xf32, #tpu.memory_space<vmem>> -> memref<128x16xf32, #tpu.memory_space<vmem>>
        %dma_wait3A_359 = arith.constant 0 : i32
        %dma_wait3A_360 = tpu.memref_slice %arg6[%dma_wait3A_354, %dma_wait3A_359] : memref<80x128xi32, #tpu.memory_space<vmem>> -> memref<1x128xi32, #tpu.memory_space<vmem>>
        %dma_wait3A_361 = tpu.memref_squeeze %dma_wait3A_360 : memref<1x128xi32, #tpu.memory_space<vmem>> -> memref<128xi32, #tpu.memory_space<vmem>>
        %dma_wait3A_362 = arith.constant 0 : i32
        %dma_wait3A_363 = arith.constant 0 : i32
        %dma_wait3A_364 = tpu.memref_slice %arg9[%dma_wait3A_362, %dma_wait3A_363] : memref<10240x16xf32, #tpu.memory_space<vmem_shared>> -> memref<10240x16xf32, #tpu.memory_space<vmem_shared>>
        tpu.wait_indirect_dma semaphore(%arg19 : memref<!tpu.dma_semaphore, #tpu.memory_space<semaphore_mem>>) src(%dma_wait3A_358 : memref<128x16xf32, #tpu.memory_space<vmem>>) dst(%dma_wait3A_364 : memref<10240x16xf32, #tpu.memory_space<vmem_shared>>)
      } else {
      }
      %dma_start3A_317 = arith.constant 4 : i32
      %dma_start3A_318 = arith.constant 0 : i32
      %dma_start3A_319 = arith.constant 0 : i32
      %dma_start3A_320 = tpu.memref_slice %arg7[%dma_start3A_317, %dma_start3A_318, %dma_start3A_319] : memref<5x128x16xf32, #tpu.memory_space<vmem>> -> memref<1x128x16xf32, #tpu.memory_space<vmem>>
      %dma_start3A_321 = tpu.memref_squeeze %dma_start3A_320 : memref<1x128x16xf32, #tpu.memory_space<vmem>> -> memref<128x16xf32, #tpu.memory_space<vmem>>
      %dma_start3A_322 = arith.constant 0 : i32
      %dma_start3A_323 = tpu.memref_slice %arg5[%add3A_311, %dma_start3A_322] : memref<80x128xi32, #tpu.memory_space<vmem>> -> memref<1x128xi32, #tpu.memory_space<vmem>>
      %dma_start3A_324 = tpu.memref_squeeze %dma_start3A_323 : memref<1x128xi32, #tpu.memory_space<vmem>> -> memref<128xi32, #tpu.memory_space<vmem>>
      %dma_start3A_325 = arith.constant 0 : i32
      %dma_start3A_326 = arith.constant 0 : i32
      %dma_start3A_327 = tpu.memref_slice %arg2[%dma_start3A_325, %dma_start3A_326] : memref<10240x16xf32, #tpu.memory_space<hbm>> -> memref<10240x16xf32, #tpu.memory_space<hbm>>
      tpu.enqueue_indirect_dma source(%dma_start3A_327 : memref<10240x16xf32, #tpu.memory_space<hbm>>) target(%dma_start3A_321 : memref<128x16xf32, #tpu.memory_space<vmem>>) offsets(%dma_start3A_324 : memref<128xi32, #tpu.memory_space<vmem>>) semaphore(%arg14 : memref<!tpu.dma_semaphore, #tpu.memory_space<semaphore_mem>>)
      %dma_wait3A_328 = arith.constant 0 : i32
      %dma_wait3A_329 = arith.constant 1 : i32
      %dma_wait3A_330 = arith.constant 0 : i32
      %dma_wait3A_331 = arith.constant 0 : i32
      %dma_wait3A_332 = tpu.memref_slice %arg7[%dma_wait3A_329, %dma_wait3A_330, %dma_wait3A_331] : memref<5x128x16xf32, #tpu.memory_space<vmem>> -> memref<1x128x16xf32, #tpu.memory_space<vmem>>
      %dma_wait3A_333 = tpu.memref_squeeze %dma_wait3A_332 : memref<1x128x16xf32, #tpu.memory_space<vmem>> -> memref<128x16xf32, #tpu.memory_space<vmem>>
      %dma_wait3A_334 = arith.constant 0 : i32
      %dma_wait3A_335 = tpu.memref_slice %arg5[%dma_wait3A_328, %dma_wait3A_334] : memref<80x128xi32, #tpu.memory_space<vmem>> -> memref<1x128xi32, #tpu.memory_space<vmem>>
      %dma_wait3A_336 = tpu.memref_squeeze %dma_wait3A_335 : memref<1x128xi32, #tpu.memory_space<vmem>> -> memref<128xi32, #tpu.memory_space<vmem>>
      %dma_wait3A_337 = arith.constant 0 : i32
      %dma_wait3A_338 = arith.constant 0 : i32
      %dma_wait3A_339 = tpu.memref_slice %arg2[%dma_wait3A_337, %dma_wait3A_338] : memref<10240x16xf32, #tpu.memory_space<hbm>> -> memref<10240x16xf32, #tpu.memory_space<hbm>>
      tpu.wait_indirect_dma semaphore(%arg11 : memref<!tpu.dma_semaphore, #tpu.memory_space<semaphore_mem>>) src(%dma_wait3A_339 : memref<10240x16xf32, #tpu.memory_space<hbm>>) dst(%dma_wait3A_333 : memref<128x16xf32, #tpu.memory_space<vmem>>)
      %sub3A_340 = arith.constant 3 : i32
      %sub3A_341 = arith.subi %add3A_311, %sub3A_340 : i32
      %dma_start3A_342 = arith.constant 1 : i32
      %dma_start3A_343 = arith.constant 0 : i32
      %dma_start3A_344 = arith.constant 0 : i32
      %dma_start3A_345 = tpu.memref_slice %arg7[%dma_start3A_342, %dma_start3A_343, %dma_start3A_344] : memref<5x128x16xf32, #tpu.memory_space<vmem>> -> memref<1x128x16xf32, #tpu.memory_space<vmem>>
      %dma_start3A_346 = tpu.memref_squeeze %dma_start3A_345 : memref<1x128x16xf32, #tpu.memory_space<vmem>> -> memref<128x16xf32, #tpu.memory_space<vmem>>
      %dma_start3A_347 = arith.constant 0 : i32
      %dma_start3A_348 = tpu.memref_slice %arg6[%sub3A_341, %dma_start3A_347] : memref<80x128xi32, #tpu.memory_space<vmem>> -> memref<1x128xi32, #tpu.memory_space<vmem>>
      %dma_start3A_349 = tpu.memref_squeeze %dma_start3A_348 : memref<1x128xi32, #tpu.memory_space<vmem>> -> memref<128xi32, #tpu.memory_space<vmem>>
      %dma_start3A_350 = arith.constant 0 : i32
      %dma_start3A_351 = arith.constant 0 : i32
      %dma_start3A_352 = tpu.memref_slice %arg9[%dma_start3A_350, %dma_start3A_351] : memref<10240x16xf32, #tpu.memory_space<vmem_shared>> -> memref<10240x16xf32, #tpu.memory_space<vmem_shared>>
      tpu.enqueue_indirect_dma source(%dma_start3A_346 : memref<128x16xf32, #tpu.memory_space<vmem>>) target(%dma_start3A_352 : memref<10240x16xf32, #tpu.memory_space<vmem_shared>>) offsets(%dma_start3A_349 : memref<128xi32, #tpu.memory_space<vmem>>) semaphore(%arg16 : memref<!tpu.dma_semaphore, #tpu.memory_space<semaphore_mem>>) {add = true}
    }
    %scan3A_55 = arith.constant 16 : i32
    %dma_wait3A = arith.constant 0 : i32
    %dma_wait3A_56 = arith.constant 2 : i32
    %dma_wait3A_57 = arith.constant 0 : i32
    %dma_wait3A_58 = arith.constant 0 : i32
    %dma_wait3A_59 = tpu.memref_slice %arg7[%dma_wait3A_56, %dma_wait3A_57, %dma_wait3A_58] : memref<5x128x16xf32, #tpu.memory_space<vmem>> -> memref<1x128x16xf32, #tpu.memory_space<vmem>>
    %dma_wait3A_60 = tpu.memref_squeeze %dma_wait3A_59 : memref<1x128x16xf32, #tpu.memory_space<vmem>> -> memref<128x16xf32, #tpu.memory_space<vmem>>
    %dma_wait3A_61 = arith.constant 0 : i32
    %dma_wait3A_62 = tpu.memref_slice %arg5[%dma_wait3A, %dma_wait3A_61] : memref<80x128xi32, #tpu.memory_space<vmem>> -> memref<1x128xi32, #tpu.memory_space<vmem>>
    %dma_wait3A_63 = tpu.memref_squeeze %dma_wait3A_62 : memref<1x128xi32, #tpu.memory_space<vmem>> -> memref<128xi32, #tpu.memory_space<vmem>>
    %dma_wait3A_64 = arith.constant 0 : i32
    %dma_wait3A_65 = arith.constant 0 : i32
    %dma_wait3A_66 = tpu.memref_slice %arg2[%dma_wait3A_64, %dma_wait3A_65] : memref<10240x16xf32, #tpu.memory_space<hbm>> -> memref<10240x16xf32, #tpu.memory_space<hbm>>
    tpu.wait_indirect_dma semaphore(%arg12 : memref<!tpu.dma_semaphore, #tpu.memory_space<semaphore_mem>>) src(%dma_wait3A_66 : memref<10240x16xf32, #tpu.memory_space<hbm>>) dst(%dma_wait3A_60 : memref<128x16xf32, #tpu.memory_space<vmem>>)
    %dma_start3A = arith.constant 2 : i32
    %dma_start3A_67 = arith.constant 77 : i32
    %dma_start3A_68 = arith.constant 0 : i32
    %dma_start3A_69 = arith.constant 0 : i32
    %dma_start3A_70 = tpu.memref_slice %arg7[%dma_start3A, %dma_start3A_68, %dma_start3A_69] : memref<5x128x16xf32, #tpu.memory_space<vmem>> -> memref<1x128x16xf32, #tpu.memory_space<vmem>>
    %dma_start3A_71 = tpu.memref_squeeze %dma_start3A_70 : memref<1x128x16xf32, #tpu.memory_space<vmem>> -> memref<128x16xf32, #tpu.memory_space<vmem>>
    %dma_start3A_72 = arith.constant 0 : i32
    %dma_start3A_73 = tpu.memref_slice %arg6[%dma_start3A_67, %dma_start3A_72] : memref<80x128xi32, #tpu.memory_space<vmem>> -> memref<1x128xi32, #tpu.memory_space<vmem>>
    %dma_start3A_74 = tpu.memref_squeeze %dma_start3A_73 : memref<1x128xi32, #tpu.memory_space<vmem>> -> memref<128xi32, #tpu.memory_space<vmem>>
    %dma_start3A_75 = arith.constant 0 : i32
    %dma_start3A_76 = arith.constant 0 : i32
    %dma_start3A_77 = tpu.memref_slice %arg9[%dma_start3A_75, %dma_start3A_76] : memref<10240x16xf32, #tpu.memory_space<vmem_shared>> -> memref<10240x16xf32, #tpu.memory_space<vmem_shared>>
    tpu.enqueue_indirect_dma source(%dma_start3A_71 : memref<128x16xf32, #tpu.memory_space<vmem>>) target(%dma_start3A_77 : memref<10240x16xf32, #tpu.memory_space<vmem_shared>>) offsets(%dma_start3A_74 : memref<128xi32, #tpu.memory_space<vmem>>) semaphore(%arg17 : memref<!tpu.dma_semaphore, #tpu.memory_space<semaphore_mem>>) {add = true}
    %dma_wait3A_78 = arith.constant 0 : i32
    %dma_wait3A_79 = arith.constant 3 : i32
    %dma_wait3A_80 = arith.constant 0 : i32
    %dma_wait3A_81 = arith.constant 0 : i32
    %dma_wait3A_82 = tpu.memref_slice %arg7[%dma_wait3A_79, %dma_wait3A_80, %dma_wait3A_81] : memref<5x128x16xf32, #tpu.memory_space<vmem>> -> memref<1x128x16xf32, #tpu.memory_space<vmem>>
    %dma_wait3A_83 = tpu.memref_squeeze %dma_wait3A_82 : memref<1x128x16xf32, #tpu.memory_space<vmem>> -> memref<128x16xf32, #tpu.memory_space<vmem>>
    %dma_wait3A_84 = arith.constant 0 : i32
    %dma_wait3A_85 = tpu.memref_slice %arg5[%dma_wait3A_78, %dma_wait3A_84] : memref<80x128xi32, #tpu.memory_space<vmem>> -> memref<1x128xi32, #tpu.memory_space<vmem>>
    %dma_wait3A_86 = tpu.memref_squeeze %dma_wait3A_85 : memref<1x128xi32, #tpu.memory_space<vmem>> -> memref<128xi32, #tpu.memory_space<vmem>>
    %dma_wait3A_87 = arith.constant 0 : i32
    %dma_wait3A_88 = arith.constant 0 : i32
    %dma_wait3A_89 = tpu.memref_slice %arg2[%dma_wait3A_87, %dma_wait3A_88] : memref<10240x16xf32, #tpu.memory_space<hbm>> -> memref<10240x16xf32, #tpu.memory_space<hbm>>
    tpu.wait_indirect_dma semaphore(%arg13 : memref<!tpu.dma_semaphore, #tpu.memory_space<semaphore_mem>>) src(%dma_wait3A_89 : memref<10240x16xf32, #tpu.memory_space<hbm>>) dst(%dma_wait3A_83 : memref<128x16xf32, #tpu.memory_space<vmem>>)
    %dma_start3A_90 = arith.constant 3 : i32
    %dma_start3A_91 = arith.constant 78 : i32
    %dma_start3A_92 = arith.constant 0 : i32
    %dma_start3A_93 = arith.constant 0 : i32
    %dma_start3A_94 = tpu.memref_slice %arg7[%dma_start3A_90, %dma_start3A_92, %dma_start3A_93] : memref<5x128x16xf32, #tpu.memory_space<vmem>> -> memref<1x128x16xf32, #tpu.memory_space<vmem>>
    %dma_start3A_95 = tpu.memref_squeeze %dma_start3A_94 : memref<1x128x16xf32, #tpu.memory_space<vmem>> -> memref<128x16xf32, #tpu.memory_space<vmem>>
    %dma_start3A_96 = arith.constant 0 : i32
    %dma_start3A_97 = tpu.memref_slice %arg6[%dma_start3A_91, %dma_start3A_96] : memref<80x128xi32, #tpu.memory_space<vmem>> -> memref<1x128xi32, #tpu.memory_space<vmem>>
    %dma_start3A_98 = tpu.memref_squeeze %dma_start3A_97 : memref<1x128xi32, #tpu.memory_space<vmem>> -> memref<128xi32, #tpu.memory_space<vmem>>
    %dma_start3A_99 = arith.constant 0 : i32
    %dma_start3A_100 = arith.constant 0 : i32
    %dma_start3A_101 = tpu.memref_slice %arg9[%dma_start3A_99, %dma_start3A_100] : memref<10240x16xf32, #tpu.memory_space<vmem_shared>> -> memref<10240x16xf32, #tpu.memory_space<vmem_shared>>
    tpu.enqueue_indirect_dma source(%dma_start3A_95 : memref<128x16xf32, #tpu.memory_space<vmem>>) target(%dma_start3A_101 : memref<10240x16xf32, #tpu.memory_space<vmem_shared>>) offsets(%dma_start3A_98 : memref<128xi32, #tpu.memory_space<vmem>>) semaphore(%arg18 : memref<!tpu.dma_semaphore, #tpu.memory_space<semaphore_mem>>) {add = true}
    %dma_wait3A_102 = arith.constant 0 : i32
    %dma_wait3A_103 = arith.constant 4 : i32
    %dma_wait3A_104 = arith.constant 0 : i32
    %dma_wait3A_105 = arith.constant 0 : i32
    %dma_wait3A_106 = tpu.memref_slice %arg7[%dma_wait3A_103, %dma_wait3A_104, %dma_wait3A_105] : memref<5x128x16xf32, #tpu.memory_space<vmem>> -> memref<1x128x16xf32, #tpu.memory_space<vmem>>
    %dma_wait3A_107 = tpu.memref_squeeze %dma_wait3A_106 : memref<1x128x16xf32, #tpu.memory_space<vmem>> -> memref<128x16xf32, #tpu.memory_space<vmem>>
    %dma_wait3A_108 = arith.constant 0 : i32
    %dma_wait3A_109 = tpu.memref_slice %arg5[%dma_wait3A_102, %dma_wait3A_108] : memref<80x128xi32, #tpu.memory_space<vmem>> -> memref<1x128xi32, #tpu.memory_space<vmem>>
    %dma_wait3A_110 = tpu.memref_squeeze %dma_wait3A_109 : memref<1x128xi32, #tpu.memory_space<vmem>> -> memref<128xi32, #tpu.memory_space<vmem>>
    %dma_wait3A_111 = arith.constant 0 : i32
    %dma_wait3A_112 = arith.constant 0 : i32
    %dma_wait3A_113 = tpu.memref_slice %arg2[%dma_wait3A_111, %dma_wait3A_112] : memref<10240x16xf32, #tpu.memory_space<hbm>> -> memref<10240x16xf32, #tpu.memory_space<hbm>>
    tpu.wait_indirect_dma semaphore(%arg14 : memref<!tpu.dma_semaphore, #tpu.memory_space<semaphore_mem>>) src(%dma_wait3A_113 : memref<10240x16xf32, #tpu.memory_space<hbm>>) dst(%dma_wait3A_107 : memref<128x16xf32, #tpu.memory_space<vmem>>)
    %dma_start3A_114 = arith.constant 4 : i32
    %dma_start3A_115 = arith.constant 79 : i32
    %dma_start3A_116 = arith.constant 0 : i32
    %dma_start3A_117 = arith.constant 0 : i32
    %dma_start3A_118 = tpu.memref_slice %arg7[%dma_start3A_114, %dma_start3A_116, %dma_start3A_117] : memref<5x128x16xf32, #tpu.memory_space<vmem>> -> memref<1x128x16xf32, #tpu.memory_space<vmem>>
    %dma_start3A_119 = tpu.memref_squeeze %dma_start3A_118 : memref<1x128x16xf32, #tpu.memory_space<vmem>> -> memref<128x16xf32, #tpu.memory_space<vmem>>
    %dma_start3A_120 = arith.constant 0 : i32
    %dma_start3A_121 = tpu.memref_slice %arg6[%dma_start3A_115, %dma_start3A_120] : memref<80x128xi32, #tpu.memory_space<vmem>> -> memref<1x128xi32, #tpu.memory_space<vmem>>
    %dma_start3A_122 = tpu.memref_squeeze %dma_start3A_121 : memref<1x128xi32, #tpu.memory_space<vmem>> -> memref<128xi32, #tpu.memory_space<vmem>>
    %dma_start3A_123 = arith.constant 0 : i32
    %dma_start3A_124 = arith.constant 0 : i32
    %dma_start3A_125 = tpu.memref_slice %arg9[%dma_start3A_123, %dma_start3A_124] : memref<10240x16xf32, #tpu.memory_space<vmem_shared>> -> memref<10240x16xf32, #tpu.memory_space<vmem_shared>>
    tpu.enqueue_indirect_dma source(%dma_start3A_119 : memref<128x16xf32, #tpu.memory_space<vmem>>) target(%dma_start3A_125 : memref<10240x16xf32, #tpu.memory_space<vmem_shared>>) offsets(%dma_start3A_122 : memref<128xi32, #tpu.memory_space<vmem>>) semaphore(%arg19 : memref<!tpu.dma_semaphore, #tpu.memory_space<semaphore_mem>>) {add = true}
    %dma_wait3A_126 = arith.constant 0 : i32
    %dma_wait3A_127 = arith.constant 0 : i32
    %dma_wait3A_128 = arith.constant 0 : i32
    %dma_wait3A_129 = arith.constant 0 : i32
    %dma_wait3A_130 = tpu.memref_slice %arg7[%dma_wait3A_126, %dma_wait3A_128, %dma_wait3A_129] : memref<5x128x16xf32, #tpu.memory_space<vmem>> -> memref<1x128x16xf32, #tpu.memory_space<vmem>>
    %dma_wait3A_131 = tpu.memref_squeeze %dma_wait3A_130 : memref<1x128x16xf32, #tpu.memory_space<vmem>> -> memref<128x16xf32, #tpu.memory_space<vmem>>
    %dma_wait3A_132 = arith.constant 0 : i32
    %dma_wait3A_133 = tpu.memref_slice %arg6[%dma_wait3A_127, %dma_wait3A_132] : memref<80x128xi32, #tpu.memory_space<vmem>> -> memref<1x128xi32, #tpu.memory_space<vmem>>
    %dma_wait3A_134 = tpu.memref_squeeze %dma_wait3A_133 : memref<1x128xi32, #tpu.memory_space<vmem>> -> memref<128xi32, #tpu.memory_space<vmem>>
    %dma_wait3A_135 = arith.constant 0 : i32
    %dma_wait3A_136 = arith.constant 0 : i32
    %dma_wait3A_137 = tpu.memref_slice %arg9[%dma_wait3A_135, %dma_wait3A_136] : memref<10240x16xf32, #tpu.memory_space<vmem_shared>> -> memref<10240x16xf32, #tpu.memory_space<vmem_shared>>
    tpu.wait_indirect_dma semaphore(%arg15 : memref<!tpu.dma_semaphore, #tpu.memory_space<semaphore_mem>>) src(%dma_wait3A_131 : memref<128x16xf32, #tpu.memory_space<vmem>>) dst(%dma_wait3A_137 : memref<10240x16xf32, #tpu.memory_space<vmem_shared>>)
    %dma_wait3A_138 = arith.constant 1 : i32
    %dma_wait3A_139 = arith.constant 0 : i32
    %dma_wait3A_140 = arith.constant 0 : i32
    %dma_wait3A_141 = arith.constant 0 : i32
    %dma_wait3A_142 = tpu.memref_slice %arg7[%dma_wait3A_138, %dma_wait3A_140, %dma_wait3A_141] : memref<5x128x16xf32, #tpu.memory_space<vmem>> -> memref<1x128x16xf32, #tpu.memory_space<vmem>>
    %dma_wait3A_143 = tpu.memref_squeeze %dma_wait3A_142 : memref<1x128x16xf32, #tpu.memory_space<vmem>> -> memref<128x16xf32, #tpu.memory_space<vmem>>
    %dma_wait3A_144 = arith.constant 0 : i32
    %dma_wait3A_145 = tpu.memref_slice %arg6[%dma_wait3A_139, %dma_wait3A_144] : memref<80x128xi32, #tpu.memory_space<vmem>> -> memref<1x128xi32, #tpu.memory_space<vmem>>
    %dma_wait3A_146 = tpu.memref_squeeze %dma_wait3A_145 : memref<1x128xi32, #tpu.memory_space<vmem>> -> memref<128xi32, #tpu.memory_space<vmem>>
    %dma_wait3A_147 = arith.constant 0 : i32
    %dma_wait3A_148 = arith.constant 0 : i32
    %dma_wait3A_149 = tpu.memref_slice %arg9[%dma_wait3A_147, %dma_wait3A_148] : memref<10240x16xf32, #tpu.memory_space<vmem_shared>> -> memref<10240x16xf32, #tpu.memory_space<vmem_shared>>
    tpu.wait_indirect_dma semaphore(%arg16 : memref<!tpu.dma_semaphore, #tpu.memory_space<semaphore_mem>>) src(%dma_wait3A_143 : memref<128x16xf32, #tpu.memory_space<vmem>>) dst(%dma_wait3A_149 : memref<10240x16xf32, #tpu.memory_space<vmem_shared>>)
    %dma_wait3A_150 = arith.constant 2 : i32
    %dma_wait3A_151 = arith.constant 0 : i32
    %dma_wait3A_152 = arith.constant 0 : i32
    %dma_wait3A_153 = arith.constant 0 : i32
    %dma_wait3A_154 = tpu.memref_slice %arg7[%dma_wait3A_150, %dma_wait3A_152, %dma_wait3A_153] : memref<5x128x16xf32, #tpu.memory_space<vmem>> -> memref<1x128x16xf32, #tpu.memory_space<vmem>>
    %dma_wait3A_155 = tpu.memref_squeeze %dma_wait3A_154 : memref<1x128x16xf32, #tpu.memory_space<vmem>> -> memref<128x16xf32, #tpu.memory_space<vmem>>
    %dma_wait3A_156 = arith.constant 0 : i32
    %dma_wait3A_157 = tpu.memref_slice %arg6[%dma_wait3A_151, %dma_wait3A_156] : memref<80x128xi32, #tpu.memory_space<vmem>> -> memref<1x128xi32, #tpu.memory_space<vmem>>
    %dma_wait3A_158 = tpu.memref_squeeze %dma_wait3A_157 : memref<1x128xi32, #tpu.memory_space<vmem>> -> memref<128xi32, #tpu.memory_space<vmem>>
    %dma_wait3A_159 = arith.constant 0 : i32
    %dma_wait3A_160 = arith.constant 0 : i32
    %dma_wait3A_161 = tpu.memref_slice %arg9[%dma_wait3A_159, %dma_wait3A_160] : memref<10240x16xf32, #tpu.memory_space<vmem_shared>> -> memref<10240x16xf32, #tpu.memory_space<vmem_shared>>
    tpu.wait_indirect_dma semaphore(%arg17 : memref<!tpu.dma_semaphore, #tpu.memory_space<semaphore_mem>>) src(%dma_wait3A_155 : memref<128x16xf32, #tpu.memory_space<vmem>>) dst(%dma_wait3A_161 : memref<10240x16xf32, #tpu.memory_space<vmem_shared>>)
    %dma_wait3A_162 = arith.constant 3 : i32
    %dma_wait3A_163 = arith.constant 0 : i32
    %dma_wait3A_164 = arith.constant 0 : i32
    %dma_wait3A_165 = arith.constant 0 : i32
    %dma_wait3A_166 = tpu.memref_slice %arg7[%dma_wait3A_162, %dma_wait3A_164, %dma_wait3A_165] : memref<5x128x16xf32, #tpu.memory_space<vmem>> -> memref<1x128x16xf32, #tpu.memory_space<vmem>>
    %dma_wait3A_167 = tpu.memref_squeeze %dma_wait3A_166 : memref<1x128x16xf32, #tpu.memory_space<vmem>> -> memref<128x16xf32, #tpu.memory_space<vmem>>
    %dma_wait3A_168 = arith.constant 0 : i32
    %dma_wait3A_169 = tpu.memref_slice %arg6[%dma_wait3A_163, %dma_wait3A_168] : memref<80x128xi32, #tpu.memory_space<vmem>> -> memref<1x128xi32, #tpu.memory_space<vmem>>
    %dma_wait3A_170 = tpu.memref_squeeze %dma_wait3A_169 : memref<1x128xi32, #tpu.memory_space<vmem>> -> memref<128xi32, #tpu.memory_space<vmem>>
    %dma_wait3A_171 = arith.constant 0 : i32
    %dma_wait3A_172 = arith.constant 0 : i32
    %dma_wait3A_173 = tpu.memref_slice %arg9[%dma_wait3A_171, %dma_wait3A_172] : memref<10240x16xf32, #tpu.memory_space<vmem_shared>> -> memref<10240x16xf32, #tpu.memory_space<vmem_shared>>
    tpu.wait_indirect_dma semaphore(%arg18 : memref<!tpu.dma_semaphore, #tpu.memory_space<semaphore_mem>>) src(%dma_wait3A_167 : memref<128x16xf32, #tpu.memory_space<vmem>>) dst(%dma_wait3A_173 : memref<10240x16xf32, #tpu.memory_space<vmem_shared>>)
    %dma_wait3A_174 = arith.constant 4 : i32
    %dma_wait3A_175 = arith.constant 0 : i32
    %dma_wait3A_176 = arith.constant 0 : i32
    %dma_wait3A_177 = arith.constant 0 : i32
    %dma_wait3A_178 = tpu.memref_slice %arg7[%dma_wait3A_174, %dma_wait3A_176, %dma_wait3A_177] : memref<5x128x16xf32, #tpu.memory_space<vmem>> -> memref<1x128x16xf32, #tpu.memory_space<vmem>>
    %dma_wait3A_179 = tpu.memref_squeeze %dma_wait3A_178 : memref<1x128x16xf32, #tpu.memory_space<vmem>> -> memref<128x16xf32, #tpu.memory_space<vmem>>
    %dma_wait3A_180 = arith.constant 0 : i32
    %dma_wait3A_181 = tpu.memref_slice %arg6[%dma_wait3A_175, %dma_wait3A_180] : memref<80x128xi32, #tpu.memory_space<vmem>> -> memref<1x128xi32, #tpu.memory_space<vmem>>
    %dma_wait3A_182 = tpu.memref_squeeze %dma_wait3A_181 : memref<1x128xi32, #tpu.memory_space<vmem>> -> memref<128xi32, #tpu.memory_space<vmem>>
    %dma_wait3A_183 = arith.constant 0 : i32
    %dma_wait3A_184 = arith.constant 0 : i32
    %dma_wait3A_185 = tpu.memref_slice %arg9[%dma_wait3A_183, %dma_wait3A_184] : memref<10240x16xf32, #tpu.memory_space<vmem_shared>> -> memref<10240x16xf32, #tpu.memory_space<vmem_shared>>
    tpu.wait_indirect_dma semaphore(%arg19 : memref<!tpu.dma_semaphore, #tpu.memory_space<semaphore_mem>>) src(%dma_wait3A_179 : memref<128x16xf32, #tpu.memory_space<vmem>>) dst(%dma_wait3A_185 : memref<10240x16xf32, #tpu.memory_space<vmem_shared>>)
    %barrier3A_186 = arith.constant 0 : index
    tpu.barrier barrier_id(%barrier3A_186)
    %mul3A_187 = arith.constant 640 : i32
    %mul3A_188 = arith.muli %arg1, %mul3A_187 : i32
    %mul3A_189 = arith.constant 640 : i32
    %mul3A_190 = arith.muli %arg1, %mul3A_189 : i32
    "tpu.region"() ({
      %run_scoped3A_191 = tpu.sem_alloc : memref<!tpu.dma_semaphore, #tpu.memory_space<semaphore_mem>>
      %dma_start3A_192 = arith.constant 0 : i32
      %dma_start3A_193 = tpu.memref_slice %arg4[%arg0, %mul3A_190, %dma_start3A_192] : memref<2x10240x16xf32, #tpu.memory_space<hbm>> -> memref<1x640x16xf32, #tpu.memory_space<hbm>>
      %dma_start3A_194 = tpu.memref_squeeze %dma_start3A_193 : memref<1x640x16xf32, #tpu.memory_space<hbm>> -> memref<640x16xf32, #tpu.memory_space<hbm>>
      %dma_start3A_195 = arith.constant 0 : i32
      %dma_start3A_196 = tpu.memref_slice %arg9[%mul3A_188, %dma_start3A_195] : memref<10240x16xf32, #tpu.memory_space<vmem_shared>> -> memref<640x16xf32, #tpu.memory_space<vmem_shared>>
      tpu.enqueue_dma source(%dma_start3A_196 : memref<640x16xf32, #tpu.memory_space<vmem_shared>>) target(%dma_start3A_194 : memref<640x16xf32, #tpu.memory_space<hbm>>) target_semaphore(%run_scoped3A_191 : memref<!tpu.dma_semaphore, #tpu.memory_space<semaphore_mem>>)
      %dma_wait3A_197 = arith.constant 0 : i32
      %dma_wait3A_198 = tpu.memref_slice %arg4[%arg0, %mul3A_190, %dma_wait3A_197] : memref<2x10240x16xf32, #tpu.memory_space<hbm>> -> memref<1x640x16xf32, #tpu.memory_space<hbm>>
      %dma_wait3A_199 = tpu.memref_squeeze %dma_wait3A_198 : memref<1x640x16xf32, #tpu.memory_space<hbm>> -> memref<640x16xf32, #tpu.memory_space<hbm>>
      %dma_wait3A_200 = arith.constant 0 : i32
      %dma_wait3A_201 = tpu.memref_slice %arg9[%mul3A_188, %dma_wait3A_200] : memref<10240x16xf32, #tpu.memory_space<vmem_shared>> -> memref<640x16xf32, #tpu.memory_space<vmem_shared>>
      tpu.wait_dma2 semaphore(%run_scoped3A_191 : memref<!tpu.dma_semaphore, #tpu.memory_space<semaphore_mem>>) src(%dma_wait3A_201 : memref<640x16xf32, #tpu.memory_space<vmem_shared>>) dst(%dma_wait3A_199 : memref<640x16xf32, #tpu.memory_space<hbm>>)
      tpu.yield
    }) : () -> ()
    return
  }
}

module attributes {stable_mosaic.version = 14 : i64} {
  func.func @body(%arg0: memref<10240x128xf32, #tpu.memory_space<vmem>>, %arg1: memref<128x64xf32, #tpu.memory_space<vmem>>, %arg2: memref<1x64xf32, #tpu.memory_space<vmem>>, %arg3: memref<2x10240x16xf32, #tpu.memory_space<vmem>>, %arg4: memref<2x10240x32xf32, #tpu.memory_space<vmem>>, %arg5: memref<10240x1xf32, #tpu.memory_space<vmem>>) attributes {dimension_semantics = [], scalar_prefetch = 0 : i64, scratch_operands = 0 : i64, tpu.core_type = #tpu.core_type<tc>} {
    %get3A = arith.constant 0 : index
    %get3A_0 = arith.constant 0 : index
    %get3A_1 = arith.constant 0 : index
    %get3A_2 = vector.load %arg3[%get3A, %get3A_0, %get3A_1] : memref<2x10240x16xf32, #tpu.memory_space<vmem>>, vector<1x10240x1xf32>
    %get3A_3 = vector.shape_cast %get3A_2 : vector<1x10240x1xf32> to vector<10240x1xf32>
    %get3A_4 = arith.constant 1 : index
    %get3A_5 = arith.constant 0 : index
    %get3A_6 = arith.constant 0 : index
    %get3A_7 = vector.load %arg3[%get3A_4, %get3A_5, %get3A_6] : memref<2x10240x16xf32, #tpu.memory_space<vmem>>, vector<1x10240x1xf32>
    %get3A_8 = vector.shape_cast %get3A_7 : vector<1x10240x1xf32> to vector<10240x1xf32>
    %add3A = arith.addf %get3A_3, %get3A_8 : vector<10240x1xf32>
    %add3A_9 = arith.constant 1.000000e+00 : f32
    %add3A_10 = vector.broadcast %add3A_9 : f32 to vector<10240x1xf32>
    %add3A_11 = arith.addf %add3A, %add3A_10 : vector<10240x1xf32>
    %rsqrt3A = math.rsqrt %add3A_11 : vector<10240x1xf32>
    %swap3A = arith.constant 0 : index
    %swap3A_12 = arith.constant 0 : index
    %swap3A_13 = vector.load %arg5[%swap3A, %swap3A_12] : memref<10240x1xf32, #tpu.memory_space<vmem>>, vector<10240x1xf32>
    tpu.vector_store %arg5[%swap3A, %swap3A_12], %rsqrt3A {strides = array<i32>} : memref<10240x1xf32, #tpu.memory_space<vmem>>, vector<10240x1xf32>,
    %get3A_14 = arith.constant 0 : index
    %get3A_15 = arith.constant 0 : index
    %get3A_16 = vector.load %arg1[%get3A_14, %get3A_15] : memref<128x64xf32, #tpu.memory_space<vmem>>, vector<128x64xf32>
    %get3A_17 = arith.constant 0 : index
    %get3A_18 = arith.constant 0 : index
    %get3A_19 = vector.load %arg2[%get3A_17, %get3A_18] : memref<1x64xf32, #tpu.memory_space<vmem>>, vector<1x64xf32>
    %mul3A = arith.constant 0.999994993 : f32
    %mul3A_20 = vector.broadcast %mul3A : f32 to vector<1x64xf32>
    %mul3A_21 = arith.mulf %mul3A_20, %get3A_19 : vector<1x64xf32>
    %mul3A_22 = vector.broadcast %mul3A_21 : vector<1x64xf32> to vector<128x64xf32>
    %mul3A_23 = arith.mulf %get3A_16, %mul3A_22 : vector<128x64xf32>
    %get3A_24 = arith.constant 0 : index
    %get3A_25 = arith.constant 0 : index
    %get3A_26 = vector.load %arg0[%get3A_24, %get3A_25] : memref<10240x128xf32, #tpu.memory_space<vmem>>, vector<10240x128xf32>
    %dot_general3A = arith.constant dense<0.000000e+00> : vector<10240x64xf32>
    %dot_general3A_27 = tpu.matmul %get3A_26, %mul3A_23, %dot_general3A {dimension_numbers = #tpu.dot_dimension_numbers<[1], [0], [0], [1], [0, 0, 1, 1], [], []>, transpose_lhs_hint = false} : vector<10240x128xf32>, vector<128x64xf32>, vector<10240x64xf32> -> vector<10240x64xf32>
    %mul3A_28 = vector.broadcast %rsqrt3A : vector<10240x1xf32> to vector<10240x64xf32>
    %mul3A_29 = arith.mulf %mul3A_28, %dot_general3A_27 : vector<10240x64xf32>
    %slice3A = vector.extract_strided_slice %mul3A_29 {offsets = [0, 0], sizes = [10240, 32], strides = [1, 1]} : vector<10240x64xf32> to vector<10240x32xf32>
    %swap3A_30 = arith.constant 0 : index
    %swap3A_31 = arith.constant 0 : index
    %swap3A_32 = arith.constant 0 : index
    %swap3A_33 = vector.load %arg4[%swap3A_30, %swap3A_31, %swap3A_32] : memref<2x10240x32xf32, #tpu.memory_space<vmem>>, vector<1x10240x32xf32>
    %swap3A_34 = vector.shape_cast %swap3A_33 : vector<1x10240x32xf32> to vector<10240x32xf32>
    %swap3A_35 = vector.shape_cast %slice3A : vector<10240x32xf32> to vector<1x10240x32xf32>
    tpu.vector_store %arg4[%swap3A_30, %swap3A_31, %swap3A_32], %swap3A_35 {strides = array<i32>} : memref<2x10240x32xf32, #tpu.memory_space<vmem>>, vector<1x10240x32xf32>,
    %slice3A_36 = vector.extract_strided_slice %mul3A_29 {offsets = [0, 32], sizes = [10240, 32], strides = [1, 1]} : vector<10240x64xf32> to vector<10240x32xf32>
    %swap3A_37 = arith.constant 1 : index
    %swap3A_38 = arith.constant 0 : index
    %swap3A_39 = arith.constant 0 : index
    %swap3A_40 = vector.load %arg4[%swap3A_37, %swap3A_38, %swap3A_39] : memref<2x10240x32xf32, #tpu.memory_space<vmem>>, vector<1x10240x32xf32>
    %swap3A_41 = vector.shape_cast %swap3A_40 : vector<1x10240x32xf32> to vector<10240x32xf32>
    %swap3A_42 = vector.shape_cast %slice3A_36 : vector<10240x32xf32> to vector<1x10240x32xf32>
    tpu.vector_store %arg4[%swap3A_37, %swap3A_38, %swap3A_39], %swap3A_42 {strides = array<i32>} : memref<2x10240x32xf32, #tpu.memory_space<vmem>>, vector<1x10240x32xf32>,
    return
  }
}

module attributes {stable_mosaic.version = 14 : i64} {
  func.func @body(%arg0: memref<2x10240x32xf32, #tpu.memory_space<vmem>>, %arg1: memref<2x10240x32xf32, #tpu.memory_space<vmem>>, %arg2: memref<10240x1xf32, #tpu.memory_space<vmem>>, %arg3: memref<1x64xf32, #tpu.memory_space<vmem>>, %arg4: memref<1x64xf32, #tpu.memory_space<vmem>>, %arg5: memref<1x64xf32, #tpu.memory_space<vmem>>, %arg6: memref<64x128xf32, #tpu.memory_space<vmem>>, %arg7: memref<1x128xf32, #tpu.memory_space<vmem>>, %arg8: memref<2x10240x64xf32, #tpu.memory_space<vmem>>) attributes {dimension_semantics = [], scalar_prefetch = 0 : i64, scratch_operands = 0 : i64, tpu.core_type = #tpu.core_type<tc>} {
    %get3A = arith.constant 0 : index
    %get3A_0 = arith.constant 0 : index
    %get3A_1 = vector.load %arg2[%get3A, %get3A_0] : memref<10240x1xf32, #tpu.memory_space<vmem>>, vector<10240x1xf32>
    %get3A_2 = arith.constant 0 : index
    %get3A_3 = arith.constant 0 : index
    %get3A_4 = vector.load %arg3[%get3A_2, %get3A_3] : memref<1x64xf32, #tpu.memory_space<vmem>>, vector<1x64xf32>
    %get3A_5 = arith.constant 0 : index
    %get3A_6 = arith.constant 0 : index
    %get3A_7 = vector.load %arg4[%get3A_5, %get3A_6] : memref<1x64xf32, #tpu.memory_space<vmem>>, vector<1x64xf32>
    %mul3A = arith.constant 0.999994993 : f32
    %mul3A_8 = vector.broadcast %mul3A : f32 to vector<1x64xf32>
    %mul3A_9 = arith.mulf %mul3A_8, %get3A_7 : vector<1x64xf32>
    %mul3A_10 = arith.mulf %get3A_4, %mul3A_9 : vector<1x64xf32>
    %get3A_11 = arith.constant 0 : index
    %get3A_12 = arith.constant 0 : index
    %get3A_13 = vector.load %arg5[%get3A_11, %get3A_12] : memref<1x64xf32, #tpu.memory_space<vmem>>, vector<1x64xf32>
    %add3A = arith.addf %mul3A_10, %get3A_13 : vector<1x64xf32>
    %get3A_14 = arith.constant 0 : index
    %get3A_15 = arith.constant 0 : index
    %get3A_16 = arith.constant 0 : index
    %get3A_17 = vector.load %arg0[%get3A_14, %get3A_15, %get3A_16] : memref<2x10240x32xf32, #tpu.memory_space<vmem>>, vector<1x10240x32xf32>
    %get3A_18 = vector.shape_cast %get3A_17 : vector<1x10240x32xf32> to vector<10240x32xf32>
    %get3A_19 = arith.constant 0 : index
    %get3A_20 = arith.constant 0 : index
    %get3A_21 = arith.constant 0 : index
    %get3A_22 = vector.load %arg1[%get3A_19, %get3A_20, %get3A_21] : memref<2x10240x32xf32, #tpu.memory_space<vmem>>, vector<1x10240x32xf32>
    %get3A_23 = vector.shape_cast %get3A_22 : vector<1x10240x32xf32> to vector<10240x32xf32>
    %add3A_24 = arith.addf %get3A_18, %get3A_23 : vector<10240x32xf32>
    %get3A_25 = arith.constant 1 : index
    %get3A_26 = arith.constant 0 : index
    %get3A_27 = arith.constant 0 : index
    %get3A_28 = vector.load %arg0[%get3A_25, %get3A_26, %get3A_27] : memref<2x10240x32xf32, #tpu.memory_space<vmem>>, vector<1x10240x32xf32>
    %get3A_29 = vector.shape_cast %get3A_28 : vector<1x10240x32xf32> to vector<10240x32xf32>
    %get3A_30 = arith.constant 1 : index
    %get3A_31 = arith.constant 0 : index
    %get3A_32 = arith.constant 0 : index
    %get3A_33 = vector.load %arg1[%get3A_30, %get3A_31, %get3A_32] : memref<2x10240x32xf32, #tpu.memory_space<vmem>>, vector<1x10240x32xf32>
    %get3A_34 = vector.shape_cast %get3A_33 : vector<1x10240x32xf32> to vector<10240x32xf32>
    %add3A_35 = arith.addf %get3A_29, %get3A_34 : vector<10240x32xf32>
    %concatenate3A = tpu.concatenate %add3A_24, %add3A_35 in 1 : vector<10240x32xf32>, vector<10240x32xf32> -> vector<10240x64xf32>
    %mul3A_36 = vector.broadcast %get3A_1 : vector<10240x1xf32> to vector<10240x64xf32>
    %mul3A_37 = arith.mulf %mul3A_36, %concatenate3A : vector<10240x64xf32>
    %add3A_38 = vector.broadcast %add3A : vector<1x64xf32> to vector<10240x64xf32>
    %add3A_39 = arith.addf %mul3A_37, %add3A_38 : vector<10240x64xf32>
    %max3A = arith.constant 0.000000e+00 : f32
    %max3A_40 = vector.broadcast %max3A : f32 to vector<10240x64xf32>
    %max3A_41 = arith.maximumf %add3A_39, %max3A_40 : vector<10240x64xf32>
    %get3A_42 = arith.constant 0 : index
    %get3A_43 = arith.constant 0 : index
    %get3A_44 = vector.load %arg6[%get3A_42, %get3A_43] : memref<64x128xf32, #tpu.memory_space<vmem>>, vector<64x128xf32>
    %get3A_45 = arith.constant 0 : index
    %get3A_46 = arith.constant 0 : index
    %get3A_47 = vector.load %arg7[%get3A_45, %get3A_46] : memref<1x128xf32, #tpu.memory_space<vmem>>, vector<1x128xf32>
    %mul3A_48 = arith.constant 0.999994993 : f32
    %mul3A_49 = vector.broadcast %mul3A_48 : f32 to vector<1x128xf32>
    %mul3A_50 = arith.mulf %mul3A_49, %get3A_47 : vector<1x128xf32>
    %mul3A_51 = vector.broadcast %mul3A_50 : vector<1x128xf32> to vector<64x128xf32>
    %mul3A_52 = arith.mulf %get3A_44, %mul3A_51 : vector<64x128xf32>
    %dot_general3A = arith.constant dense<0.000000e+00> : vector<10240x128xf32>
    %dot_general3A_53 = tpu.matmul %max3A_41, %mul3A_52, %dot_general3A {dimension_numbers = #tpu.dot_dimension_numbers<[1], [0], [0], [1], [0, 0, 1, 1], [], []>, transpose_lhs_hint = false} : vector<10240x64xf32>, vector<64x128xf32>, vector<10240x128xf32> -> vector<10240x128xf32>
    %mul3A_54 = vector.broadcast %get3A_1 : vector<10240x1xf32> to vector<10240x128xf32>
    %mul3A_55 = arith.mulf %mul3A_54, %dot_general3A_53 : vector<10240x128xf32>
    %slice3A = vector.extract_strided_slice %mul3A_55 {offsets = [0, 0], sizes = [10240, 64], strides = [1, 1]} : vector<10240x128xf32> to vector<10240x64xf32>
    %swap3A = arith.constant 0 : index
    %swap3A_56 = arith.constant 0 : index
    %swap3A_57 = arith.constant 0 : index
    %swap3A_58 = vector.load %arg8[%swap3A, %swap3A_56, %swap3A_57] : memref<2x10240x64xf32, #tpu.memory_space<vmem>>, vector<1x10240x64xf32>
    %swap3A_59 = vector.shape_cast %swap3A_58 : vector<1x10240x64xf32> to vector<10240x64xf32>
    %swap3A_60 = vector.shape_cast %slice3A : vector<10240x64xf32> to vector<1x10240x64xf32>
    tpu.vector_store %arg8[%swap3A, %swap3A_56, %swap3A_57], %swap3A_60 {strides = array<i32>} : memref<2x10240x64xf32, #tpu.memory_space<vmem>>, vector<1x10240x64xf32>,
    %slice3A_61 = vector.extract_strided_slice %mul3A_55 {offsets = [0, 64], sizes = [10240, 64], strides = [1, 1]} : vector<10240x128xf32> to vector<10240x64xf32>
    %swap3A_62 = arith.constant 1 : index
    %swap3A_63 = arith.constant 0 : index
    %swap3A_64 = arith.constant 0 : index
    %swap3A_65 = vector.load %arg8[%swap3A_62, %swap3A_63, %swap3A_64] : memref<2x10240x64xf32, #tpu.memory_space<vmem>>, vector<1x10240x64xf32>
    %swap3A_66 = vector.shape_cast %swap3A_65 : vector<1x10240x64xf32> to vector<10240x64xf32>
    %swap3A_67 = vector.shape_cast %slice3A_61 : vector<10240x64xf32> to vector<1x10240x64xf32>
    tpu.vector_store %arg8[%swap3A_62, %swap3A_63, %swap3A_64], %swap3A_67 {strides = array<i32>} : memref<2x10240x64xf32, #tpu.memory_space<vmem>>, vector<1x10240x64xf32>,
    return
  }
}

module attributes {stable_mosaic.version = 14 : i64} {
  func.func @body(%arg0: memref<2x10240x64xf32, #tpu.memory_space<vmem>>, %arg1: memref<2x10240x64xf32, #tpu.memory_space<vmem>>, %arg2: memref<10240x1xf32, #tpu.memory_space<vmem>>, %arg3: memref<1x128xf32, #tpu.memory_space<vmem>>, %arg4: memref<1x128xf32, #tpu.memory_space<vmem>>, %arg5: memref<1x128xf32, #tpu.memory_space<vmem>>, %arg6: memref<128x16xf32, #tpu.memory_space<vmem>>, %arg7: memref<10240x16xf32, #tpu.memory_space<vmem>>) attributes {dimension_semantics = [], scalar_prefetch = 0 : i64, scratch_operands = 0 : i64, tpu.core_type = #tpu.core_type<tc>} {
    %get3A = arith.constant 0 : index
    %get3A_0 = arith.constant 0 : index
    %get3A_1 = vector.load %arg2[%get3A, %get3A_0] : memref<10240x1xf32, #tpu.memory_space<vmem>>, vector<10240x1xf32>
    %get3A_2 = arith.constant 0 : index
    %get3A_3 = arith.constant 0 : index
    %get3A_4 = vector.load %arg3[%get3A_2, %get3A_3] : memref<1x128xf32, #tpu.memory_space<vmem>>, vector<1x128xf32>
    %get3A_5 = arith.constant 0 : index
    %get3A_6 = arith.constant 0 : index
    %get3A_7 = vector.load %arg4[%get3A_5, %get3A_6] : memref<1x128xf32, #tpu.memory_space<vmem>>, vector<1x128xf32>
    %mul3A = arith.constant 0.999994993 : f32
    %mul3A_8 = vector.broadcast %mul3A : f32 to vector<1x128xf32>
    %mul3A_9 = arith.mulf %mul3A_8, %get3A_7 : vector<1x128xf32>
    %mul3A_10 = arith.mulf %get3A_4, %mul3A_9 : vector<1x128xf32>
    %get3A_11 = arith.constant 0 : index
    %get3A_12 = arith.constant 0 : index
    %get3A_13 = vector.load %arg5[%get3A_11, %get3A_12] : memref<1x128xf32, #tpu.memory_space<vmem>>, vector<1x128xf32>
    %add3A = arith.addf %mul3A_10, %get3A_13 : vector<1x128xf32>
    %get3A_14 = arith.constant 0 : index
    %get3A_15 = arith.constant 0 : index
    %get3A_16 = arith.constant 0 : index
    %get3A_17 = vector.load %arg0[%get3A_14, %get3A_15, %get3A_16] : memref<2x10240x64xf32, #tpu.memory_space<vmem>>, vector<1x10240x64xf32>
    %get3A_18 = vector.shape_cast %get3A_17 : vector<1x10240x64xf32> to vector<10240x64xf32>
    %get3A_19 = arith.constant 0 : index
    %get3A_20 = arith.constant 0 : index
    %get3A_21 = arith.constant 0 : index
    %get3A_22 = vector.load %arg1[%get3A_19, %get3A_20, %get3A_21] : memref<2x10240x64xf32, #tpu.memory_space<vmem>>, vector<1x10240x64xf32>
    %get3A_23 = vector.shape_cast %get3A_22 : vector<1x10240x64xf32> to vector<10240x64xf32>
    %add3A_24 = arith.addf %get3A_18, %get3A_23 : vector<10240x64xf32>
    %get3A_25 = arith.constant 1 : index
    %get3A_26 = arith.constant 0 : index
    %get3A_27 = arith.constant 0 : index
    %get3A_28 = vector.load %arg0[%get3A_25, %get3A_26, %get3A_27] : memref<2x10240x64xf32, #tpu.memory_space<vmem>>, vector<1x10240x64xf32>
    %get3A_29 = vector.shape_cast %get3A_28 : vector<1x10240x64xf32> to vector<10240x64xf32>
    %get3A_30 = arith.constant 1 : index
    %get3A_31 = arith.constant 0 : index
    %get3A_32 = arith.constant 0 : index
    %get3A_33 = vector.load %arg1[%get3A_30, %get3A_31, %get3A_32] : memref<2x10240x64xf32, #tpu.memory_space<vmem>>, vector<1x10240x64xf32>
    %get3A_34 = vector.shape_cast %get3A_33 : vector<1x10240x64xf32> to vector<10240x64xf32>
    %add3A_35 = arith.addf %get3A_29, %get3A_34 : vector<10240x64xf32>
    %concatenate3A = tpu.concatenate %add3A_24, %add3A_35 in 1 : vector<10240x64xf32>, vector<10240x64xf32> -> vector<10240x128xf32>
    %mul3A_36 = vector.broadcast %get3A_1 : vector<10240x1xf32> to vector<10240x128xf32>
    %mul3A_37 = arith.mulf %mul3A_36, %concatenate3A : vector<10240x128xf32>
    %add3A_38 = vector.broadcast %add3A : vector<1x128xf32> to vector<10240x128xf32>
    %add3A_39 = arith.addf %mul3A_37, %add3A_38 : vector<10240x128xf32>
    %max3A = arith.constant 0.000000e+00 : f32
    %max3A_40 = vector.broadcast %max3A : f32 to vector<10240x128xf32>
    %max3A_41 = arith.maximumf %add3A_39, %max3A_40 : vector<10240x128xf32>
    %get3A_42 = arith.constant 0 : index
    %get3A_43 = arith.constant 0 : index
    %get3A_44 = vector.load %arg6[%get3A_42, %get3A_43] : memref<128x16xf32, #tpu.memory_space<vmem>>, vector<128x16xf32>
    %dot_general3A = arith.constant dense<0.000000e+00> : vector<10240x16xf32>
    %dot_general3A_45 = tpu.matmul %max3A_41, %get3A_44, %dot_general3A {dimension_numbers = #tpu.dot_dimension_numbers<[1], [0], [0], [1], [0, 0, 1, 1], [], []>, transpose_lhs_hint = false} : vector<10240x128xf32>, vector<128x16xf32>, vector<10240x16xf32> -> vector<10240x16xf32>
    %mul3A_46 = vector.broadcast %get3A_1 : vector<10240x1xf32> to vector<10240x16xf32>
    %mul3A_47 = arith.mulf %mul3A_46, %dot_general3A_45 : vector<10240x16xf32>
    %swap3A = arith.constant 0 : index
    %swap3A_48 = arith.constant 0 : index
    %swap3A_49 = vector.load %arg7[%swap3A, %swap3A_48] : memref<10240x16xf32, #tpu.memory_space<vmem>>, vector<10240x16xf32>
    tpu.vector_store %arg7[%swap3A, %swap3A_48], %mul3A_47 {strides = array<i32>} : memref<10240x16xf32, #tpu.memory_space<vmem>>, vector<10240x16xf32>,
    return
  }
}

module attributes {stable_mosaic.version = 14 : i64} {
  func.func @body(%arg0: memref<2x10240x16xf32, #tpu.memory_space<vmem>>, %arg1: memref<10240x16xf32, #tpu.memory_space<vmem>>, %arg2: memref<10240x1xf32, #tpu.memory_space<vmem>>, %arg3: memref<1x16xf32, #tpu.memory_space<vmem>>, %arg4: memref<10000x1xi32, #tpu.memory_space<vmem>>, %arg5: memref<64x16xf32, #tpu.memory_space<vmem>>) attributes {dimension_semantics = [], scalar_prefetch = 0 : i64, scratch_operands = 0 : i64, tpu.core_type = #tpu.core_type<tc>} {
    %get3A = arith.constant 0 : index
    %get3A_0 = arith.constant 0 : index
    %get3A_1 = vector.load %arg2[%get3A, %get3A_0] : memref<10240x1xf32, #tpu.memory_space<vmem>>, vector<10000x1xf32>
    %get3A_2 = arith.constant 0 : index
    %get3A_3 = arith.constant 0 : index
    %get3A_4 = arith.constant 0 : index
    %get3A_5 = vector.load %arg0[%get3A_2, %get3A_3, %get3A_4] : memref<2x10240x16xf32, #tpu.memory_space<vmem>>, vector<1x10000x16xf32>
    %get3A_6 = vector.shape_cast %get3A_5 : vector<1x10000x16xf32> to vector<10000x16xf32>
    %get3A_7 = arith.constant 1 : index
    %get3A_8 = arith.constant 0 : index
    %get3A_9 = arith.constant 0 : index
    %get3A_10 = vector.load %arg0[%get3A_7, %get3A_8, %get3A_9] : memref<2x10240x16xf32, #tpu.memory_space<vmem>>, vector<1x10000x16xf32>
    %get3A_11 = vector.shape_cast %get3A_10 : vector<1x10000x16xf32> to vector<10000x16xf32>
    %add3A = arith.addf %get3A_6, %get3A_11 : vector<10000x16xf32>
    %get3A_12 = arith.constant 0 : index
    %get3A_13 = arith.constant 0 : index
    %get3A_14 = vector.load %arg1[%get3A_12, %get3A_13] : memref<10240x16xf32, #tpu.memory_space<vmem>>, vector<10000x16xf32>
    %add3A_15 = arith.addf %add3A, %get3A_14 : vector<10000x16xf32>
    %mul3A = vector.broadcast %get3A_1 : vector<10000x1xf32> to vector<10000x16xf32>
    %mul3A_16 = arith.mulf %mul3A, %add3A_15 : vector<10000x16xf32>
    %get3A_17 = arith.constant 0 : index
    %get3A_18 = arith.constant 0 : index
    %get3A_19 = vector.load %arg3[%get3A_17, %get3A_18] : memref<1x16xf32, #tpu.memory_space<vmem>>, vector<1x16xf32>
    %add3A_20 = vector.broadcast %get3A_19 : vector<1x16xf32> to vector<10000x16xf32>
    %add3A_21 = arith.addf %mul3A_16, %add3A_20 : vector<10000x16xf32>
    %get3A_22 = arith.constant 0 : index
    %get3A_23 = arith.constant 0 : index
    %get3A_24 = vector.load %arg4[%get3A_22, %get3A_23] : memref<10000x1xi32, #tpu.memory_space<vmem>>, vector<10000x1xi32>
    %iota3A = tpu.iota {dimensions = array<i32: 1>} : vector<10000x64xi32>
    %eq3A = vector.broadcast %get3A_24 : vector<10000x1xi32> to vector<10000x64xi32>
    %eq3A_25 = arith.cmpi eq, %eq3A, %iota3A : vector<10000x64xi32>
    %convert_element_type3A = arith.extui %eq3A_25 : vector<10000x64xi1> to vector<10000x64xi32>
    %convert_element_type3A_26 = arith.sitofp %convert_element_type3A : vector<10000x64xi32> to vector<10000x64xf32>
    %dot_general3A = arith.constant dense<0.000000e+00> : vector<64x16xf32>
    %dot_general3A_27 = tpu.matmul %convert_element_type3A_26, %add3A_21, %dot_general3A {dimension_numbers = #tpu.dot_dimension_numbers<[0], [0], [1], [1], [0, 1, 1, 1], [], []>, transpose_lhs_hint = false} : vector<10000x64xf32>, vector<10000x16xf32>, vector<64x16xf32> -> vector<64x16xf32>
    %broadcast_in_dim3A = arith.constant 1.000000e+00 : f32
    %broadcast_in_dim3A_28 = vector.broadcast %broadcast_in_dim3A : f32 to vector<10000x8xf32>
    %dot_general3A_29 = arith.constant dense<0.000000e+00> : vector<64x8xf32>
    %dot_general3A_30 = tpu.matmul %convert_element_type3A_26, %broadcast_in_dim3A_28, %dot_general3A_29 {dimension_numbers = #tpu.dot_dimension_numbers<[0], [0], [1], [1], [0, 1, 1, 1], [], []>, transpose_lhs_hint = false} : vector<10000x64xf32>, vector<10000x8xf32>, vector<64x8xf32> -> vector<64x8xf32>
    %slice3A = vector.extract_strided_slice %dot_general3A_30 {offsets = [0, 0], sizes = [64, 1], strides = [1, 1]} : vector<64x8xf32> to vector<64x1xf32>
    %max3A = arith.constant 1.000000e+00 : f32
    %max3A_31 = vector.broadcast %max3A : f32 to vector<64x1xf32>
    %max3A_32 = arith.maximumf %slice3A, %max3A_31 : vector<64x1xf32>
    %div3A = vector.broadcast %max3A_32 : vector<64x1xf32> to vector<64x16xf32>
    %div3A_33 = arith.divf %dot_general3A_27, %div3A : vector<64x16xf32>
    %iota3A_34 = tpu.iota {dimensions = array<i32: 1>} : vector<64x16xi32>
    %lt3A = arith.constant 10 : i32
    %lt3A_35 = vector.broadcast %lt3A : i32 to vector<64x16xi32>
    %lt3A_36 = arith.cmpi slt, %iota3A_34, %lt3A_35 : vector<64x16xi32>
    %jit3A = arith.constant -1.000000e+30 : f32
    %broadcast_in_dim3A_37 = vector.broadcast %jit3A : f32 to vector<64x16xf32>
    %select_n3A = arith.select %lt3A_36, %div3A_33, %broadcast_in_dim3A_37 : vector<64x16xi1>, vector<64x16xf32>
    %reduce_max3A = arith.constant dense<0xFF800000> : vector<64xf32>
    %reduce_max3A_38 = vector.multi_reduction <maximumf>, %select_n3A, %reduce_max3A [1] : vector<64x16xf32> to vector<64xf32>
    %broadcast_in_dim3A_39 = vector.shape_cast %reduce_max3A_38 : vector<64xf32> to vector<64x1xf32>
    %sub3A = vector.broadcast %broadcast_in_dim3A_39 : vector<64x1xf32> to vector<64x16xf32>
    %sub3A_40 = arith.subf %div3A_33, %sub3A : vector<64x16xf32>
    %exp3A = math.exp %sub3A_40 : vector<64x16xf32>
    %jit3A_41 = arith.constant 0.000000e+00 : f32
    %broadcast_in_dim3A_42 = vector.broadcast %jit3A_41 : f32 to vector<64x16xf32>
    %select_n3A_43 = arith.select %lt3A_36, %exp3A, %broadcast_in_dim3A_42 : vector<64x16xi1>, vector<64x16xf32>
    %reduce_sum3A = arith.constant dense<0.000000e+00> : vector<64xf32>
    %reduce_sum3A_44 = vector.multi_reduction <add>, %select_n3A_43, %reduce_sum3A [1] : vector<64x16xf32> to vector<64xf32>
    %broadcast_in_dim3A_45 = vector.shape_cast %reduce_sum3A_44 : vector<64xf32> to vector<64x1xf32>
    %log3A = math.log %broadcast_in_dim3A_45 : vector<64x1xf32>
    %sub3A_46 = vector.broadcast %broadcast_in_dim3A_39 : vector<64x1xf32> to vector<64x16xf32>
    %sub3A_47 = arith.subf %div3A_33, %sub3A_46 : vector<64x16xf32>
    %sub3A_48 = vector.broadcast %log3A : vector<64x1xf32> to vector<64x16xf32>
    %sub3A_49 = arith.subf %sub3A_47, %sub3A_48 : vector<64x16xf32>
    %swap3A = arith.constant 0 : index
    %swap3A_50 = arith.constant 0 : index
    %swap3A_51 = vector.load %arg5[%swap3A, %swap3A_50] : memref<64x16xf32, #tpu.memory_space<vmem>>, vector<64x16xf32>
    tpu.vector_store %arg5[%swap3A, %swap3A_50], %sub3A_49 {strides = array<i32>} : memref<64x16xf32, #tpu.memory_space<vmem>>, vector<64x16xf32>,
    return
  }
}

</mosaic_0001>

<sc_bundles>
// kernel: kernel.10.cloned.1.call-start
scs
__scs_entry_jumppad:
0x0: {  	(pc) =	sbr.rel $0x88, $3  }
0x1: {  	(tag) =	ssettag $0x0;
	lr =	simm.s32 $0x1  }
0x2: {  	[smem:$0x3F94] =	sst lr;
	_ =	strace $0xD0000000  }
0x3: {  	_ = 	snop  }
0x4: {  	_ = 	snop  }
0x5: {  	_ = 	snop  }
0x6: {  	_ = 	snop  }
0x7: {  	_ = 	snop  }
__scs_overlays_trampoline_lowered:
0x8: {  	[smem:$0x3FA3] =	sst s0  }
0x9: {  	[smem:$0x3FA4] =	sst s1  }
0xa: {  	[smem:$0x3FA5] =	sst s2  }
0xb: {  	[smem:$0x3FA6] =	sst s3  }
0xc: {  	[smem:$0x3FA7] =	sst s4  }
0xd: {  	[smem:$0x3FA8] =	sst s5  }
0xe: {  	[smem:$0x3FA9] =	sst s6  }
0xf: {  	[smem:$0x3FAA] =	sst s7  }
0x10: {  	[smem:$0x3FAB] =	sst s8  }
0x11: {  	[smem:$0x3FAC] =	sst s9;
	s0 =	simm.s32 @!p0 $0x0  }
0x12: {  	s1 =	sld [smem:$0x3F92];
	s0 =	simm.s32 @p0 $0x1  }
0x13: {  	[smem:$0x3FAD] =	sst s0;
	s0 =	simm.s32 @!p1 $0x0  }
0x14: {  	s2 =	sld [smem:$0x3F91];
	s0 =	simm.s32 @p1 $0x1  }
0x15: {  	[smem:$0x3FAE] =	sst s0;
	s0 =	simm.s32 @!p2 $0x0  }
0x16: {  	s3 =	sld [smem:$0x3FDB];
	s0 =	simm.s32 @p2 $0x1  }
0x17: {  	s4 =	simm.s32 $0x1BF5;
	[smem:$0x3FB0] =	sst s0  }
0x18: {  	s0 =	sld [smem:$0x3F93];
	_ =	swait.ge [sflag:s4], $0x0  }
0x19: {  	s7 =	sld [smem:$0x3F94]  }
0x1a: {  	s8 =	sadd.s32 $0xFFFFE003, lr  }
0x1b: {  	s9 =	sadd.s32 $0xFFFFFEF7, lr;
	s5 =	simm.s32 $0xFFFFFFFF;
	p2 =	slt.u32 s8, $0xFFFFF086  }
0x1c: {  	p1 =	slt.u32 s9, $0xF7A;
	s5 =	simm.s32 @!p2 $0x0  }
0x1d: {  	s5 =	simm.s32 @p1 $0x1;
	p0 =	seq.s32 s7, s2  }
0x1e: {  	s7 =	smul.u32 @!p0 $0xF7A, s2;
	p2 =	seq.s32 @!p0 s5, $0x0  }
0x1f: {  	s9 =	smul.u32 $0xF7A, s1;
	s8 =	simm.s32 @!p0 $0x1BF5;
	p2 =	por !p2, p0  }
0x20: {  	[sflag:s8] =	ssyncset.s32 @!p0 $0xFFFFF086;
	s6 =	sadd.s32 @!p0 s3, s7;
	s7 =	simm.s32 @!p0 $0x108  }
0x21: {  	s3 =	sadd.s32 s3, s9;
	s6 =	sadd.s32 @!p0 $0x88, s6;
	s7 =	simm.s32 @p2 $0x1082  }
0x22: {  	[simem:s7], [sflag:s8] =	dma.local @!p0 [hbm:s6], $0xF7A  }
0x23: {  	s9 =	sor.u32 $0xD0000000, s2;
	s6 =	simm.s32 $0x108;
	_ =	swait.ge @!p0 [sflag:s8], $0x0  }
0x24: {  	s3 =	sadd.s32 $0x88, s3;
	s6 =	simm.s32 @!p1 $0x1082;
	[sflag:s4] =	ssyncset.s32 $0xFFFFF086  }
0x25: {  	[simem:s6], [sflag:s4] =	dma.local [hbm:s3], $0xF7A  }
0x26: {  	[smem:$0x3F94] =	sst s1;
	(tag) =	ssettag s2;
	_ =	strace s9  }
0x27: {  	s1 =	sld [smem:$0x3FA4]  }
0x28: {  	s2 =	sld [smem:$0x3FA5]  }
0x29: {  	s4 =	sld [smem:$0x3FA7]  }
0x2a: {  	p0 =	seq.s32 s5, $0x0;
	s5 =	sld [smem:$0x3FA8]  }
0x2b: {  	s6 =	sld [smem:$0x3FA9]  }
0x2c: {  	s7 =	sld [smem:$0x3FAA]  }
0x2d: {  	s3 =	simm.s32 $0x108;
	s8 =	sld [smem:$0x3FAB]  }
0x2e: {  	s3 =	simm.s32 @!p0 $0x1082;
	s9 =	sld [smem:$0x3FAC]  }
0x2f: {  	lr =	sadd.s32 s0, s3;
	s0 =	sld [smem:$0x3FA3]  }
0x30: {  	s3 =	sld [smem:$0x3FA6]  }
0x31: {  	[smem:$0x3FAF] =	sst s10  }
0x32: {  	s10 =	sld [smem:$0x3FAD];
	_ =	sdelay $0x3  }
0x33: {  	p0 =	seq.s32 s10, $0x1;
	s10 =	sld [smem:$0x3FAF];
	_ =	sdelay $0x3  }
0x34: {  	[smem:$0x3FAF] =	sst s10  }
0x35: {  	s10 =	sld [smem:$0x3FAE];
	_ =	sdelay $0x3  }
0x36: {  	p1 =	seq.s32 s10, $0x1;
	s10 =	sld [smem:$0x3FAF];
	_ =	sdelay $0x3  }
0x37: {  	[smem:$0x3FAF] =	sst s10  }
0x38: {  	s10 =	sld [smem:$0x3FB0]  }
0x39: {  	_ = 	snop;
	(pc) =	sbr.ind lr, $3  }
0x3a: {  	_ = 	snop  }
0x3b: {  	_ = 	snop  }
0x3c: {  	p2 =	seq.s32 s10, $0x1;
	s10 =	sld [smem:$0x3FAF]  }
0x3d: {  	_ =	shalt  }
0x3e: {  	_ =	shalt  }
0x3f: {  	_ =	shalt  }
0x40: {  	_ =	shalt  }
0x41: {  	_ =	shalt  }
0x42: {  	_ =	shalt  }
0x43: {  	_ =	shalt  }
0x44: {  	_ =	shalt  }
0x45: {  	_ =	shalt  }
0x46: {  	_ =	shalt  }
0x47: {  	_ =	shalt  }
0x48: {  	_ =	shalt  }
0x49: {  	_ =	shalt  }
0x4a: {  	_ =	shalt  }
0x4b: {  	_ =	shalt  }
0x4c: {  	_ =	shalt  }
0x4d: {  	_ =	shalt  }
0x4e: {  	_ =	shalt  }
0x4f: {  	_ =	shalt  }
0x50: {  	_ =	shalt  }
0x51: {  	_ =	shalt  }
0x52: {  	_ =	shalt  }
0x53: {  	_ =	shalt  }
0x54: {  	_ =	shalt  }
0x55: {  	_ =	shalt  }
0x56: {  	_ =	shalt  }
0x57: {  	_ =	shalt  }
0x58: {  	_ =	shalt  }
0x59: {  	_ =	shalt  }
0x5a: {  	_ =	shalt  }
0x5b: {  	_ =	shalt  }
0x5c: {  	_ =	shalt  }
0x5d: {  	_ =	shalt  }
0x5e: {  	_ =	shalt  }
0x5f: {  	_ =	shalt  }
0x60: {  	_ =	shalt  }
0x61: {  	_ =	shalt  }
0x62: {  	_ =	shalt  }
0x63: {  	_ =	shalt  }
0x64: {  	_ =	shalt  }
0x65: {  	_ =	shalt  }
0x66: {  	_ =	shalt  }
0x67: {  	_ =	shalt  }
0x68: {  	_ =	shalt  }
0x69: {  	_ =	shalt  }
0x6a: {  	_ =	shalt  }
0x6b: {  	_ =	shalt  }
0x6c: {  	_ =	shalt  }
0x6d: {  	_ =	shalt  }
0x6e: {  	_ =	shalt  }
0x6f: {  	_ =	shalt  }
0x70: {  	_ =	shalt  }
0x71: {  	_ =	shalt  }
0x72: {  	_ =	shalt  }
0x73: {  	_ =	shalt  }
0x74: {  	_ =	shalt  }
0x75: {  	_ =	shalt  }
0x76: {  	_ =	shalt  }
0x77: {  	_ =	shalt  }
0x78: {  	_ =	shalt  }
0x79: {  	_ =	shalt  }
0x7a: {  	_ =	shalt  }
0x7b: {  	_ =	shalt  }
0x7c: {  	_ =	shalt  }
0x7d: {  	_ =	shalt  }
0x7e: {  	_ =	shalt  }
0x7f: {  	_ =	shalt  }
0x80: {  	_ =	shalt  }
0x81: {  	_ =	shalt  }
0x82: {  	_ =	shalt  }
0x83: {  	_ =	shalt  }
0x84: {  	_ =	shalt  }
0x85: {  	_ =	shalt  }
0x86: {  	_ =	shalt  }
0x87: {  	_ =	shalt  }
.Lfunc_end0:
.L_simem_size_0:
called_computation_lowered:
.L_overlay_start_0:
0x88: {  	s2 =	sld [smem:$0x3FD9]  }
0x89: {  	s3 =	sld [smem:$0x3FFE];
	_ =	sdelay $0x1  }
0x8a: {  	s1 =	srdreg.scid  }
0x8b: {  	s0 =	sand.u32 $0x1, s1  }
0x8c: {  	s16 =	sshll.u32 s0, $0xA;
	s2 =	sadd.s32 s3, s2  }
0x8d: {  	s2 =	sadd.s32 s2, s16  }
0x8e: {  	[smem:$0x3FBB] =	sst s2  }
0x8f: {  	_ = 	snop  }
0x90: {  	(tm) =	ssettm $0x1  }
0x91: {  	s17 =	sld [smem:$0x3FFB];
	_ =	sdelay $0x3  }
0x92: {  	_ =	strace s17  }
0x93: {  	s2 =	sld [smem:$0x3FFC];
	_ =	sdelay $0x3  }
0x94: {  	_ =	strace s2  }
0x95: {  	s2 =	sld [smem:$0x3FFD];
	_ =	sdelay $0x3  }
0x96: {  	_ =	strace s2  }
0x97: {  	_ =	strace $0x8FFFFFFF  }
0x98: {  	s18 =	sld [smem:$0x3FDB];
	_ =	sdelay $0x1  }
0x99: {  	s19 =	simm.s32 $_scs_section_size  }
0x9a: {  	s4 =	simm.s32 $_size__tile_overlayer_lowered;
	s5 =	simm.s32 $_tile_overlayer_lowered  }
0x9b: {  	s22 =	simm.s32 $0x1BFF;
	s21 =	sshll.u32 s5, $0x1;
	s2 =	sadd.s32 s19, s18  }
0x9c: {  	s6 =	simm.s32 $0x0;
	s20 =	sshll.u32 s4, $0x1;
	s4 =	sadd.s32 s21, s2  }
0x9d: {  	[timem:s6], [sflag:s22] =	dma.local [hbm:s4], s20  }
0x9e: {  	_ =	swait.ge [sflag:s22], s20  }
0x9f: {  	s3 =	ssub.s32 $0x0, s20;
	[sflag:s22] =	ssyncset.done $0x0  }
0xa0: {  	[sflag:s22] =	ssyncadd.s32 s3;
	_ =	sdelay $0x1  }
0xa1: {  	s23 =	simm.s32 $0x1B8B  }
0xa2: {  	_ =	swait.ge [sflag:s23], $0x1  }
0xa3: {  	[sflag:s23] =	ssyncset.done $0x0  }
0xa4: {  	s25 =	simm.s32 $0x1B8E;
	s24 =	sld [smem:$0x3FFE];
	[sflag:s23] =	ssyncadd.s32 $0xFFFFFFFF  }
0xa5: {  	s26 =	simm.s32 $execute0_lowered;
	[smem:$0x3FD2] =	sst s25  }
0xa6: {  	s4 =	sshll.u32 s26, $0x1;
	_ =	strace $0x80000046;
	[dreg:$0x1] =	wrdreg $0xFFFFFFFF  }
0xa7: {  	s28 =	simm.s32 $_size_execute0_lowered;
	s2 =	sadd.s32 s2, s4;
	[dreg:$0x0] =	wrdreg $0x0  }
0xa8: {  	s4 =	sshll.u32 s28, $0x1;
	[dreg:$0x2] =	wrdreg s2  }
0xa9: {  	[dreg:$0x3] =	wrdreg s4  }
0xaa: {  	[dreg:$0x4] =	wrdreg $0xC0  }
0xab: {  	_ =	task [dreg:s6], $0x5FFFF  }
0xac: {  	[dreg:$0x1] =	wrdreg $0xFFFFFFFF  }
0xad: {  	[dreg:$0x0] =	wrdreg $0x60  }
0xae: {  	[dreg:$0x2] =	wrdreg s24  }
0xaf: {  	[dreg:$0x3] =	wrdreg $0x34000  }
0xb0: {  	[dreg:$0x4] =	wrdreg $0x9  }
0xb1: {  	_ =	task.clear_ibuf [dreg:s6], $0x5FFFF;
	_ =	strace $0x90000046  }
0xb2: {  	s29 =	simm.s32 $0x9;
	_ =	strace $0x80000048  }
0xb3: {  	_ =	swait.ge [sflag:s29], $0x1  }
0xb4: {  	[sflag:s29] =	ssyncadd.s32 $0xFFFFFFFF  }
0xb5: {  	_ =	strace $0x90000048  }
0xb6: {  	_ =	sfence  }
0xb7: {  	s30 =	sld [smem:$0x0];
	_ =	sdelay $0x2  }
0xb8: {  	s31 =	sshll.u32 s1, $0xD;
	s1 =	sshrl.u32 s1, $0x2  }
0xb9: {  	s3 =	sand.u32 $0x4000, s31;
	s1 =	sadd.s32 s1, s30  }
0xba: {  	s0 =	sor.u32 s3, s0;
	s1 =	sshll.u32 s1, $0x11  }
0xbb: {  	s0 =	sor.u32 s1, s0  }
0xbc: {  	s0 =	sadd.s32 $0x8F2B, s0  }
0xbd: {  	[sflag:s0] =	ssyncadd.remote.s32 $0x1  }
0xbe: {  	_ =	sfence.sel $0xFFFF  }
0xbf: {  	[dreg:$0x0] =	wrdreg $0xFFFFFFFF;
	(pc) =	sbr.abs _section_cstart, $3  }
0xc0: {  	[dreg:$0x1] =	wrdreg $0xFFFFFFFF  }
0xc1: {  	_ =	task.clear_ibuf [dreg:s6], $0x2FFFF;
	_ =	strace $0x9FFFFFFF  }
0xc2: {  	(tm) =	ssettm $0x7FFFFFFF  }
0xc3: {  	_ =	shalt  }
tec
execute0_lowered:
.L_overlay_start_1:
0x0: {  	(tag) =	ssettag $0x1  }
0x1: {  	s0 =	rddreg [dreg:$0x0]  }
0x2: {  	s2 =	rddreg [dreg:$0x1]  }
0x3: {  	s3 =	srdreg.scid;
	s1 =	stileid.u32;
	s17 =	simm.s32 $0x6  }
0x4: {  	s18 =	simm.s32 $0x3000;
	s19 =	simm.s32 $0x80;
	s20 =	simm.s32 $0x2800  }
0x5: {  	s21 =	simm.s32 $0x100;
	s22 =	simm.s32 $0x180;
	s23 =	simm.s32 $0x200  }
0x6: {  	s24 =	simm.s32 $0x1;
	s28 =	simm.s32 $0x4;
	s5 =	smul.u32 $0x2800, s1  }
0x7: {  	s29 =	simm.s32 $0x5;
	s4 =	sand.u32 $0x1, s3;
	s8 =	smul.u32 $0xA000, s1  }
0x8: {  	s30 =	simm.s32 $0x0;
	s3 =	simm.s32 $0x0;
	s6 =	smul.u32 $0x28000, s4  }
0x9: {  	s7 =	sshll.u32 s4, $0x4;
	[smem:$0x7FF] =	sst s3;
	s4 =	ssub.s32 $0x2, s4  }
0xa: {  	s7 =	sor.u32 s1, s7;
	_ =	strace $0x80000047;
	s25 =	sshrl.u32 s4, $0x1  }
0xb: {  	s26 =	sshrl.u32 s8, $0x2;
	s6 =	sadd.s32 s5, s6;
	s7 =	smul.u32 $0x2800, s7  }
0xc: {  	s16 =	ssub.s32 s4, s25;
	s5 =	sadd.s32 s5, s2;
	s31 =	sadd.s32 s26, s2  }
0xd: {  	s25 =	simm.s32 $0x2;
	s26 =	simm.s32 $0x3;
	s6 =	sshrl.u32 s6, $0x3  }
0xe: {  	s8 =	sadd.s32 $0xC00, s31;
	s9 =	sadd.s32 $0x1000, s31;
	s10 =	sadd.s32 $0x1400, s31  }
0xf: {  	s11 =	sadd.s32 $0x1800, s31;
	s12 =	sadd.s32 $0x1C00, s31;
	s13 =	sadd.s32 $0x2000, s31  }
0x10: {  	s14 =	sadd.s32 $0x2400, s31;
	s16 =	smax.u32 s16, $0x1;
	s7 =	sshrl.u32 s7, $0x3  }
0x11: {  	s15 =	sadd.s32 s6, s0;
	s6 =	sadd.s32 $0x400, s31;
	s0 =	sadd.s32 s0, s7  }
0x12: {  	v0 =	vimm.f32 $1.000000000e+00;
	v1 =	vimm.f32 $0.0e+00;
	s7 =	sadd.s32 $0x800, s31;
	s15 =	sadd.s32 $0x17E00, s15;
	s4 =	sadd.s32 $0xDE00, s0  }
.LBB2_1:
0x13: {  	[tilespmem:s3], [sflag:$0x6] =	stream.linear.gather [hbm4b:s4+s3], $0x2800, $0x38;
	[tilespmem:$0x5C00] =	vst v63  }
0x14: {  	_ =	swait.ge [sflag:s17], $0x2800  }
0x15: {  	[sflag:s17] =	ssyncset.done $0x0  }
0x16: {  	s0 =	simm.s32 $0x0;
	[sflag:s17] =	ssyncadd.s32 $0xFFFFD800  }
.LBB2_2:
0x17: {  	p0 =	sne.s32 s0, $0x1FC0  }
.Ltmp0:
0x18: {  	_ = 	snop;
	(pc) =	sbr.rel @p0 .LBB2_2-.Ltmp0, $3  }
0x19: {  	_ =	sdelay $0x1  }
0x1a: {  	s31 =	sshra.s32 s0, $0x2  }
0x1b: {  	s0 =	sadd.s32 $0x40, s0;
	[tilespmem:s31+$0x2800] =	vst v0  }
0x1c: {  	s31 =	simm.s32 $0x40;
	s0 =	simm.s32 $0x0  }
.LBB2_4:
0x1d: {  	p0 =	sne.s32 s31, $0xFC0;
	[tilespmem:s0+$0x3000] =	vst v1;
	s0 =	smov.u32 s31;
	s31 =	sadd.s32 $0x40, s31  }
.Ltmp1:
0x1e: {  	(pc) =	sbr.rel @p0 .LBB2_4-.Ltmp1, $2  }
0x1f: {  	_ =	sdelay $0x2  }
0x20: {  	s0 =	sshra.s32 s0, $0x2  }
0x21: {  	[tilespmem:s0+$0x3000] =	vst v1  }
0x22: {  	[spmem:s5] =	stream.linear.scatter [tilespmem:s18], [sflag:$0x6], $0x400, $0x38;
	[tilespmem:$0x5C00] =	vst v63  }
0x23: {  	_ =	swait.ge [sflag:s17], $0x400  }
0x24: {  	[sflag:s17] =	ssyncset.done $0x0  }
0x25: {  	[sflag:s17] =	ssyncadd.s32 $0xFFFFFC00  }
0x26: {  	[spmem:s6] =	stream.linear.scatter [tilespmem:s18], [sflag:$0x6], $0x400, $0x38;
	[tilespmem:$0x5C00] =	vst v63  }
0x27: {  	_ =	swait.ge [sflag:s17], $0x400  }
0x28: {  	[sflag:s17] =	ssyncset.done $0x0  }
0x29: {  	[sflag:s17] =	ssyncadd.s32 $0xFFFFFC00  }
0x2a: {  	[spmem:s7] =	stream.linear.scatter [tilespmem:s18], [sflag:$0x6], $0x400, $0x38;
	[tilespmem:$0x5C00] =	vst v63  }
0x2b: {  	_ =	swait.ge [sflag:s17], $0x400  }
0x2c: {  	[sflag:s17] =	ssyncset.done $0x0  }
0x2d: {  	[sflag:s17] =	ssyncadd.s32 $0xFFFFFC00  }
0x2e: {  	[spmem:s8] =	stream.linear.scatter [tilespmem:s18], [sflag:$0x6], $0x400, $0x38;
	[tilespmem:$0x5C00] =	vst v63  }
0x2f: {  	_ =	swait.ge [sflag:s17], $0x400  }
0x30: {  	[sflag:s17] =	ssyncset.done $0x0  }
0x31: {  	[sflag:s17] =	ssyncadd.s32 $0xFFFFFC00  }
0x32: {  	[spmem:s9] =	stream.linear.scatter [tilespmem:s18], [sflag:$0x6], $0x400, $0x38;
	[tilespmem:$0x5C00] =	vst v63  }
0x33: {  	_ =	swait.ge [sflag:s17], $0x400  }
0x34: {  	[sflag:s17] =	ssyncset.done $0x0  }
0x35: {  	[sflag:s17] =	ssyncadd.s32 $0xFFFFFC00  }
0x36: {  	[spmem:s10] =	stream.linear.scatter [tilespmem:s18], [sflag:$0x6], $0x400, $0x38;
	[tilespmem:$0x5C00] =	vst v63  }
0x37: {  	_ =	swait.ge [sflag:s17], $0x400  }
0x38: {  	[sflag:s17] =	ssyncset.done $0x0  }
0x39: {  	[sflag:s17] =	ssyncadd.s32 $0xFFFFFC00  }
0x3a: {  	[spmem:s11] =	stream.linear.scatter [tilespmem:s18], [sflag:$0x6], $0x400, $0x38;
	[tilespmem:$0x5C00] =	vst v63  }
0x3b: {  	_ =	swait.ge [sflag:s17], $0x400  }
0x3c: {  	[sflag:s17] =	ssyncset.done $0x0  }
0x3d: {  	[sflag:s17] =	ssyncadd.s32 $0xFFFFFC00  }
0x3e: {  	[spmem:s12] =	stream.linear.scatter [tilespmem:s18], [sflag:$0x6], $0x400, $0x38;
	[tilespmem:$0x5C00] =	vst v63  }
0x3f: {  	_ =	swait.ge [sflag:s17], $0x400  }
0x40: {  	[sflag:s17] =	ssyncset.done $0x0  }
0x41: {  	[sflag:s17] =	ssyncadd.s32 $0xFFFFFC00  }
0x42: {  	[spmem:s13] =	stream.linear.scatter [tilespmem:s18], [sflag:$0x6], $0x400, $0x38;
	[tilespmem:$0x5C00] =	vst v63  }
0x43: {  	_ =	swait.ge [sflag:s17], $0x400  }
0x44: {  	[sflag:s17] =	ssyncset.done $0x0  }
0x45: {  	[sflag:s17] =	ssyncadd.s32 $0xFFFFFC00  }
0x46: {  	[spmem:s14] =	stream.linear.scatter [tilespmem:s18], [sflag:$0x6], $0x400, $0x38;
	[tilespmem:$0x5C00] =	vst v63  }
0x47: {  	_ =	swait.ge [sflag:s17], $0x400  }
0x48: {  	[sflag:s17] =	ssyncset.done $0x0  }
0x49: {  	[sflag:s17] =	ssyncadd.s32 $0xFFFFFC00  }
0x4a: {  	[bflag:$0x0] =	sbarrier.arrive $0xFFFF  }
0x4b: {  	[spmem:s2] =	stream.indirect.scatter.add.f32 [tilespmem:s20], [sflag:$0x1], $0x10, s3, s19, $0xb8;
	[tilespmem:$0x5C00] =	vst v63  }
0x4c: {  	_ = 	snop  }
0x4d: {  	[spmem:s2] =	stream.indirect.scatter.add.f32 [tilespmem:s20], [sflag:$0x2], $0x10, s19, s19, $0xb8;
	[tilespmem:$0x5C00] =	vst v63  }
0x4e: {  	_ = 	snop  }
0x4f: {  	[spmem:s2] =	stream.indirect.scatter.add.f32 [tilespmem:s20], [sflag:$0x3], $0x10, s21, s19, $0xb8;
	[tilespmem:$0x5C00] =	vst v63  }
0x50: {  	_ = 	snop  }
0x51: {  	[spmem:s2] =	stream.indirect.scatter.add.f32 [tilespmem:s20], [sflag:$0x4], $0x10, s22, s19, $0xb8;
	[tilespmem:$0x5C00] =	vst v63  }
0x52: {  	_ = 	snop  }
0x53: {  	[spmem:s2] =	stream.indirect.scatter.add.f32 [tilespmem:s20], [sflag:$0x5], $0x10, s23, s19, $0xb8;
	[tilespmem:$0x5C00] =	vst v63  }
0x54: {  	_ =	swait.ge [sflag:s24], $0x800  }
0x55: {  	[sflag:s24] =	ssyncset.done $0x0  }
0x56: {  	s1 =	simm.s32 $0x280;
	[sflag:s24] =	ssyncadd.s32 $0xFFFFF800  }
0x57: {  	[spmem:s2] =	stream.indirect.scatter.add.f32 [tilespmem:s20], [sflag:$0x1], $0x10, s1, s19, $0xb8;
	[tilespmem:$0x5C00] =	vst v63  }
0x58: {  	_ =	swait.ge [sflag:s25], $0x800  }
0x59: {  	[sflag:s25] =	ssyncset.done $0x0  }
0x5a: {  	s1 =	simm.s32 $0x300;
	[sflag:s25] =	ssyncadd.s32 $0xFFFFF800  }
0x5b: {  	[spmem:s2] =	stream.indirect.scatter.add.f32 [tilespmem:s20], [sflag:$0x2], $0x10, s1, s19, $0xb8;
	[tilespmem:$0x5C00] =	vst v63  }
0x5c: {  	_ =	swait.ge [sflag:s26], $0x800  }
0x5d: {  	[sflag:s26] =	ssyncset.done $0x0  }
0x5e: {  	s1 =	simm.s32 $0x380;
	[sflag:s26] =	ssyncadd.s32 $0xFFFFF800  }
0x5f: {  	[spmem:s2] =	stream.indirect.scatter.add.f32 [tilespmem:s20], [sflag:$0x3], $0x10, s1, s19, $0xb8;
	[tilespmem:$0x5C00] =	vst v63  }
0x60: {  	_ =	swait.ge [sflag:s28], $0x800  }
0x61: {  	[sflag:s28] =	ssyncset.done $0x0  }
0x62: {  	s1 =	simm.s32 $0x400;
	[sflag:s28] =	ssyncadd.s32 $0xFFFFF800  }
0x63: {  	[spmem:s2] =	stream.indirect.scatter.add.f32 [tilespmem:s20], [sflag:$0x4], $0x10, s1, s19, $0xb8;
	[tilespmem:$0x5C00] =	vst v63  }
0x64: {  	_ =	swait.ge [sflag:s29], $0x800  }
0x65: {  	[sflag:s29] =	ssyncset.done $0x0  }
0x66: {  	s31 =	simm.s32 $0xFFFF7400;
	s0 =	simm.s32 $0x480;
	[sflag:s29] =	ssyncadd.s32 $0xFFFFF800  }
.LBB2_6:
0x67: {  	[spmem:s2] =	stream.indirect.scatter.add.f32 [tilespmem:s20], [sflag:$0x5], $0x10, s0, s19, $0xb8;
	[tilespmem:$0x5C00] =	vst v63  }
0x68: {  	s0 =	smov.u32 s31  }
0x69: {  	p0 =	sne.s32 s31, $0xFFFFF600;
	s31 =	sadd.s32 $0xA00, s31;
	_ =	swait.ge [sflag:s24], $0x800  }
0x6a: {  	s0 =	sshra.s32 s0, $0x2;
	[sflag:s24] =	ssyncset.done $0x0  }
0x6b: {  	s1 =	sadd.s32 $0x2800, s0;
	[sflag:s24] =	ssyncadd.s32 $0xFFFFF800  }
0x6c: {  	[spmem:s2] =	stream.indirect.scatter.add.f32 [tilespmem:s20], [sflag:$0x1], $0x10, s1, s19, $0xb8;
	[tilespmem:$0x5C00] =	vst v63  }
0x6d: {  	_ =	swait.ge [sflag:s25], $0x800  }
0x6e: {  	[sflag:s25] =	ssyncset.done $0x0  }
0x6f: {  	s1 =	sadd.s32 $0x2880, s0;
	[sflag:s25] =	ssyncadd.s32 $0xFFFFF800  }
0x70: {  	[spmem:s2] =	stream.indirect.scatter.add.f32 [tilespmem:s20], [sflag:$0x2], $0x10, s1, s19, $0xb8;
	[tilespmem:$0x5C00] =	vst v63  }
0x71: {  	_ =	swait.ge [sflag:s26], $0x800  }
0x72: {  	[sflag:s26] =	ssyncset.done $0x0  }
0x73: {  	s1 =	sadd.s32 $0x2900, s0;
	[sflag:s26] =	ssyncadd.s32 $0xFFFFF800  }
0x74: {  	[spmem:s2] =	stream.indirect.scatter.add.f32 [tilespmem:s20], [sflag:$0x3], $0x10, s1, s19, $0xb8;
	[tilespmem:$0x5C00] =	vst v63  }
0x75: {  	_ =	swait.ge [sflag:s28], $0x800  }
0x76: {  	[sflag:s28] =	ssyncset.done $0x0  }
.Ltmp2:
0x77: {  	s1 =	sadd.s32 $0x2980, s0;
	[sflag:s28] =	ssyncadd.s32 $0xFFFFF800;
	(pc) =	sbr.rel @p0 .LBB2_6-.Ltmp2, $4  }
0x78: {  	[spmem:s2] =	stream.indirect.scatter.add.f32 [tilespmem:s20], [sflag:$0x4], $0x10, s1, s19, $0xb8;
	[tilespmem:$0x5C00] =	vst v63  }
0x79: {  	_ =	swait.ge [sflag:s29], $0x800  }
0x7a: {  	[sflag:s29] =	ssyncset.done $0x0  }
0x7b: {  	s0 =	sadd.s32 $0x2A00, s0;
	[sflag:s29] =	ssyncadd.s32 $0xFFFFF800  }
0x7c: {  	[spmem:s2] =	stream.indirect.scatter.add.f32 [tilespmem:s20], [sflag:$0x5], $0x10, s0, s19, $0xb8;
	[tilespmem:$0x5C00] =	vst v63  }
0x7d: {  	_ =	swait.ge [sflag:s24], $0x800  }
0x7e: {  	[sflag:s24] =	ssyncset.done $0x0  }
0x7f: {  	[sflag:s24] =	ssyncadd.s32 $0xFFFFF800  }
0x80: {  	_ =	swait.ge [sflag:s25], $0x800  }
0x81: {  	[sflag:s25] =	ssyncset.done $0x0  }
0x82: {  	[sflag:s25] =	ssyncadd.s32 $0xFFFFF800  }
0x83: {  	_ =	swait.ge [sflag:s26], $0x800  }
0x84: {  	[sflag:s26] =	ssyncset.done $0x0  }
0x85: {  	[sflag:s26] =	ssyncadd.s32 $0xFFFFF800  }
0x86: {  	_ =	swait.ge [sflag:s28], $0x800  }
0x87: {  	[sflag:s28] =	ssyncset.done $0x0  }
0x88: {  	[sflag:s28] =	ssyncadd.s32 $0xFFFFF800  }
0x89: {  	s31 =	stileid.u32;
	_ =	swait.ge [sflag:s29], $0x800  }
0x8a: {  	s1 =	sshrl.u32 s5, $0x3;
	s30 =	sadd.s32 $0x1, s30;
	[sflag:s29] =	ssyncset.done $0x0  }
0x8b: {  	s0 =	sshll.u32 s31, $0x6;
	p0 =	sne.s32 s30, s16;
	[sflag:s29] =	ssyncadd.s32 $0xFFFFF800  }
.Ltmp3:
0x8c: {  	s0 =	sor.u32 $0x1C06, s0;
	[bflag:$0x0] =	sbarrier.arrive $0xFFFF;
	(pc) =	sbr.rel @p0 .LBB2_1-.Ltmp3, $4  }
0x8d: {  	[hbm:s15], [sflag:s0] =	dma.local [spmem:s1], $0x500  }
0x8e: {  	_ =	swait.ge [sflag:s17], $0x500  }
0x8f: {  	[sflag:s17] =	ssyncset.done $0x0  }
0x90: {  	[sflag:s17] =	ssyncadd.s32 $0xFFFFFB00  }
0x91: {  	_ =	sfence.sel $0x180000  }
0x92: {  	[bflag:$0x0] =	sbarrier.arrive $0xFFFF  }
0x93: {  	_ =	strace $0x90000047  }
0x94: {  	s0 =	stileid.u32;
	[bflag:$0x2] =	sbarrier.arrive $0xFFFF  }
0x95: {  	p0 =	sne.s32 s0, $0x0;
	s0 =	rddreg [dreg:$0x2]  }
0x96: {  	s0 =	sadd.s32 @!p0 $0x100000, s0  }
0x97: {  	[sflag:s0] =	ssyncadd.tile.s32 @!p0 $0x1;
	_ =	shalt  }
.Lfunc_end2:
_tile_overlayer_lowered:
.L_overlay_start_2:
0x98: {  	(tag) =	ssettag $0x2  }
0x99: {  	s0 =	rddreg [dreg:$0x0];
	s2 =	stileid.u32  }
0x9a: {  	s1 =	rddreg [dreg:$0x1];
	p0 =	sne.s32 s2, $0x0  }
0x9b: {  	s3 =	rddreg [dreg:$0x2];
	[bflag:$0x3] =	sbarrier.arrive $0xFFFF;
	s2 =	simm.s32 @!p0 $0x1C06  }
0x9c: {  	[timem:s3], [sflag:s2] =	dma.local @!p0 [hbm:s0], s1  }
0x9d: {  	s0 =	simm.s32 @!p0 $0x6  }
0x9e: {  	_ =	swait.ge @!p0 [sflag:s0], s1  }
0x9f: {  	s1 =	ssub.s32 @!p0 $0x0, s1;
	[sflag:s0] =	ssyncset.done @!p0 $0x0  }
0xa0: {  	[sflag:s0] =	ssyncadd.s32 @!p0 s1  }
0xa1: {  	[bflag:$0x3] =	sbarrier.arrive $0xFFFF  }
0xa2: {  	_ =	shalt  }

// kernel: kernel.13.cloned.1.call-start
scs
__scs_entry_jumppad:
0x0: {  	(pc) =	sbr.rel $0x88, $3  }
0x1: {  	(tag) =	ssettag $0x0;
	lr =	simm.s32 $0x1  }
0x2: {  	[smem:$0x3F94] =	sst lr;
	_ =	strace $0xD0000000  }
0x3: {  	_ = 	snop  }
0x4: {  	_ = 	snop  }
0x5: {  	_ = 	snop  }
0x6: {  	_ = 	snop  }
0x7: {  	_ = 	snop  }
__scs_overlays_trampoline_lowered:
0x8: {  	[smem:$0x3FA3] =	sst s0  }
0x9: {  	[smem:$0x3FA4] =	sst s1  }
0xa: {  	[smem:$0x3FA5] =	sst s2  }
0xb: {  	[smem:$0x3FA6] =	sst s3  }
0xc: {  	[smem:$0x3FA7] =	sst s4  }
0xd: {  	[smem:$0x3FA8] =	sst s5  }
0xe: {  	[smem:$0x3FA9] =	sst s6  }
0xf: {  	[smem:$0x3FAA] =	sst s7  }
0x10: {  	[smem:$0x3FAB] =	sst s8  }
0x11: {  	[smem:$0x3FAC] =	sst s9;
	s0 =	simm.s32 @!p0 $0x0  }
0x12: {  	s1 =	sld [smem:$0x3F92];
	s0 =	simm.s32 @p0 $0x1  }
0x13: {  	[smem:$0x3FAD] =	sst s0;
	s0 =	simm.s32 @!p1 $0x0  }
0x14: {  	s2 =	sld [smem:$0x3F91];
	s0 =	simm.s32 @p1 $0x1  }
0x15: {  	[smem:$0x3FAE] =	sst s0;
	s0 =	simm.s32 @!p2 $0x0  }
0x16: {  	s3 =	sld [smem:$0x3FDB];
	s0 =	simm.s32 @p2 $0x1  }
0x17: {  	s4 =	simm.s32 $0x1BF5;
	[smem:$0x3FB0] =	sst s0  }
0x18: {  	s0 =	sld [smem:$0x3F93];
	_ =	swait.ge [sflag:s4], $0x0  }
0x19: {  	s7 =	sld [smem:$0x3F94]  }
0x1a: {  	s8 =	sadd.s32 $0xFFFFE003, lr  }
0x1b: {  	s9 =	sadd.s32 $0xFFFFFEF7, lr;
	s5 =	simm.s32 $0xFFFFFFFF;
	p2 =	slt.u32 s8, $0xFFFFF086  }
0x1c: {  	p1 =	slt.u32 s9, $0xF7A;
	s5 =	simm.s32 @!p2 $0x0  }
0x1d: {  	s5 =	simm.s32 @p1 $0x1;
	p0 =	seq.s32 s7, s2  }
0x1e: {  	s7 =	smul.u32 @!p0 $0xF7A, s2;
	p2 =	seq.s32 @!p0 s5, $0x0  }
0x1f: {  	s9 =	smul.u32 $0xF7A, s1;
	s8 =	simm.s32 @!p0 $0x1BF5;
	p2 =	por !p2, p0  }
0x20: {  	[sflag:s8] =	ssyncset.s32 @!p0 $0xFFFFF086;
	s6 =	sadd.s32 @!p0 s3, s7;
	s7 =	simm.s32 @!p0 $0x108  }
0x21: {  	s3 =	sadd.s32 s3, s9;
	s6 =	sadd.s32 @!p0 $0x88, s6;
	s7 =	simm.s32 @p2 $0x1082  }
0x22: {  	[simem:s7], [sflag:s8] =	dma.local @!p0 [hbm:s6], $0xF7A  }
0x23: {  	s9 =	sor.u32 $0xD0000000, s2;
	s6 =	simm.s32 $0x108;
	_ =	swait.ge @!p0 [sflag:s8], $0x0  }
0x24: {  	s3 =	sadd.s32 $0x88, s3;
	s6 =	simm.s32 @!p1 $0x1082;
	[sflag:s4] =	ssyncset.s32 $0xFFFFF086  }
0x25: {  	[simem:s6], [sflag:s4] =	dma.local [hbm:s3], $0xF7A  }
0x26: {  	[smem:$0x3F94] =	sst s1;
	(tag) =	ssettag s2;
	_ =	strace s9  }
0x27: {  	s1 =	sld [smem:$0x3FA4]  }
0x28: {  	s2 =	sld [smem:$0x3FA5]  }
0x29: {  	s4 =	sld [smem:$0x3FA7]  }
0x2a: {  	p0 =	seq.s32 s5, $0x0;
	s5 =	sld [smem:$0x3FA8]  }
0x2b: {  	s6 =	sld [smem:$0x3FA9]  }
0x2c: {  	s7 =	sld [smem:$0x3FAA]  }
0x2d: {  	s3 =	simm.s32 $0x108;
	s8 =	sld [smem:$0x3FAB]  }
0x2e: {  	s3 =	simm.s32 @!p0 $0x1082;
	s9 =	sld [smem:$0x3FAC]  }
0x2f: {  	lr =	sadd.s32 s0, s3;
	s0 =	sld [smem:$0x3FA3]  }
0x30: {  	s3 =	sld [smem:$0x3FA6]  }
0x31: {  	[smem:$0x3FAF] =	sst s10  }
0x32: {  	s10 =	sld [smem:$0x3FAD];
	_ =	sdelay $0x3  }
0x33: {  	p0 =	seq.s32 s10, $0x1;
	s10 =	sld [smem:$0x3FAF];
	_ =	sdelay $0x3  }
0x34: {  	[smem:$0x3FAF] =	sst s10  }
0x35: {  	s10 =	sld [smem:$0x3FAE];
	_ =	sdelay $0x3  }
0x36: {  	p1 =	seq.s32 s10, $0x1;
	s10 =	sld [smem:$0x3FAF];
	_ =	sdelay $0x3  }
0x37: {  	[smem:$0x3FAF] =	sst s10  }
0x38: {  	s10 =	sld [smem:$0x3FB0]  }
0x39: {  	_ = 	snop;
	(pc) =	sbr.ind lr, $3  }
0x3a: {  	_ = 	snop  }
0x3b: {  	_ = 	snop  }
0x3c: {  	p2 =	seq.s32 s10, $0x1;
	s10 =	sld [smem:$0x3FAF]  }
0x3d: {  	_ =	shalt  }
0x3e: {  	_ =	shalt  }
0x3f: {  	_ =	shalt  }
0x40: {  	_ =	shalt  }
0x41: {  	_ =	shalt  }
0x42: {  	_ =	shalt  }
0x43: {  	_ =	shalt  }
0x44: {  	_ =	shalt  }
0x45: {  	_ =	shalt  }
0x46: {  	_ =	shalt  }
0x47: {  	_ =	shalt  }
0x48: {  	_ =	shalt  }
0x49: {  	_ =	shalt  }
0x4a: {  	_ =	shalt  }
0x4b: {  	_ =	shalt  }
0x4c: {  	_ =	shalt  }
0x4d: {  	_ =	shalt  }
0x4e: {  	_ =	shalt  }
0x4f: {  	_ =	shalt  }
0x50: {  	_ =	shalt  }
0x51: {  	_ =	shalt  }
0x52: {  	_ =	shalt  }
0x53: {  	_ =	shalt  }
0x54: {  	_ =	shalt  }
0x55: {  	_ =	shalt  }
0x56: {  	_ =	shalt  }
0x57: {  	_ =	shalt  }
0x58: {  	_ =	shalt  }
0x59: {  	_ =	shalt  }
0x5a: {  	_ =	shalt  }
0x5b: {  	_ =	shalt  }
0x5c: {  	_ =	shalt  }
0x5d: {  	_ =	shalt  }
0x5e: {  	_ =	shalt  }
0x5f: {  	_ =	shalt  }
0x60: {  	_ =	shalt  }
0x61: {  	_ =	shalt  }
0x62: {  	_ =	shalt  }
0x63: {  	_ =	shalt  }
0x64: {  	_ =	shalt  }
0x65: {  	_ =	shalt  }
0x66: {  	_ =	shalt  }
0x67: {  	_ =	shalt  }
0x68: {  	_ =	shalt  }
0x69: {  	_ =	shalt  }
0x6a: {  	_ =	shalt  }
0x6b: {  	_ =	shalt  }
0x6c: {  	_ =	shalt  }
0x6d: {  	_ =	shalt  }
0x6e: {  	_ =	shalt  }
0x6f: {  	_ =	shalt  }
0x70: {  	_ =	shalt  }
0x71: {  	_ =	shalt  }
0x72: {  	_ =	shalt  }
0x73: {  	_ =	shalt  }
0x74: {  	_ =	shalt  }
0x75: {  	_ =	shalt  }
0x76: {  	_ =	shalt  }
0x77: {  	_ =	shalt  }
0x78: {  	_ =	shalt  }
0x79: {  	_ =	shalt  }
0x7a: {  	_ =	shalt  }
0x7b: {  	_ =	shalt  }
0x7c: {  	_ =	shalt  }
0x7d: {  	_ =	shalt  }
0x7e: {  	_ =	shalt  }
0x7f: {  	_ =	shalt  }
0x80: {  	_ =	shalt  }
0x81: {  	_ =	shalt  }
0x82: {  	_ =	shalt  }
0x83: {  	_ =	shalt  }
0x84: {  	_ =	shalt  }
0x85: {  	_ =	shalt  }
0x86: {  	_ =	shalt  }
0x87: {  	_ =	shalt  }
.Lfunc_end0:
.L_simem_size_0:
called_computation.1_lowered:
.L_overlay_start_0:
0x88: {  	s2 =	sld [smem:$0x3FD9]  }
0x89: {  	s3 =	sld [smem:$0x3FFE];
	_ =	sdelay $0x1  }
0x8a: {  	s1 =	srdreg.scid  }
0x8b: {  	s0 =	sand.u32 $0x1, s1  }
0x8c: {  	s16 =	sshll.u32 s0, $0xA;
	s2 =	sadd.s32 s3, s2  }
0x8d: {  	s2 =	sadd.s32 s2, s16  }
0x8e: {  	[smem:$0x3FBB] =	sst s2  }
0x8f: {  	_ = 	snop  }
0x90: {  	(tm) =	ssettm $0x1  }
0x91: {  	s17 =	sld [smem:$0x3FFB];
	_ =	sdelay $0x3  }
0x92: {  	_ =	strace s17  }
0x93: {  	s2 =	sld [smem:$0x3FFC];
	_ =	sdelay $0x3  }
0x94: {  	_ =	strace s2  }
0x95: {  	s2 =	sld [smem:$0x3FFD];
	_ =	sdelay $0x3  }
0x96: {  	_ =	strace s2  }
0x97: {  	_ =	strace $0x8FFFFFFF  }
0x98: {  	s18 =	sld [smem:$0x3FDB];
	_ =	sdelay $0x1  }
0x99: {  	s19 =	simm.s32 $_scs_section_size  }
0x9a: {  	s4 =	simm.s32 $_size__tile_overlayer_lowered;
	s5 =	simm.s32 $_tile_overlayer_lowered  }
0x9b: {  	s22 =	simm.s32 $0x1BFF;
	s21 =	sshll.u32 s5, $0x1;
	s2 =	sadd.s32 s19, s18  }
0x9c: {  	s6 =	simm.s32 $0x0;
	s20 =	sshll.u32 s4, $0x1;
	s4 =	sadd.s32 s21, s2  }
0x9d: {  	[timem:s6], [sflag:s22] =	dma.local [hbm:s4], s20  }
0x9e: {  	_ =	swait.ge [sflag:s22], s20  }
0x9f: {  	s3 =	ssub.s32 $0x0, s20;
	[sflag:s22] =	ssyncset.done $0x0  }
0xa0: {  	[sflag:s22] =	ssyncadd.s32 s3;
	_ =	sdelay $0x1  }
0xa1: {  	s23 =	simm.s32 $0x1B8B  }
0xa2: {  	_ =	swait.ge [sflag:s23], $0x1  }
0xa3: {  	[sflag:s23] =	ssyncset.done $0x0  }
0xa4: {  	s25 =	simm.s32 $0x1B8E;
	s24 =	sld [smem:$0x3FFE];
	[sflag:s23] =	ssyncadd.s32 $0xFFFFFFFF  }
0xa5: {  	s26 =	simm.s32 $execute0_lowered;
	[smem:$0x3FD2] =	sst s25  }
0xa6: {  	s4 =	sshll.u32 s26, $0x1;
	_ =	strace $0x80000049;
	[dreg:$0x1] =	wrdreg $0xFFFFFFFF  }
0xa7: {  	s28 =	simm.s32 $_size_execute0_lowered;
	s2 =	sadd.s32 s2, s4;
	[dreg:$0x0] =	wrdreg $0x0  }
0xa8: {  	s4 =	sshll.u32 s28, $0x1;
	[dreg:$0x2] =	wrdreg s2  }
0xa9: {  	[dreg:$0x3] =	wrdreg s4  }
0xaa: {  	[dreg:$0x4] =	wrdreg $0xC0  }
0xab: {  	_ =	task [dreg:s6], $0x5FFFF  }
0xac: {  	[dreg:$0x1] =	wrdreg $0xFFFFFFFF  }
0xad: {  	[dreg:$0x0] =	wrdreg $0x60  }
0xae: {  	[dreg:$0x2] =	wrdreg s24  }
0xaf: {  	[dreg:$0x3] =	wrdreg $0xF8000  }
0xb0: {  	[dreg:$0x4] =	wrdreg $0x9  }
0xb1: {  	_ =	task.clear_ibuf [dreg:s6], $0x5FFFF;
	_ =	strace $0x90000049  }
0xb2: {  	s29 =	simm.s32 $0x9;
	_ =	strace $0x8000004B  }
0xb3: {  	_ =	swait.ge [sflag:s29], $0x1  }
0xb4: {  	[sflag:s29] =	ssyncadd.s32 $0xFFFFFFFF  }
0xb5: {  	_ =	strace $0x9000004B  }
0xb6: {  	_ =	sfence  }
0xb7: {  	s30 =	sld [smem:$0x0];
	_ =	sdelay $0x2  }
0xb8: {  	s31 =	sshll.u32 s1, $0xD;
	s1 =	sshrl.u32 s1, $0x2  }
0xb9: {  	s3 =	sand.u32 $0x4000, s31;
	s1 =	sadd.s32 s1, s30  }
0xba: {  	s0 =	sor.u32 s3, s0;
	s1 =	sshll.u32 s1, $0x11  }
0xbb: {  	s0 =	sor.u32 s1, s0  }
0xbc: {  	s0 =	sadd.s32 $0x8F2B, s0  }
0xbd: {  	[sflag:s0] =	ssyncadd.remote.s32 $0x1  }
0xbe: {  	_ =	sfence.sel $0xFFFF  }
0xbf: {  	[dreg:$0x0] =	wrdreg $0xFFFFFFFF;
	(pc) =	sbr.abs _section_cstart, $3  }
0xc0: {  	[dreg:$0x1] =	wrdreg $0xFFFFFFFF  }
0xc1: {  	_ =	task.clear_ibuf [dreg:s6], $0x2FFFF;
	_ =	strace $0x9FFFFFFF  }
0xc2: {  	(tm) =	ssettm $0x7FFFFFFF  }
0xc3: {  	_ =	shalt  }
tec
execute0_lowered:
.L_overlay_start_1:
0x0: {  	(tag) =	ssettag $0x1  }
0x1: {  	s0 =	rddreg [dreg:$0x0]  }
0x2: {  	s1 =	srdreg.scid;
	s2 =	rddreg [dreg:$0x1]  }
0x3: {  	s7 =	stileid.u32;
	s5 =	simm.s32 $0x0;
	s29 =	simm.s32 $0xD000  }
0x4: {  	s30 =	simm.s32 $0x1;
	s28 =	simm.s32 $0x6;
	s4 =	smul.u32 $0x5000, s7  }
0x5: {  	s31 =	simm.s32 $0x3;
	s1 =	sand.u32 $0x1, s1;
	s7 =	smul.u32 $0x14000, s7  }
0x6: {  	s8 =	simm.s32 $0xA;
	s9 =	simm.s32 $0x0;
	s3 =	smul.u32 $0xA000, s1  }
0x7: {  	[smem:$0x7FF] =	sst s5;
	s17 =	smul.u32 $0x50000, s1;
	s1 =	ssub.s32 $0x2, s1  }
0x8: {  	_ =	strace $0x8000004A;
	s6 =	sshrl.u32 s4, $0x3;
	s18 =	sshrl.u32 s1, $0x1  }
0x9: {  	s20 =	sshrl.u32 s7, $0x2;
	s7 =	simm.s32 $0x9;
	s3 =	sadd.s32 s3, s0  }
0xa: {  	s5 =	sadd.s32 s4, s17;
	s6 =	sadd.s32 s6, s0;
	s1 =	ssub.s32 s1, s18  }
0xb: {  	s21 =	sadd.s32 s20, s2;
	s20 =	simm.s32 $0x5000;
	s5 =	sshrl.u32 s5, $0x3  }
0xc: {  	s19 =	sadd.s32 $0x3E00, s6;
	s6 =	sadd.s32 $0xDE00, s6;
	s22 =	sadd.s32 $0x1000, s21  }
0xd: {  	s23 =	sadd.s32 $0x1800, s21;
	s24 =	sadd.s32 $0x2000, s21;
	[dreg:$0x3] =	wrdreg s19  }
0xe: {  	s25 =	sadd.s32 $0x2800, s21;
	s26 =	sadd.s32 $0x3000, s21;
	[dreg:$0x4] =	wrdreg s6  }
0xf: {  	s13 =	sadd.s32 $0x3800, s21;
	s14 =	sadd.s32 $0x4000, s21;
	[dreg:$0x6] =	wrdreg s22  }
0x10: {  	s15 =	sadd.s32 $0x4800, s21;
	s16 =	sadd.s32 $0x8FE00, s3;
	[dreg:$0x7] =	wrdreg s23  }
0x11: {  	s18 =	smax.u32 s1, $0x1;
	s1 =	simm.s32 $0x2;
	[dreg:$0x8] =	wrdreg s24  }
0x12: {  	s3 =	simm.s32 $0x4;
	s0 =	sadd.s32 s5, s0;
	[dreg:$0x9] =	wrdreg s25  }
0x13: {  	s6 =	sadd.s32 s4, s2;
	s5 =	sadd.s32 $0x800, s21;
	[dreg:$0xa] =	wrdreg s26  }
0x14: {  	s19 =	simm.s32 $0xB;
	s21 =	simm.s32 $0xF000;
	s22 =	simm.s32 $0x80  }
0x15: {  	s23 =	simm.s32 $0xA000;
	s24 =	simm.s32 $0xB000;
	s26 =	simm.s32 $0xC000  }
0x16: {  	s25 =	simm.s32 $0x7;
	s4 =	simm.s32 $0x8;
	[dreg:$0x5] =	wrdreg s5  }
0x17: {  	v0 =	vimm.f32 $0.0e+00;
	s17 =	sadd.s32 $0xA3E00, s0;
	s0 =	simm.s32 $0xE000;
	s5 =	simm.s32 $0x5  }
.LBB2_1:
0x18: {  	s10 =	simm.s32 $0x0;
	s11 =	rddreg [dreg:$0x3]  }
0x19: {  	[tilespmem:s10], [sflag:$0xB] =	stream.linear.gather [hbm4b:s11+s10], $0x5000, $0x38;
	[tilespmem:$0x14800] =	vst v63  }
0x1a: {  	_ =	swait.ge [sflag:s19], $0x5000  }
0x1b: {  	[sflag:s19] =	ssyncset.done $0x0  }
0x1c: {  	s12 =	rddreg [dreg:$0x4];
	[sflag:s19] =	ssyncadd.s32 $0xFFFFB000  }
0x1d: {  	[tilespmem:s20], [sflag:$0xB] =	stream.linear.gather [hbm4b:s12+s10], $0x5000, $0x38;
	[tilespmem:$0x14800] =	vst v63  }
0x1e: {  	_ =	swait.ge [sflag:s19], $0x5000  }
0x1f: {  	[sflag:s19] =	ssyncset.done $0x0  }
0x20: {  	s11 =	simm.s32 $0x0;
	s10 =	simm.s32 $0x80;
	[sflag:s19] =	ssyncadd.s32 $0xFFFFB000  }
.LBB2_2:
0x21: {  	p0 =	sne.s32 s10, $0x1F80;
	[tilespmem:s11+$0xF000] =	vst v0;
	s12 =	smov.u32 s10;
	s10 =	sadd.s32 $0x80, s10  }
.Ltmp0:
0x22: {  	[tilespmem:s11+$0xF010] =	vst v0;
	(pc) =	sbr.rel @p0 .LBB2_2-.Ltmp0, $2  }
0x23: {  	_ =	sdelay $0x2  }
0x24: {  	s11 =	sshra.s32 s12, $0x2  }
0x25: {  	[tilespmem:s11+$0xF000] =	vst v0  }
0x26: {  	[tilespmem:s11+$0xF010] =	vst v0  }
0x27: {  	[spmem:s6] =	stream.linear.scatter [tilespmem:s21], [sflag:$0xB], $0x800, $0x38;
	[tilespmem:$0x14800] =	vst v63  }
0x28: {  	_ =	swait.ge [sflag:s19], $0x800  }
0x29: {  	[sflag:s19] =	ssyncset.done $0x0  }
0x2a: {  	s10 =	rddreg [dreg:$0x5];
	[sflag:s19] =	ssyncadd.s32 $0xFFFFF800  }
0x2b: {  	[spmem:s10] =	stream.linear.scatter [tilespmem:s21], [sflag:$0xB], $0x800, $0x38;
	[tilespmem:$0x14800] =	vst v63  }
0x2c: {  	_ =	swait.ge [sflag:s19], $0x800  }
0x2d: {  	[sflag:s19] =	ssyncset.done $0x0  }
0x2e: {  	s12 =	rddreg [dreg:$0x6];
	[sflag:s19] =	ssyncadd.s32 $0xFFFFF800  }
0x2f: {  	[spmem:s12] =	stream.linear.scatter [tilespmem:s21], [sflag:$0xB], $0x800, $0x38;
	[tilespmem:$0x14800] =	vst v63  }
0x30: {  	_ =	swait.ge [sflag:s19], $0x800  }
0x31: {  	[sflag:s19] =	ssyncset.done $0x0  }
0x32: {  	s11 =	rddreg [dreg:$0x7];
	[sflag:s19] =	ssyncadd.s32 $0xFFFFF800  }
0x33: {  	[spmem:s11] =	stream.linear.scatter [tilespmem:s21], [sflag:$0xB], $0x800, $0x38;
	[tilespmem:$0x14800] =	vst v63  }
0x34: {  	_ =	swait.ge [sflag:s19], $0x800  }
0x35: {  	[sflag:s19] =	ssyncset.done $0x0  }
0x36: {  	s12 =	rddreg [dreg:$0x8];
	[sflag:s19] =	ssyncadd.s32 $0xFFFFF800  }
0x37: {  	[spmem:s12] =	stream.linear.scatter [tilespmem:s21], [sflag:$0xB], $0x800, $0x38;
	[tilespmem:$0x14800] =	vst v63  }
0x38: {  	_ =	swait.ge [sflag:s19], $0x800  }
0x39: {  	[sflag:s19] =	ssyncset.done $0x0  }
0x3a: {  	s11 =	rddreg [dreg:$0x9];
	[sflag:s19] =	ssyncadd.s32 $0xFFFFF800  }
0x3b: {  	[spmem:s11] =	stream.linear.scatter [tilespmem:s21], [sflag:$0xB], $0x800, $0x38;
	[tilespmem:$0x14800] =	vst v63  }
0x3c: {  	_ =	swait.ge [sflag:s19], $0x800  }
0x3d: {  	[sflag:s19] =	ssyncset.done $0x0  }
0x3e: {  	s12 =	rddreg [dreg:$0xa];
	[sflag:s19] =	ssyncadd.s32 $0xFFFFF800  }
0x3f: {  	[spmem:s12] =	stream.linear.scatter [tilespmem:s21], [sflag:$0xB], $0x800, $0x38;
	[tilespmem:$0x14800] =	vst v63  }
0x40: {  	_ =	swait.ge [sflag:s19], $0x800  }
0x41: {  	[sflag:s19] =	ssyncset.done $0x0  }
0x42: {  	[sflag:s19] =	ssyncadd.s32 $0xFFFFF800  }
0x43: {  	[spmem:s13] =	stream.linear.scatter [tilespmem:s21], [sflag:$0xB], $0x800, $0x38;
	[tilespmem:$0x14800] =	vst v63  }
0x44: {  	_ =	swait.ge [sflag:s19], $0x800  }
0x45: {  	[sflag:s19] =	ssyncset.done $0x0  }
0x46: {  	[sflag:s19] =	ssyncadd.s32 $0xFFFFF800  }
0x47: {  	[spmem:s14] =	stream.linear.scatter [tilespmem:s21], [sflag:$0xB], $0x800, $0x38;
	[tilespmem:$0x14800] =	vst v63  }
0x48: {  	_ =	swait.ge [sflag:s19], $0x800  }
0x49: {  	[sflag:s19] =	ssyncset.done $0x0  }
0x4a: {  	[sflag:s19] =	ssyncadd.s32 $0xFFFFF800  }
0x4b: {  	[spmem:s15] =	stream.linear.scatter [tilespmem:s21], [sflag:$0xB], $0x800, $0x38;
	[tilespmem:$0x14800] =	vst v63  }
0x4c: {  	_ =	swait.ge [sflag:s19], $0x800  }
0x4d: {  	[sflag:s19] =	ssyncset.done $0x0  }
0x4e: {  	[sflag:s19] =	ssyncadd.s32 $0xFFFFF800  }
0x4f: {  	s11 =	simm.s32 $0x0;
	[bflag:$0x0] =	sbarrier.arrive $0xFFFF  }
0x50: {  	[tilespmem:s23], [sflag:$0x1] =	stream.indirect.gather [hbm4b:s16+s22], $0x20, s11, s22, $0xb8;
	[tilespmem:$0x14800] =	vst v63  }
0x51: {  	_ = 	snop  }
0x52: {  	[tilespmem:s24], [sflag:$0x2] =	stream.indirect.gather [hbm4b:s16+s22], $0x20, s22, s22, $0xb8;
	[tilespmem:$0x14800] =	vst v63  }
0x53: {  	s12 =	simm.s32 $0x100  }
0x54: {  	[tilespmem:s26], [sflag:$0x3] =	stream.indirect.gather [hbm4b:s16+s22], $0x20, s12, s22, $0xb8;
	[tilespmem:$0x14800] =	vst v63  }
0x55: {  	s11 =	simm.s32 $0x180  }
0x56: {  	[tilespmem:s29], [sflag:$0x4] =	stream.indirect.gather [hbm4b:s16+s22], $0x20, s11, s22, $0xb8;
	[tilespmem:$0x14800] =	vst v63  }
0x57: {  	_ =	swait.ge [sflag:s30], $0x1000  }
0x58: {  	[sflag:s30] =	ssyncset.done $0x0  }
0x59: {  	[sflag:s30] =	ssyncadd.s32 $0xFFFFF000  }
0x5a: {  	[spmem:s2] =	stream.indirect.scatter.add.f32 [tilespmem:s23], [sflag:$0x6], $0x20, s20, s22, $0xb8;
	[tilespmem:$0x14800] =	vst v63  }
0x5b: {  	s12 =	simm.s32 $0x200  }
0x5c: {  	[tilespmem:s0], [sflag:$0x5] =	stream.indirect.gather [hbm4b:s16+s22], $0x20, s12, s22, $0xb8;
	[tilespmem:$0x14800] =	vst v63  }
0x5d: {  	_ =	swait.ge [sflag:s1], $0x1000  }
0x5e: {  	[sflag:s1] =	ssyncset.done $0x0  }
0x5f: {  	s11 =	simm.s32 $0x5080;
	[sflag:s1] =	ssyncadd.s32 $0xFFFFF000  }
0x60: {  	[spmem:s2] =	stream.indirect.scatter.add.f32 [tilespmem:s24], [sflag:$0x7], $0x20, s11, s22, $0xb8;
	[tilespmem:$0x14800] =	vst v63  }
0x61: {  	_ =	swait.ge [sflag:s28], $0x1000  }
0x62: {  	[sflag:s28] =	ssyncset.done $0x0  }
0x63: {  	s12 =	simm.s32 $0x280;
	[sflag:s28] =	ssyncadd.s32 $0xFFFFF000  }
0x64: {  	[tilespmem:s23], [sflag:$0x1] =	stream.indirect.gather [hbm4b:s16+s22], $0x20, s12, s22, $0xb8;
	[tilespmem:$0x14800] =	vst v63  }
0x65: {  	_ =	swait.ge [sflag:s31], $0x1000  }
0x66: {  	[sflag:s31] =	ssyncset.done $0x0  }
0x67: {  	s11 =	simm.s32 $0x5100;
	[sflag:s31] =	ssyncadd.s32 $0xFFFFF000  }
0x68: {  	[spmem:s2] =	stream.indirect.scatter.add.f32 [tilespmem:s26], [sflag:$0x8], $0x20, s11, s22, $0xb8;
	[tilespmem:$0x14800] =	vst v63  }
0x69: {  	_ =	swait.ge [sflag:s25], $0x1000  }
0x6a: {  	[sflag:s25] =	ssyncset.done $0x0  }
0x6b: {  	s12 =	simm.s32 $0x300;
	[sflag:s25] =	ssyncadd.s32 $0xFFFFF000  }
0x6c: {  	[tilespmem:s24], [sflag:$0x2] =	stream.indirect.gather [hbm4b:s16+s22], $0x20, s12, s22, $0xb8;
	[tilespmem:$0x14800] =	vst v63  }
0x6d: {  	_ =	swait.ge [sflag:s3], $0x1000  }
0x6e: {  	[sflag:s3] =	ssyncset.done $0x0  }
0x6f: {  	s11 =	simm.s32 $0x5180;
	[sflag:s3] =	ssyncadd.s32 $0xFFFFF000  }
0x70: {  	[spmem:s2] =	stream.indirect.scatter.add.f32 [tilespmem:s29], [sflag:$0x9], $0x20, s11, s22, $0xb8;
	[tilespmem:$0x14800] =	vst v63  }
0x71: {  	_ =	swait.ge [sflag:s4], $0x1000  }
0x72: {  	[sflag:s4] =	ssyncset.done $0x0  }
0x73: {  	s12 =	simm.s32 $0x380;
	[sflag:s4] =	ssyncadd.s32 $0xFFFFF000  }
0x74: {  	[tilespmem:s26], [sflag:$0x3] =	stream.indirect.gather [hbm4b:s16+s22], $0x20, s12, s22, $0xb8;
	[tilespmem:$0x14800] =	vst v63  }
0x75: {  	_ =	swait.ge [sflag:s5], $0x1000  }
0x76: {  	[sflag:s5] =	ssyncset.done $0x0  }
0x77: {  	s11 =	simm.s32 $0x5200;
	[sflag:s5] =	ssyncadd.s32 $0xFFFFF000  }
0x78: {  	[spmem:s2] =	stream.indirect.scatter.add.f32 [tilespmem:s0], [sflag:$0xA], $0x20, s11, s22, $0xb8;
	[tilespmem:$0x14800] =	vst v63  }
0x79: {  	_ =	swait.ge [sflag:s7], $0x1000  }
0x7a: {  	[sflag:s7] =	ssyncset.done $0x0  }
0x7b: {  	s12 =	simm.s32 $0x400;
	[sflag:s7] =	ssyncadd.s32 $0xFFFFF000  }
0x7c: {  	[tilespmem:s29], [sflag:$0x4] =	stream.indirect.gather [hbm4b:s16+s22], $0x20, s12, s22, $0xb8;
	[tilespmem:$0x14800] =	vst v63  }
0x7d: {  	_ =	swait.ge [sflag:s30], $0x1000  }
0x7e: {  	[sflag:s30] =	ssyncset.done $0x0  }
0x7f: {  	s11 =	simm.s32 $0x5280;
	[sflag:s30] =	ssyncadd.s32 $0xFFFFF000  }
0x80: {  	[spmem:s2] =	stream.indirect.scatter.add.f32 [tilespmem:s23], [sflag:$0x6], $0x20, s11, s22, $0xb8;
	[tilespmem:$0x14800] =	vst v63  }
0x81: {  	_ =	swait.ge [sflag:s8], $0x1000  }
0x82: {  	[sflag:s8] =	ssyncset.done $0x0  }
0x83: {  	s12 =	simm.s32 $0x480;
	[sflag:s8] =	ssyncadd.s32 $0xFFFFF000  }
0x84: {  	[tilespmem:s0], [sflag:$0x5] =	stream.indirect.gather [hbm4b:s16+s22], $0x20, s12, s22, $0xb8;
	[tilespmem:$0x14800] =	vst v63  }
0x85: {  	_ =	swait.ge [sflag:s1], $0x1000  }
0x86: {  	[sflag:s1] =	ssyncset.done $0x0  }
0x87: {  	s10 =	simm.s32 $0xA00;
	s11 =	simm.s32 $0x5300;
	[sflag:s1] =	ssyncadd.s32 $0xFFFFF000  }
.LBB2_4:
0x88: {  	[spmem:s2] =	stream.indirect.scatter.add.f32 [tilespmem:s24], [sflag:$0x7], $0x20, s11, s22, $0xb8;
	[tilespmem:$0x14800] =	vst v63  }
0x89: {  	s11 =	smov.u32 s10  }
0x8a: {  	p0 =	sne.s32 s10, $0x12C00;
	s10 =	sadd.s32 $0xA00, s10;
	_ =	swait.ge [sflag:s28], $0x1000  }
0x8b: {  	s11 =	sshra.s32 s11, $0x2;
	[sflag:s28] =	ssyncset.done $0x0  }
0x8c: {  	s12 =	sadd.s32 $0x280, s11;
	[sflag:s28] =	ssyncadd.s32 $0xFFFFF000  }
0x8d: {  	[tilespmem:s23], [sflag:$0x1] =	stream.indirect.gather [hbm4b:s16+s22], $0x20, s12, s22, $0xb8;
	[tilespmem:$0x14800] =	vst v63  }
0x8e: {  	_ =	swait.ge [sflag:s31], $0x1000  }
0x8f: {  	[sflag:s31] =	ssyncset.done $0x0  }
0x90: {  	s12 =	sadd.s32 $0x5100, s11;
	[sflag:s31] =	ssyncadd.s32 $0xFFFFF000  }
0x91: {  	[spmem:s2] =	stream.indirect.scatter.add.f32 [tilespmem:s26], [sflag:$0x8], $0x20, s12, s22, $0xb8;
	[tilespmem:$0x14800] =	vst v63  }
0x92: {  	_ =	swait.ge [sflag:s25], $0x1000  }
0x93: {  	[sflag:s25] =	ssyncset.done $0x0  }
0x94: {  	s12 =	sadd.s32 $0x300, s11;
	[sflag:s25] =	ssyncadd.s32 $0xFFFFF000  }
0x95: {  	[tilespmem:s24], [sflag:$0x2] =	stream.indirect.gather [hbm4b:s16+s22], $0x20, s12, s22, $0xb8;
	[tilespmem:$0x14800] =	vst v63  }
0x96: {  	_ =	swait.ge [sflag:s3], $0x1000  }
0x97: {  	[sflag:s3] =	ssyncset.done $0x0  }
0x98: {  	s12 =	sadd.s32 $0x5180, s11;
	[sflag:s3] =	ssyncadd.s32 $0xFFFFF000  }
0x99: {  	[spmem:s2] =	stream.indirect.scatter.add.f32 [tilespmem:s29], [sflag:$0x9], $0x20, s12, s22, $0xb8;
	[tilespmem:$0x14800] =	vst v63  }
0x9a: {  	_ =	swait.ge [sflag:s4], $0x1000  }
0x9b: {  	[sflag:s4] =	ssyncset.done $0x0  }
0x9c: {  	s12 =	sadd.s32 $0x380, s11;
	[sflag:s4] =	ssyncadd.s32 $0xFFFFF000  }
0x9d: {  	[tilespmem:s26], [sflag:$0x3] =	stream.indirect.gather [hbm4b:s16+s22], $0x20, s12, s22, $0xb8;
	[tilespmem:$0x14800] =	vst v63  }
0x9e: {  	_ =	swait.ge [sflag:s5], $0x1000  }
0x9f: {  	[sflag:s5] =	ssyncset.done $0x0  }
0xa0: {  	s12 =	sadd.s32 $0x5200, s11;
	[sflag:s5] =	ssyncadd.s32 $0xFFFFF000  }
0xa1: {  	[spmem:s2] =	stream.indirect.scatter.add.f32 [tilespmem:s0], [sflag:$0xA], $0x20, s12, s22, $0xb8;
	[tilespmem:$0x14800] =	vst v63  }
0xa2: {  	_ =	swait.ge [sflag:s7], $0x1000  }
0xa3: {  	[sflag:s7] =	ssyncset.done $0x0  }
0xa4: {  	s12 =	sadd.s32 $0x400, s11;
	[sflag:s7] =	ssyncadd.s32 $0xFFFFF000  }
0xa5: {  	[tilespmem:s29], [sflag:$0x4] =	stream.indirect.gather [hbm4b:s16+s22], $0x20, s12, s22, $0xb8;
	[tilespmem:$0x14800] =	vst v63  }
0xa6: {  	_ =	swait.ge [sflag:s30], $0x1000  }
0xa7: {  	[sflag:s30] =	ssyncset.done $0x0  }
0xa8: {  	s12 =	sadd.s32 $0x5280, s11;
	[sflag:s30] =	ssyncadd.s32 $0xFFFFF000  }
0xa9: {  	[spmem:s2] =	stream.indirect.scatter.add.f32 [tilespmem:s23], [sflag:$0x6], $0x20, s12, s22, $0xb8;
	[tilespmem:$0x14800] =	vst v63  }
0xaa: {  	_ =	swait.ge [sflag:s8], $0x1000  }
0xab: {  	[sflag:s8] =	ssyncset.done $0x0  }
.Ltmp1:
0xac: {  	s12 =	sadd.s32 $0x480, s11;
	[sflag:s8] =	ssyncadd.s32 $0xFFFFF000;
	(pc) =	sbr.rel @p0 .LBB2_4-.Ltmp1, $4  }
0xad: {  	[tilespmem:s0], [sflag:$0x5] =	stream.indirect.gather [hbm4b:s16+s22], $0x20, s12, s22, $0xb8;
	[tilespmem:$0x14800] =	vst v63  }
0xae: {  	_ =	swait.ge [sflag:s1], $0x1000  }
0xaf: {  	[sflag:s1] =	ssyncset.done $0x0  }
0xb0: {  	s11 =	sadd.s32 $0x5300, s11;
	[sflag:s1] =	ssyncadd.s32 $0xFFFFF000  }
0xb1: {  	[spmem:s2] =	stream.indirect.scatter.add.f32 [tilespmem:s24], [sflag:$0x7], $0x20, s11, s22, $0xb8;
	[tilespmem:$0x14800] =	vst v63  }
0xb2: {  	_ =	swait.ge [sflag:s31], $0x1000  }
0xb3: {  	[sflag:s31] =	ssyncset.done $0x0  }
0xb4: {  	s10 =	simm.s32 $0x9E80;
	[sflag:s31] =	ssyncadd.s32 $0xFFFFF000  }
0xb5: {  	[spmem:s2] =	stream.indirect.scatter.add.f32 [tilespmem:s26], [sflag:$0x8], $0x20, s10, s22, $0xb8;
	[tilespmem:$0x14800] =	vst v63  }
0xb6: {  	_ =	swait.ge [sflag:s3], $0x1000  }
0xb7: {  	[sflag:s3] =	ssyncset.done $0x0  }
0xb8: {  	s11 =	simm.s32 $0x9F00;
	[sflag:s3] =	ssyncadd.s32 $0xFFFFF000  }
0xb9: {  	[spmem:s2] =	stream.indirect.scatter.add.f32 [tilespmem:s29], [sflag:$0x9], $0x20, s11, s22, $0xb8;
	[tilespmem:$0x14800] =	vst v63  }
0xba: {  	_ =	swait.ge [sflag:s5], $0x1000  }
0xbb: {  	[sflag:s5] =	ssyncset.done $0x0  }
0xbc: {  	s12 =	simm.s32 $0x9F80;
	[sflag:s5] =	ssyncadd.s32 $0xFFFFF000  }
0xbd: {  	[spmem:s2] =	stream.indirect.scatter.add.f32 [tilespmem:s0], [sflag:$0xA], $0x20, s12, s22, $0xb8;
	[tilespmem:$0x14800] =	vst v63  }
0xbe: {  	_ =	swait.ge [sflag:s28], $0x1000  }
0xbf: {  	[sflag:s28] =	ssyncset.done $0x0  }
0xc0: {  	[sflag:s28] =	ssyncadd.s32 $0xFFFFF000  }
0xc1: {  	_ =	swait.ge [sflag:s25], $0x1000  }
0xc2: {  	[sflag:s25] =	ssyncset.done $0x0  }
0xc3: {  	[sflag:s25] =	ssyncadd.s32 $0xFFFFF000  }
0xc4: {  	_ =	swait.ge [sflag:s4], $0x1000  }
0xc5: {  	[sflag:s4] =	ssyncset.done $0x0  }
0xc6: {  	[sflag:s4] =	ssyncadd.s32 $0xFFFFF000  }
0xc7: {  	_ =	swait.ge [sflag:s7], $0x1000  }
0xc8: {  	[sflag:s7] =	ssyncset.done $0x0  }
0xc9: {  	[sflag:s7] =	ssyncadd.s32 $0xFFFFF000  }
0xca: {  	s11 =	stileid.u32;
	_ =	swait.ge [sflag:s8], $0x1000  }
0xcb: {  	s9 =	sadd.s32 $0x1, s9;
	s10 =	sshll.u32 s11, $0x6;
	[sflag:s8] =	ssyncset.done $0x0  }
0xcc: {  	p0 =	sne.s32 s9, s18;
	s10 =	sor.u32 $0x1C0B, s10;
	[sflag:s8] =	ssyncadd.s32 $0xFFFFF000  }
.Ltmp2:
0xcd: {  	s12 =	sshrl.u32 s6, $0x3;
	[bflag:$0x0] =	sbarrier.arrive $0xFFFF;
	(pc) =	sbr.rel @p0 .LBB2_1-.Ltmp2, $4  }
0xce: {  	[hbm:s17], [sflag:s10] =	dma.local [spmem:s12], $0xA00  }
0xcf: {  	_ =	swait.ge [sflag:s19], $0xA00  }
0xd0: {  	[sflag:s19] =	ssyncset.done $0x0  }
0xd1: {  	[sflag:s19] =	ssyncadd.s32 $0xFFFFF600  }
0xd2: {  	_ =	sfence.sel $0x180000  }
0xd3: {  	[bflag:$0x0] =	sbarrier.arrive $0xFFFF  }
0xd4: {  	_ =	strace $0x9000004A  }
0xd5: {  	s0 =	stileid.u32;
	[bflag:$0x2] =	sbarrier.arrive $0xFFFF  }
0xd6: {  	p0 =	sne.s32 s0, $0x0;
	s0 =	rddreg [dreg:$0x2]  }
0xd7: {  	s0 =	sadd.s32 @!p0 $0x100000, s0  }
0xd8: {  	[sflag:s0] =	ssyncadd.tile.s32 @!p0 $0x1;
	_ =	shalt  }
.Lfunc_end2:
_tile_overlayer_lowered:
.L_overlay_start_2:
0xd9: {  	(tag) =	ssettag $0x2  }
0xda: {  	s0 =	rddreg [dreg:$0x0];
	s2 =	stileid.u32  }
0xdb: {  	s1 =	rddreg [dreg:$0x1];
	p0 =	sne.s32 s2, $0x0  }
0xdc: {  	s3 =	rddreg [dreg:$0x2];
	[bflag:$0x3] =	sbarrier.arrive $0xFFFF;
	s2 =	simm.s32 @!p0 $0x1C0B  }
0xdd: {  	[timem:s3], [sflag:s2] =	dma.local @!p0 [hbm:s0], s1  }
0xde: {  	s0 =	simm.s32 @!p0 $0xB  }
0xdf: {  	_ =	swait.ge @!p0 [sflag:s0], s1  }
0xe0: {  	s1 =	ssub.s32 @!p0 $0x0, s1;
	[sflag:s0] =	ssyncset.done @!p0 $0x0  }
0xe1: {  	[sflag:s0] =	ssyncadd.s32 @!p0 s1  }
0xe2: {  	[bflag:$0x3] =	sbarrier.arrive $0xFFFF  }
0xe3: {  	_ =	shalt  }

// kernel: kernel.16.cloned.1.call-start
scs
__scs_entry_jumppad:
0x0: {  	(pc) =	sbr.rel $0x88, $3  }
0x1: {  	(tag) =	ssettag $0x0;
	lr =	simm.s32 $0x1  }
0x2: {  	[smem:$0x3F94] =	sst lr;
	_ =	strace $0xD0000000  }
0x3: {  	_ = 	snop  }
0x4: {  	_ = 	snop  }
0x5: {  	_ = 	snop  }
0x6: {  	_ = 	snop  }
0x7: {  	_ = 	snop  }
__scs_overlays_trampoline_lowered:
0x8: {  	[smem:$0x3FA3] =	sst s0  }
0x9: {  	[smem:$0x3FA4] =	sst s1  }
0xa: {  	[smem:$0x3FA5] =	sst s2  }
0xb: {  	[smem:$0x3FA6] =	sst s3  }
0xc: {  	[smem:$0x3FA7] =	sst s4  }
0xd: {  	[smem:$0x3FA8] =	sst s5  }
0xe: {  	[smem:$0x3FA9] =	sst s6  }
0xf: {  	[smem:$0x3FAA] =	sst s7  }
0x10: {  	[smem:$0x3FAB] =	sst s8  }
0x11: {  	[smem:$0x3FAC] =	sst s9;
	s0 =	simm.s32 @!p0 $0x0  }
0x12: {  	s1 =	sld [smem:$0x3F92];
	s0 =	simm.s32 @p0 $0x1  }
0x13: {  	[smem:$0x3FAD] =	sst s0;
	s0 =	simm.s32 @!p1 $0x0  }
0x14: {  	s2 =	sld [smem:$0x3F91];
	s0 =	simm.s32 @p1 $0x1  }
0x15: {  	[smem:$0x3FAE] =	sst s0;
	s0 =	simm.s32 @!p2 $0x0  }
0x16: {  	s3 =	sld [smem:$0x3FDB];
	s0 =	simm.s32 @p2 $0x1  }
0x17: {  	s4 =	simm.s32 $0x1BF5;
	[smem:$0x3FB0] =	sst s0  }
0x18: {  	s0 =	sld [smem:$0x3F93];
	_ =	swait.ge [sflag:s4], $0x0  }
0x19: {  	s7 =	sld [smem:$0x3F94]  }
0x1a: {  	s8 =	sadd.s32 $0xFFFFE003, lr  }
0x1b: {  	s9 =	sadd.s32 $0xFFFFFEF7, lr;
	s5 =	simm.s32 $0xFFFFFFFF;
	p2 =	slt.u32 s8, $0xFFFFF086  }
0x1c: {  	p1 =	slt.u32 s9, $0xF7A;
	s5 =	simm.s32 @!p2 $0x0  }
0x1d: {  	s5 =	simm.s32 @p1 $0x1;
	p0 =	seq.s32 s7, s2  }
0x1e: {  	s7 =	smul.u32 @!p0 $0xF7A, s2;
	p2 =	seq.s32 @!p0 s5, $0x0  }
0x1f: {  	s9 =	smul.u32 $0xF7A, s1;
	s8 =	simm.s32 @!p0 $0x1BF5;
	p2 =	por !p2, p0  }
0x20: {  	[sflag:s8] =	ssyncset.s32 @!p0 $0xFFFFF086;
	s6 =	sadd.s32 @!p0 s3, s7;
	s7 =	simm.s32 @!p0 $0x108  }
0x21: {  	s3 =	sadd.s32 s3, s9;
	s6 =	sadd.s32 @!p0 $0x88, s6;
	s7 =	simm.s32 @p2 $0x1082  }
0x22: {  	[simem:s7], [sflag:s8] =	dma.local @!p0 [hbm:s6], $0xF7A  }
0x23: {  	s9 =	sor.u32 $0xD0000000, s2;
	s6 =	simm.s32 $0x108;
	_ =	swait.ge @!p0 [sflag:s8], $0x0  }
0x24: {  	s3 =	sadd.s32 $0x88, s3;
	s6 =	simm.s32 @!p1 $0x1082;
	[sflag:s4] =	ssyncset.s32 $0xFFFFF086  }
0x25: {  	[simem:s6], [sflag:s4] =	dma.local [hbm:s3], $0xF7A  }
0x26: {  	[smem:$0x3F94] =	sst s1;
	(tag) =	ssettag s2;
	_ =	strace s9  }
0x27: {  	s1 =	sld [smem:$0x3FA4]  }
0x28: {  	s2 =	sld [smem:$0x3FA5]  }
0x29: {  	s4 =	sld [smem:$0x3FA7]  }
0x2a: {  	p0 =	seq.s32 s5, $0x0;
	s5 =	sld [smem:$0x3FA8]  }
0x2b: {  	s6 =	sld [smem:$0x3FA9]  }
0x2c: {  	s7 =	sld [smem:$0x3FAA]  }
0x2d: {  	s3 =	simm.s32 $0x108;
	s8 =	sld [smem:$0x3FAB]  }
0x2e: {  	s3 =	simm.s32 @!p0 $0x1082;
	s9 =	sld [smem:$0x3FAC]  }
0x2f: {  	lr =	sadd.s32 s0, s3;
	s0 =	sld [smem:$0x3FA3]  }
0x30: {  	s3 =	sld [smem:$0x3FA6]  }
0x31: {  	[smem:$0x3FAF] =	sst s10  }
0x32: {  	s10 =	sld [smem:$0x3FAD];
	_ =	sdelay $0x3  }
0x33: {  	p0 =	seq.s32 s10, $0x1;
	s10 =	sld [smem:$0x3FAF];
	_ =	sdelay $0x3  }
0x34: {  	[smem:$0x3FAF] =	sst s10  }
0x35: {  	s10 =	sld [smem:$0x3FAE];
	_ =	sdelay $0x3  }
0x36: {  	p1 =	seq.s32 s10, $0x1;
	s10 =	sld [smem:$0x3FAF];
	_ =	sdelay $0x3  }
0x37: {  	[smem:$0x3FAF] =	sst s10  }
0x38: {  	s10 =	sld [smem:$0x3FB0]  }
0x39: {  	_ = 	snop;
	(pc) =	sbr.ind lr, $3  }
0x3a: {  	_ = 	snop  }
0x3b: {  	_ = 	snop  }
0x3c: {  	p2 =	seq.s32 s10, $0x1;
	s10 =	sld [smem:$0x3FAF]  }
0x3d: {  	_ =	shalt  }
0x3e: {  	_ =	shalt  }
0x3f: {  	_ =	shalt  }
0x40: {  	_ =	shalt  }
0x41: {  	_ =	shalt  }
0x42: {  	_ =	shalt  }
0x43: {  	_ =	shalt  }
0x44: {  	_ =	shalt  }
0x45: {  	_ =	shalt  }
0x46: {  	_ =	shalt  }
0x47: {  	_ =	shalt  }
0x48: {  	_ =	shalt  }
0x49: {  	_ =	shalt  }
0x4a: {  	_ =	shalt  }
0x4b: {  	_ =	shalt  }
0x4c: {  	_ =	shalt  }
0x4d: {  	_ =	shalt  }
0x4e: {  	_ =	shalt  }
0x4f: {  	_ =	shalt  }
0x50: {  	_ =	shalt  }
0x51: {  	_ =	shalt  }
0x52: {  	_ =	shalt  }
0x53: {  	_ =	shalt  }
0x54: {  	_ =	shalt  }
0x55: {  	_ =	shalt  }
0x56: {  	_ =	shalt  }
0x57: {  	_ =	shalt  }
0x58: {  	_ =	shalt  }
0x59: {  	_ =	shalt  }
0x5a: {  	_ =	shalt  }
0x5b: {  	_ =	shalt  }
0x5c: {  	_ =	shalt  }
0x5d: {  	_ =	shalt  }
0x5e: {  	_ =	shalt  }
0x5f: {  	_ =	shalt  }
0x60: {  	_ =	shalt  }
0x61: {  	_ =	shalt  }
0x62: {  	_ =	shalt  }
0x63: {  	_ =	shalt  }
0x64: {  	_ =	shalt  }
0x65: {  	_ =	shalt  }
0x66: {  	_ =	shalt  }
0x67: {  	_ =	shalt  }
0x68: {  	_ =	shalt  }
0x69: {  	_ =	shalt  }
0x6a: {  	_ =	shalt  }
0x6b: {  	_ =	shalt  }
0x6c: {  	_ =	shalt  }
0x6d: {  	_ =	shalt  }
0x6e: {  	_ =	shalt  }
0x6f: {  	_ =	shalt  }
0x70: {  	_ =	shalt  }
0x71: {  	_ =	shalt  }
0x72: {  	_ =	shalt  }
0x73: {  	_ =	shalt  }
0x74: {  	_ =	shalt  }
0x75: {  	_ =	shalt  }
0x76: {  	_ =	shalt  }
0x77: {  	_ =	shalt  }
0x78: {  	_ =	shalt  }
0x79: {  	_ =	shalt  }
0x7a: {  	_ =	shalt  }
0x7b: {  	_ =	shalt  }
0x7c: {  	_ =	shalt  }
0x7d: {  	_ =	shalt  }
0x7e: {  	_ =	shalt  }
0x7f: {  	_ =	shalt  }
0x80: {  	_ =	shalt  }
0x81: {  	_ =	shalt  }
0x82: {  	_ =	shalt  }
0x83: {  	_ =	shalt  }
0x84: {  	_ =	shalt  }
0x85: {  	_ =	shalt  }
0x86: {  	_ =	shalt  }
0x87: {  	_ =	shalt  }
.Lfunc_end0:
.L_simem_size_0:
called_computation.2_lowered:
.L_overlay_start_0:
0x88: {  	s2 =	sld [smem:$0x3FD9]  }
0x89: {  	s3 =	sld [smem:$0x3FFE];
	_ =	sdelay $0x1  }
0x8a: {  	s1 =	srdreg.scid  }
0x8b: {  	s0 =	sand.u32 $0x1, s1  }
0x8c: {  	s16 =	sshll.u32 s0, $0xA;
	s2 =	sadd.s32 s3, s2  }
0x8d: {  	s2 =	sadd.s32 s2, s16  }
0x8e: {  	[smem:$0x3FBB] =	sst s2  }
0x8f: {  	_ = 	snop  }
0x90: {  	(tm) =	ssettm $0x1  }
0x91: {  	s17 =	sld [smem:$0x3FFB];
	_ =	sdelay $0x3  }
0x92: {  	_ =	strace s17  }
0x93: {  	s2 =	sld [smem:$0x3FFC];
	_ =	sdelay $0x3  }
0x94: {  	_ =	strace s2  }
0x95: {  	s2 =	sld [smem:$0x3FFD];
	_ =	sdelay $0x3  }
0x96: {  	_ =	strace s2  }
0x97: {  	_ =	strace $0x8FFFFFFF  }
0x98: {  	s18 =	sld [smem:$0x3FDB];
	_ =	sdelay $0x1  }
0x99: {  	s19 =	simm.s32 $_scs_section_size  }
0x9a: {  	s4 =	simm.s32 $_size__tile_overlayer_lowered;
	s5 =	simm.s32 $_tile_overlayer_lowered  }
0x9b: {  	s22 =	simm.s32 $0x1BFF;
	s21 =	sshll.u32 s5, $0x1;
	s2 =	sadd.s32 s19, s18  }
0x9c: {  	s6 =	simm.s32 $0x0;
	s20 =	sshll.u32 s4, $0x1;
	s4 =	sadd.s32 s21, s2  }
0x9d: {  	[timem:s6], [sflag:s22] =	dma.local [hbm:s4], s20  }
0x9e: {  	_ =	swait.ge [sflag:s22], s20  }
0x9f: {  	s3 =	ssub.s32 $0x0, s20;
	[sflag:s22] =	ssyncset.done $0x0  }
0xa0: {  	[sflag:s22] =	ssyncadd.s32 s3;
	_ =	sdelay $0x1  }
0xa1: {  	s23 =	simm.s32 $0x1B8B  }
0xa2: {  	_ =	swait.ge [sflag:s23], $0x1  }
0xa3: {  	[sflag:s23] =	ssyncset.done $0x0  }
0xa4: {  	s25 =	simm.s32 $0x1B8E;
	s24 =	sld [smem:$0x3FFE];
	[sflag:s23] =	ssyncadd.s32 $0xFFFFFFFF  }
0xa5: {  	s26 =	simm.s32 $execute0_lowered;
	[smem:$0x3FD2] =	sst s25  }
0xa6: {  	s4 =	sshll.u32 s26, $0x1;
	_ =	strace $0x8000004C;
	[dreg:$0x1] =	wrdreg $0xFFFFFFFF  }
0xa7: {  	s28 =	simm.s32 $_size_execute0_lowered;
	s2 =	sadd.s32 s2, s4;
	[dreg:$0x0] =	wrdreg $0x0  }
0xa8: {  	s4 =	sshll.u32 s28, $0x1;
	[dreg:$0x2] =	wrdreg s2  }
0xa9: {  	[dreg:$0x3] =	wrdreg s4  }
0xaa: {  	[dreg:$0x4] =	wrdreg $0xC0  }
0xab: {  	_ =	task [dreg:s6], $0x5FFFF  }
0xac: {  	[dreg:$0x1] =	wrdreg $0xFFFFFFFF  }
0xad: {  	[dreg:$0x0] =	wrdreg $0x60  }
0xae: {  	[dreg:$0x2] =	wrdreg s24  }
0xaf: {  	[dreg:$0x3] =	wrdreg $0x150000  }
0xb0: {  	[dreg:$0x4] =	wrdreg $0x9  }
0xb1: {  	_ =	task.clear_ibuf [dreg:s6], $0x5FFFF;
	_ =	strace $0x9000004C  }
0xb2: {  	s29 =	simm.s32 $0x9;
	_ =	strace $0x8000004E  }
0xb3: {  	_ =	swait.ge [sflag:s29], $0x1  }
0xb4: {  	[sflag:s29] =	ssyncadd.s32 $0xFFFFFFFF  }
0xb5: {  	_ =	strace $0x9000004E  }
0xb6: {  	_ =	sfence  }
0xb7: {  	s30 =	sld [smem:$0x0];
	_ =	sdelay $0x2  }
0xb8: {  	s31 =	sshll.u32 s1, $0xD;
	s1 =	sshrl.u32 s1, $0x2  }
0xb9: {  	s3 =	sand.u32 $0x4000, s31;
	s1 =	sadd.s32 s1, s30  }
0xba: {  	s0 =	sor.u32 s3, s0;
	s1 =	sshll.u32 s1, $0x11  }
0xbb: {  	s0 =	sor.u32 s1, s0  }
0xbc: {  	s0 =	sadd.s32 $0x8F2B, s0  }
0xbd: {  	[sflag:s0] =	ssyncadd.remote.s32 $0x1  }
0xbe: {  	_ =	sfence.sel $0xFFFF  }
0xbf: {  	[dreg:$0x0] =	wrdreg $0xFFFFFFFF;
	(pc) =	sbr.abs _section_cstart, $3  }
0xc0: {  	[dreg:$0x1] =	wrdreg $0xFFFFFFFF  }
0xc1: {  	_ =	task.clear_ibuf [dreg:s6], $0x2FFFF;
	_ =	strace $0x9FFFFFFF  }
0xc2: {  	(tm) =	ssettm $0x7FFFFFFF  }
0xc3: {  	_ =	shalt  }
tec
execute0_lowered:
.L_overlay_start_1:
0x0: {  	(tag) =	ssettag $0x1  }
0x1: {  	s0 =	srdreg.scid;
	s1 =	rddreg [dreg:$0x0]  }
0x2: {  	s7 =	stileid.u32;
	s2 =	rddreg [dreg:$0x1]  }
0x3: {  	s6 =	simm.s32 $0x0;
	s29 =	simm.s32 $0x10000;
	s4 =	smul.u32 $0x5000, s7  }
0x4: {  	s30 =	simm.s32 $0x1;
	s28 =	simm.s32 $0x6;
	s5 =	smul.u32 $0xA000, s7  }
0x5: {  	s31 =	simm.s32 $0x3;
	s0 =	sand.u32 $0x1, s0;
	s7 =	smul.u32 $0x28000, s7  }
0x6: {  	s8 =	simm.s32 $0xA;
	s9 =	simm.s32 $0x0;
	s3 =	smul.u32 $0x14000, s0  }
0x7: {  	[smem:$0x7FF] =	sst s6;
	s17 =	smul.u32 $0xA0000, s0;
	s0 =	ssub.s32 $0x2, s0  }
0x8: {  	_ =	strace $0x8000004D;
	s4 =	sshrl.u32 s4, $0x3;
	s18 =	sshrl.u32 s0, $0x1  }
0x9: {  	s7 =	sshrl.u32 s7, $0x2;
	s3 =	sadd.s32 s3, s1;
	s6 =	sadd.s32 s5, s17  }
0xa: {  	s4 =	sadd.s32 s4, s1;
	s0 =	ssub.s32 s0, s18;
	s20 =	sadd.s32 s7, s2  }
0xb: {  	s7 =	simm.s32 $0x9;
	s6 =	sshrl.u32 s6, $0x3;
	s19 =	sadd.s32 $0x3E00, s4  }
0xc: {  	s4 =	sadd.s32 $0xDE00, s4;
	s21 =	sadd.s32 $0x1000, s20;
	s22 =	sadd.s32 $0x2000, s20  }
0xd: {  	s23 =	sadd.s32 $0x3000, s20;
	s24 =	sadd.s32 $0x4000, s20;
	[dreg:$0x3] =	wrdreg s19  }
0xe: {  	s25 =	sadd.s32 $0x5000, s20;
	s26 =	sadd.s32 $0x6000, s20;
	[dreg:$0x4] =	wrdreg s4  }
0xf: {  	s13 =	sadd.s32 $0x7000, s20;
	s14 =	sadd.s32 $0x8000, s20;
	[dreg:$0x5] =	wrdreg s21  }
0x10: {  	s15 =	sadd.s32 $0x9000, s20;
	s16 =	sadd.s32 $0x8FE00, s3;
	[dreg:$0x6] =	wrdreg s22  }
0x11: {  	s18 =	smax.u32 s0, $0x1;
	s20 =	simm.s32 $0x5000;
	[dreg:$0x7] =	wrdreg s23  }
0x12: {  	s0 =	simm.s32 $0x2;
	s3 =	simm.s32 $0x4;
	[dreg:$0x8] =	wrdreg s24  }
0x13: {  	s1 =	sadd.s32 s6, s1;
	s6 =	sadd.s32 s5, s2;
	[dreg:$0x9] =	wrdreg s25  }
0x14: {  	[dreg:$0xa] =	wrdreg s26;
	s19 =	simm.s32 $0xB;
	s21 =	simm.s32 $0x14000  }
0x15: {  	s22 =	simm.s32 $0x80;
	s23 =	simm.s32 $0xA000;
	s24 =	simm.s32 $0xC000  }
0x16: {  	s26 =	simm.s32 $0xE000;
	s25 =	simm.s32 $0x7;
	s4 =	simm.s32 $0x8  }
0x17: {  	v0 =	vimm.f32 $0.0e+00;
	s5 =	simm.s32 $0x5;
	s17 =	sadd.s32 $0xB7E00, s1;
	s1 =	simm.s32 $0x12000  }
.LBB2_1:
0x18: {  	s10 =	simm.s32 $0x0;
	s11 =	rddreg [dreg:$0x3]  }
0x19: {  	[tilespmem:s10], [sflag:$0xB] =	stream.linear.gather [hbm4b:s11+s10], $0x5000, $0x38;
	[tilespmem:$0x1F000] =	vst v63  }
0x1a: {  	_ =	swait.ge [sflag:s19], $0x5000  }
0x1b: {  	[sflag:s19] =	ssyncset.done $0x0  }
0x1c: {  	s12 =	rddreg [dreg:$0x4];
	[sflag:s19] =	ssyncadd.s32 $0xFFFFB000  }
0x1d: {  	[tilespmem:s20], [sflag:$0xB] =	stream.linear.gather [hbm4b:s12+s10], $0x5000, $0x38;
	[tilespmem:$0x1F000] =	vst v63  }
0x1e: {  	_ =	swait.ge [sflag:s19], $0x5000  }
0x1f: {  	[sflag:s19] =	ssyncset.done $0x0  }
0x20: {  	s11 =	simm.s32 $0x100;
	s10 =	simm.s32 $0x0;
	[sflag:s19] =	ssyncadd.s32 $0xFFFFB000  }
.LBB2_2:
0x21: {  	p0 =	sne.s32 s11, $0x3F00;
	[tilespmem:s10+$0x14030] =	vst v0;
	s12 =	smov.u32 s11;
	s11 =	sadd.s32 $0x100, s11  }
.Ltmp0:
0x22: {  	[tilespmem:s10+$0x14020] =	vst v0;
	(pc) =	sbr.rel @p0 .LBB2_2-.Ltmp0, $3  }
0x23: {  	[tilespmem:s10+$0x14000] =	vst v0  }
0x24: {  	[tilespmem:s10+$0x14010] =	vst v0;
	_ =	sdelay $0x1  }
0x25: {  	s10 =	sshra.s32 s12, $0x2  }
0x26: {  	[tilespmem:s10+$0x14030] =	vst v0  }
0x27: {  	[tilespmem:s10+$0x14020] =	vst v0  }
0x28: {  	[tilespmem:s10+$0x14000] =	vst v0  }
0x29: {  	[tilespmem:s10+$0x14010] =	vst v0  }
0x2a: {  	[spmem:s6] =	stream.linear.scatter [tilespmem:s21], [sflag:$0xB], $0x1000, $0x38;
	[tilespmem:$0x1F000] =	vst v63  }
0x2b: {  	_ =	swait.ge [sflag:s19], $0x1000  }
0x2c: {  	[sflag:s19] =	ssyncset.done $0x0  }
0x2d: {  	s11 =	rddreg [dreg:$0x5];
	[sflag:s19] =	ssyncadd.s32 $0xFFFFF000  }
0x2e: {  	[spmem:s11] =	stream.linear.scatter [tilespmem:s21], [sflag:$0xB], $0x1000, $0x38;
	[tilespmem:$0x1F000] =	vst v63  }
0x2f: {  	_ =	swait.ge [sflag:s19], $0x1000  }
0x30: {  	[sflag:s19] =	ssyncset.done $0x0  }
0x31: {  	s12 =	rddreg [dreg:$0x6];
	[sflag:s19] =	ssyncadd.s32 $0xFFFFF000  }
0x32: {  	[spmem:s12] =	stream.linear.scatter [tilespmem:s21], [sflag:$0xB], $0x1000, $0x38;
	[tilespmem:$0x1F000] =	vst v63  }
0x33: {  	_ =	swait.ge [sflag:s19], $0x1000  }
0x34: {  	[sflag:s19] =	ssyncset.done $0x0  }
0x35: {  	s11 =	rddreg [dreg:$0x7];
	[sflag:s19] =	ssyncadd.s32 $0xFFFFF000  }
0x36: {  	[spmem:s11] =	stream.linear.scatter [tilespmem:s21], [sflag:$0xB], $0x1000, $0x38;
	[tilespmem:$0x1F000] =	vst v63  }
0x37: {  	_ =	swait.ge [sflag:s19], $0x1000  }
0x38: {  	[sflag:s19] =	ssyncset.done $0x0  }
0x39: {  	s12 =	rddreg [dreg:$0x8];
	[sflag:s19] =	ssyncadd.s32 $0xFFFFF000  }
0x3a: {  	[spmem:s12] =	stream.linear.scatter [tilespmem:s21], [sflag:$0xB], $0x1000, $0x38;
	[tilespmem:$0x1F000] =	vst v63  }
0x3b: {  	_ =	swait.ge [sflag:s19], $0x1000  }
0x3c: {  	[sflag:s19] =	ssyncset.done $0x0  }
0x3d: {  	s11 =	rddreg [dreg:$0x9];
	[sflag:s19] =	ssyncadd.s32 $0xFFFFF000  }
0x3e: {  	[spmem:s11] =	stream.linear.scatter [tilespmem:s21], [sflag:$0xB], $0x1000, $0x38;
	[tilespmem:$0x1F000] =	vst v63  }
0x3f: {  	_ =	swait.ge [sflag:s19], $0x1000  }
0x40: {  	[sflag:s19] =	ssyncset.done $0x0  }
0x41: {  	s12 =	rddreg [dreg:$0xa];
	[sflag:s19] =	ssyncadd.s32 $0xFFFFF000  }
0x42: {  	[spmem:s12] =	stream.linear.scatter [tilespmem:s21], [sflag:$0xB], $0x1000, $0x38;
	[tilespmem:$0x1F000] =	vst v63  }
0x43: {  	_ =	swait.ge [sflag:s19], $0x1000  }
0x44: {  	[sflag:s19] =	ssyncset.done $0x0  }
0x45: {  	[sflag:s19] =	ssyncadd.s32 $0xFFFFF000  }
0x46: {  	[spmem:s13] =	stream.linear.scatter [tilespmem:s21], [sflag:$0xB], $0x1000, $0x38;
	[tilespmem:$0x1F000] =	vst v63  }
0x47: {  	_ =	swait.ge [sflag:s19], $0x1000  }
0x48: {  	[sflag:s19] =	ssyncset.done $0x0  }
0x49: {  	[sflag:s19] =	ssyncadd.s32 $0xFFFFF000  }
0x4a: {  	[spmem:s14] =	stream.linear.scatter [tilespmem:s21], [sflag:$0xB], $0x1000, $0x38;
	[tilespmem:$0x1F000] =	vst v63  }
0x4b: {  	_ =	swait.ge [sflag:s19], $0x1000  }
0x4c: {  	[sflag:s19] =	ssyncset.done $0x0  }
0x4d: {  	[sflag:s19] =	ssyncadd.s32 $0xFFFFF000  }
0x4e: {  	[spmem:s15] =	stream.linear.scatter [tilespmem:s21], [sflag:$0xB], $0x1000, $0x38;
	[tilespmem:$0x1F000] =	vst v63  }
0x4f: {  	_ =	swait.ge [sflag:s19], $0x1000  }
0x50: {  	[sflag:s19] =	ssyncset.done $0x0  }
0x51: {  	[sflag:s19] =	ssyncadd.s32 $0xFFFFF000  }
0x52: {  	s11 =	simm.s32 $0x0;
	[bflag:$0x0] =	sbarrier.arrive $0xFFFF  }
0x53: {  	[tilespmem:s23], [sflag:$0x1] =	stream.indirect.gather [hbm4b:s16+s22], $0x40, s11, s22, $0xb8;
	[tilespmem:$0x1F000] =	vst v63  }
0x54: {  	_ = 	snop  }
0x55: {  	[tilespmem:s24], [sflag:$0x2] =	stream.indirect.gather [hbm4b:s16+s22], $0x40, s22, s22, $0xb8;
	[tilespmem:$0x1F000] =	vst v63  }
0x56: {  	s12 =	simm.s32 $0x100  }
0x57: {  	[tilespmem:s26], [sflag:$0x3] =	stream.indirect.gather [hbm4b:s16+s22], $0x40, s12, s22, $0xb8;
	[tilespmem:$0x1F000] =	vst v63  }
0x58: {  	s11 =	simm.s32 $0x180  }
0x59: {  	[tilespmem:s29], [sflag:$0x4] =	stream.indirect.gather [hbm4b:s16+s22], $0x40, s11, s22, $0xb8;
	[tilespmem:$0x1F000] =	vst v63  }
0x5a: {  	_ =	swait.ge [sflag:s30], $0x2000  }
0x5b: {  	[sflag:s30] =	ssyncset.done $0x0  }
0x5c: {  	[sflag:s30] =	ssyncadd.s32 $0xFFFFE000  }
0x5d: {  	[spmem:s2] =	stream.indirect.scatter.add.f32 [tilespmem:s23], [sflag:$0x6], $0x40, s20, s22, $0xb8;
	[tilespmem:$0x1F000] =	vst v63  }
0x5e: {  	s12 =	simm.s32 $0x200  }
0x5f: {  	[tilespmem:s1], [sflag:$0x5] =	stream.indirect.gather [hbm4b:s16+s22], $0x40, s12, s22, $0xb8;
	[tilespmem:$0x1F000] =	vst v63  }
0x60: {  	_ =	swait.ge [sflag:s0], $0x2000  }
0x61: {  	[sflag:s0] =	ssyncset.done $0x0  }
0x62: {  	s11 =	simm.s32 $0x5080;
	[sflag:s0] =	ssyncadd.s32 $0xFFFFE000  }
0x63: {  	[spmem:s2] =	stream.indirect.scatter.add.f32 [tilespmem:s24], [sflag:$0x7], $0x40, s11, s22, $0xb8;
	[tilespmem:$0x1F000] =	vst v63  }
0x64: {  	_ =	swait.ge [sflag:s28], $0x2000  }
0x65: {  	[sflag:s28] =	ssyncset.done $0x0  }
0x66: {  	s12 =	simm.s32 $0x280;
	[sflag:s28] =	ssyncadd.s32 $0xFFFFE000  }
0x67: {  	[tilespmem:s23], [sflag:$0x1] =	stream.indirect.gather [hbm4b:s16+s22], $0x40, s12, s22, $0xb8;
	[tilespmem:$0x1F000] =	vst v63  }
0x68: {  	_ =	swait.ge [sflag:s31], $0x2000  }
0x69: {  	[sflag:s31] =	ssyncset.done $0x0  }
0x6a: {  	s11 =	simm.s32 $0x5100;
	[sflag:s31] =	ssyncadd.s32 $0xFFFFE000  }
0x6b: {  	[spmem:s2] =	stream.indirect.scatter.add.f32 [tilespmem:s26], [sflag:$0x8], $0x40, s11, s22, $0xb8;
	[tilespmem:$0x1F000] =	vst v63  }
0x6c: {  	_ =	swait.ge [sflag:s25], $0x2000  }
0x6d: {  	[sflag:s25] =	ssyncset.done $0x0  }
0x6e: {  	s12 =	simm.s32 $0x300;
	[sflag:s25] =	ssyncadd.s32 $0xFFFFE000  }
0x6f: {  	[tilespmem:s24], [sflag:$0x2] =	stream.indirect.gather [hbm4b:s16+s22], $0x40, s12, s22, $0xb8;
	[tilespmem:$0x1F000] =	vst v63  }
0x70: {  	_ =	swait.ge [sflag:s3], $0x2000  }
0x71: {  	[sflag:s3] =	ssyncset.done $0x0  }
0x72: {  	s11 =	simm.s32 $0x5180;
	[sflag:s3] =	ssyncadd.s32 $0xFFFFE000  }
0x73: {  	[spmem:s2] =	stream.indirect.scatter.add.f32 [tilespmem:s29], [sflag:$0x9], $0x40, s11, s22, $0xb8;
	[tilespmem:$0x1F000] =	vst v63  }
0x74: {  	_ =	swait.ge [sflag:s4], $0x2000  }
0x75: {  	[sflag:s4] =	ssyncset.done $0x0  }
0x76: {  	s12 =	simm.s32 $0x380;
	[sflag:s4] =	ssyncadd.s32 $0xFFFFE000  }
0x77: {  	[tilespmem:s26], [sflag:$0x3] =	stream.indirect.gather [hbm4b:s16+s22], $0x40, s12, s22, $0xb8;
	[tilespmem:$0x1F000] =	vst v63  }
0x78: {  	_ =	swait.ge [sflag:s5], $0x2000  }
0x79: {  	[sflag:s5] =	ssyncset.done $0x0  }
0x7a: {  	s11 =	simm.s32 $0x5200;
	[sflag:s5] =	ssyncadd.s32 $0xFFFFE000  }
0x7b: {  	[spmem:s2] =	stream.indirect.scatter.add.f32 [tilespmem:s1], [sflag:$0xA], $0x40, s11, s22, $0xb8;
	[tilespmem:$0x1F000] =	vst v63  }
0x7c: {  	_ =	swait.ge [sflag:s7], $0x2000  }
0x7d: {  	[sflag:s7] =	ssyncset.done $0x0  }
0x7e: {  	s12 =	simm.s32 $0x400;
	[sflag:s7] =	ssyncadd.s32 $0xFFFFE000  }
0x7f: {  	[tilespmem:s29], [sflag:$0x4] =	stream.indirect.gather [hbm4b:s16+s22], $0x40, s12, s22, $0xb8;
	[tilespmem:$0x1F000] =	vst v63  }
0x80: {  	_ =	swait.ge [sflag:s30], $0x2000  }
0x81: {  	[sflag:s30] =	ssyncset.done $0x0  }
0x82: {  	s11 =	simm.s32 $0x5280;
	[sflag:s30] =	ssyncadd.s32 $0xFFFFE000  }
0x83: {  	[spmem:s2] =	stream.indirect.scatter.add.f32 [tilespmem:s23], [sflag:$0x6], $0x40, s11, s22, $0xb8;
	[tilespmem:$0x1F000] =	vst v63  }
0x84: {  	_ =	swait.ge [sflag:s8], $0x2000  }
0x85: {  	[sflag:s8] =	ssyncset.done $0x0  }
0x86: {  	s12 =	simm.s32 $0x480;
	[sflag:s8] =	ssyncadd.s32 $0xFFFFE000  }
0x87: {  	[tilespmem:s1], [sflag:$0x5] =	stream.indirect.gather [hbm4b:s16+s22], $0x40, s12, s22, $0xb8;
	[tilespmem:$0x1F000] =	vst v63  }
0x88: {  	_ =	swait.ge [sflag:s0], $0x2000  }
0x89: {  	[sflag:s0] =	ssyncset.done $0x0  }
0x8a: {  	s10 =	simm.s32 $0xA00;
	s11 =	simm.s32 $0x5300;
	[sflag:s0] =	ssyncadd.s32 $0xFFFFE000  }
.LBB2_4:
0x8b: {  	[spmem:s2] =	stream.indirect.scatter.add.f32 [tilespmem:s24], [sflag:$0x7], $0x40, s11, s22, $0xb8;
	[tilespmem:$0x1F000] =	vst v63  }
0x8c: {  	s11 =	smov.u32 s10  }
0x8d: {  	p0 =	sne.s32 s10, $0x12C00;
	s10 =	sadd.s32 $0xA00, s10;
	_ =	swait.ge [sflag:s28], $0x2000  }
0x8e: {  	s11 =	sshra.s32 s11, $0x2;
	[sflag:s28] =	ssyncset.done $0x0  }
0x8f: {  	s12 =	sadd.s32 $0x280, s11;
	[sflag:s28] =	ssyncadd.s32 $0xFFFFE000  }
0x90: {  	[tilespmem:s23], [sflag:$0x1] =	stream.indirect.gather [hbm4b:s16+s22], $0x40, s12, s22, $0xb8;
	[tilespmem:$0x1F000] =	vst v63  }
0x91: {  	_ =	swait.ge [sflag:s31], $0x2000  }
0x92: {  	[sflag:s31] =	ssyncset.done $0x0  }
0x93: {  	s12 =	sadd.s32 $0x5100, s11;
	[sflag:s31] =	ssyncadd.s32 $0xFFFFE000  }
0x94: {  	[spmem:s2] =	stream.indirect.scatter.add.f32 [tilespmem:s26], [sflag:$0x8], $0x40, s12, s22, $0xb8;
	[tilespmem:$0x1F000] =	vst v63  }
0x95: {  	_ =	swait.ge [sflag:s25], $0x2000  }
0x96: {  	[sflag:s25] =	ssyncset.done $0x0  }
0x97: {  	s12 =	sadd.s32 $0x300, s11;
	[sflag:s25] =	ssyncadd.s32 $0xFFFFE000  }
0x98: {  	[tilespmem:s24], [sflag:$0x2] =	stream.indirect.gather [hbm4b:s16+s22], $0x40, s12, s22, $0xb8;
	[tilespmem:$0x1F000] =	vst v63  }
0x99: {  	_ =	swait.ge [sflag:s3], $0x2000  }
0x9a: {  	[sflag:s3] =	ssyncset.done $0x0  }
0x9b: {  	s12 =	sadd.s32 $0x5180, s11;
	[sflag:s3] =	ssyncadd.s32 $0xFFFFE000  }
0x9c: {  	[spmem:s2] =	stream.indirect.scatter.add.f32 [tilespmem:s29], [sflag:$0x9], $0x40, s12, s22, $0xb8;
	[tilespmem:$0x1F000] =	vst v63  }
0x9d: {  	_ =	swait.ge [sflag:s4], $0x2000  }
0x9e: {  	[sflag:s4] =	ssyncset.done $0x0  }
0x9f: {  	s12 =	sadd.s32 $0x380, s11;
	[sflag:s4] =	ssyncadd.s32 $0xFFFFE000  }
0xa0: {  	[tilespmem:s26], [sflag:$0x3] =	stream.indirect.gather [hbm4b:s16+s22], $0x40, s12, s22, $0xb8;
	[tilespmem:$0x1F000] =	vst v63  }
0xa1: {  	_ =	swait.ge [sflag:s5], $0x2000  }
0xa2: {  	[sflag:s5] =	ssyncset.done $0x0  }
0xa3: {  	s12 =	sadd.s32 $0x5200, s11;
	[sflag:s5] =	ssyncadd.s32 $0xFFFFE000  }
0xa4: {  	[spmem:s2] =	stream.indirect.scatter.add.f32 [tilespmem:s1], [sflag:$0xA], $0x40, s12, s22, $0xb8;
	[tilespmem:$0x1F000] =	vst v63  }
0xa5: {  	_ =	swait.ge [sflag:s7], $0x2000  }
0xa6: {  	[sflag:s7] =	ssyncset.done $0x0  }
0xa7: {  	s12 =	sadd.s32 $0x400, s11;
	[sflag:s7] =	ssyncadd.s32 $0xFFFFE000  }
0xa8: {  	[tilespmem:s29], [sflag:$0x4] =	stream.indirect.gather [hbm4b:s16+s22], $0x40, s12, s22, $0xb8;
	[tilespmem:$0x1F000] =	vst v63  }
0xa9: {  	_ =	swait.ge [sflag:s30], $0x2000  }
0xaa: {  	[sflag:s30] =	ssyncset.done $0x0  }
0xab: {  	s12 =	sadd.s32 $0x5280, s11;
	[sflag:s30] =	ssyncadd.s32 $0xFFFFE000  }
0xac: {  	[spmem:s2] =	stream.indirect.scatter.add.f32 [tilespmem:s23], [sflag:$0x6], $0x40, s12, s22, $0xb8;
	[tilespmem:$0x1F000] =	vst v63  }
0xad: {  	_ =	swait.ge [sflag:s8], $0x2000  }
0xae: {  	[sflag:s8] =	ssyncset.done $0x0  }
.Ltmp1:
0xaf: {  	s12 =	sadd.s32 $0x480, s11;
	[sflag:s8] =	ssyncadd.s32 $0xFFFFE000;
	(pc) =	sbr.rel @p0 .LBB2_4-.Ltmp1, $4  }
0xb0: {  	[tilespmem:s1], [sflag:$0x5] =	stream.indirect.gather [hbm4b:s16+s22], $0x40, s12, s22, $0xb8;
	[tilespmem:$0x1F000] =	vst v63  }
0xb1: {  	_ =	swait.ge [sflag:s0], $0x2000  }
0xb2: {  	[sflag:s0] =	ssyncset.done $0x0  }
0xb3: {  	s11 =	sadd.s32 $0x5300, s11;
	[sflag:s0] =	ssyncadd.s32 $0xFFFFE000  }
0xb4: {  	[spmem:s2] =	stream.indirect.scatter.add.f32 [tilespmem:s24], [sflag:$0x7], $0x40, s11, s22, $0xb8;
	[tilespmem:$0x1F000] =	vst v63  }
0xb5: {  	_ =	swait.ge [sflag:s31], $0x2000  }
0xb6: {  	[sflag:s31] =	ssyncset.done $0x0  }
0xb7: {  	s10 =	simm.s32 $0x9E80;
	[sflag:s31] =	ssyncadd.s32 $0xFFFFE000  }
0xb8: {  	[spmem:s2] =	stream.indirect.scatter.add.f32 [tilespmem:s26], [sflag:$0x8], $0x40, s10, s22, $0xb8;
	[tilespmem:$0x1F000] =	vst v63  }
0xb9: {  	_ =	swait.ge [sflag:s3], $0x2000  }
0xba: {  	[sflag:s3] =	ssyncset.done $0x0  }
0xbb: {  	s11 =	simm.s32 $0x9F00;
	[sflag:s3] =	ssyncadd.s32 $0xFFFFE000  }
0xbc: {  	[spmem:s2] =	stream.indirect.scatter.add.f32 [tilespmem:s29], [sflag:$0x9], $0x40, s11, s22, $0xb8;
	[tilespmem:$0x1F000] =	vst v63  }
0xbd: {  	_ =	swait.ge [sflag:s5], $0x2000  }
0xbe: {  	[sflag:s5] =	ssyncset.done $0x0  }
0xbf: {  	s12 =	simm.s32 $0x9F80;
	[sflag:s5] =	ssyncadd.s32 $0xFFFFE000  }
0xc0: {  	[spmem:s2] =	stream.indirect.scatter.add.f32 [tilespmem:s1], [sflag:$0xA], $0x40, s12, s22, $0xb8;
	[tilespmem:$0x1F000] =	vst v63  }
0xc1: {  	_ =	swait.ge [sflag:s28], $0x2000  }
0xc2: {  	[sflag:s28] =	ssyncset.done $0x0  }
0xc3: {  	[sflag:s28] =	ssyncadd.s32 $0xFFFFE000  }
0xc4: {  	_ =	swait.ge [sflag:s25], $0x2000  }
0xc5: {  	[sflag:s25] =	ssyncset.done $0x0  }
0xc6: {  	[sflag:s25] =	ssyncadd.s32 $0xFFFFE000  }
0xc7: {  	_ =	swait.ge [sflag:s4], $0x2000  }
0xc8: {  	[sflag:s4] =	ssyncset.done $0x0  }
0xc9: {  	[sflag:s4] =	ssyncadd.s32 $0xFFFFE000  }
0xca: {  	_ =	swait.ge [sflag:s7], $0x2000  }
0xcb: {  	[sflag:s7] =	ssyncset.done $0x0  }
0xcc: {  	[sflag:s7] =	ssyncadd.s32 $0xFFFFE000  }
0xcd: {  	s11 =	stileid.u32;
	_ =	swait.ge [sflag:s8], $0x2000  }
0xce: {  	s9 =	sadd.s32 $0x1, s9;
	s10 =	sshll.u32 s11, $0x6;
	[sflag:s8] =	ssyncset.done $0x0  }
0xcf: {  	p0 =	sne.s32 s9, s18;
	s10 =	sor.u32 $0x1C0B, s10;
	[sflag:s8] =	ssyncadd.s32 $0xFFFFE000  }
.Ltmp2:
0xd0: {  	s12 =	sshrl.u32 s6, $0x3;
	[bflag:$0x0] =	sbarrier.arrive $0xFFFF;
	(pc) =	sbr.rel @p0 .LBB2_1-.Ltmp2, $4  }
0xd1: {  	[hbm:s17], [sflag:s10] =	dma.local [spmem:s12], $0x1400  }
0xd2: {  	_ =	swait.ge [sflag:s19], $0x1400  }
0xd3: {  	[sflag:s19] =	ssyncset.done $0x0  }
0xd4: {  	[sflag:s19] =	ssyncadd.s32 $0xFFFFEC00  }
0xd5: {  	_ =	sfence.sel $0x180000  }
0xd6: {  	[bflag:$0x0] =	sbarrier.arrive $0xFFFF  }
0xd7: {  	_ =	strace $0x9000004D  }
0xd8: {  	s0 =	stileid.u32;
	[bflag:$0x2] =	sbarrier.arrive $0xFFFF  }
0xd9: {  	p0 =	sne.s32 s0, $0x0;
	s0 =	rddreg [dreg:$0x2]  }
0xda: {  	s0 =	sadd.s32 @!p0 $0x100000, s0  }
0xdb: {  	[sflag:s0] =	ssyncadd.tile.s32 @!p0 $0x1;
	_ =	shalt  }
.Lfunc_end2:
_tile_overlayer_lowered:
.L_overlay_start_2:
0xdc: {  	(tag) =	ssettag $0x2  }
0xdd: {  	s0 =	rddreg [dreg:$0x0];
	s2 =	stileid.u32  }
0xde: {  	s1 =	rddreg [dreg:$0x1];
	p0 =	sne.s32 s2, $0x0  }
0xdf: {  	s3 =	rddreg [dreg:$0x2];
	[bflag:$0x3] =	sbarrier.arrive $0xFFFF;
	s2 =	simm.s32 @!p0 $0x1C0B  }
0xe0: {  	[timem:s3], [sflag:s2] =	dma.local @!p0 [hbm:s0], s1  }
0xe1: {  	s0 =	simm.s32 @!p0 $0xB  }
0xe2: {  	_ =	swait.ge @!p0 [sflag:s0], s1  }
0xe3: {  	s1 =	ssub.s32 @!p0 $0x0, s1;
	[sflag:s0] =	ssyncset.done @!p0 $0x0  }
0xe4: {  	[sflag:s0] =	ssyncadd.s32 @!p0 s1  }
0xe5: {  	[bflag:$0x3] =	sbarrier.arrive $0xFFFF  }
0xe6: {  	_ =	shalt  }

// kernel: kernel.19.cloned.1.call-start
scs
__scs_entry_jumppad:
0x0: {  	(pc) =	sbr.rel $0x88, $3  }
0x1: {  	(tag) =	ssettag $0x0;
	lr =	simm.s32 $0x1  }
0x2: {  	[smem:$0x3F94] =	sst lr;
	_ =	strace $0xD0000000  }
0x3: {  	_ = 	snop  }
0x4: {  	_ = 	snop  }
0x5: {  	_ = 	snop  }
0x6: {  	_ = 	snop  }
0x7: {  	_ = 	snop  }
__scs_overlays_trampoline_lowered:
0x8: {  	[smem:$0x3FA3] =	sst s0  }
0x9: {  	[smem:$0x3FA4] =	sst s1  }
0xa: {  	[smem:$0x3FA5] =	sst s2  }
0xb: {  	[smem:$0x3FA6] =	sst s3  }
0xc: {  	[smem:$0x3FA7] =	sst s4  }
0xd: {  	[smem:$0x3FA8] =	sst s5  }
0xe: {  	[smem:$0x3FA9] =	sst s6  }
0xf: {  	[smem:$0x3FAA] =	sst s7  }
0x10: {  	[smem:$0x3FAB] =	sst s8  }
0x11: {  	[smem:$0x3FAC] =	sst s9;
	s0 =	simm.s32 @!p0 $0x0  }
0x12: {  	s1 =	sld [smem:$0x3F92];
	s0 =	simm.s32 @p0 $0x1  }
0x13: {  	[smem:$0x3FAD] =	sst s0;
	s0 =	simm.s32 @!p1 $0x0  }
0x14: {  	s2 =	sld [smem:$0x3F91];
	s0 =	simm.s32 @p1 $0x1  }
0x15: {  	[smem:$0x3FAE] =	sst s0;
	s0 =	simm.s32 @!p2 $0x0  }
0x16: {  	s3 =	sld [smem:$0x3FDB];
	s0 =	simm.s32 @p2 $0x1  }
0x17: {  	s4 =	simm.s32 $0x1BF5;
	[smem:$0x3FB0] =	sst s0  }
0x18: {  	s0 =	sld [smem:$0x3F93];
	_ =	swait.ge [sflag:s4], $0x0  }
0x19: {  	s7 =	sld [smem:$0x3F94]  }
0x1a: {  	s8 =	sadd.s32 $0xFFFFE003, lr  }
0x1b: {  	s9 =	sadd.s32 $0xFFFFFEF7, lr;
	s5 =	simm.s32 $0xFFFFFFFF;
	p2 =	slt.u32 s8, $0xFFFFF086  }
0x1c: {  	p1 =	slt.u32 s9, $0xF7A;
	s5 =	simm.s32 @!p2 $0x0  }
0x1d: {  	s5 =	simm.s32 @p1 $0x1;
	p0 =	seq.s32 s7, s2  }
0x1e: {  	s7 =	smul.u32 @!p0 $0xF7A, s2;
	p2 =	seq.s32 @!p0 s5, $0x0  }
0x1f: {  	s9 =	smul.u32 $0xF7A, s1;
	s8 =	simm.s32 @!p0 $0x1BF5;
	p2 =	por !p2, p0  }
0x20: {  	[sflag:s8] =	ssyncset.s32 @!p0 $0xFFFFF086;
	s6 =	sadd.s32 @!p0 s3, s7;
	s7 =	simm.s32 @!p0 $0x108  }
0x21: {  	s3 =	sadd.s32 s3, s9;
	s6 =	sadd.s32 @!p0 $0x88, s6;
	s7 =	simm.s32 @p2 $0x1082  }
0x22: {  	[simem:s7], [sflag:s8] =	dma.local @!p0 [hbm:s6], $0xF7A  }
0x23: {  	s9 =	sor.u32 $0xD0000000, s2;
	s6 =	simm.s32 $0x108;
	_ =	swait.ge @!p0 [sflag:s8], $0x0  }
0x24: {  	s3 =	sadd.s32 $0x88, s3;
	s6 =	simm.s32 @!p1 $0x1082;
	[sflag:s4] =	ssyncset.s32 $0xFFFFF086  }
0x25: {  	[simem:s6], [sflag:s4] =	dma.local [hbm:s3], $0xF7A  }
0x26: {  	[smem:$0x3F94] =	sst s1;
	(tag) =	ssettag s2;
	_ =	strace s9  }
0x27: {  	s1 =	sld [smem:$0x3FA4]  }
0x28: {  	s2 =	sld [smem:$0x3FA5]  }
0x29: {  	s4 =	sld [smem:$0x3FA7]  }
0x2a: {  	p0 =	seq.s32 s5, $0x0;
	s5 =	sld [smem:$0x3FA8]  }
0x2b: {  	s6 =	sld [smem:$0x3FA9]  }
0x2c: {  	s7 =	sld [smem:$0x3FAA]  }
0x2d: {  	s3 =	simm.s32 $0x108;
	s8 =	sld [smem:$0x3FAB]  }
0x2e: {  	s3 =	simm.s32 @!p0 $0x1082;
	s9 =	sld [smem:$0x3FAC]  }
0x2f: {  	lr =	sadd.s32 s0, s3;
	s0 =	sld [smem:$0x3FA3]  }
0x30: {  	s3 =	sld [smem:$0x3FA6]  }
0x31: {  	[smem:$0x3FAF] =	sst s10  }
0x32: {  	s10 =	sld [smem:$0x3FAD];
	_ =	sdelay $0x3  }
0x33: {  	p0 =	seq.s32 s10, $0x1;
	s10 =	sld [smem:$0x3FAF];
	_ =	sdelay $0x3  }
0x34: {  	[smem:$0x3FAF] =	sst s10  }
0x35: {  	s10 =	sld [smem:$0x3FAE];
	_ =	sdelay $0x3  }
0x36: {  	p1 =	seq.s32 s10, $0x1;
	s10 =	sld [smem:$0x3FAF];
	_ =	sdelay $0x3  }
0x37: {  	[smem:$0x3FAF] =	sst s10  }
0x38: {  	s10 =	sld [smem:$0x3FB0]  }
0x39: {  	_ = 	snop;
	(pc) =	sbr.ind lr, $3  }
0x3a: {  	_ = 	snop  }
0x3b: {  	_ = 	snop  }
0x3c: {  	p2 =	seq.s32 s10, $0x1;
	s10 =	sld [smem:$0x3FAF]  }
0x3d: {  	_ =	shalt  }
0x3e: {  	_ =	shalt  }
0x3f: {  	_ =	shalt  }
0x40: {  	_ =	shalt  }
0x41: {  	_ =	shalt  }
0x42: {  	_ =	shalt  }
0x43: {  	_ =	shalt  }
0x44: {  	_ =	shalt  }
0x45: {  	_ =	shalt  }
0x46: {  	_ =	shalt  }
0x47: {  	_ =	shalt  }
0x48: {  	_ =	shalt  }
0x49: {  	_ =	shalt  }
0x4a: {  	_ =	shalt  }
0x4b: {  	_ =	shalt  }
0x4c: {  	_ =	shalt  }
0x4d: {  	_ =	shalt  }
0x4e: {  	_ =	shalt  }
0x4f: {  	_ =	shalt  }
0x50: {  	_ =	shalt  }
0x51: {  	_ =	shalt  }
0x52: {  	_ =	shalt  }
0x53: {  	_ =	shalt  }
0x54: {  	_ =	shalt  }
0x55: {  	_ =	shalt  }
0x56: {  	_ =	shalt  }
0x57: {  	_ =	shalt  }
0x58: {  	_ =	shalt  }
0x59: {  	_ =	shalt  }
0x5a: {  	_ =	shalt  }
0x5b: {  	_ =	shalt  }
0x5c: {  	_ =	shalt  }
0x5d: {  	_ =	shalt  }
0x5e: {  	_ =	shalt  }
0x5f: {  	_ =	shalt  }
0x60: {  	_ =	shalt  }
0x61: {  	_ =	shalt  }
0x62: {  	_ =	shalt  }
0x63: {  	_ =	shalt  }
0x64: {  	_ =	shalt  }
0x65: {  	_ =	shalt  }
0x66: {  	_ =	shalt  }
0x67: {  	_ =	shalt  }
0x68: {  	_ =	shalt  }
0x69: {  	_ =	shalt  }
0x6a: {  	_ =	shalt  }
0x6b: {  	_ =	shalt  }
0x6c: {  	_ =	shalt  }
0x6d: {  	_ =	shalt  }
0x6e: {  	_ =	shalt  }
0x6f: {  	_ =	shalt  }
0x70: {  	_ =	shalt  }
0x71: {  	_ =	shalt  }
0x72: {  	_ =	shalt  }
0x73: {  	_ =	shalt  }
0x74: {  	_ =	shalt  }
0x75: {  	_ =	shalt  }
0x76: {  	_ =	shalt  }
0x77: {  	_ =	shalt  }
0x78: {  	_ =	shalt  }
0x79: {  	_ =	shalt  }
0x7a: {  	_ =	shalt  }
0x7b: {  	_ =	shalt  }
0x7c: {  	_ =	shalt  }
0x7d: {  	_ =	shalt  }
0x7e: {  	_ =	shalt  }
0x7f: {  	_ =	shalt  }
0x80: {  	_ =	shalt  }
0x81: {  	_ =	shalt  }
0x82: {  	_ =	shalt  }
0x83: {  	_ =	shalt  }
0x84: {  	_ =	shalt  }
0x85: {  	_ =	shalt  }
0x86: {  	_ =	shalt  }
0x87: {  	_ =	shalt  }
.Lfunc_end0:
.L_simem_size_0:
called_computation.3_lowered:
.L_overlay_start_0:
0x88: {  	s2 =	sld [smem:$0x3FD9]  }
0x89: {  	s3 =	sld [smem:$0x3FFE];
	_ =	sdelay $0x1  }
0x8a: {  	s1 =	srdreg.scid  }
0x8b: {  	s0 =	sand.u32 $0x1, s1  }
0x8c: {  	s16 =	sshll.u32 s0, $0xA;
	s2 =	sadd.s32 s3, s2  }
0x8d: {  	s2 =	sadd.s32 s2, s16  }
0x8e: {  	[smem:$0x3FBB] =	sst s2  }
0x8f: {  	_ = 	snop  }
0x90: {  	(tm) =	ssettm $0x1  }
0x91: {  	s17 =	sld [smem:$0x3FFB];
	_ =	sdelay $0x3  }
0x92: {  	_ =	strace s17  }
0x93: {  	s2 =	sld [smem:$0x3FFC];
	_ =	sdelay $0x3  }
0x94: {  	_ =	strace s2  }
0x95: {  	s2 =	sld [smem:$0x3FFD];
	_ =	sdelay $0x3  }
0x96: {  	_ =	strace s2  }
0x97: {  	_ =	strace $0x8FFFFFFF  }
0x98: {  	s18 =	sld [smem:$0x3FDB];
	_ =	sdelay $0x1  }
0x99: {  	s19 =	simm.s32 $_scs_section_size  }
0x9a: {  	s4 =	simm.s32 $_size__tile_overlayer_lowered;
	s5 =	simm.s32 $_tile_overlayer_lowered  }
0x9b: {  	s22 =	simm.s32 $0x1BFF;
	s21 =	sshll.u32 s5, $0x1;
	s2 =	sadd.s32 s19, s18  }
0x9c: {  	s6 =	simm.s32 $0x0;
	s20 =	sshll.u32 s4, $0x1;
	s4 =	sadd.s32 s21, s2  }
0x9d: {  	[timem:s6], [sflag:s22] =	dma.local [hbm:s4], s20  }
0x9e: {  	_ =	swait.ge [sflag:s22], s20  }
0x9f: {  	s3 =	ssub.s32 $0x0, s20;
	[sflag:s22] =	ssyncset.done $0x0  }
0xa0: {  	[sflag:s22] =	ssyncadd.s32 s3;
	_ =	sdelay $0x1  }
0xa1: {  	s23 =	simm.s32 $0x1B8B  }
0xa2: {  	_ =	swait.ge [sflag:s23], $0x1  }
0xa3: {  	[sflag:s23] =	ssyncset.done $0x0  }
0xa4: {  	s25 =	simm.s32 $0x1B8E;
	s24 =	sld [smem:$0x3FFE];
	[sflag:s23] =	ssyncadd.s32 $0xFFFFFFFF  }
0xa5: {  	s26 =	simm.s32 $execute0_lowered;
	[smem:$0x3FD2] =	sst s25  }
0xa6: {  	s4 =	sshll.u32 s26, $0x1;
	_ =	strace $0x8000004F;
	[dreg:$0x1] =	wrdreg $0xFFFFFFFF  }
0xa7: {  	s28 =	simm.s32 $_size_execute0_lowered;
	s2 =	sadd.s32 s2, s4;
	[dreg:$0x0] =	wrdreg $0x0  }
0xa8: {  	s4 =	sshll.u32 s28, $0x1;
	[dreg:$0x2] =	wrdreg s2  }
0xa9: {  	[dreg:$0x3] =	wrdreg s4  }
0xaa: {  	[dreg:$0x4] =	wrdreg $0xC0  }
0xab: {  	_ =	task [dreg:s6], $0x5FFFF  }
0xac: {  	[dreg:$0x1] =	wrdreg $0xFFFFFFFF  }
0xad: {  	[dreg:$0x0] =	wrdreg $0x60  }
0xae: {  	[dreg:$0x2] =	wrdreg s24  }
0xaf: {  	[dreg:$0x3] =	wrdreg $0x7C000  }
0xb0: {  	[dreg:$0x4] =	wrdreg $0x9  }
0xb1: {  	_ =	task.clear_ibuf [dreg:s6], $0x5FFFF;
	_ =	strace $0x9000004F  }
0xb2: {  	s29 =	simm.s32 $0x9;
	_ =	strace $0x80000051  }
0xb3: {  	_ =	swait.ge [sflag:s29], $0x1  }
0xb4: {  	[sflag:s29] =	ssyncadd.s32 $0xFFFFFFFF  }
0xb5: {  	_ =	strace $0x90000051  }
0xb6: {  	_ =	sfence  }
0xb7: {  	s30 =	sld [smem:$0x0];
	_ =	sdelay $0x2  }
0xb8: {  	s31 =	sshll.u32 s1, $0xD;
	s1 =	sshrl.u32 s1, $0x2  }
0xb9: {  	s3 =	sand.u32 $0x4000, s31;
	s1 =	sadd.s32 s1, s30  }
0xba: {  	s0 =	sor.u32 s3, s0;
	s1 =	sshll.u32 s1, $0x11  }
0xbb: {  	s0 =	sor.u32 s1, s0  }
0xbc: {  	s0 =	sadd.s32 $0x8F2B, s0  }
0xbd: {  	[sflag:s0] =	ssyncadd.remote.s32 $0x1  }
0xbe: {  	_ =	sfence.sel $0xFFFF  }
0xbf: {  	[dreg:$0x0] =	wrdreg $0xFFFFFFFF;
	(pc) =	sbr.abs _section_cstart, $3  }
0xc0: {  	[dreg:$0x1] =	wrdreg $0xFFFFFFFF  }
0xc1: {  	_ =	task.clear_ibuf [dreg:s6], $0x2FFFF;
	_ =	strace $0x9FFFFFFF  }
0xc2: {  	(tm) =	ssettm $0x7FFFFFFF  }
0xc3: {  	_ =	shalt  }
tec
execute0_lowered:
.L_overlay_start_1:
0x0: {  	(tag) =	ssettag $0x1  }
0x1: {  	s0 =	srdreg.scid;
	s3 =	rddreg [dreg:$0x0]  }
0x2: {  	s7 =	stileid.u32;
	s2 =	rddreg [dreg:$0x1]  }
0x3: {  	s4 =	simm.s32 $0x0;
	s29 =	simm.s32 $0x6800;
	s30 =	simm.s32 $0x1  }
0x4: {  	s28 =	simm.s32 $0x6;
	s31 =	simm.s32 $0x3;
	s9 =	simm.s32 $0xA  }
0x5: {  	s10 =	simm.s32 $0x0;
	s0 =	sand.u32 $0x1, s0;
	s5 =	smul.u32 $0x2800, s7  }
0x6: {  	[smem:$0x7FF] =	sst s4;
	s4 =	sadd.s32 $0x17E00, s3;
	s1 =	sshll.u32 s0, $0x4  }
0x7: {  	s6 =	smul.u32 $0x28000, s0;
	_ =	strace $0x80000050;
	s0 =	ssub.s32 $0x2, s0  }
0x8: {  	s1 =	sor.u32 s7, s1;
	s7 =	smul.u32 $0xA000, s7;
	s8 =	sshrl.u32 s0, $0x1  }
0x9: {  	s1 =	smul.u32 $0x2800, s1;
	s6 =	sadd.s32 s5, s6;
	s0 =	ssub.s32 s0, s8  }
0xa: {  	s8 =	simm.s32 $0x9;
	s6 =	sshrl.u32 s6, $0x3;
	s18 =	sshrl.u32 s7, $0x2  }
0xb: {  	s7 =	sadd.s32 s5, s2;
	s5 =	simm.s32 $0x8;
	s1 =	sshrl.u32 s1, $0x3  }
0xc: {  	s20 =	sadd.s32 s18, s2;
	s18 =	smax.u32 s0, $0x1;
	s0 =	simm.s32 $0x2  }
0xd: {  	s1 =	sadd.s32 s1, s3;
	s3 =	sadd.s32 s6, s3;
	s21 =	sadd.s32 $0x400, s20  }
0xe: {  	s22 =	sadd.s32 $0x800, s20;
	s23 =	sadd.s32 $0xC00, s20;
	[dreg:$0x5] =	wrdreg s21  }
0xf: {  	s24 =	sadd.s32 $0x1000, s20;
	s25 =	sadd.s32 $0x1400, s20;
	[dreg:$0x6] =	wrdreg s22  }
0x10: {  	s26 =	sadd.s32 $0x1800, s20;
	s14 =	sadd.s32 $0x1C00, s20;
	[dreg:$0x7] =	wrdreg s23  }
0x11: {  	s15 =	sadd.s32 $0x2000, s20;
	s16 =	sadd.s32 $0x2400, s20;
	[dreg:$0x8] =	wrdreg s24  }
0x12: {  	s20 =	simm.s32 $0x2800;
	s6 =	simm.s32 $0x5;
	[dreg:$0x9] =	wrdreg s25  }
0x13: {  	s19 =	sadd.s32 $0x3E00, s1;
	s1 =	sadd.s32 $0xDE00, s1;
	[dreg:$0xa] =	wrdreg s26  }
0x14: {  	s17 =	sadd.s32 $0x1CE00, s3;
	s21 =	simm.s32 $0x7800;
	s22 =	simm.s32 $0x80  }
0x15: {  	s23 =	simm.s32 $0x5000;
	s24 =	simm.s32 $0x5800;
	s26 =	simm.s32 $0x6000  }
0x16: {  	s25 =	simm.s32 $0x7;
	s3 =	simm.s32 $0x4;
	[dreg:$0x3] =	wrdreg s19  }
0x17: {  	v0 =	vimm.f32 $0.0e+00;
	[dreg:$0x4] =	wrdreg s1;
	s19 =	simm.s32 $0xB;
	s1 =	simm.s32 $0x7000  }
.LBB2_1:
0x18: {  	s11 =	simm.s32 $0x0;
	s12 =	rddreg [dreg:$0x3]  }
0x19: {  	[tilespmem:s11], [sflag:$0xB] =	stream.linear.gather [hbm4b:s12+s11], $0x2800, $0x38;
	[tilespmem:$0xA400] =	vst v63  }
0x1a: {  	_ =	swait.ge [sflag:s19], $0x2800  }
0x1b: {  	[sflag:s19] =	ssyncset.done $0x0  }
0x1c: {  	s13 =	rddreg [dreg:$0x4];
	[sflag:s19] =	ssyncadd.s32 $0xFFFFD800  }
0x1d: {  	[tilespmem:s20], [sflag:$0xB] =	stream.linear.gather [hbm4b:s13+s11], $0x2800, $0x38;
	[tilespmem:$0xA400] =	vst v63  }
0x1e: {  	_ =	swait.ge [sflag:s19], $0x2800  }
0x1f: {  	[sflag:s19] =	ssyncset.done $0x0  }
0x20: {  	s12 =	simm.s32 $0x0;
	s11 =	simm.s32 $0x40;
	[sflag:s19] =	ssyncadd.s32 $0xFFFFD800  }
.LBB2_2:
0x21: {  	p0 =	sne.s32 s11, $0xFC0;
	[tilespmem:s12+$0x7800] =	vst v0;
	s12 =	smov.u32 s11;
	s11 =	sadd.s32 $0x40, s11  }
.Ltmp0:
0x22: {  	(pc) =	sbr.rel @p0 .LBB2_2-.Ltmp0, $2  }
0x23: {  	_ =	sdelay $0x2  }
0x24: {  	s12 =	sshra.s32 s12, $0x2  }
0x25: {  	[tilespmem:s12+$0x7800] =	vst v0  }
0x26: {  	[spmem:s7] =	stream.linear.scatter [tilespmem:s21], [sflag:$0xB], $0x400, $0x38;
	[tilespmem:$0xA400] =	vst v63  }
0x27: {  	_ =	swait.ge [sflag:s19], $0x400  }
0x28: {  	[sflag:s19] =	ssyncset.done $0x0  }
0x29: {  	s11 =	rddreg [dreg:$0x5];
	[sflag:s19] =	ssyncadd.s32 $0xFFFFFC00  }
0x2a: {  	[spmem:s11] =	stream.linear.scatter [tilespmem:s21], [sflag:$0xB], $0x400, $0x38;
	[tilespmem:$0xA400] =	vst v63  }
0x2b: {  	_ =	swait.ge [sflag:s19], $0x400  }
0x2c: {  	[sflag:s19] =	ssyncset.done $0x0  }
0x2d: {  	s13 =	rddreg [dreg:$0x6];
	[sflag:s19] =	ssyncadd.s32 $0xFFFFFC00  }
0x2e: {  	[spmem:s13] =	stream.linear.scatter [tilespmem:s21], [sflag:$0xB], $0x400, $0x38;
	[tilespmem:$0xA400] =	vst v63  }
0x2f: {  	_ =	swait.ge [sflag:s19], $0x400  }
0x30: {  	[sflag:s19] =	ssyncset.done $0x0  }
0x31: {  	s12 =	rddreg [dreg:$0x7];
	[sflag:s19] =	ssyncadd.s32 $0xFFFFFC00  }
0x32: {  	[spmem:s12] =	stream.linear.scatter [tilespmem:s21], [sflag:$0xB], $0x400, $0x38;
	[tilespmem:$0xA400] =	vst v63  }
0x33: {  	_ =	swait.ge [sflag:s19], $0x400  }
0x34: {  	[sflag:s19] =	ssyncset.done $0x0  }
0x35: {  	s13 =	rddreg [dreg:$0x8];
	[sflag:s19] =	ssyncadd.s32 $0xFFFFFC00  }
0x36: {  	[spmem:s13] =	stream.linear.scatter [tilespmem:s21], [sflag:$0xB], $0x400, $0x38;
	[tilespmem:$0xA400] =	vst v63  }
0x37: {  	_ =	swait.ge [sflag:s19], $0x400  }
0x38: {  	[sflag:s19] =	ssyncset.done $0x0  }
0x39: {  	s12 =	rddreg [dreg:$0x9];
	[sflag:s19] =	ssyncadd.s32 $0xFFFFFC00  }
0x3a: {  	[spmem:s12] =	stream.linear.scatter [tilespmem:s21], [sflag:$0xB], $0x400, $0x38;
	[tilespmem:$0xA400] =	vst v63  }
0x3b: {  	_ =	swait.ge [sflag:s19], $0x400  }
0x3c: {  	[sflag:s19] =	ssyncset.done $0x0  }
0x3d: {  	s13 =	rddreg [dreg:$0xa];
	[sflag:s19] =	ssyncadd.s32 $0xFFFFFC00  }
0x3e: {  	[spmem:s13] =	stream.linear.scatter [tilespmem:s21], [sflag:$0xB], $0x400, $0x38;
	[tilespmem:$0xA400] =	vst v63  }
0x3f: {  	_ =	swait.ge [sflag:s19], $0x400  }
0x40: {  	[sflag:s19] =	ssyncset.done $0x0  }
0x41: {  	[sflag:s19] =	ssyncadd.s32 $0xFFFFFC00  }
0x42: {  	[spmem:s14] =	stream.linear.scatter [tilespmem:s21], [sflag:$0xB], $0x400, $0x38;
	[tilespmem:$0xA400] =	vst v63  }
0x43: {  	_ =	swait.ge [sflag:s19], $0x400  }
0x44: {  	[sflag:s19] =	ssyncset.done $0x0  }
0x45: {  	[sflag:s19] =	ssyncadd.s32 $0xFFFFFC00  }
0x46: {  	[spmem:s15] =	stream.linear.scatter [tilespmem:s21], [sflag:$0xB], $0x400, $0x38;
	[tilespmem:$0xA400] =	vst v63  }
0x47: {  	_ =	swait.ge [sflag:s19], $0x400  }
0x48: {  	[sflag:s19] =	ssyncset.done $0x0  }
0x49: {  	[sflag:s19] =	ssyncadd.s32 $0xFFFFFC00  }
0x4a: {  	[spmem:s16] =	stream.linear.scatter [tilespmem:s21], [sflag:$0xB], $0x400, $0x38;
	[tilespmem:$0xA400] =	vst v63  }
0x4b: {  	_ =	swait.ge [sflag:s19], $0x400  }
0x4c: {  	[sflag:s19] =	ssyncset.done $0x0  }
0x4d: {  	[sflag:s19] =	ssyncadd.s32 $0xFFFFFC00  }
0x4e: {  	s12 =	simm.s32 $0x0;
	[bflag:$0x0] =	sbarrier.arrive $0xFFFF  }
0x4f: {  	[tilespmem:s23], [sflag:$0x1] =	stream.indirect.gather [hbm4b:s4+s22], $0x10, s12, s22, $0xb8;
	[tilespmem:$0xA400] =	vst v63  }
0x50: {  	_ = 	snop  }
0x51: {  	[tilespmem:s24], [sflag:$0x2] =	stream.indirect.gather [hbm4b:s4+s22], $0x10, s22, s22, $0xb8;
	[tilespmem:$0xA400] =	vst v63  }
0x52: {  	s13 =	simm.s32 $0x100  }
0x53: {  	[tilespmem:s26], [sflag:$0x3] =	stream.indirect.gather [hbm4b:s4+s22], $0x10, s13, s22, $0xb8;
	[tilespmem:$0xA400] =	vst v63  }
0x54: {  	s12 =	simm.s32 $0x180  }
0x55: {  	[tilespmem:s29], [sflag:$0x4] =	stream.indirect.gather [hbm4b:s4+s22], $0x10, s12, s22, $0xb8;
	[tilespmem:$0xA400] =	vst v63  }
0x56: {  	_ =	swait.ge [sflag:s30], $0x800  }
0x57: {  	[sflag:s30] =	ssyncset.done $0x0  }
0x58: {  	[sflag:s30] =	ssyncadd.s32 $0xFFFFF800  }
0x59: {  	[spmem:s2] =	stream.indirect.scatter.add.f32 [tilespmem:s23], [sflag:$0x6], $0x10, s20, s22, $0xb8;
	[tilespmem:$0xA400] =	vst v63  }
0x5a: {  	s13 =	simm.s32 $0x200  }
0x5b: {  	[tilespmem:s1], [sflag:$0x5] =	stream.indirect.gather [hbm4b:s4+s22], $0x10, s13, s22, $0xb8;
	[tilespmem:$0xA400] =	vst v63  }
0x5c: {  	_ =	swait.ge [sflag:s0], $0x800  }
0x5d: {  	[sflag:s0] =	ssyncset.done $0x0  }
0x5e: {  	s12 =	simm.s32 $0x2880;
	[sflag:s0] =	ssyncadd.s32 $0xFFFFF800  }
0x5f: {  	[spmem:s2] =	stream.indirect.scatter.add.f32 [tilespmem:s24], [sflag:$0x7], $0x10, s12, s22, $0xb8;
	[tilespmem:$0xA400] =	vst v63  }
0x60: {  	_ =	swait.ge [sflag:s28], $0x800  }
0x61: {  	[sflag:s28] =	ssyncset.done $0x0  }
0x62: {  	s13 =	simm.s32 $0x280;
	[sflag:s28] =	ssyncadd.s32 $0xFFFFF800  }
0x63: {  	[tilespmem:s23], [sflag:$0x1] =	stream.indirect.gather [hbm4b:s4+s22], $0x10, s13, s22, $0xb8;
	[tilespmem:$0xA400] =	vst v63  }
0x64: {  	_ =	swait.ge [sflag:s31], $0x800  }
0x65: {  	[sflag:s31] =	ssyncset.done $0x0  }
0x66: {  	s12 =	simm.s32 $0x2900;
	[sflag:s31] =	ssyncadd.s32 $0xFFFFF800  }
0x67: {  	[spmem:s2] =	stream.indirect.scatter.add.f32 [tilespmem:s26], [sflag:$0x8], $0x10, s12, s22, $0xb8;
	[tilespmem:$0xA400] =	vst v63  }
0x68: {  	_ =	swait.ge [sflag:s25], $0x800  }
0x69: {  	[sflag:s25] =	ssyncset.done $0x0  }
0x6a: {  	s13 =	simm.s32 $0x300;
	[sflag:s25] =	ssyncadd.s32 $0xFFFFF800  }
0x6b: {  	[tilespmem:s24], [sflag:$0x2] =	stream.indirect.gather [hbm4b:s4+s22], $0x10, s13, s22, $0xb8;
	[tilespmem:$0xA400] =	vst v63  }
0x6c: {  	_ =	swait.ge [sflag:s3], $0x800  }
0x6d: {  	[sflag:s3] =	ssyncset.done $0x0  }
0x6e: {  	s12 =	simm.s32 $0x2980;
	[sflag:s3] =	ssyncadd.s32 $0xFFFFF800  }
0x6f: {  	[spmem:s2] =	stream.indirect.scatter.add.f32 [tilespmem:s29], [sflag:$0x9], $0x10, s12, s22, $0xb8;
	[tilespmem:$0xA400] =	vst v63  }
0x70: {  	_ =	swait.ge [sflag:s5], $0x800  }
0x71: {  	[sflag:s5] =	ssyncset.done $0x0  }
0x72: {  	s13 =	simm.s32 $0x380;
	[sflag:s5] =	ssyncadd.s32 $0xFFFFF800  }
0x73: {  	[tilespmem:s26], [sflag:$0x3] =	stream.indirect.gather [hbm4b:s4+s22], $0x10, s13, s22, $0xb8;
	[tilespmem:$0xA400] =	vst v63  }
0x74: {  	_ =	swait.ge [sflag:s6], $0x800  }
0x75: {  	[sflag:s6] =	ssyncset.done $0x0  }
0x76: {  	s12 =	simm.s32 $0x2A00;
	[sflag:s6] =	ssyncadd.s32 $0xFFFFF800  }
0x77: {  	[spmem:s2] =	stream.indirect.scatter.add.f32 [tilespmem:s1], [sflag:$0xA], $0x10, s12, s22, $0xb8;
	[tilespmem:$0xA400] =	vst v63  }
0x78: {  	_ =	swait.ge [sflag:s8], $0x800  }
0x79: {  	[sflag:s8] =	ssyncset.done $0x0  }
0x7a: {  	s13 =	simm.s32 $0x400;
	[sflag:s8] =	ssyncadd.s32 $0xFFFFF800  }
0x7b: {  	[tilespmem:s29], [sflag:$0x4] =	stream.indirect.gather [hbm4b:s4+s22], $0x10, s13, s22, $0xb8;
	[tilespmem:$0xA400] =	vst v63  }
0x7c: {  	_ =	swait.ge [sflag:s30], $0x800  }
0x7d: {  	[sflag:s30] =	ssyncset.done $0x0  }
0x7e: {  	s12 =	simm.s32 $0x2A80;
	[sflag:s30] =	ssyncadd.s32 $0xFFFFF800  }
0x7f: {  	[spmem:s2] =	stream.indirect.scatter.add.f32 [tilespmem:s23], [sflag:$0x6], $0x10, s12, s22, $0xb8;
	[tilespmem:$0xA400] =	vst v63  }
0x80: {  	_ =	swait.ge [sflag:s9], $0x800  }
0x81: {  	[sflag:s9] =	ssyncset.done $0x0  }
0x82: {  	s13 =	simm.s32 $0x480;
	[sflag:s9] =	ssyncadd.s32 $0xFFFFF800  }
0x83: {  	[tilespmem:s1], [sflag:$0x5] =	stream.indirect.gather [hbm4b:s4+s22], $0x10, s13, s22, $0xb8;
	[tilespmem:$0xA400] =	vst v63  }
0x84: {  	_ =	swait.ge [sflag:s0], $0x800  }
0x85: {  	[sflag:s0] =	ssyncset.done $0x0  }
0x86: {  	s11 =	simm.s32 $0xA00;
	s12 =	simm.s32 $0x2B00;
	[sflag:s0] =	ssyncadd.s32 $0xFFFFF800  }
.LBB2_4:
0x87: {  	[spmem:s2] =	stream.indirect.scatter.add.f32 [tilespmem:s24], [sflag:$0x7], $0x10, s12, s22, $0xb8;
	[tilespmem:$0xA400] =	vst v63  }
0x88: {  	s12 =	smov.u32 s11  }
0x89: {  	p0 =	sne.s32 s11, $0x8C00;
	s11 =	sadd.s32 $0xA00, s11;
	_ =	swait.ge [sflag:s28], $0x800  }
0x8a: {  	s12 =	sshra.s32 s12, $0x2;
	[sflag:s28] =	ssyncset.done $0x0  }
0x8b: {  	s13 =	sadd.s32 $0x280, s12;
	[sflag:s28] =	ssyncadd.s32 $0xFFFFF800  }
0x8c: {  	[tilespmem:s23], [sflag:$0x1] =	stream.indirect.gather [hbm4b:s4+s22], $0x10, s13, s22, $0xb8;
	[tilespmem:$0xA400] =	vst v63  }
0x8d: {  	_ =	swait.ge [sflag:s31], $0x800  }
0x8e: {  	[sflag:s31] =	ssyncset.done $0x0  }
0x8f: {  	s13 =	sadd.s32 $0x2900, s12;
	[sflag:s31] =	ssyncadd.s32 $0xFFFFF800  }
0x90: {  	[spmem:s2] =	stream.indirect.scatter.add.f32 [tilespmem:s26], [sflag:$0x8], $0x10, s13, s22, $0xb8;
	[tilespmem:$0xA400] =	vst v63  }
0x91: {  	_ =	swait.ge [sflag:s25], $0x800  }
0x92: {  	[sflag:s25] =	ssyncset.done $0x0  }
0x93: {  	s13 =	sadd.s32 $0x300, s12;
	[sflag:s25] =	ssyncadd.s32 $0xFFFFF800  }
0x94: {  	[tilespmem:s24], [sflag:$0x2] =	stream.indirect.gather [hbm4b:s4+s22], $0x10, s13, s22, $0xb8;
	[tilespmem:$0xA400] =	vst v63  }
0x95: {  	_ =	swait.ge [sflag:s3], $0x800  }
0x96: {  	[sflag:s3] =	ssyncset.done $0x0  }
0x97: {  	s13 =	sadd.s32 $0x2980, s12;
	[sflag:s3] =	ssyncadd.s32 $0xFFFFF800  }
0x98: {  	[spmem:s2] =	stream.indirect.scatter.add.f32 [tilespmem:s29], [sflag:$0x9], $0x10, s13, s22, $0xb8;
	[tilespmem:$0xA400] =	vst v63  }
0x99: {  	_ =	swait.ge [sflag:s5], $0x800  }
0x9a: {  	[sflag:s5] =	ssyncset.done $0x0  }
0x9b: {  	s13 =	sadd.s32 $0x380, s12;
	[sflag:s5] =	ssyncadd.s32 $0xFFFFF800  }
0x9c: {  	[tilespmem:s26], [sflag:$0x3] =	stream.indirect.gather [hbm4b:s4+s22], $0x10, s13, s22, $0xb8;
	[tilespmem:$0xA400] =	vst v63  }
0x9d: {  	_ =	swait.ge [sflag:s6], $0x800  }
0x9e: {  	[sflag:s6] =	ssyncset.done $0x0  }
0x9f: {  	s13 =	sadd.s32 $0x2A00, s12;
	[sflag:s6] =	ssyncadd.s32 $0xFFFFF800  }
0xa0: {  	[spmem:s2] =	stream.indirect.scatter.add.f32 [tilespmem:s1], [sflag:$0xA], $0x10, s13, s22, $0xb8;
	[tilespmem:$0xA400] =	vst v63  }
0xa1: {  	_ =	swait.ge [sflag:s8], $0x800  }
0xa2: {  	[sflag:s8] =	ssyncset.done $0x0  }
0xa3: {  	s13 =	sadd.s32 $0x400, s12;
	[sflag:s8] =	ssyncadd.s32 $0xFFFFF800  }
0xa4: {  	[tilespmem:s29], [sflag:$0x4] =	stream.indirect.gather [hbm4b:s4+s22], $0x10, s13, s22, $0xb8;
	[tilespmem:$0xA400] =	vst v63  }
0xa5: {  	_ =	swait.ge [sflag:s30], $0x800  }
0xa6: {  	[sflag:s30] =	ssyncset.done $0x0  }
0xa7: {  	s13 =	sadd.s32 $0x2A80, s12;
	[sflag:s30] =	ssyncadd.s32 $0xFFFFF800  }
0xa8: {  	[spmem:s2] =	stream.indirect.scatter.add.f32 [tilespmem:s23], [sflag:$0x6], $0x10, s13, s22, $0xb8;
	[tilespmem:$0xA400] =	vst v63  }
0xa9: {  	_ =	swait.ge [sflag:s9], $0x800  }
0xaa: {  	[sflag:s9] =	ssyncset.done $0x0  }
.Ltmp1:
0xab: {  	s13 =	sadd.s32 $0x480, s12;
	[sflag:s9] =	ssyncadd.s32 $0xFFFFF800;
	(pc) =	sbr.rel @p0 .LBB2_4-.Ltmp1, $4  }
0xac: {  	[tilespmem:s1], [sflag:$0x5] =	stream.indirect.gather [hbm4b:s4+s22], $0x10, s13, s22, $0xb8;
	[tilespmem:$0xA400] =	vst v63  }
0xad: {  	_ =	swait.ge [sflag:s0], $0x800  }
0xae: {  	[sflag:s0] =	ssyncset.done $0x0  }
0xaf: {  	s12 =	sadd.s32 $0x2B00, s12;
	[sflag:s0] =	ssyncadd.s32 $0xFFFFF800  }
0xb0: {  	[spmem:s2] =	stream.indirect.scatter.add.f32 [tilespmem:s24], [sflag:$0x7], $0x10, s12, s22, $0xb8;
	[tilespmem:$0xA400] =	vst v63  }
0xb1: {  	_ =	swait.ge [sflag:s31], $0x800  }
0xb2: {  	[sflag:s31] =	ssyncset.done $0x0  }
0xb3: {  	s11 =	simm.s32 $0x4E80;
	[sflag:s31] =	ssyncadd.s32 $0xFFFFF800  }
0xb4: {  	[spmem:s2] =	stream.indirect.scatter.add.f32 [tilespmem:s26], [sflag:$0x8], $0x10, s11, s22, $0xb8;
	[tilespmem:$0xA400] =	vst v63  }
0xb5: {  	_ =	swait.ge [sflag:s3], $0x800  }
0xb6: {  	[sflag:s3] =	ssyncset.done $0x0  }
0xb7: {  	s12 =	simm.s32 $0x4F00;
	[sflag:s3] =	ssyncadd.s32 $0xFFFFF800  }
0xb8: {  	[spmem:s2] =	stream.indirect.scatter.add.f32 [tilespmem:s29], [sflag:$0x9], $0x10, s12, s22, $0xb8;
	[tilespmem:$0xA400] =	vst v63  }
0xb9: {  	_ =	swait.ge [sflag:s6], $0x800  }
0xba: {  	[sflag:s6] =	ssyncset.done $0x0  }
0xbb: {  	s13 =	simm.s32 $0x4F80;
	[sflag:s6] =	ssyncadd.s32 $0xFFFFF800  }
0xbc: {  	[spmem:s2] =	stream.indirect.scatter.add.f32 [tilespmem:s1], [sflag:$0xA], $0x10, s13, s22, $0xb8;
	[tilespmem:$0xA400] =	vst v63  }
0xbd: {  	_ =	swait.ge [sflag:s28], $0x800  }
0xbe: {  	[sflag:s28] =	ssyncset.done $0x0  }
0xbf: {  	[sflag:s28] =	ssyncadd.s32 $0xFFFFF800  }
0xc0: {  	_ =	swait.ge [sflag:s25], $0x800  }
0xc1: {  	[sflag:s25] =	ssyncset.done $0x0  }
0xc2: {  	[sflag:s25] =	ssyncadd.s32 $0xFFFFF800  }
0xc3: {  	_ =	swait.ge [sflag:s5], $0x800  }
0xc4: {  	[sflag:s5] =	ssyncset.done $0x0  }
0xc5: {  	[sflag:s5] =	ssyncadd.s32 $0xFFFFF800  }
0xc6: {  	_ =	swait.ge [sflag:s8], $0x800  }
0xc7: {  	[sflag:s8] =	ssyncset.done $0x0  }
0xc8: {  	[sflag:s8] =	ssyncadd.s32 $0xFFFFF800  }
0xc9: {  	s12 =	stileid.u32;
	_ =	swait.ge [sflag:s9], $0x800  }
0xca: {  	s10 =	sadd.s32 $0x1, s10;
	s11 =	sshll.u32 s12, $0x6;
	[sflag:s9] =	ssyncset.done $0x0  }
0xcb: {  	p0 =	sne.s32 s10, s18;
	s11 =	sor.u32 $0x1C0B, s11;
	[sflag:s9] =	ssyncadd.s32 $0xFFFFF800  }
.Ltmp2:
0xcc: {  	s13 =	sshrl.u32 s7, $0x3;
	[bflag:$0x0] =	sbarrier.arrive $0xFFFF;
	(pc) =	sbr.rel @p0 .LBB2_1-.Ltmp2, $4  }
0xcd: {  	[hbm:s17], [sflag:s11] =	dma.local [spmem:s13], $0x500  }
0xce: {  	_ =	swait.ge [sflag:s19], $0x500  }
0xcf: {  	[sflag:s19] =	ssyncset.done $0x0  }
0xd0: {  	[sflag:s19] =	ssyncadd.s32 $0xFFFFFB00  }
0xd1: {  	_ =	sfence.sel $0x180000  }
0xd2: {  	[bflag:$0x0] =	sbarrier.arrive $0xFFFF  }
0xd3: {  	_ =	strace $0x90000050  }
0xd4: {  	s0 =	stileid.u32;
	[bflag:$0x2] =	sbarrier.arrive $0xFFFF  }
0xd5: {  	p0 =	sne.s32 s0, $0x0;
	s0 =	rddreg [dreg:$0x2]  }
0xd6: {  	s0 =	sadd.s32 @!p0 $0x100000, s0  }
0xd7: {  	[sflag:s0] =	ssyncadd.tile.s32 @!p0 $0x1;
	_ =	shalt  }
.Lfunc_end2:
_tile_overlayer_lowered:
.L_overlay_start_2:
0xd8: {  	(tag) =	ssettag $0x2  }
0xd9: {  	s0 =	rddreg [dreg:$0x0];
	s2 =	stileid.u32  }
0xda: {  	s1 =	rddreg [dreg:$0x1];
	p0 =	sne.s32 s2, $0x0  }
0xdb: {  	s3 =	rddreg [dreg:$0x2];
	[bflag:$0x3] =	sbarrier.arrive $0xFFFF;
	s2 =	simm.s32 @!p0 $0x1C0B  }
0xdc: {  	[timem:s3], [sflag:s2] =	dma.local @!p0 [hbm:s0], s1  }
0xdd: {  	s0 =	simm.s32 @!p0 $0xB  }
0xde: {  	_ =	swait.ge @!p0 [sflag:s0], s1  }
0xdf: {  	s1 =	ssub.s32 @!p0 $0x0, s1;
	[sflag:s0] =	ssyncset.done @!p0 $0x0  }
0xe0: {  	[sflag:s0] =	ssyncadd.s32 @!p0 s1  }
0xe1: {  	[bflag:$0x3] =	sbarrier.arrive $0xFFFF  }
0xe2: {  	_ =	shalt  }

</sc_bundles>
